<compile_context>
chip_gen: v7x
topology: tpu7x:2x2x1
jax: 0.10.2.dev20260603
libtpu: 0.0.44.dev20260713+nightly
codegen_flags: <defaults>
</compile_context>

<pallas_src>
import functools

import jax
import jax.numpy as jnp
from jax import lax
from jax.experimental import pallas as pl
from jax.experimental.pallas import tpu as pltpu
from jax.experimental.pallas import tpu_sc as plsc

_NROI = 32
_PH = 14
_PW = 14
_BINS = _PH * _PW
_PADB = 224
_NC = 2
_NS = 16
_NW = _NC * _NS
_TOT = _NROI * _PADB
_CHUNK = _TOT // _NW
_HALF = _CHUNK // 2
_LANES = 16


def _grid_body(m_ref, f_ref, o_ref, tab_ref, *, wm1, hm1, tabh, tabc):
    m00 = m_ref[:, 0:1]
    m01 = m_ref[:, 1:2]
    m02 = m_ref[:, 2:3]
    m10 = m_ref[:, 3:4]
    m11 = m_ref[:, 4:5]
    m12 = m_ref[:, 5:6]

    lane = lax.broadcasted_iota(jnp.int32, (_NROI, _PADB), 1)
    yi = lax.div(lane, _PW)
    xi = lane - yi * _PW
    x = xi.astype(jnp.float32)
    y = yi.astype(jnp.float32)
    xp = x + 1.0
    yp = y + 1.0

    p0 = m00 * x + m01 * y + m02
    p1 = m10 * x + m11 * y + m12
    p2 = m00 * x + m01 * yp + m02
    p3 = m10 * x + m11 * yp + m12
    p4 = m00 * xp + m01 * y + m02
    p5 = m10 * xp + m11 * y + m12
    p6 = m00 * xp + m01 * yp + m02
    p7 = m10 * xp + m11 * yp + m12

    left = jnp.maximum(jnp.round(jnp.minimum(jnp.minimum(p0, p2), jnp.minimum(p4, p6))), 0.0)
    right = jnp.minimum(jnp.round(jnp.maximum(jnp.maximum(p0, p2), jnp.maximum(p4, p6))), wm1)
    top = jnp.maximum(jnp.round(jnp.minimum(jnp.minimum(p1, p3), jnp.minimum(p5, p7))), 0.0)
    bottom = jnp.minimum(jnp.round(jnp.maximum(jnp.maximum(p1, p3), jnp.maximum(p5, p7))), hm1)

    bin_cx = (left + right) / 2.0
    bin_cy = (top + bottom) / 2.0
    fl_cx = jnp.floor(bin_cx)
    fl_cy = jnp.floor(bin_cy)
    rx = bin_cx - fl_cx
    ry = bin_cy - fl_cy

    ai_l = jnp.clip(fl_cx.astype(jnp.int32), 0, tabh - 1)
    ai_r = jnp.clip(jnp.ceil(bin_cx).astype(jnp.int32), 0, tabh - 1)
    bi_t = jnp.clip(fl_cy.astype(jnp.int32), 0, tabc - 1)
    bi_b = jnp.clip(jnp.ceil(bin_cy).astype(jnp.int32), 0, tabc - 1)

    o_ref[:, 0, :] = ai_l * tabc + bi_t
    o_ref[:, 1, :] = ai_r * tabc + bi_t
    o_ref[:, 2, :] = ai_r * tabc + bi_b
    o_ref[:, 3, :] = ai_l * tabc + bi_b
    o_ref[:, 4, :] = lax.bitcast_convert_type((1.0 - rx) * (1.0 - ry), jnp.int32)
    o_ref[:, 5, :] = lax.bitcast_convert_type(rx * (1.0 - ry), jnp.int32)
    o_ref[:, 6, :] = lax.bitcast_convert_type(rx * ry, jnp.int32)
    o_ref[:, 7, :] = lax.bitcast_convert_type((1.0 - rx) * ry, jnp.int32)

    tab_ref[...] = f_ref[0, 0]


def _grid_call(m, features, wm1, hm1, tabh, tabc):
    return pl.pallas_call(
        functools.partial(_grid_body, wm1=wm1, hm1=hm1, tabh=tabh, tabc=tabc),
        grid=(1,),
        in_specs=[
            pl.BlockSpec(m.shape, lambda i: (0, 0)),
            pl.BlockSpec((1, 1, tabh, tabc), lambda i: (0, 0, 0, 0)),
        ],
        out_specs=(
            pl.BlockSpec((_NROI, 8, _PADB), lambda i: (0, 0, 0)),
            pl.BlockSpec((tabh, tabc), lambda i: (0, 0)),
        ),
        out_shape=(
            jax.ShapeDtypeStruct((_NROI, 8, _PADB), jnp.int32),
            jax.ShapeDtypeStruct((tabh, tabc), jnp.float32),
        ),
    )(m, features)


@functools.cache
def _make_sc_gather(channel):
    mesh = plsc.VectorSubcoreMesh(
        core_axis_name="c", subcore_axis_name="s",
        num_cores=_NC, num_subcores=_NS)

    @functools.partial(
        pl.kernel,
        out_type=jax.ShapeDtypeStruct((_NROI, _BINS, channel), jnp.float32),
        mesh=mesh,
        compiler_params=pltpu.CompilerParams(
            needs_layout_passes=False, use_tc_tiling_on_sc=False),
        scratch_types=[
            pltpu.VMEM((8, _CHUNK), jnp.int32),
            pltpu.VMEM((4, _CHUNK), jnp.float32),
            pltpu.VMEM((_CHUNK,), jnp.float32),
            pltpu.VMEM((_BINS, channel), jnp.float32),
            pltpu.SemaphoreType.DMA,
        ],
    )
    def sc_gather(tab_hbm, idxw_hbm, out_hbm, idxw_v, val_v, pool_v, rows_v, sem):
        wid = lax.axis_index("s") * _NC + lax.axis_index("c")
        pltpu.sync_copy(idxw_hbm.at[wid], idxw_v)
        copies = []
        for c in range(4):
            for h in range(2):
                sl = pl.ds(h * _HALF, _HALF)
                copies.append(pltpu.async_copy(
                    tab_hbm.at[idxw_v.at[c, sl]], val_v.at[c, sl], sem))
        for cp in copies:
            cp.wait()
        for j in range(_CHUNK // _LANES):
            sl = pl.ds(j * _LANES, _LANES)
            acc = None
            for c in range(4):
                v = val_v[c, sl].astype(jnp.int32).astype(jnp.float32)
                w = plsc.bitcast(idxw_v[4 + c, sl], jnp.float32)
                acc = v * w if acc is None else acc + v * w
            pool_v[sl] = acc

        nvec = channel // _LANES

        def bcast_lanes(j, nlanes):
            vals = pool_v[pl.ds(j * _LANES, _LANES)]
            for l in range(nlanes):
                splat = jnp.full((_LANES,), vals[l], jnp.float32)
                b = j * _LANES + l
                for c in range(nvec):
                    rows_v[b, pl.ds(c * _LANES, _LANES)] = splat

        lax.fori_loop(0, _BINS // _LANES,
                      lambda j, carry: (bcast_lanes(j, _LANES), carry)[1], 0)
        bcast_lanes(_BINS // _LANES, _BINS % _LANES)
        pltpu.sync_copy(rows_v, out_hbm.at[wid])

    return sc_gather


def kernel(pooled_height, pooled_width, spatial_scale, features, rois):
    width = features.shape[1]
    height = features.shape[2]
    channel = features.shape[3]
    tabh = features.shape[2]
    tabc = features.shape[3]

    phf = jnp.asarray(pooled_height).astype(jnp.float32)
    pwf = jnp.asarray(pooled_width).astype(jnp.float32)
    ssf = jnp.asarray(spatial_scale).astype(jnp.float32)

    roi_idx = jnp.concatenate(
        [jnp.array([0], dtype=jnp.int32), jnp.arange(_NROI - 1, dtype=jnp.int32)])
    r = rois[0, roi_idx, :].astype(jnp.float32)
    a1, a2, a3, a4, a5 = r[:, 1], r[:, 2], r[:, 3], r[:, 4], r[:, 5]
    m5 = a5 * 180.0 * 3.1415926535
    roi_pw = (a4 / a3) * pwf
    dx = -roi_pw / 2.0
    dy = -phf / 2.0
    sx = (a4 / roi_pw) * ssf
    sy = a3 / (phf * ssf)
    alpha = jnp.cos(m5)
    beta = jnp.sin(m5)
    m00 = alpha * sx
    m01 = beta * sy
    m02 = m00 * dx + m01 * dy + a1 * ssf
    m10 = -beta * sx
    m11 = alpha * sy
    m12 = m10 * dx + m11 * dy + a2 * ssf
    m = jnp.stack([m00, m01, m02, m10, m11, m12], axis=1)

    idxw, tab = _grid_call(
        m, features, float(width - 1), float(height - 1), tabh, tabc)

    sc_gather = _make_sc_gather(channel)
    out3 = sc_gather(tab.reshape(-1), idxw)
    return out3.reshape(_NROI, _PH, _PW, channel)

# --- scband reference (transcript-rebuilt; emitter-appended) ---
"""Pipeline reference for scband-rroi-align-10771777978984 (READ-ONLY COPY).

The authoritative reference and input builder live on the scoring server;
editing this copy changes nothing except your own understanding.
"""

import jax, jax.numpy as jnp
import numpy as np


def _forward(pooled_height, pooled_width, spatial_scale, features, rois):
    channel = features.shape[3]
    width = features.shape[1]
    height = features.shape[2]
    numroi = 32
    PH = 14
    PW = 14
    phf = jnp.asarray(pooled_height).astype(jnp.float32)
    pwf = jnp.asarray(pooled_width).astype(jnp.float32)
    ssf = jnp.asarray(spatial_scale).astype(jnp.float32)
    x_axis = jnp.linspace(0.0, float(PH - 1), PH)
    y_axis = jnp.linspace(0.0, float(PW - 1), PW)
    x_t, y_t = jnp.meshgrid(x_axis, y_axis)  # [pw, ph], 'xy' indexing like tf
    x_t = jnp.tile(x_t[None, :, :, None], (numroi, 1, 1, channel))
    y_t = jnp.tile(y_t[None, :, :, None], (numroi, 1, 1, channel))
    # Faithful to original loop: first entry uses roi 0, then loop appends rois 0..30
    roi_idx = jnp.concatenate([jnp.array([0], dtype=jnp.int32), jnp.arange(31, dtype=jnp.int32)])
    r = rois[0, roi_idx, :].astype(jnp.float32)  # [32, 6]
    ones = jnp.ones((1, PW, PH, channel), jnp.float32)
    M1 = r[:, 1][:, None, None, None] * ones
    M2 = r[:, 2][:, None, None, None] * ones
    M3 = r[:, 3][:, None, None, None] * ones
    M4 = r[:, 4][:, None, None, None] * ones
    M5 = r[:, 5][:, None, None, None] * ones * 180.0 * 3.1415926535
    roi_pooled_width = (M4 / M3) * pwf
    dx = (-roi_pooled_width / 2.0).astype(jnp.float32)
    dy = -phf / 2.0
    Sx = (M4 / roi_pooled_width) * ssf
    Sy = M3 / (phf * ssf)
    Alpha = jnp.cos(M5)
    Beta = jnp.sin(M5)
    Dx = M1 * ssf
    Dy = M2 * ssf
    M00 = Alpha * Sx
    M01 = Beta * Sy
    M02 = M00 * dx + M01 * dy + Dx
    M10 = -Beta * Sx
    M11 = Alpha * Sy
    M12 = M10 * dx + M11 * dy + Dy
    P0 = M00 * x_t + M01 * y_t + M02
    P1 = M10 * x_t + M11 * y_t + M12
    P2 = M00 * x_t + M01 * (y_t + 1.0) + M02
    P3 = M10 * x_t + M11 * (y_t + 1.0) + M12
    P4 = M00 * (x_t + 1.0) + M01 * y_t + M02
    P5 = M10 * (x_t + 1.0) + M11 * y_t + M12
    P6 = M00 * (x_t + 1.0) + M01 * (y_t + 1.0) + M02
    P7 = M10 * (x_t + 1.0) + M11 * (y_t + 1.0) + M12
    leftMost = jnp.maximum(jnp.round(jnp.minimum(jnp.minimum(P0, P2), jnp.minimum(P4, P6))), 0.0)
    rightMost = jnp.minimum(jnp.round(jnp.maximum(jnp.maximum(P0, P2), jnp.maximum(P4, P6))), float(width - 1))
    topMost = jnp.maximum(jnp.round(jnp.minimum(jnp.minimum(P1, P3), jnp.minimum(P5, P7))), 0.0)
    bottomMost = jnp.minimum(jnp.round(jnp.maximum(jnp.maximum(P1, P3), jnp.maximum(P5, P7))), float(height - 1))
    bin_cx = (leftMost + rightMost) / 2.0
    bin_cy = (topMost + bottomMost) / 2.0
    bin_l = jnp.floor(bin_cx)
    bin_r = jnp.ceil(bin_cx)
    bin_t = jnp.floor(bin_cy)
    bin_b = jnp.ceil(bin_cy)
    rx = bin_cx - jnp.floor(bin_cx)
    ry = bin_cy - jnp.floor(bin_cy)
    wlt = (1.0 - rx) * (1.0 - ry)
    wrt = rx * (1.0 - ry)
    wrb = rx * ry
    wlb = (1.0 - rx) * ry
    # Original gathers features[0] with index triples (0, bin_*, bin_*):
    # first coord is always 0 -> effectively gathers from features[0, 0] of shape [height, channel]
    f0 = features[0, 0]
    H, Cc = f0.shape
    def gat(a, b):
        ai = jnp.clip(a.astype(jnp.int32), 0, H - 1)
        bi = jnp.clip(b.astype(jnp.int32), 0, Cc - 1)
        return f0[ai, bi]
    lt_value = gat(bin_l, bin_t).astype(jnp.int32).astype(jnp.float32)
    rt_value = gat(bin_r, bin_t).astype(jnp.int32).astype(jnp.float32)
    lb_value = gat(bin_l, bin_b).astype(jnp.int32).astype(jnp.float32)
    rb_value = gat(bin_r, bin_b).astype(jnp.int32).astype(jnp.float32)
    output = lt_value * wlt + rt_value * wrt + rb_value * wrb + lb_value * wlb
    return output


def setup_inputs(seed: int = 0) -> dict:
    key = jax.random.key(seed)
    k1, k2 = jax.random.split(key)
    features = jax.random.normal(k1, (1, 224, 224, 384), dtype=jnp.float32)
    rois = jax.random.uniform(k2, (1, 32, 6), dtype=jnp.float32)
    # scale roi columns to image-realistic ranges: (batch_idx, cx, cy, h, w, angle)
    scale = jnp.array([1.0, 180.0, 180.0, 56.0, 56.0, 1.0], jnp.float32)
    off = jnp.array([0.0, 20.0, 20.0, 8.0, 8.0, 0.0], jnp.float32)
    rois = rois * scale + off
    return {"pooled_height": 14, "pooled_width": 14, "spatial_scale": 1, "features": features, "rois": rois}


def reference(pooled_height, pooled_width, spatial_scale, features, rois):
    return _forward(pooled_height, pooled_width, spatial_scale, features, rois)

if __name__ == "__main__":
    import jax
    _d = setup_inputs()
    print(jax.jit(kernel)(*tuple(_d.values())))

</pallas_src>

<mosaic_0001>
#map = affine_map<(d0, d1) -> (0)>
#map1 = affine_map<(d0, d1) -> (0, 0, 0)>
module attributes {stable_mosaic.version = 14 : i64} {
  func.func @sc_gather(%arg0: i32, %arg1: i32, %arg2: memref<86016xf32, #tpu.memory_space<hbm>>, %arg3: memref<32x8x224xi32, #tpu.memory_space<hbm>>, %arg4: memref<32x196x384xf32, #tpu.memory_space<hbm>>, %arg5: memref<8x224xi32, #tpu.memory_space<vmem>>, %arg6: memref<4x224xf32, #tpu.memory_space<vmem>>, %arg7: memref<224xf32, #tpu.memory_space<vmem>>, %arg8: memref<196x384xf32, #tpu.memory_space<vmem>>, %arg9: memref<!tpu.dma_semaphore, #tpu.memory_space<semaphore_mem>>) attributes {dimension_semantics = [#tpu.dimension_semantics<core_parallel>, #tpu.dimension_semantics<subcore_parallel>], iteration_bounds = array<i64: 2, 16>, scalar_prefetch = 0 : i64, scratch_operands = 5 : i64, tpu.core_type = #tpu.core_type<sc_vector_subcore>, window_params = [{transform_indices = #map}, {transform_indices = #map1}, {transform_indices = #map1}]} {
    %mul3A = arith.constant 2 : i32
    %mul3A_0 = arith.muli %arg1, %mul3A : i32
    %add3A = arith.addi %mul3A_0, %arg0 : i32
    "tpu.region"() ({
      %run_scoped3A = tpu.sem_alloc : memref<!tpu.dma_semaphore, #tpu.memory_space<semaphore_mem>>
      %dma_start3A_1297 = arith.constant 0 : i32
      %dma_start3A_1298 = arith.constant 0 : i32
      %dma_start3A_1299 = tpu.memref_slice %arg3[%add3A, %dma_start3A_1297, %dma_start3A_1298] : memref<32x8x224xi32, #tpu.memory_space<hbm>> -> memref<1x8x224xi32, #tpu.memory_space<hbm>>
      %dma_start3A_1300 = tpu.memref_squeeze %dma_start3A_1299 : memref<1x8x224xi32, #tpu.memory_space<hbm>> -> memref<8x224xi32, #tpu.memory_space<hbm>>
      %dma_start3A_1301 = arith.constant 0 : i32
      %dma_start3A_1302 = arith.constant 0 : i32
      %dma_start3A_1303 = tpu.memref_slice %arg3[%add3A, %dma_start3A_1301, %dma_start3A_1302] : memref<32x8x224xi32, #tpu.memory_space<hbm>> -> memref<1x8x224xi32, #tpu.memory_space<hbm>>
      %dma_start3A_1304 = tpu.memref_squeeze %dma_start3A_1303 : memref<1x8x224xi32, #tpu.memory_space<hbm>> -> memref<8x224xi32, #tpu.memory_space<hbm>>
      tpu.enqueue_dma source(%dma_start3A_1304 : memref<8x224xi32, #tpu.memory_space<hbm>>) target(%arg5 : memref<8x224xi32, #tpu.memory_space<vmem>>) target_semaphore(%run_scoped3A : memref<!tpu.dma_semaphore, #tpu.memory_space<semaphore_mem>>)
      %dma_wait3A_1305 = arith.constant 0 : i32
      %dma_wait3A_1306 = arith.constant 0 : i32
      %dma_wait3A_1307 = tpu.memref_slice %arg3[%add3A, %dma_wait3A_1305, %dma_wait3A_1306] : memref<32x8x224xi32, #tpu.memory_space<hbm>> -> memref<1x8x224xi32, #tpu.memory_space<hbm>>
      %dma_wait3A_1308 = tpu.memref_squeeze %dma_wait3A_1307 : memref<1x8x224xi32, #tpu.memory_space<hbm>> -> memref<8x224xi32, #tpu.memory_space<hbm>>
      %dma_wait3A_1309 = arith.constant 0 : i32
      %dma_wait3A_1310 = arith.constant 0 : i32
      %dma_wait3A_1311 = tpu.memref_slice %arg3[%add3A, %dma_wait3A_1309, %dma_wait3A_1310] : memref<32x8x224xi32, #tpu.memory_space<hbm>> -> memref<1x8x224xi32, #tpu.memory_space<hbm>>
      %dma_wait3A_1312 = tpu.memref_squeeze %dma_wait3A_1311 : memref<1x8x224xi32, #tpu.memory_space<hbm>> -> memref<8x224xi32, #tpu.memory_space<hbm>>
      tpu.wait_dma2 semaphore(%run_scoped3A : memref<!tpu.dma_semaphore, #tpu.memory_space<semaphore_mem>>) src(%dma_wait3A_1312 : memref<8x224xi32, #tpu.memory_space<hbm>>) dst(%arg5 : memref<8x224xi32, #tpu.memory_space<vmem>>)
      tpu.yield
    }) : () -> ()
    %dma_start3A = arith.constant 0 : i32
    %dma_start3A_1 = arith.constant 0 : i32
    %dma_start3A_2 = arith.constant 0 : i32
    %dma_start3A_3 = tpu.memref_slice %arg6[%dma_start3A_1, %dma_start3A_2] : memref<4x224xf32, #tpu.memory_space<vmem>> -> memref<1x112xf32, #tpu.memory_space<vmem>>
    %dma_start3A_4 = tpu.memref_squeeze %dma_start3A_3 : memref<1x112xf32, #tpu.memory_space<vmem>> -> memref<112xf32, #tpu.memory_space<vmem>>
    %dma_start3A_5 = arith.constant 0 : i32
    %dma_start3A_6 = tpu.memref_slice %arg5[%dma_start3A, %dma_start3A_5] : memref<8x224xi32, #tpu.memory_space<vmem>> -> memref<1x112xi32, #tpu.memory_space<vmem>>
    %dma_start3A_7 = tpu.memref_squeeze %dma_start3A_6 : memref<1x112xi32, #tpu.memory_space<vmem>> -> memref<112xi32, #tpu.memory_space<vmem>>
    %dma_start3A_8 = arith.constant 0 : i32
    %dma_start3A_9 = tpu.memref_slice %arg2[%dma_start3A_8] : memref<86016xf32, #tpu.memory_space<hbm>> -> memref<86016xf32, #tpu.memory_space<hbm>>
    tpu.enqueue_indirect_dma source(%dma_start3A_9 : memref<86016xf32, #tpu.memory_space<hbm>>) target(%dma_start3A_4 : memref<112xf32, #tpu.memory_space<vmem>>) offsets(%dma_start3A_7 : memref<112xi32, #tpu.memory_space<vmem>>) semaphore(%arg9 : memref<!tpu.dma_semaphore, #tpu.memory_space<semaphore_mem>>)
    %dma_start3A_10 = arith.constant 0 : i32
    %dma_start3A_11 = arith.constant 0 : i32
    %dma_start3A_12 = arith.constant 112 : i32
    %dma_start3A_13 = tpu.memref_slice %arg6[%dma_start3A_11, %dma_start3A_12] : memref<4x224xf32, #tpu.memory_space<vmem>> -> memref<1x112xf32, #tpu.memory_space<vmem>>
    %dma_start3A_14 = tpu.memref_squeeze %dma_start3A_13 : memref<1x112xf32, #tpu.memory_space<vmem>> -> memref<112xf32, #tpu.memory_space<vmem>>
    %dma_start3A_15 = arith.constant 112 : i32
    %dma_start3A_16 = tpu.memref_slice %arg5[%dma_start3A_10, %dma_start3A_15] : memref<8x224xi32, #tpu.memory_space<vmem>> -> memref<1x112xi32, #tpu.memory_space<vmem>>
    %dma_start3A_17 = tpu.memref_squeeze %dma_start3A_16 : memref<1x112xi32, #tpu.memory_space<vmem>> -> memref<112xi32, #tpu.memory_space<vmem>>
    %dma_start3A_18 = arith.constant 0 : i32
    %dma_start3A_19 = tpu.memref_slice %arg2[%dma_start3A_18] : memref<86016xf32, #tpu.memory_space<hbm>> -> memref<86016xf32, #tpu.memory_space<hbm>>
    tpu.enqueue_indirect_dma source(%dma_start3A_19 : memref<86016xf32, #tpu.memory_space<hbm>>) target(%dma_start3A_14 : memref<112xf32, #tpu.memory_space<vmem>>) offsets(%dma_start3A_17 : memref<112xi32, #tpu.memory_space<vmem>>) semaphore(%arg9 : memref<!tpu.dma_semaphore, #tpu.memory_space<semaphore_mem>>)
    %dma_start3A_20 = arith.constant 1 : i32
    %dma_start3A_21 = arith.constant 1 : i32
    %dma_start3A_22 = arith.constant 0 : i32
    %dma_start3A_23 = tpu.memref_slice %arg6[%dma_start3A_21, %dma_start3A_22] : memref<4x224xf32, #tpu.memory_space<vmem>> -> memref<1x112xf32, #tpu.memory_space<vmem>>
    %dma_start3A_24 = tpu.memref_squeeze %dma_start3A_23 : memref<1x112xf32, #tpu.memory_space<vmem>> -> memref<112xf32, #tpu.memory_space<vmem>>
    %dma_start3A_25 = arith.constant 0 : i32
    %dma_start3A_26 = tpu.memref_slice %arg5[%dma_start3A_20, %dma_start3A_25] : memref<8x224xi32, #tpu.memory_space<vmem>> -> memref<1x112xi32, #tpu.memory_space<vmem>>
    %dma_start3A_27 = tpu.memref_squeeze %dma_start3A_26 : memref<1x112xi32, #tpu.memory_space<vmem>> -> memref<112xi32, #tpu.memory_space<vmem>>
    %dma_start3A_28 = arith.constant 0 : i32
    %dma_start3A_29 = tpu.memref_slice %arg2[%dma_start3A_28] : memref<86016xf32, #tpu.memory_space<hbm>> -> memref<86016xf32, #tpu.memory_space<hbm>>
    tpu.enqueue_indirect_dma source(%dma_start3A_29 : memref<86016xf32, #tpu.memory_space<hbm>>) target(%dma_start3A_24 : memref<112xf32, #tpu.memory_space<vmem>>) offsets(%dma_start3A_27 : memref<112xi32, #tpu.memory_space<vmem>>) semaphore(%arg9 : memref<!tpu.dma_semaphore, #tpu.memory_space<semaphore_mem>>)
    %dma_start3A_30 = arith.constant 1 : i32
    %dma_start3A_31 = arith.constant 1 : i32
    %dma_start3A_32 = arith.constant 112 : i32
    %dma_start3A_33 = tpu.memref_slice %arg6[%dma_start3A_31, %dma_start3A_32] : memref<4x224xf32, #tpu.memory_space<vmem>> -> memref<1x112xf32, #tpu.memory_space<vmem>>
    %dma_start3A_34 = tpu.memref_squeeze %dma_start3A_33 : memref<1x112xf32, #tpu.memory_space<vmem>> -> memref<112xf32, #tpu.memory_space<vmem>>
    %dma_start3A_35 = arith.constant 112 : i32
    %dma_start3A_36 = tpu.memref_slice %arg5[%dma_start3A_30, %dma_start3A_35] : memref<8x224xi32, #tpu.memory_space<vmem>> -> memref<1x112xi32, #tpu.memory_space<vmem>>
    %dma_start3A_37 = tpu.memref_squeeze %dma_start3A_36 : memref<1x112xi32, #tpu.memory_space<vmem>> -> memref<112xi32, #tpu.memory_space<vmem>>
    %dma_start3A_38 = arith.constant 0 : i32
    %dma_start3A_39 = tpu.memref_slice %arg2[%dma_start3A_38] : memref<86016xf32, #tpu.memory_space<hbm>> -> memref<86016xf32, #tpu.memory_space<hbm>>
    tpu.enqueue_indirect_dma source(%dma_start3A_39 : memref<86016xf32, #tpu.memory_space<hbm>>) target(%dma_start3A_34 : memref<112xf32, #tpu.memory_space<vmem>>) offsets(%dma_start3A_37 : memref<112xi32, #tpu.memory_space<vmem>>) semaphore(%arg9 : memref<!tpu.dma_semaphore, #tpu.memory_space<semaphore_mem>>)
    %dma_start3A_40 = arith.constant 2 : i32
    %dma_start3A_41 = arith.constant 2 : i32
    %dma_start3A_42 = arith.constant 0 : i32
    %dma_start3A_43 = tpu.memref_slice %arg6[%dma_start3A_41, %dma_start3A_42] : memref<4x224xf32, #tpu.memory_space<vmem>> -> memref<1x112xf32, #tpu.memory_space<vmem>>
    %dma_start3A_44 = tpu.memref_squeeze %dma_start3A_43 : memref<1x112xf32, #tpu.memory_space<vmem>> -> memref<112xf32, #tpu.memory_space<vmem>>
    %dma_start3A_45 = arith.constant 0 : i32
    %dma_start3A_46 = tpu.memref_slice %arg5[%dma_start3A_40, %dma_start3A_45] : memref<8x224xi32, #tpu.memory_space<vmem>> -> memref<1x112xi32, #tpu.memory_space<vmem>>
    %dma_start3A_47 = tpu.memref_squeeze %dma_start3A_46 : memref<1x112xi32, #tpu.memory_space<vmem>> -> memref<112xi32, #tpu.memory_space<vmem>>
    %dma_start3A_48 = arith.constant 0 : i32
    %dma_start3A_49 = tpu.memref_slice %arg2[%dma_start3A_48] : memref<86016xf32, #tpu.memory_space<hbm>> -> memref<86016xf32, #tpu.memory_space<hbm>>
    tpu.enqueue_indirect_dma source(%dma_start3A_49 : memref<86016xf32, #tpu.memory_space<hbm>>) target(%dma_start3A_44 : memref<112xf32, #tpu.memory_space<vmem>>) offsets(%dma_start3A_47 : memref<112xi32, #tpu.memory_space<vmem>>) semaphore(%arg9 : memref<!tpu.dma_semaphore, #tpu.memory_space<semaphore_mem>>)
    %dma_start3A_50 = arith.constant 2 : i32
    %dma_start3A_51 = arith.constant 2 : i32
    %dma_start3A_52 = arith.constant 112 : i32
    %dma_start3A_53 = tpu.memref_slice %arg6[%dma_start3A_51, %dma_start3A_52] : memref<4x224xf32, #tpu.memory_space<vmem>> -> memref<1x112xf32, #tpu.memory_space<vmem>>
    %dma_start3A_54 = tpu.memref_squeeze %dma_start3A_53 : memref<1x112xf32, #tpu.memory_space<vmem>> -> memref<112xf32, #tpu.memory_space<vmem>>
    %dma_start3A_55 = arith.constant 112 : i32
    %dma_start3A_56 = tpu.memref_slice %arg5[%dma_start3A_50, %dma_start3A_55] : memref<8x224xi32, #tpu.memory_space<vmem>> -> memref<1x112xi32, #tpu.memory_space<vmem>>
    %dma_start3A_57 = tpu.memref_squeeze %dma_start3A_56 : memref<1x112xi32, #tpu.memory_space<vmem>> -> memref<112xi32, #tpu.memory_space<vmem>>
    %dma_start3A_58 = arith.constant 0 : i32
    %dma_start3A_59 = tpu.memref_slice %arg2[%dma_start3A_58] : memref<86016xf32, #tpu.memory_space<hbm>> -> memref<86016xf32, #tpu.memory_space<hbm>>
    tpu.enqueue_indirect_dma source(%dma_start3A_59 : memref<86016xf32, #tpu.memory_space<hbm>>) target(%dma_start3A_54 : memref<112xf32, #tpu.memory_space<vmem>>) offsets(%dma_start3A_57 : memref<112xi32, #tpu.memory_space<vmem>>) semaphore(%arg9 : memref<!tpu.dma_semaphore, #tpu.memory_space<semaphore_mem>>)
    %dma_start3A_60 = arith.constant 3 : i32
    %dma_start3A_61 = arith.constant 3 : i32
    %dma_start3A_62 = arith.constant 0 : i32
    %dma_start3A_63 = tpu.memref_slice %arg6[%dma_start3A_61, %dma_start3A_62] : memref<4x224xf32, #tpu.memory_space<vmem>> -> memref<1x112xf32, #tpu.memory_space<vmem>>
    %dma_start3A_64 = tpu.memref_squeeze %dma_start3A_63 : memref<1x112xf32, #tpu.memory_space<vmem>> -> memref<112xf32, #tpu.memory_space<vmem>>
    %dma_start3A_65 = arith.constant 0 : i32
    %dma_start3A_66 = tpu.memref_slice %arg5[%dma_start3A_60, %dma_start3A_65] : memref<8x224xi32, #tpu.memory_space<vmem>> -> memref<1x112xi32, #tpu.memory_space<vmem>>
    %dma_start3A_67 = tpu.memref_squeeze %dma_start3A_66 : memref<1x112xi32, #tpu.memory_space<vmem>> -> memref<112xi32, #tpu.memory_space<vmem>>
    %dma_start3A_68 = arith.constant 0 : i32
    %dma_start3A_69 = tpu.memref_slice %arg2[%dma_start3A_68] : memref<86016xf32, #tpu.memory_space<hbm>> -> memref<86016xf32, #tpu.memory_space<hbm>>
    tpu.enqueue_indirect_dma source(%dma_start3A_69 : memref<86016xf32, #tpu.memory_space<hbm>>) target(%dma_start3A_64 : memref<112xf32, #tpu.memory_space<vmem>>) offsets(%dma_start3A_67 : memref<112xi32, #tpu.memory_space<vmem>>) semaphore(%arg9 : memref<!tpu.dma_semaphore, #tpu.memory_space<semaphore_mem>>)
    %dma_start3A_70 = arith.constant 3 : i32
    %dma_start3A_71 = arith.constant 3 : i32
    %dma_start3A_72 = arith.constant 112 : i32
    %dma_start3A_73 = tpu.memref_slice %arg6[%dma_start3A_71, %dma_start3A_72] : memref<4x224xf32, #tpu.memory_space<vmem>> -> memref<1x112xf32, #tpu.memory_space<vmem>>
    %dma_start3A_74 = tpu.memref_squeeze %dma_start3A_73 : memref<1x112xf32, #tpu.memory_space<vmem>> -> memref<112xf32, #tpu.memory_space<vmem>>
    %dma_start3A_75 = arith.constant 112 : i32
    %dma_start3A_76 = tpu.memref_slice %arg5[%dma_start3A_70, %dma_start3A_75] : memref<8x224xi32, #tpu.memory_space<vmem>> -> memref<1x112xi32, #tpu.memory_space<vmem>>
    %dma_start3A_77 = tpu.memref_squeeze %dma_start3A_76 : memref<1x112xi32, #tpu.memory_space<vmem>> -> memref<112xi32, #tpu.memory_space<vmem>>
    %dma_start3A_78 = arith.constant 0 : i32
    %dma_start3A_79 = tpu.memref_slice %arg2[%dma_start3A_78] : memref<86016xf32, #tpu.memory_space<hbm>> -> memref<86016xf32, #tpu.memory_space<hbm>>
    tpu.enqueue_indirect_dma source(%dma_start3A_79 : memref<86016xf32, #tpu.memory_space<hbm>>) target(%dma_start3A_74 : memref<112xf32, #tpu.memory_space<vmem>>) offsets(%dma_start3A_77 : memref<112xi32, #tpu.memory_space<vmem>>) semaphore(%arg9 : memref<!tpu.dma_semaphore, #tpu.memory_space<semaphore_mem>>)
    %dma_wait3A = arith.constant 0 : i32
    %dma_wait3A_80 = arith.constant 0 : i32
    %dma_wait3A_81 = arith.constant 0 : i32
    %dma_wait3A_82 = tpu.memref_slice %arg6[%dma_wait3A_80, %dma_wait3A_81] : memref<4x224xf32, #tpu.memory_space<vmem>> -> memref<1x112xf32, #tpu.memory_space<vmem>>
    %dma_wait3A_83 = tpu.memref_squeeze %dma_wait3A_82 : memref<1x112xf32, #tpu.memory_space<vmem>> -> memref<112xf32, #tpu.memory_space<vmem>>
    %dma_wait3A_84 = arith.constant 0 : i32
    %dma_wait3A_85 = tpu.memref_slice %arg5[%dma_wait3A, %dma_wait3A_84] : memref<8x224xi32, #tpu.memory_space<vmem>> -> memref<1x112xi32, #tpu.memory_space<vmem>>
    %dma_wait3A_86 = tpu.memref_squeeze %dma_wait3A_85 : memref<1x112xi32, #tpu.memory_space<vmem>> -> memref<112xi32, #tpu.memory_space<vmem>>
    %dma_wait3A_87 = arith.constant 0 : i32
    %dma_wait3A_88 = tpu.memref_slice %arg2[%dma_wait3A_87] : memref<86016xf32, #tpu.memory_space<hbm>> -> memref<86016xf32, #tpu.memory_space<hbm>>
    tpu.wait_indirect_dma semaphore(%arg9 : memref<!tpu.dma_semaphore, #tpu.memory_space<semaphore_mem>>) src(%dma_wait3A_88 : memref<86016xf32, #tpu.memory_space<hbm>>) dst(%dma_wait3A_83 : memref<112xf32, #tpu.memory_space<vmem>>)
    %dma_wait3A_89 = arith.constant 0 : i32
    %dma_wait3A_90 = arith.constant 0 : i32
    %dma_wait3A_91 = arith.constant 112 : i32
    %dma_wait3A_92 = tpu.memref_slice %arg6[%dma_wait3A_90, %dma_wait3A_91] : memref<4x224xf32, #tpu.memory_space<vmem>> -> memref<1x112xf32, #tpu.memory_space<vmem>>
    %dma_wait3A_93 = tpu.memref_squeeze %dma_wait3A_92 : memref<1x112xf32, #tpu.memory_space<vmem>> -> memref<112xf32, #tpu.memory_space<vmem>>
    %dma_wait3A_94 = arith.constant 112 : i32
    %dma_wait3A_95 = tpu.memref_slice %arg5[%dma_wait3A_89, %dma_wait3A_94] : memref<8x224xi32, #tpu.memory_space<vmem>> -> memref<1x112xi32, #tpu.memory_space<vmem>>
    %dma_wait3A_96 = tpu.memref_squeeze %dma_wait3A_95 : memref<1x112xi32, #tpu.memory_space<vmem>> -> memref<112xi32, #tpu.memory_space<vmem>>
    %dma_wait3A_97 = arith.constant 0 : i32
    %dma_wait3A_98 = tpu.memref_slice %arg2[%dma_wait3A_97] : memref<86016xf32, #tpu.memory_space<hbm>> -> memref<86016xf32, #tpu.memory_space<hbm>>
    tpu.wait_indirect_dma semaphore(%arg9 : memref<!tpu.dma_semaphore, #tpu.memory_space<semaphore_mem>>) src(%dma_wait3A_98 : memref<86016xf32, #tpu.memory_space<hbm>>) dst(%dma_wait3A_93 : memref<112xf32, #tpu.memory_space<vmem>>)
    %dma_wait3A_99 = arith.constant 1 : i32
    %dma_wait3A_100 = arith.constant 1 : i32
    %dma_wait3A_101 = arith.constant 0 : i32
    %dma_wait3A_102 = tpu.memref_slice %arg6[%dma_wait3A_100, %dma_wait3A_101] : memref<4x224xf32, #tpu.memory_space<vmem>> -> memref<1x112xf32, #tpu.memory_space<vmem>>
    %dma_wait3A_103 = tpu.memref_squeeze %dma_wait3A_102 : memref<1x112xf32, #tpu.memory_space<vmem>> -> memref<112xf32, #tpu.memory_space<vmem>>
    %dma_wait3A_104 = arith.constant 0 : i32
    %dma_wait3A_105 = tpu.memref_slice %arg5[%dma_wait3A_99, %dma_wait3A_104] : memref<8x224xi32, #tpu.memory_space<vmem>> -> memref<1x112xi32, #tpu.memory_space<vmem>>
    %dma_wait3A_106 = tpu.memref_squeeze %dma_wait3A_105 : memref<1x112xi32, #tpu.memory_space<vmem>> -> memref<112xi32, #tpu.memory_space<vmem>>
    %dma_wait3A_107 = arith.constant 0 : i32
    %dma_wait3A_108 = tpu.memref_slice %arg2[%dma_wait3A_107] : memref<86016xf32, #tpu.memory_space<hbm>> -> memref<86016xf32, #tpu.memory_space<hbm>>
    tpu.wait_indirect_dma semaphore(%arg9 : memref<!tpu.dma_semaphore, #tpu.memory_space<semaphore_mem>>) src(%dma_wait3A_108 : memref<86016xf32, #tpu.memory_space<hbm>>) dst(%dma_wait3A_103 : memref<112xf32, #tpu.memory_space<vmem>>)
    %dma_wait3A_109 = arith.constant 1 : i32
    %dma_wait3A_110 = arith.constant 1 : i32
    %dma_wait3A_111 = arith.constant 112 : i32
    %dma_wait3A_112 = tpu.memref_slice %arg6[%dma_wait3A_110, %dma_wait3A_111] : memref<4x224xf32, #tpu.memory_space<vmem>> -> memref<1x112xf32, #tpu.memory_space<vmem>>
    %dma_wait3A_113 = tpu.memref_squeeze %dma_wait3A_112 : memref<1x112xf32, #tpu.memory_space<vmem>> -> memref<112xf32, #tpu.memory_space<vmem>>
    %dma_wait3A_114 = arith.constant 112 : i32
    %dma_wait3A_115 = tpu.memref_slice %arg5[%dma_wait3A_109, %dma_wait3A_114] : memref<8x224xi32, #tpu.memory_space<vmem>> -> memref<1x112xi32, #tpu.memory_space<vmem>>
    %dma_wait3A_116 = tpu.memref_squeeze %dma_wait3A_115 : memref<1x112xi32, #tpu.memory_space<vmem>> -> memref<112xi32, #tpu.memory_space<vmem>>
    %dma_wait3A_117 = arith.constant 0 : i32
    %dma_wait3A_118 = tpu.memref_slice %arg2[%dma_wait3A_117] : memref<86016xf32, #tpu.memory_space<hbm>> -> memref<86016xf32, #tpu.memory_space<hbm>>
    tpu.wait_indirect_dma semaphore(%arg9 : memref<!tpu.dma_semaphore, #tpu.memory_space<semaphore_mem>>) src(%dma_wait3A_118 : memref<86016xf32, #tpu.memory_space<hbm>>) dst(%dma_wait3A_113 : memref<112xf32, #tpu.memory_space<vmem>>)
    %dma_wait3A_119 = arith.constant 2 : i32
    %dma_wait3A_120 = arith.constant 2 : i32
    %dma_wait3A_121 = arith.constant 0 : i32
    %dma_wait3A_122 = tpu.memref_slice %arg6[%dma_wait3A_120, %dma_wait3A_121] : memref<4x224xf32, #tpu.memory_space<vmem>> -> memref<1x112xf32, #tpu.memory_space<vmem>>
    %dma_wait3A_123 = tpu.memref_squeeze %dma_wait3A_122 : memref<1x112xf32, #tpu.memory_space<vmem>> -> memref<112xf32, #tpu.memory_space<vmem>>
    %dma_wait3A_124 = arith.constant 0 : i32
    %dma_wait3A_125 = tpu.memref_slice %arg5[%dma_wait3A_119, %dma_wait3A_124] : memref<8x224xi32, #tpu.memory_space<vmem>> -> memref<1x112xi32, #tpu.memory_space<vmem>>
    %dma_wait3A_126 = tpu.memref_squeeze %dma_wait3A_125 : memref<1x112xi32, #tpu.memory_space<vmem>> -> memref<112xi32, #tpu.memory_space<vmem>>
    %dma_wait3A_127 = arith.constant 0 : i32
    %dma_wait3A_128 = tpu.memref_slice %arg2[%dma_wait3A_127] : memref<86016xf32, #tpu.memory_space<hbm>> -> memref<86016xf32, #tpu.memory_space<hbm>>
    tpu.wait_indirect_dma semaphore(%arg9 : memref<!tpu.dma_semaphore, #tpu.memory_space<semaphore_mem>>) src(%dma_wait3A_128 : memref<86016xf32, #tpu.memory_space<hbm>>) dst(%dma_wait3A_123 : memref<112xf32, #tpu.memory_space<vmem>>)
    %dma_wait3A_129 = arith.constant 2 : i32
    %dma_wait3A_130 = arith.constant 2 : i32
    %dma_wait3A_131 = arith.constant 112 : i32
    %dma_wait3A_132 = tpu.memref_slice %arg6[%dma_wait3A_130, %dma_wait3A_131] : memref<4x224xf32, #tpu.memory_space<vmem>> -> memref<1x112xf32, #tpu.memory_space<vmem>>
    %dma_wait3A_133 = tpu.memref_squeeze %dma_wait3A_132 : memref<1x112xf32, #tpu.memory_space<vmem>> -> memref<112xf32, #tpu.memory_space<vmem>>
    %dma_wait3A_134 = arith.constant 112 : i32
    %dma_wait3A_135 = tpu.memref_slice %arg5[%dma_wait3A_129, %dma_wait3A_134] : memref<8x224xi32, #tpu.memory_space<vmem>> -> memref<1x112xi32, #tpu.memory_space<vmem>>
    %dma_wait3A_136 = tpu.memref_squeeze %dma_wait3A_135 : memref<1x112xi32, #tpu.memory_space<vmem>> -> memref<112xi32, #tpu.memory_space<vmem>>
    %dma_wait3A_137 = arith.constant 0 : i32
    %dma_wait3A_138 = tpu.memref_slice %arg2[%dma_wait3A_137] : memref<86016xf32, #tpu.memory_space<hbm>> -> memref<86016xf32, #tpu.memory_space<hbm>>
    tpu.wait_indirect_dma semaphore(%arg9 : memref<!tpu.dma_semaphore, #tpu.memory_space<semaphore_mem>>) src(%dma_wait3A_138 : memref<86016xf32, #tpu.memory_space<hbm>>) dst(%dma_wait3A_133 : memref<112xf32, #tpu.memory_space<vmem>>)
    %dma_wait3A_139 = arith.constant 3 : i32
    %dma_wait3A_140 = arith.constant 3 : i32
    %dma_wait3A_141 = arith.constant 0 : i32
    %dma_wait3A_142 = tpu.memref_slice %arg6[%dma_wait3A_140, %dma_wait3A_141] : memref<4x224xf32, #tpu.memory_space<vmem>> -> memref<1x112xf32, #tpu.memory_space<vmem>>
    %dma_wait3A_143 = tpu.memref_squeeze %dma_wait3A_142 : memref<1x112xf32, #tpu.memory_space<vmem>> -> memref<112xf32, #tpu.memory_space<vmem>>
    %dma_wait3A_144 = arith.constant 0 : i32
    %dma_wait3A_145 = tpu.memref_slice %arg5[%dma_wait3A_139, %dma_wait3A_144] : memref<8x224xi32, #tpu.memory_space<vmem>> -> memref<1x112xi32, #tpu.memory_space<vmem>>
    %dma_wait3A_146 = tpu.memref_squeeze %dma_wait3A_145 : memref<1x112xi32, #tpu.memory_space<vmem>> -> memref<112xi32, #tpu.memory_space<vmem>>
    %dma_wait3A_147 = arith.constant 0 : i32
    %dma_wait3A_148 = tpu.memref_slice %arg2[%dma_wait3A_147] : memref<86016xf32, #tpu.memory_space<hbm>> -> memref<86016xf32, #tpu.memory_space<hbm>>
    tpu.wait_indirect_dma semaphore(%arg9 : memref<!tpu.dma_semaphore, #tpu.memory_space<semaphore_mem>>) src(%dma_wait3A_148 : memref<86016xf32, #tpu.memory_space<hbm>>) dst(%dma_wait3A_143 : memref<112xf32, #tpu.memory_space<vmem>>)
    %dma_wait3A_149 = arith.constant 3 : i32
    %dma_wait3A_150 = arith.constant 3 : i32
    %dma_wait3A_151 = arith.constant 112 : i32
    %dma_wait3A_152 = tpu.memref_slice %arg6[%dma_wait3A_150, %dma_wait3A_151] : memref<4x224xf32, #tpu.memory_space<vmem>> -> memref<1x112xf32, #tpu.memory_space<vmem>>
    %dma_wait3A_153 = tpu.memref_squeeze %dma_wait3A_152 : memref<1x112xf32, #tpu.memory_space<vmem>> -> memref<112xf32, #tpu.memory_space<vmem>>
    %dma_wait3A_154 = arith.constant 112 : i32
    %dma_wait3A_155 = tpu.memref_slice %arg5[%dma_wait3A_149, %dma_wait3A_154] : memref<8x224xi32, #tpu.memory_space<vmem>> -> memref<1x112xi32, #tpu.memory_space<vmem>>
    %dma_wait3A_156 = tpu.memref_squeeze %dma_wait3A_155 : memref<1x112xi32, #tpu.memory_space<vmem>> -> memref<112xi32, #tpu.memory_space<vmem>>
    %dma_wait3A_157 = arith.constant 0 : i32
    %dma_wait3A_158 = tpu.memref_slice %arg2[%dma_wait3A_157] : memref<86016xf32, #tpu.memory_space<hbm>> -> memref<86016xf32, #tpu.memory_space<hbm>>
    tpu.wait_indirect_dma semaphore(%arg9 : memref<!tpu.dma_semaphore, #tpu.memory_space<semaphore_mem>>) src(%dma_wait3A_158 : memref<86016xf32, #tpu.memory_space<hbm>>) dst(%dma_wait3A_153 : memref<112xf32, #tpu.memory_space<vmem>>)
    %get3A = arith.constant 0 : i32
    %get3A_159 = arith.index_cast %get3A : i32 to index
    %get3A_160 = arith.constant 0 : index
    %get3A_161 = tpu.vector_load %arg6[%get3A_159, %get3A_160] {strides = array<i32>} : memref<4x224xf32, #tpu.memory_space<vmem>>, vector<16xf32>,
    %convert_element_type3A = arith.fptosi %get3A_161 : vector<16xf32> to vector<16xi32>
    %convert_element_type3A_162 = arith.sitofp %convert_element_type3A : vector<16xi32> to vector<16xf32>
    %get3A_163 = arith.constant 4 : i32
    %get3A_164 = arith.index_cast %get3A_163 : i32 to index
    %get3A_165 = arith.constant 0 : index
    %get3A_166 = tpu.vector_load %arg5[%get3A_164, %get3A_165] {strides = array<i32>} : memref<8x224xi32, #tpu.memory_space<vmem>>, vector<16xi32>,
    %bitcast3A = vector.bitcast %get3A_166 : vector<16xi32> to vector<16xf32>
    %mul3A_167 = arith.mulf %convert_element_type3A_162, %bitcast3A : vector<16xf32>
    %get3A_168 = arith.constant 1 : i32
    %get3A_169 = arith.index_cast %get3A_168 : i32 to index
    %get3A_170 = arith.constant 0 : index
    %get3A_171 = tpu.vector_load %arg6[%get3A_169, %get3A_170] {strides = array<i32>} : memref<4x224xf32, #tpu.memory_space<vmem>>, vector<16xf32>,
    %convert_element_type3A_172 = arith.fptosi %get3A_171 : vector<16xf32> to vector<16xi32>
    %convert_element_type3A_173 = arith.sitofp %convert_element_type3A_172 : vector<16xi32> to vector<16xf32>
    %get3A_174 = arith.constant 5 : i32
    %get3A_175 = arith.index_cast %get3A_174 : i32 to index
    %get3A_176 = arith.constant 0 : index
    %get3A_177 = tpu.vector_load %arg5[%get3A_175, %get3A_176] {strides = array<i32>} : memref<8x224xi32, #tpu.memory_space<vmem>>, vector<16xi32>,
    %bitcast3A_178 = vector.bitcast %get3A_177 : vector<16xi32> to vector<16xf32>
    %mul3A_179 = arith.mulf %convert_element_type3A_173, %bitcast3A_178 : vector<16xf32>
    %add3A_180 = arith.addf %mul3A_167, %mul3A_179 : vector<16xf32>
    %get3A_181 = arith.constant 2 : i32
    %get3A_182 = arith.index_cast %get3A_181 : i32 to index
    %get3A_183 = arith.constant 0 : index
    %get3A_184 = tpu.vector_load %arg6[%get3A_182, %get3A_183] {strides = array<i32>} : memref<4x224xf32, #tpu.memory_space<vmem>>, vector<16xf32>,
    %convert_element_type3A_185 = arith.fptosi %get3A_184 : vector<16xf32> to vector<16xi32>
    %convert_element_type3A_186 = arith.sitofp %convert_element_type3A_185 : vector<16xi32> to vector<16xf32>
    %get3A_187 = arith.constant 6 : i32
    %get3A_188 = arith.index_cast %get3A_187 : i32 to index
    %get3A_189 = arith.constant 0 : index
    %get3A_190 = tpu.vector_load %arg5[%get3A_188, %get3A_189] {strides = array<i32>} : memref<8x224xi32, #tpu.memory_space<vmem>>, vector<16xi32>,
    %bitcast3A_191 = vector.bitcast %get3A_190 : vector<16xi32> to vector<16xf32>
    %mul3A_192 = arith.mulf %convert_element_type3A_186, %bitcast3A_191 : vector<16xf32>
    %add3A_193 = arith.addf %add3A_180, %mul3A_192 : vector<16xf32>
    %get3A_194 = arith.constant 3 : i32
    %get3A_195 = arith.index_cast %get3A_194 : i32 to index
    %get3A_196 = arith.constant 0 : index
    %get3A_197 = tpu.vector_load %arg6[%get3A_195, %get3A_196] {strides = array<i32>} : memref<4x224xf32, #tpu.memory_space<vmem>>, vector<16xf32>,
    %convert_element_type3A_198 = arith.fptosi %get3A_197 : vector<16xf32> to vector<16xi32>
    %convert_element_type3A_199 = arith.sitofp %convert_element_type3A_198 : vector<16xi32> to vector<16xf32>
    %get3A_200 = arith.constant 7 : i32
    %get3A_201 = arith.index_cast %get3A_200 : i32 to index
    %get3A_202 = arith.constant 0 : index
    %get3A_203 = tpu.vector_load %arg5[%get3A_201, %get3A_202] {strides = array<i32>} : memref<8x224xi32, #tpu.memory_space<vmem>>, vector<16xi32>,
    %bitcast3A_204 = vector.bitcast %get3A_203 : vector<16xi32> to vector<16xf32>
    %mul3A_205 = arith.mulf %convert_element_type3A_199, %bitcast3A_204 : vector<16xf32>
    %add3A_206 = arith.addf %add3A_193, %mul3A_205 : vector<16xf32>
    %swap3A = arith.constant 0 : index
    %swap3A_207 = tpu.vector_load %arg7[%swap3A] {strides = array<i32>} : memref<224xf32, #tpu.memory_space<vmem>>, vector<16xf32>,
    tpu.vector_store %arg7[%swap3A], %add3A_206 {strides = array<i32>} : memref<224xf32, #tpu.memory_space<vmem>>, vector<16xf32>,
    %get3A_208 = arith.constant 0 : i32
    %get3A_209 = arith.index_cast %get3A_208 : i32 to index
    %get3A_210 = arith.constant 16 : index
    %get3A_211 = tpu.vector_load %arg6[%get3A_209, %get3A_210] {strides = array<i32>} : memref<4x224xf32, #tpu.memory_space<vmem>>, vector<16xf32>,
    %convert_element_type3A_212 = arith.fptosi %get3A_211 : vector<16xf32> to vector<16xi32>
    %convert_element_type3A_213 = arith.sitofp %convert_element_type3A_212 : vector<16xi32> to vector<16xf32>
    %get3A_214 = arith.constant 4 : i32
    %get3A_215 = arith.index_cast %get3A_214 : i32 to index
    %get3A_216 = arith.constant 16 : index
    %get3A_217 = tpu.vector_load %arg5[%get3A_215, %get3A_216] {strides = array<i32>} : memref<8x224xi32, #tpu.memory_space<vmem>>, vector<16xi32>,
    %bitcast3A_218 = vector.bitcast %get3A_217 : vector<16xi32> to vector<16xf32>
    %mul3A_219 = arith.mulf %convert_element_type3A_213, %bitcast3A_218 : vector<16xf32>
    %get3A_220 = arith.constant 1 : i32
    %get3A_221 = arith.index_cast %get3A_220 : i32 to index
    %get3A_222 = arith.constant 16 : index
    %get3A_223 = tpu.vector_load %arg6[%get3A_221, %get3A_222] {strides = array<i32>} : memref<4x224xf32, #tpu.memory_space<vmem>>, vector<16xf32>,
    %convert_element_type3A_224 = arith.fptosi %get3A_223 : vector<16xf32> to vector<16xi32>
    %convert_element_type3A_225 = arith.sitofp %convert_element_type3A_224 : vector<16xi32> to vector<16xf32>
    %get3A_226 = arith.constant 5 : i32
    %get3A_227 = arith.index_cast %get3A_226 : i32 to index
    %get3A_228 = arith.constant 16 : index
    %get3A_229 = tpu.vector_load %arg5[%get3A_227, %get3A_228] {strides = array<i32>} : memref<8x224xi32, #tpu.memory_space<vmem>>, vector<16xi32>,
    %bitcast3A_230 = vector.bitcast %get3A_229 : vector<16xi32> to vector<16xf32>
    %mul3A_231 = arith.mulf %convert_element_type3A_225, %bitcast3A_230 : vector<16xf32>
    %add3A_232 = arith.addf %mul3A_219, %mul3A_231 : vector<16xf32>
    %get3A_233 = arith.constant 2 : i32
    %get3A_234 = arith.index_cast %get3A_233 : i32 to index
    %get3A_235 = arith.constant 16 : index
    %get3A_236 = tpu.vector_load %arg6[%get3A_234, %get3A_235] {strides = array<i32>} : memref<4x224xf32, #tpu.memory_space<vmem>>, vector<16xf32>,
    %convert_element_type3A_237 = arith.fptosi %get3A_236 : vector<16xf32> to vector<16xi32>
    %convert_element_type3A_238 = arith.sitofp %convert_element_type3A_237 : vector<16xi32> to vector<16xf32>
    %get3A_239 = arith.constant 6 : i32
    %get3A_240 = arith.index_cast %get3A_239 : i32 to index
    %get3A_241 = arith.constant 16 : index
    %get3A_242 = tpu.vector_load %arg5[%get3A_240, %get3A_241] {strides = array<i32>} : memref<8x224xi32, #tpu.memory_space<vmem>>, vector<16xi32>,
    %bitcast3A_243 = vector.bitcast %get3A_242 : vector<16xi32> to vector<16xf32>
    %mul3A_244 = arith.mulf %convert_element_type3A_238, %bitcast3A_243 : vector<16xf32>
    %add3A_245 = arith.addf %add3A_232, %mul3A_244 : vector<16xf32>
    %get3A_246 = arith.constant 3 : i32
    %get3A_247 = arith.index_cast %get3A_246 : i32 to index
    %get3A_248 = arith.constant 16 : index
    %get3A_249 = tpu.vector_load %arg6[%get3A_247, %get3A_248] {strides = array<i32>} : memref<4x224xf32, #tpu.memory_space<vmem>>, vector<16xf32>,
    %convert_element_type3A_250 = arith.fptosi %get3A_249 : vector<16xf32> to vector<16xi32>
    %convert_element_type3A_251 = arith.sitofp %convert_element_type3A_250 : vector<16xi32> to vector<16xf32>
    %get3A_252 = arith.constant 7 : i32
    %get3A_253 = arith.index_cast %get3A_252 : i32 to index
    %get3A_254 = arith.constant 16 : index
    %get3A_255 = tpu.vector_load %arg5[%get3A_253, %get3A_254] {strides = array<i32>} : memref<8x224xi32, #tpu.memory_space<vmem>>, vector<16xi32>,
    %bitcast3A_256 = vector.bitcast %get3A_255 : vector<16xi32> to vector<16xf32>
    %mul3A_257 = arith.mulf %convert_element_type3A_251, %bitcast3A_256 : vector<16xf32>
    %add3A_258 = arith.addf %add3A_245, %mul3A_257 : vector<16xf32>
    %swap3A_259 = arith.constant 16 : index
    %swap3A_260 = tpu.vector_load %arg7[%swap3A_259] {strides = array<i32>} : memref<224xf32, #tpu.memory_space<vmem>>, vector<16xf32>,
    tpu.vector_store %arg7[%swap3A_259], %add3A_258 {strides = array<i32>} : memref<224xf32, #tpu.memory_space<vmem>>, vector<16xf32>,
    %get3A_261 = arith.constant 0 : i32
    %get3A_262 = arith.index_cast %get3A_261 : i32 to index
    %get3A_263 = arith.constant 32 : index
    %get3A_264 = tpu.vector_load %arg6[%get3A_262, %get3A_263] {strides = array<i32>} : memref<4x224xf32, #tpu.memory_space<vmem>>, vector<16xf32>,
    %convert_element_type3A_265 = arith.fptosi %get3A_264 : vector<16xf32> to vector<16xi32>
    %convert_element_type3A_266 = arith.sitofp %convert_element_type3A_265 : vector<16xi32> to vector<16xf32>
    %get3A_267 = arith.constant 4 : i32
    %get3A_268 = arith.index_cast %get3A_267 : i32 to index
    %get3A_269 = arith.constant 32 : index
    %get3A_270 = tpu.vector_load %arg5[%get3A_268, %get3A_269] {strides = array<i32>} : memref<8x224xi32, #tpu.memory_space<vmem>>, vector<16xi32>,
    %bitcast3A_271 = vector.bitcast %get3A_270 : vector<16xi32> to vector<16xf32>
    %mul3A_272 = arith.mulf %convert_element_type3A_266, %bitcast3A_271 : vector<16xf32>
    %get3A_273 = arith.constant 1 : i32
    %get3A_274 = arith.index_cast %get3A_273 : i32 to index
    %get3A_275 = arith.constant 32 : index
    %get3A_276 = tpu.vector_load %arg6[%get3A_274, %get3A_275] {strides = array<i32>} : memref<4x224xf32, #tpu.memory_space<vmem>>, vector<16xf32>,
    %convert_element_type3A_277 = arith.fptosi %get3A_276 : vector<16xf32> to vector<16xi32>
    %convert_element_type3A_278 = arith.sitofp %convert_element_type3A_277 : vector<16xi32> to vector<16xf32>
    %get3A_279 = arith.constant 5 : i32
    %get3A_280 = arith.index_cast %get3A_279 : i32 to index
    %get3A_281 = arith.constant 32 : index
    %get3A_282 = tpu.vector_load %arg5[%get3A_280, %get3A_281] {strides = array<i32>} : memref<8x224xi32, #tpu.memory_space<vmem>>, vector<16xi32>,
    %bitcast3A_283 = vector.bitcast %get3A_282 : vector<16xi32> to vector<16xf32>
    %mul3A_284 = arith.mulf %convert_element_type3A_278, %bitcast3A_283 : vector<16xf32>
    %add3A_285 = arith.addf %mul3A_272, %mul3A_284 : vector<16xf32>
    %get3A_286 = arith.constant 2 : i32
    %get3A_287 = arith.index_cast %get3A_286 : i32 to index
    %get3A_288 = arith.constant 32 : index
    %get3A_289 = tpu.vector_load %arg6[%get3A_287, %get3A_288] {strides = array<i32>} : memref<4x224xf32, #tpu.memory_space<vmem>>, vector<16xf32>,
    %convert_element_type3A_290 = arith.fptosi %get3A_289 : vector<16xf32> to vector<16xi32>
    %convert_element_type3A_291 = arith.sitofp %convert_element_type3A_290 : vector<16xi32> to vector<16xf32>
    %get3A_292 = arith.constant 6 : i32
    %get3A_293 = arith.index_cast %get3A_292 : i32 to index
    %get3A_294 = arith.constant 32 : index
    %get3A_295 = tpu.vector_load %arg5[%get3A_293, %get3A_294] {strides = array<i32>} : memref<8x224xi32, #tpu.memory_space<vmem>>, vector<16xi32>,
    %bitcast3A_296 = vector.bitcast %get3A_295 : vector<16xi32> to vector<16xf32>
    %mul3A_297 = arith.mulf %convert_element_type3A_291, %bitcast3A_296 : vector<16xf32>
    %add3A_298 = arith.addf %add3A_285, %mul3A_297 : vector<16xf32>
    %get3A_299 = arith.constant 3 : i32
    %get3A_300 = arith.index_cast %get3A_299 : i32 to index
    %get3A_301 = arith.constant 32 : index
    %get3A_302 = tpu.vector_load %arg6[%get3A_300, %get3A_301] {strides = array<i32>} : memref<4x224xf32, #tpu.memory_space<vmem>>, vector<16xf32>,
    %convert_element_type3A_303 = arith.fptosi %get3A_302 : vector<16xf32> to vector<16xi32>
    %convert_element_type3A_304 = arith.sitofp %convert_element_type3A_303 : vector<16xi32> to vector<16xf32>
    %get3A_305 = arith.constant 7 : i32
    %get3A_306 = arith.index_cast %get3A_305 : i32 to index
    %get3A_307 = arith.constant 32 : index
    %get3A_308 = tpu.vector_load %arg5[%get3A_306, %get3A_307] {strides = array<i32>} : memref<8x224xi32, #tpu.memory_space<vmem>>, vector<16xi32>,
    %bitcast3A_309 = vector.bitcast %get3A_308 : vector<16xi32> to vector<16xf32>
    %mul3A_310 = arith.mulf %convert_element_type3A_304, %bitcast3A_309 : vector<16xf32>
    %add3A_311 = arith.addf %add3A_298, %mul3A_310 : vector<16xf32>
    %swap3A_312 = arith.constant 32 : index
    %swap3A_313 = tpu.vector_load %arg7[%swap3A_312] {strides = array<i32>} : memref<224xf32, #tpu.memory_space<vmem>>, vector<16xf32>,
    tpu.vector_store %arg7[%swap3A_312], %add3A_311 {strides = array<i32>} : memref<224xf32, #tpu.memory_space<vmem>>, vector<16xf32>,
    %get3A_314 = arith.constant 0 : i32
    %get3A_315 = arith.index_cast %get3A_314 : i32 to index
    %get3A_316 = arith.constant 48 : index
    %get3A_317 = tpu.vector_load %arg6[%get3A_315, %get3A_316] {strides = array<i32>} : memref<4x224xf32, #tpu.memory_space<vmem>>, vector<16xf32>,
    %convert_element_type3A_318 = arith.fptosi %get3A_317 : vector<16xf32> to vector<16xi32>
    %convert_element_type3A_319 = arith.sitofp %convert_element_type3A_318 : vector<16xi32> to vector<16xf32>
    %get3A_320 = arith.constant 4 : i32
    %get3A_321 = arith.index_cast %get3A_320 : i32 to index
    %get3A_322 = arith.constant 48 : index
    %get3A_323 = tpu.vector_load %arg5[%get3A_321, %get3A_322] {strides = array<i32>} : memref<8x224xi32, #tpu.memory_space<vmem>>, vector<16xi32>,
    %bitcast3A_324 = vector.bitcast %get3A_323 : vector<16xi32> to vector<16xf32>
    %mul3A_325 = arith.mulf %convert_element_type3A_319, %bitcast3A_324 : vector<16xf32>
    %get3A_326 = arith.constant 1 : i32
    %get3A_327 = arith.index_cast %get3A_326 : i32 to index
    %get3A_328 = arith.constant 48 : index
    %get3A_329 = tpu.vector_load %arg6[%get3A_327, %get3A_328] {strides = array<i32>} : memref<4x224xf32, #tpu.memory_space<vmem>>, vector<16xf32>,
    %convert_element_type3A_330 = arith.fptosi %get3A_329 : vector<16xf32> to vector<16xi32>
    %convert_element_type3A_331 = arith.sitofp %convert_element_type3A_330 : vector<16xi32> to vector<16xf32>
    %get3A_332 = arith.constant 5 : i32
    %get3A_333 = arith.index_cast %get3A_332 : i32 to index
    %get3A_334 = arith.constant 48 : index
    %get3A_335 = tpu.vector_load %arg5[%get3A_333, %get3A_334] {strides = array<i32>} : memref<8x224xi32, #tpu.memory_space<vmem>>, vector<16xi32>,
    %bitcast3A_336 = vector.bitcast %get3A_335 : vector<16xi32> to vector<16xf32>
    %mul3A_337 = arith.mulf %convert_element_type3A_331, %bitcast3A_336 : vector<16xf32>
    %add3A_338 = arith.addf %mul3A_325, %mul3A_337 : vector<16xf32>
    %get3A_339 = arith.constant 2 : i32
    %get3A_340 = arith.index_cast %get3A_339 : i32 to index
    %get3A_341 = arith.constant 48 : index
    %get3A_342 = tpu.vector_load %arg6[%get3A_340, %get3A_341] {strides = array<i32>} : memref<4x224xf32, #tpu.memory_space<vmem>>, vector<16xf32>,
    %convert_element_type3A_343 = arith.fptosi %get3A_342 : vector<16xf32> to vector<16xi32>
    %convert_element_type3A_344 = arith.sitofp %convert_element_type3A_343 : vector<16xi32> to vector<16xf32>
    %get3A_345 = arith.constant 6 : i32
    %get3A_346 = arith.index_cast %get3A_345 : i32 to index
    %get3A_347 = arith.constant 48 : index
    %get3A_348 = tpu.vector_load %arg5[%get3A_346, %get3A_347] {strides = array<i32>} : memref<8x224xi32, #tpu.memory_space<vmem>>, vector<16xi32>,
    %bitcast3A_349 = vector.bitcast %get3A_348 : vector<16xi32> to vector<16xf32>
    %mul3A_350 = arith.mulf %convert_element_type3A_344, %bitcast3A_349 : vector<16xf32>
    %add3A_351 = arith.addf %add3A_338, %mul3A_350 : vector<16xf32>
    %get3A_352 = arith.constant 3 : i32
    %get3A_353 = arith.index_cast %get3A_352 : i32 to index
    %get3A_354 = arith.constant 48 : index
    %get3A_355 = tpu.vector_load %arg6[%get3A_353, %get3A_354] {strides = array<i32>} : memref<4x224xf32, #tpu.memory_space<vmem>>, vector<16xf32>,
    %convert_element_type3A_356 = arith.fptosi %get3A_355 : vector<16xf32> to vector<16xi32>
    %convert_element_type3A_357 = arith.sitofp %convert_element_type3A_356 : vector<16xi32> to vector<16xf32>
    %get3A_358 = arith.constant 7 : i32
    %get3A_359 = arith.index_cast %get3A_358 : i32 to index
    %get3A_360 = arith.constant 48 : index
    %get3A_361 = tpu.vector_load %arg5[%get3A_359, %get3A_360] {strides = array<i32>} : memref<8x224xi32, #tpu.memory_space<vmem>>, vector<16xi32>,
    %bitcast3A_362 = vector.bitcast %get3A_361 : vector<16xi32> to vector<16xf32>
    %mul3A_363 = arith.mulf %convert_element_type3A_357, %bitcast3A_362 : vector<16xf32>
    %add3A_364 = arith.addf %add3A_351, %mul3A_363 : vector<16xf32>
    %swap3A_365 = arith.constant 48 : index
    %swap3A_366 = tpu.vector_load %arg7[%swap3A_365] {strides = array<i32>} : memref<224xf32, #tpu.memory_space<vmem>>, vector<16xf32>,
    tpu.vector_store %arg7[%swap3A_365], %add3A_364 {strides = array<i32>} : memref<224xf32, #tpu.memory_space<vmem>>, vector<16xf32>,
    %get3A_367 = arith.constant 0 : i32
    %get3A_368 = arith.index_cast %get3A_367 : i32 to index
    %get3A_369 = arith.constant 64 : index
    %get3A_370 = tpu.vector_load %arg6[%get3A_368, %get3A_369] {strides = array<i32>} : memref<4x224xf32, #tpu.memory_space<vmem>>, vector<16xf32>,
    %convert_element_type3A_371 = arith.fptosi %get3A_370 : vector<16xf32> to vector<16xi32>
    %convert_element_type3A_372 = arith.sitofp %convert_element_type3A_371 : vector<16xi32> to vector<16xf32>
    %get3A_373 = arith.constant 4 : i32
    %get3A_374 = arith.index_cast %get3A_373 : i32 to index
    %get3A_375 = arith.constant 64 : index
    %get3A_376 = tpu.vector_load %arg5[%get3A_374, %get3A_375] {strides = array<i32>} : memref<8x224xi32, #tpu.memory_space<vmem>>, vector<16xi32>,
    %bitcast3A_377 = vector.bitcast %get3A_376 : vector<16xi32> to vector<16xf32>
    %mul3A_378 = arith.mulf %convert_element_type3A_372, %bitcast3A_377 : vector<16xf32>
    %get3A_379 = arith.constant 1 : i32
    %get3A_380 = arith.index_cast %get3A_379 : i32 to index
    %get3A_381 = arith.constant 64 : index
    %get3A_382 = tpu.vector_load %arg6[%get3A_380, %get3A_381] {strides = array<i32>} : memref<4x224xf32, #tpu.memory_space<vmem>>, vector<16xf32>,
    %convert_element_type3A_383 = arith.fptosi %get3A_382 : vector<16xf32> to vector<16xi32>
    %convert_element_type3A_384 = arith.sitofp %convert_element_type3A_383 : vector<16xi32> to vector<16xf32>
    %get3A_385 = arith.constant 5 : i32
    %get3A_386 = arith.index_cast %get3A_385 : i32 to index
    %get3A_387 = arith.constant 64 : index
    %get3A_388 = tpu.vector_load %arg5[%get3A_386, %get3A_387] {strides = array<i32>} : memref<8x224xi32, #tpu.memory_space<vmem>>, vector<16xi32>,
    %bitcast3A_389 = vector.bitcast %get3A_388 : vector<16xi32> to vector<16xf32>
    %mul3A_390 = arith.mulf %convert_element_type3A_384, %bitcast3A_389 : vector<16xf32>
    %add3A_391 = arith.addf %mul3A_378, %mul3A_390 : vector<16xf32>
    %get3A_392 = arith.constant 2 : i32
    %get3A_393 = arith.index_cast %get3A_392 : i32 to index
    %get3A_394 = arith.constant 64 : index
    %get3A_395 = tpu.vector_load %arg6[%get3A_393, %get3A_394] {strides = array<i32>} : memref<4x224xf32, #tpu.memory_space<vmem>>, vector<16xf32>,
    %convert_element_type3A_396 = arith.fptosi %get3A_395 : vector<16xf32> to vector<16xi32>
    %convert_element_type3A_397 = arith.sitofp %convert_element_type3A_396 : vector<16xi32> to vector<16xf32>
    %get3A_398 = arith.constant 6 : i32
    %get3A_399 = arith.index_cast %get3A_398 : i32 to index
    %get3A_400 = arith.constant 64 : index
    %get3A_401 = tpu.vector_load %arg5[%get3A_399, %get3A_400] {strides = array<i32>} : memref<8x224xi32, #tpu.memory_space<vmem>>, vector<16xi32>,
    %bitcast3A_402 = vector.bitcast %get3A_401 : vector<16xi32> to vector<16xf32>
    %mul3A_403 = arith.mulf %convert_element_type3A_397, %bitcast3A_402 : vector<16xf32>
    %add3A_404 = arith.addf %add3A_391, %mul3A_403 : vector<16xf32>
    %get3A_405 = arith.constant 3 : i32
    %get3A_406 = arith.index_cast %get3A_405 : i32 to index
    %get3A_407 = arith.constant 64 : index
    %get3A_408 = tpu.vector_load %arg6[%get3A_406, %get3A_407] {strides = array<i32>} : memref<4x224xf32, #tpu.memory_space<vmem>>, vector<16xf32>,
    %convert_element_type3A_409 = arith.fptosi %get3A_408 : vector<16xf32> to vector<16xi32>
    %convert_element_type3A_410 = arith.sitofp %convert_element_type3A_409 : vector<16xi32> to vector<16xf32>
    %get3A_411 = arith.constant 7 : i32
    %get3A_412 = arith.index_cast %get3A_411 : i32 to index
    %get3A_413 = arith.constant 64 : index
    %get3A_414 = tpu.vector_load %arg5[%get3A_412, %get3A_413] {strides = array<i32>} : memref<8x224xi32, #tpu.memory_space<vmem>>, vector<16xi32>,
    %bitcast3A_415 = vector.bitcast %get3A_414 : vector<16xi32> to vector<16xf32>
    %mul3A_416 = arith.mulf %convert_element_type3A_410, %bitcast3A_415 : vector<16xf32>
    %add3A_417 = arith.addf %add3A_404, %mul3A_416 : vector<16xf32>
    %swap3A_418 = arith.constant 64 : index
    %swap3A_419 = tpu.vector_load %arg7[%swap3A_418] {strides = array<i32>} : memref<224xf32, #tpu.memory_space<vmem>>, vector<16xf32>,
    tpu.vector_store %arg7[%swap3A_418], %add3A_417 {strides = array<i32>} : memref<224xf32, #tpu.memory_space<vmem>>, vector<16xf32>,
    %get3A_420 = arith.constant 0 : i32
    %get3A_421 = arith.index_cast %get3A_420 : i32 to index
    %get3A_422 = arith.constant 80 : index
    %get3A_423 = tpu.vector_load %arg6[%get3A_421, %get3A_422] {strides = array<i32>} : memref<4x224xf32, #tpu.memory_space<vmem>>, vector<16xf32>,
    %convert_element_type3A_424 = arith.fptosi %get3A_423 : vector<16xf32> to vector<16xi32>
    %convert_element_type3A_425 = arith.sitofp %convert_element_type3A_424 : vector<16xi32> to vector<16xf32>
    %get3A_426 = arith.constant 4 : i32
    %get3A_427 = arith.index_cast %get3A_426 : i32 to index
    %get3A_428 = arith.constant 80 : index
    %get3A_429 = tpu.vector_load %arg5[%get3A_427, %get3A_428] {strides = array<i32>} : memref<8x224xi32, #tpu.memory_space<vmem>>, vector<16xi32>,
    %bitcast3A_430 = vector.bitcast %get3A_429 : vector<16xi32> to vector<16xf32>
    %mul3A_431 = arith.mulf %convert_element_type3A_425, %bitcast3A_430 : vector<16xf32>
    %get3A_432 = arith.constant 1 : i32
    %get3A_433 = arith.index_cast %get3A_432 : i32 to index
    %get3A_434 = arith.constant 80 : index
    %get3A_435 = tpu.vector_load %arg6[%get3A_433, %get3A_434] {strides = array<i32>} : memref<4x224xf32, #tpu.memory_space<vmem>>, vector<16xf32>,
    %convert_element_type3A_436 = arith.fptosi %get3A_435 : vector<16xf32> to vector<16xi32>
    %convert_element_type3A_437 = arith.sitofp %convert_element_type3A_436 : vector<16xi32> to vector<16xf32>
    %get3A_438 = arith.constant 5 : i32
    %get3A_439 = arith.index_cast %get3A_438 : i32 to index
    %get3A_440 = arith.constant 80 : index
    %get3A_441 = tpu.vector_load %arg5[%get3A_439, %get3A_440] {strides = array<i32>} : memref<8x224xi32, #tpu.memory_space<vmem>>, vector<16xi32>,
    %bitcast3A_442 = vector.bitcast %get3A_441 : vector<16xi32> to vector<16xf32>
    %mul3A_443 = arith.mulf %convert_element_type3A_437, %bitcast3A_442 : vector<16xf32>
    %add3A_444 = arith.addf %mul3A_431, %mul3A_443 : vector<16xf32>
    %get3A_445 = arith.constant 2 : i32
    %get3A_446 = arith.index_cast %get3A_445 : i32 to index
    %get3A_447 = arith.constant 80 : index
    %get3A_448 = tpu.vector_load %arg6[%get3A_446, %get3A_447] {strides = array<i32>} : memref<4x224xf32, #tpu.memory_space<vmem>>, vector<16xf32>,
    %convert_element_type3A_449 = arith.fptosi %get3A_448 : vector<16xf32> to vector<16xi32>
    %convert_element_type3A_450 = arith.sitofp %convert_element_type3A_449 : vector<16xi32> to vector<16xf32>
    %get3A_451 = arith.constant 6 : i32
    %get3A_452 = arith.index_cast %get3A_451 : i32 to index
    %get3A_453 = arith.constant 80 : index
    %get3A_454 = tpu.vector_load %arg5[%get3A_452, %get3A_453] {strides = array<i32>} : memref<8x224xi32, #tpu.memory_space<vmem>>, vector<16xi32>,
    %bitcast3A_455 = vector.bitcast %get3A_454 : vector<16xi32> to vector<16xf32>
    %mul3A_456 = arith.mulf %convert_element_type3A_450, %bitcast3A_455 : vector<16xf32>
    %add3A_457 = arith.addf %add3A_444, %mul3A_456 : vector<16xf32>
    %get3A_458 = arith.constant 3 : i32
    %get3A_459 = arith.index_cast %get3A_458 : i32 to index
    %get3A_460 = arith.constant 80 : index
    %get3A_461 = tpu.vector_load %arg6[%get3A_459, %get3A_460] {strides = array<i32>} : memref<4x224xf32, #tpu.memory_space<vmem>>, vector<16xf32>,
    %convert_element_type3A_462 = arith.fptosi %get3A_461 : vector<16xf32> to vector<16xi32>
    %convert_element_type3A_463 = arith.sitofp %convert_element_type3A_462 : vector<16xi32> to vector<16xf32>
    %get3A_464 = arith.constant 7 : i32
    %get3A_465 = arith.index_cast %get3A_464 : i32 to index
    %get3A_466 = arith.constant 80 : index
    %get3A_467 = tpu.vector_load %arg5[%get3A_465, %get3A_466] {strides = array<i32>} : memref<8x224xi32, #tpu.memory_space<vmem>>, vector<16xi32>,
    %bitcast3A_468 = vector.bitcast %get3A_467 : vector<16xi32> to vector<16xf32>
    %mul3A_469 = arith.mulf %convert_element_type3A_463, %bitcast3A_468 : vector<16xf32>
    %add3A_470 = arith.addf %add3A_457, %mul3A_469 : vector<16xf32>
    %swap3A_471 = arith.constant 80 : index
    %swap3A_472 = tpu.vector_load %arg7[%swap3A_471] {strides = array<i32>} : memref<224xf32, #tpu.memory_space<vmem>>, vector<16xf32>,
    tpu.vector_store %arg7[%swap3A_471], %add3A_470 {strides = array<i32>} : memref<224xf32, #tpu.memory_space<vmem>>, vector<16xf32>,
    %get3A_473 = arith.constant 0 : i32
    %get3A_474 = arith.index_cast %get3A_473 : i32 to index
    %get3A_475 = arith.constant 96 : index
    %get3A_476 = tpu.vector_load %arg6[%get3A_474, %get3A_475] {strides = array<i32>} : memref<4x224xf32, #tpu.memory_space<vmem>>, vector<16xf32>,
    %convert_element_type3A_477 = arith.fptosi %get3A_476 : vector<16xf32> to vector<16xi32>
    %convert_element_type3A_478 = arith.sitofp %convert_element_type3A_477 : vector<16xi32> to vector<16xf32>
    %get3A_479 = arith.constant 4 : i32
    %get3A_480 = arith.index_cast %get3A_479 : i32 to index
    %get3A_481 = arith.constant 96 : index
    %get3A_482 = tpu.vector_load %arg5[%get3A_480, %get3A_481] {strides = array<i32>} : memref<8x224xi32, #tpu.memory_space<vmem>>, vector<16xi32>,
    %bitcast3A_483 = vector.bitcast %get3A_482 : vector<16xi32> to vector<16xf32>
    %mul3A_484 = arith.mulf %convert_element_type3A_478, %bitcast3A_483 : vector<16xf32>
    %get3A_485 = arith.constant 1 : i32
    %get3A_486 = arith.index_cast %get3A_485 : i32 to index
    %get3A_487 = arith.constant 96 : index
    %get3A_488 = tpu.vector_load %arg6[%get3A_486, %get3A_487] {strides = array<i32>} : memref<4x224xf32, #tpu.memory_space<vmem>>, vector<16xf32>,
    %convert_element_type3A_489 = arith.fptosi %get3A_488 : vector<16xf32> to vector<16xi32>
    %convert_element_type3A_490 = arith.sitofp %convert_element_type3A_489 : vector<16xi32> to vector<16xf32>
    %get3A_491 = arith.constant 5 : i32
    %get3A_492 = arith.index_cast %get3A_491 : i32 to index
    %get3A_493 = arith.constant 96 : index
    %get3A_494 = tpu.vector_load %arg5[%get3A_492, %get3A_493] {strides = array<i32>} : memref<8x224xi32, #tpu.memory_space<vmem>>, vector<16xi32>,
    %bitcast3A_495 = vector.bitcast %get3A_494 : vector<16xi32> to vector<16xf32>
    %mul3A_496 = arith.mulf %convert_element_type3A_490, %bitcast3A_495 : vector<16xf32>
    %add3A_497 = arith.addf %mul3A_484, %mul3A_496 : vector<16xf32>
    %get3A_498 = arith.constant 2 : i32
    %get3A_499 = arith.index_cast %get3A_498 : i32 to index
    %get3A_500 = arith.constant 96 : index
    %get3A_501 = tpu.vector_load %arg6[%get3A_499, %get3A_500] {strides = array<i32>} : memref<4x224xf32, #tpu.memory_space<vmem>>, vector<16xf32>,
    %convert_element_type3A_502 = arith.fptosi %get3A_501 : vector<16xf32> to vector<16xi32>
    %convert_element_type3A_503 = arith.sitofp %convert_element_type3A_502 : vector<16xi32> to vector<16xf32>
    %get3A_504 = arith.constant 6 : i32
    %get3A_505 = arith.index_cast %get3A_504 : i32 to index
    %get3A_506 = arith.constant 96 : index
    %get3A_507 = tpu.vector_load %arg5[%get3A_505, %get3A_506] {strides = array<i32>} : memref<8x224xi32, #tpu.memory_space<vmem>>, vector<16xi32>,
    %bitcast3A_508 = vector.bitcast %get3A_507 : vector<16xi32> to vector<16xf32>
    %mul3A_509 = arith.mulf %convert_element_type3A_503, %bitcast3A_508 : vector<16xf32>
    %add3A_510 = arith.addf %add3A_497, %mul3A_509 : vector<16xf32>
    %get3A_511 = arith.constant 3 : i32
    %get3A_512 = arith.index_cast %get3A_511 : i32 to index
    %get3A_513 = arith.constant 96 : index
    %get3A_514 = tpu.vector_load %arg6[%get3A_512, %get3A_513] {strides = array<i32>} : memref<4x224xf32, #tpu.memory_space<vmem>>, vector<16xf32>,
    %convert_element_type3A_515 = arith.fptosi %get3A_514 : vector<16xf32> to vector<16xi32>
    %convert_element_type3A_516 = arith.sitofp %convert_element_type3A_515 : vector<16xi32> to vector<16xf32>
    %get3A_517 = arith.constant 7 : i32
    %get3A_518 = arith.index_cast %get3A_517 : i32 to index
    %get3A_519 = arith.constant 96 : index
    %get3A_520 = tpu.vector_load %arg5[%get3A_518, %get3A_519] {strides = array<i32>} : memref<8x224xi32, #tpu.memory_space<vmem>>, vector<16xi32>,
    %bitcast3A_521 = vector.bitcast %get3A_520 : vector<16xi32> to vector<16xf32>
    %mul3A_522 = arith.mulf %convert_element_type3A_516, %bitcast3A_521 : vector<16xf32>
    %add3A_523 = arith.addf %add3A_510, %mul3A_522 : vector<16xf32>
    %swap3A_524 = arith.constant 96 : index
    %swap3A_525 = tpu.vector_load %arg7[%swap3A_524] {strides = array<i32>} : memref<224xf32, #tpu.memory_space<vmem>>, vector<16xf32>,
    tpu.vector_store %arg7[%swap3A_524], %add3A_523 {strides = array<i32>} : memref<224xf32, #tpu.memory_space<vmem>>, vector<16xf32>,
    %get3A_526 = arith.constant 0 : i32
    %get3A_527 = arith.index_cast %get3A_526 : i32 to index
    %get3A_528 = arith.constant 112 : index
    %get3A_529 = tpu.vector_load %arg6[%get3A_527, %get3A_528] {strides = array<i32>} : memref<4x224xf32, #tpu.memory_space<vmem>>, vector<16xf32>,
    %convert_element_type3A_530 = arith.fptosi %get3A_529 : vector<16xf32> to vector<16xi32>
    %convert_element_type3A_531 = arith.sitofp %convert_element_type3A_530 : vector<16xi32> to vector<16xf32>
    %get3A_532 = arith.constant 4 : i32
    %get3A_533 = arith.index_cast %get3A_532 : i32 to index
    %get3A_534 = arith.constant 112 : index
    %get3A_535 = tpu.vector_load %arg5[%get3A_533, %get3A_534] {strides = array<i32>} : memref<8x224xi32, #tpu.memory_space<vmem>>, vector<16xi32>,
    %bitcast3A_536 = vector.bitcast %get3A_535 : vector<16xi32> to vector<16xf32>
    %mul3A_537 = arith.mulf %convert_element_type3A_531, %bitcast3A_536 : vector<16xf32>
    %get3A_538 = arith.constant 1 : i32
    %get3A_539 = arith.index_cast %get3A_538 : i32 to index
    %get3A_540 = arith.constant 112 : index
    %get3A_541 = tpu.vector_load %arg6[%get3A_539, %get3A_540] {strides = array<i32>} : memref<4x224xf32, #tpu.memory_space<vmem>>, vector<16xf32>,
    %convert_element_type3A_542 = arith.fptosi %get3A_541 : vector<16xf32> to vector<16xi32>
    %convert_element_type3A_543 = arith.sitofp %convert_element_type3A_542 : vector<16xi32> to vector<16xf32>
    %get3A_544 = arith.constant 5 : i32
    %get3A_545 = arith.index_cast %get3A_544 : i32 to index
    %get3A_546 = arith.constant 112 : index
    %get3A_547 = tpu.vector_load %arg5[%get3A_545, %get3A_546] {strides = array<i32>} : memref<8x224xi32, #tpu.memory_space<vmem>>, vector<16xi32>,
    %bitcast3A_548 = vector.bitcast %get3A_547 : vector<16xi32> to vector<16xf32>
    %mul3A_549 = arith.mulf %convert_element_type3A_543, %bitcast3A_548 : vector<16xf32>
    %add3A_550 = arith.addf %mul3A_537, %mul3A_549 : vector<16xf32>
    %get3A_551 = arith.constant 2 : i32
    %get3A_552 = arith.index_cast %get3A_551 : i32 to index
    %get3A_553 = arith.constant 112 : index
    %get3A_554 = tpu.vector_load %arg6[%get3A_552, %get3A_553] {strides = array<i32>} : memref<4x224xf32, #tpu.memory_space<vmem>>, vector<16xf32>,
    %convert_element_type3A_555 = arith.fptosi %get3A_554 : vector<16xf32> to vector<16xi32>
    %convert_element_type3A_556 = arith.sitofp %convert_element_type3A_555 : vector<16xi32> to vector<16xf32>
    %get3A_557 = arith.constant 6 : i32
    %get3A_558 = arith.index_cast %get3A_557 : i32 to index
    %get3A_559 = arith.constant 112 : index
    %get3A_560 = tpu.vector_load %arg5[%get3A_558, %get3A_559] {strides = array<i32>} : memref<8x224xi32, #tpu.memory_space<vmem>>, vector<16xi32>,
    %bitcast3A_561 = vector.bitcast %get3A_560 : vector<16xi32> to vector<16xf32>
    %mul3A_562 = arith.mulf %convert_element_type3A_556, %bitcast3A_561 : vector<16xf32>
    %add3A_563 = arith.addf %add3A_550, %mul3A_562 : vector<16xf32>
    %get3A_564 = arith.constant 3 : i32
    %get3A_565 = arith.index_cast %get3A_564 : i32 to index
    %get3A_566 = arith.constant 112 : index
    %get3A_567 = tpu.vector_load %arg6[%get3A_565, %get3A_566] {strides = array<i32>} : memref<4x224xf32, #tpu.memory_space<vmem>>, vector<16xf32>,
    %convert_element_type3A_568 = arith.fptosi %get3A_567 : vector<16xf32> to vector<16xi32>
    %convert_element_type3A_569 = arith.sitofp %convert_element_type3A_568 : vector<16xi32> to vector<16xf32>
    %get3A_570 = arith.constant 7 : i32
    %get3A_571 = arith.index_cast %get3A_570 : i32 to index
    %get3A_572 = arith.constant 112 : index
    %get3A_573 = tpu.vector_load %arg5[%get3A_571, %get3A_572] {strides = array<i32>} : memref<8x224xi32, #tpu.memory_space<vmem>>, vector<16xi32>,
    %bitcast3A_574 = vector.bitcast %get3A_573 : vector<16xi32> to vector<16xf32>
    %mul3A_575 = arith.mulf %convert_element_type3A_569, %bitcast3A_574 : vector<16xf32>
    %add3A_576 = arith.addf %add3A_563, %mul3A_575 : vector<16xf32>
    %swap3A_577 = arith.constant 112 : index
    %swap3A_578 = tpu.vector_load %arg7[%swap3A_577] {strides = array<i32>} : memref<224xf32, #tpu.memory_space<vmem>>, vector<16xf32>,
    tpu.vector_store %arg7[%swap3A_577], %add3A_576 {strides = array<i32>} : memref<224xf32, #tpu.memory_space<vmem>>, vector<16xf32>,
    %get3A_579 = arith.constant 0 : i32
    %get3A_580 = arith.index_cast %get3A_579 : i32 to index
    %get3A_581 = arith.constant 128 : index
    %get3A_582 = tpu.vector_load %arg6[%get3A_580, %get3A_581] {strides = array<i32>} : memref<4x224xf32, #tpu.memory_space<vmem>>, vector<16xf32>,
    %convert_element_type3A_583 = arith.fptosi %get3A_582 : vector<16xf32> to vector<16xi32>
    %convert_element_type3A_584 = arith.sitofp %convert_element_type3A_583 : vector<16xi32> to vector<16xf32>
    %get3A_585 = arith.constant 4 : i32
    %get3A_586 = arith.index_cast %get3A_585 : i32 to index
    %get3A_587 = arith.constant 128 : index
    %get3A_588 = tpu.vector_load %arg5[%get3A_586, %get3A_587] {strides = array<i32>} : memref<8x224xi32, #tpu.memory_space<vmem>>, vector<16xi32>,
    %bitcast3A_589 = vector.bitcast %get3A_588 : vector<16xi32> to vector<16xf32>
    %mul3A_590 = arith.mulf %convert_element_type3A_584, %bitcast3A_589 : vector<16xf32>
    %get3A_591 = arith.constant 1 : i32
    %get3A_592 = arith.index_cast %get3A_591 : i32 to index
    %get3A_593 = arith.constant 128 : index
    %get3A_594 = tpu.vector_load %arg6[%get3A_592, %get3A_593] {strides = array<i32>} : memref<4x224xf32, #tpu.memory_space<vmem>>, vector<16xf32>,
    %convert_element_type3A_595 = arith.fptosi %get3A_594 : vector<16xf32> to vector<16xi32>
    %convert_element_type3A_596 = arith.sitofp %convert_element_type3A_595 : vector<16xi32> to vector<16xf32>
    %get3A_597 = arith.constant 5 : i32
    %get3A_598 = arith.index_cast %get3A_597 : i32 to index
    %get3A_599 = arith.constant 128 : index
    %get3A_600 = tpu.vector_load %arg5[%get3A_598, %get3A_599] {strides = array<i32>} : memref<8x224xi32, #tpu.memory_space<vmem>>, vector<16xi32>,
    %bitcast3A_601 = vector.bitcast %get3A_600 : vector<16xi32> to vector<16xf32>
    %mul3A_602 = arith.mulf %convert_element_type3A_596, %bitcast3A_601 : vector<16xf32>
    %add3A_603 = arith.addf %mul3A_590, %mul3A_602 : vector<16xf32>
    %get3A_604 = arith.constant 2 : i32
    %get3A_605 = arith.index_cast %get3A_604 : i32 to index
    %get3A_606 = arith.constant 128 : index
    %get3A_607 = tpu.vector_load %arg6[%get3A_605, %get3A_606] {strides = array<i32>} : memref<4x224xf32, #tpu.memory_space<vmem>>, vector<16xf32>,
    %convert_element_type3A_608 = arith.fptosi %get3A_607 : vector<16xf32> to vector<16xi32>
    %convert_element_type3A_609 = arith.sitofp %convert_element_type3A_608 : vector<16xi32> to vector<16xf32>
    %get3A_610 = arith.constant 6 : i32
    %get3A_611 = arith.index_cast %get3A_610 : i32 to index
    %get3A_612 = arith.constant 128 : index
    %get3A_613 = tpu.vector_load %arg5[%get3A_611, %get3A_612] {strides = array<i32>} : memref<8x224xi32, #tpu.memory_space<vmem>>, vector<16xi32>,
    %bitcast3A_614 = vector.bitcast %get3A_613 : vector<16xi32> to vector<16xf32>
    %mul3A_615 = arith.mulf %convert_element_type3A_609, %bitcast3A_614 : vector<16xf32>
    %add3A_616 = arith.addf %add3A_603, %mul3A_615 : vector<16xf32>
    %get3A_617 = arith.constant 3 : i32
    %get3A_618 = arith.index_cast %get3A_617 : i32 to index
    %get3A_619 = arith.constant 128 : index
    %get3A_620 = tpu.vector_load %arg6[%get3A_618, %get3A_619] {strides = array<i32>} : memref<4x224xf32, #tpu.memory_space<vmem>>, vector<16xf32>,
    %convert_element_type3A_621 = arith.fptosi %get3A_620 : vector<16xf32> to vector<16xi32>
    %convert_element_type3A_622 = arith.sitofp %convert_element_type3A_621 : vector<16xi32> to vector<16xf32>
    %get3A_623 = arith.constant 7 : i32
    %get3A_624 = arith.index_cast %get3A_623 : i32 to index
    %get3A_625 = arith.constant 128 : index
    %get3A_626 = tpu.vector_load %arg5[%get3A_624, %get3A_625] {strides = array<i32>} : memref<8x224xi32, #tpu.memory_space<vmem>>, vector<16xi32>,
    %bitcast3A_627 = vector.bitcast %get3A_626 : vector<16xi32> to vector<16xf32>
    %mul3A_628 = arith.mulf %convert_element_type3A_622, %bitcast3A_627 : vector<16xf32>
    %add3A_629 = arith.addf %add3A_616, %mul3A_628 : vector<16xf32>
    %swap3A_630 = arith.constant 128 : index
    %swap3A_631 = tpu.vector_load %arg7[%swap3A_630] {strides = array<i32>} : memref<224xf32, #tpu.memory_space<vmem>>, vector<16xf32>,
    tpu.vector_store %arg7[%swap3A_630], %add3A_629 {strides = array<i32>} : memref<224xf32, #tpu.memory_space<vmem>>, vector<16xf32>,
    %get3A_632 = arith.constant 0 : i32
    %get3A_633 = arith.index_cast %get3A_632 : i32 to index
    %get3A_634 = arith.constant 144 : index
    %get3A_635 = tpu.vector_load %arg6[%get3A_633, %get3A_634] {strides = array<i32>} : memref<4x224xf32, #tpu.memory_space<vmem>>, vector<16xf32>,
    %convert_element_type3A_636 = arith.fptosi %get3A_635 : vector<16xf32> to vector<16xi32>
    %convert_element_type3A_637 = arith.sitofp %convert_element_type3A_636 : vector<16xi32> to vector<16xf32>
    %get3A_638 = arith.constant 4 : i32
    %get3A_639 = arith.index_cast %get3A_638 : i32 to index
    %get3A_640 = arith.constant 144 : index
    %get3A_641 = tpu.vector_load %arg5[%get3A_639, %get3A_640] {strides = array<i32>} : memref<8x224xi32, #tpu.memory_space<vmem>>, vector<16xi32>,
    %bitcast3A_642 = vector.bitcast %get3A_641 : vector<16xi32> to vector<16xf32>
    %mul3A_643 = arith.mulf %convert_element_type3A_637, %bitcast3A_642 : vector<16xf32>
    %get3A_644 = arith.constant 1 : i32
    %get3A_645 = arith.index_cast %get3A_644 : i32 to index
    %get3A_646 = arith.constant 144 : index
    %get3A_647 = tpu.vector_load %arg6[%get3A_645, %get3A_646] {strides = array<i32>} : memref<4x224xf32, #tpu.memory_space<vmem>>, vector<16xf32>,
    %convert_element_type3A_648 = arith.fptosi %get3A_647 : vector<16xf32> to vector<16xi32>
    %convert_element_type3A_649 = arith.sitofp %convert_element_type3A_648 : vector<16xi32> to vector<16xf32>
    %get3A_650 = arith.constant 5 : i32
    %get3A_651 = arith.index_cast %get3A_650 : i32 to index
    %get3A_652 = arith.constant 144 : index
    %get3A_653 = tpu.vector_load %arg5[%get3A_651, %get3A_652] {strides = array<i32>} : memref<8x224xi32, #tpu.memory_space<vmem>>, vector<16xi32>,
    %bitcast3A_654 = vector.bitcast %get3A_653 : vector<16xi32> to vector<16xf32>
    %mul3A_655 = arith.mulf %convert_element_type3A_649, %bitcast3A_654 : vector<16xf32>
    %add3A_656 = arith.addf %mul3A_643, %mul3A_655 : vector<16xf32>
    %get3A_657 = arith.constant 2 : i32
    %get3A_658 = arith.index_cast %get3A_657 : i32 to index
    %get3A_659 = arith.constant 144 : index
    %get3A_660 = tpu.vector_load %arg6[%get3A_658, %get3A_659] {strides = array<i32>} : memref<4x224xf32, #tpu.memory_space<vmem>>, vector<16xf32>,
    %convert_element_type3A_661 = arith.fptosi %get3A_660 : vector<16xf32> to vector<16xi32>
    %convert_element_type3A_662 = arith.sitofp %convert_element_type3A_661 : vector<16xi32> to vector<16xf32>
    %get3A_663 = arith.constant 6 : i32
    %get3A_664 = arith.index_cast %get3A_663 : i32 to index
    %get3A_665 = arith.constant 144 : index
    %get3A_666 = tpu.vector_load %arg5[%get3A_664, %get3A_665] {strides = array<i32>} : memref<8x224xi32, #tpu.memory_space<vmem>>, vector<16xi32>,
    %bitcast3A_667 = vector.bitcast %get3A_666 : vector<16xi32> to vector<16xf32>
    %mul3A_668 = arith.mulf %convert_element_type3A_662, %bitcast3A_667 : vector<16xf32>
    %add3A_669 = arith.addf %add3A_656, %mul3A_668 : vector<16xf32>
    %get3A_670 = arith.constant 3 : i32
    %get3A_671 = arith.index_cast %get3A_670 : i32 to index
    %get3A_672 = arith.constant 144 : index
    %get3A_673 = tpu.vector_load %arg6[%get3A_671, %get3A_672] {strides = array<i32>} : memref<4x224xf32, #tpu.memory_space<vmem>>, vector<16xf32>,
    %convert_element_type3A_674 = arith.fptosi %get3A_673 : vector<16xf32> to vector<16xi32>
    %convert_element_type3A_675 = arith.sitofp %convert_element_type3A_674 : vector<16xi32> to vector<16xf32>
    %get3A_676 = arith.constant 7 : i32
    %get3A_677 = arith.index_cast %get3A_676 : i32 to index
    %get3A_678 = arith.constant 144 : index
    %get3A_679 = tpu.vector_load %arg5[%get3A_677, %get3A_678] {strides = array<i32>} : memref<8x224xi32, #tpu.memory_space<vmem>>, vector<16xi32>,
    %bitcast3A_680 = vector.bitcast %get3A_679 : vector<16xi32> to vector<16xf32>
    %mul3A_681 = arith.mulf %convert_element_type3A_675, %bitcast3A_680 : vector<16xf32>
    %add3A_682 = arith.addf %add3A_669, %mul3A_681 : vector<16xf32>
    %swap3A_683 = arith.constant 144 : index
    %swap3A_684 = tpu.vector_load %arg7[%swap3A_683] {strides = array<i32>} : memref<224xf32, #tpu.memory_space<vmem>>, vector<16xf32>,
    tpu.vector_store %arg7[%swap3A_683], %add3A_682 {strides = array<i32>} : memref<224xf32, #tpu.memory_space<vmem>>, vector<16xf32>,
    %get3A_685 = arith.constant 0 : i32
    %get3A_686 = arith.index_cast %get3A_685 : i32 to index
    %get3A_687 = arith.constant 160 : index
    %get3A_688 = tpu.vector_load %arg6[%get3A_686, %get3A_687] {strides = array<i32>} : memref<4x224xf32, #tpu.memory_space<vmem>>, vector<16xf32>,
    %convert_element_type3A_689 = arith.fptosi %get3A_688 : vector<16xf32> to vector<16xi32>
    %convert_element_type3A_690 = arith.sitofp %convert_element_type3A_689 : vector<16xi32> to vector<16xf32>
    %get3A_691 = arith.constant 4 : i32
    %get3A_692 = arith.index_cast %get3A_691 : i32 to index
    %get3A_693 = arith.constant 160 : index
    %get3A_694 = tpu.vector_load %arg5[%get3A_692, %get3A_693] {strides = array<i32>} : memref<8x224xi32, #tpu.memory_space<vmem>>, vector<16xi32>,
    %bitcast3A_695 = vector.bitcast %get3A_694 : vector<16xi32> to vector<16xf32>
    %mul3A_696 = arith.mulf %convert_element_type3A_690, %bitcast3A_695 : vector<16xf32>
    %get3A_697 = arith.constant 1 : i32
    %get3A_698 = arith.index_cast %get3A_697 : i32 to index
    %get3A_699 = arith.constant 160 : index
    %get3A_700 = tpu.vector_load %arg6[%get3A_698, %get3A_699] {strides = array<i32>} : memref<4x224xf32, #tpu.memory_space<vmem>>, vector<16xf32>,
    %convert_element_type3A_701 = arith.fptosi %get3A_700 : vector<16xf32> to vector<16xi32>
    %convert_element_type3A_702 = arith.sitofp %convert_element_type3A_701 : vector<16xi32> to vector<16xf32>
    %get3A_703 = arith.constant 5 : i32
    %get3A_704 = arith.index_cast %get3A_703 : i32 to index
    %get3A_705 = arith.constant 160 : index
    %get3A_706 = tpu.vector_load %arg5[%get3A_704, %get3A_705] {strides = array<i32>} : memref<8x224xi32, #tpu.memory_space<vmem>>, vector<16xi32>,
    %bitcast3A_707 = vector.bitcast %get3A_706 : vector<16xi32> to vector<16xf32>
    %mul3A_708 = arith.mulf %convert_element_type3A_702, %bitcast3A_707 : vector<16xf32>
    %add3A_709 = arith.addf %mul3A_696, %mul3A_708 : vector<16xf32>
    %get3A_710 = arith.constant 2 : i32
    %get3A_711 = arith.index_cast %get3A_710 : i32 to index
    %get3A_712 = arith.constant 160 : index
    %get3A_713 = tpu.vector_load %arg6[%get3A_711, %get3A_712] {strides = array<i32>} : memref<4x224xf32, #tpu.memory_space<vmem>>, vector<16xf32>,
    %convert_element_type3A_714 = arith.fptosi %get3A_713 : vector<16xf32> to vector<16xi32>
    %convert_element_type3A_715 = arith.sitofp %convert_element_type3A_714 : vector<16xi32> to vector<16xf32>
    %get3A_716 = arith.constant 6 : i32
    %get3A_717 = arith.index_cast %get3A_716 : i32 to index
    %get3A_718 = arith.constant 160 : index
    %get3A_719 = tpu.vector_load %arg5[%get3A_717, %get3A_718] {strides = array<i32>} : memref<8x224xi32, #tpu.memory_space<vmem>>, vector<16xi32>,
    %bitcast3A_720 = vector.bitcast %get3A_719 : vector<16xi32> to vector<16xf32>
    %mul3A_721 = arith.mulf %convert_element_type3A_715, %bitcast3A_720 : vector<16xf32>
    %add3A_722 = arith.addf %add3A_709, %mul3A_721 : vector<16xf32>
    %get3A_723 = arith.constant 3 : i32
    %get3A_724 = arith.index_cast %get3A_723 : i32 to index
    %get3A_725 = arith.constant 160 : index
    %get3A_726 = tpu.vector_load %arg6[%get3A_724, %get3A_725] {strides = array<i32>} : memref<4x224xf32, #tpu.memory_space<vmem>>, vector<16xf32>,
    %convert_element_type3A_727 = arith.fptosi %get3A_726 : vector<16xf32> to vector<16xi32>
    %convert_element_type3A_728 = arith.sitofp %convert_element_type3A_727 : vector<16xi32> to vector<16xf32>
    %get3A_729 = arith.constant 7 : i32
    %get3A_730 = arith.index_cast %get3A_729 : i32 to index
    %get3A_731 = arith.constant 160 : index
    %get3A_732 = tpu.vector_load %arg5[%get3A_730, %get3A_731] {strides = array<i32>} : memref<8x224xi32, #tpu.memory_space<vmem>>, vector<16xi32>,
    %bitcast3A_733 = vector.bitcast %get3A_732 : vector<16xi32> to vector<16xf32>
    %mul3A_734 = arith.mulf %convert_element_type3A_728, %bitcast3A_733 : vector<16xf32>
    %add3A_735 = arith.addf %add3A_722, %mul3A_734 : vector<16xf32>
    %swap3A_736 = arith.constant 160 : index
    %swap3A_737 = tpu.vector_load %arg7[%swap3A_736] {strides = array<i32>} : memref<224xf32, #tpu.memory_space<vmem>>, vector<16xf32>,
    tpu.vector_store %arg7[%swap3A_736], %add3A_735 {strides = array<i32>} : memref<224xf32, #tpu.memory_space<vmem>>, vector<16xf32>,
    %get3A_738 = arith.constant 0 : i32
    %get3A_739 = arith.index_cast %get3A_738 : i32 to index
    %get3A_740 = arith.constant 176 : index
    %get3A_741 = tpu.vector_load %arg6[%get3A_739, %get3A_740] {strides = array<i32>} : memref<4x224xf32, #tpu.memory_space<vmem>>, vector<16xf32>,
    %convert_element_type3A_742 = arith.fptosi %get3A_741 : vector<16xf32> to vector<16xi32>
    %convert_element_type3A_743 = arith.sitofp %convert_element_type3A_742 : vector<16xi32> to vector<16xf32>
    %get3A_744 = arith.constant 4 : i32
    %get3A_745 = arith.index_cast %get3A_744 : i32 to index
    %get3A_746 = arith.constant 176 : index
    %get3A_747 = tpu.vector_load %arg5[%get3A_745, %get3A_746] {strides = array<i32>} : memref<8x224xi32, #tpu.memory_space<vmem>>, vector<16xi32>,
    %bitcast3A_748 = vector.bitcast %get3A_747 : vector<16xi32> to vector<16xf32>
    %mul3A_749 = arith.mulf %convert_element_type3A_743, %bitcast3A_748 : vector<16xf32>
    %get3A_750 = arith.constant 1 : i32
    %get3A_751 = arith.index_cast %get3A_750 : i32 to index
    %get3A_752 = arith.constant 176 : index
    %get3A_753 = tpu.vector_load %arg6[%get3A_751, %get3A_752] {strides = array<i32>} : memref<4x224xf32, #tpu.memory_space<vmem>>, vector<16xf32>,
    %convert_element_type3A_754 = arith.fptosi %get3A_753 : vector<16xf32> to vector<16xi32>
    %convert_element_type3A_755 = arith.sitofp %convert_element_type3A_754 : vector<16xi32> to vector<16xf32>
    %get3A_756 = arith.constant 5 : i32
    %get3A_757 = arith.index_cast %get3A_756 : i32 to index
    %get3A_758 = arith.constant 176 : index
    %get3A_759 = tpu.vector_load %arg5[%get3A_757, %get3A_758] {strides = array<i32>} : memref<8x224xi32, #tpu.memory_space<vmem>>, vector<16xi32>,
    %bitcast3A_760 = vector.bitcast %get3A_759 : vector<16xi32> to vector<16xf32>
    %mul3A_761 = arith.mulf %convert_element_type3A_755, %bitcast3A_760 : vector<16xf32>
    %add3A_762 = arith.addf %mul3A_749, %mul3A_761 : vector<16xf32>
    %get3A_763 = arith.constant 2 : i32
    %get3A_764 = arith.index_cast %get3A_763 : i32 to index
    %get3A_765 = arith.constant 176 : index
    %get3A_766 = tpu.vector_load %arg6[%get3A_764, %get3A_765] {strides = array<i32>} : memref<4x224xf32, #tpu.memory_space<vmem>>, vector<16xf32>,
    %convert_element_type3A_767 = arith.fptosi %get3A_766 : vector<16xf32> to vector<16xi32>
    %convert_element_type3A_768 = arith.sitofp %convert_element_type3A_767 : vector<16xi32> to vector<16xf32>
    %get3A_769 = arith.constant 6 : i32
    %get3A_770 = arith.index_cast %get3A_769 : i32 to index
    %get3A_771 = arith.constant 176 : index
    %get3A_772 = tpu.vector_load %arg5[%get3A_770, %get3A_771] {strides = array<i32>} : memref<8x224xi32, #tpu.memory_space<vmem>>, vector<16xi32>,
    %bitcast3A_773 = vector.bitcast %get3A_772 : vector<16xi32> to vector<16xf32>
    %mul3A_774 = arith.mulf %convert_element_type3A_768, %bitcast3A_773 : vector<16xf32>
    %add3A_775 = arith.addf %add3A_762, %mul3A_774 : vector<16xf32>
    %get3A_776 = arith.constant 3 : i32
    %get3A_777 = arith.index_cast %get3A_776 : i32 to index
    %get3A_778 = arith.constant 176 : index
    %get3A_779 = tpu.vector_load %arg6[%get3A_777, %get3A_778] {strides = array<i32>} : memref<4x224xf32, #tpu.memory_space<vmem>>, vector<16xf32>,
    %convert_element_type3A_780 = arith.fptosi %get3A_779 : vector<16xf32> to vector<16xi32>
    %convert_element_type3A_781 = arith.sitofp %convert_element_type3A_780 : vector<16xi32> to vector<16xf32>
    %get3A_782 = arith.constant 7 : i32
    %get3A_783 = arith.index_cast %get3A_782 : i32 to index
    %get3A_784 = arith.constant 176 : index
    %get3A_785 = tpu.vector_load %arg5[%get3A_783, %get3A_784] {strides = array<i32>} : memref<8x224xi32, #tpu.memory_space<vmem>>, vector<16xi32>,
    %bitcast3A_786 = vector.bitcast %get3A_785 : vector<16xi32> to vector<16xf32>
    %mul3A_787 = arith.mulf %convert_element_type3A_781, %bitcast3A_786 : vector<16xf32>
    %add3A_788 = arith.addf %add3A_775, %mul3A_787 : vector<16xf32>
    %swap3A_789 = arith.constant 176 : index
    %swap3A_790 = tpu.vector_load %arg7[%swap3A_789] {strides = array<i32>} : memref<224xf32, #tpu.memory_space<vmem>>, vector<16xf32>,
    tpu.vector_store %arg7[%swap3A_789], %add3A_788 {strides = array<i32>} : memref<224xf32, #tpu.memory_space<vmem>>, vector<16xf32>,
    %get3A_791 = arith.constant 0 : i32
    %get3A_792 = arith.index_cast %get3A_791 : i32 to index
    %get3A_793 = arith.constant 192 : index
    %get3A_794 = tpu.vector_load %arg6[%get3A_792, %get3A_793] {strides = array<i32>} : memref<4x224xf32, #tpu.memory_space<vmem>>, vector<16xf32>,
    %convert_element_type3A_795 = arith.fptosi %get3A_794 : vector<16xf32> to vector<16xi32>
    %convert_element_type3A_796 = arith.sitofp %convert_element_type3A_795 : vector<16xi32> to vector<16xf32>
    %get3A_797 = arith.constant 4 : i32
    %get3A_798 = arith.index_cast %get3A_797 : i32 to index
    %get3A_799 = arith.constant 192 : index
    %get3A_800 = tpu.vector_load %arg5[%get3A_798, %get3A_799] {strides = array<i32>} : memref<8x224xi32, #tpu.memory_space<vmem>>, vector<16xi32>,
    %bitcast3A_801 = vector.bitcast %get3A_800 : vector<16xi32> to vector<16xf32>
    %mul3A_802 = arith.mulf %convert_element_type3A_796, %bitcast3A_801 : vector<16xf32>
    %get3A_803 = arith.constant 1 : i32
    %get3A_804 = arith.index_cast %get3A_803 : i32 to index
    %get3A_805 = arith.constant 192 : index
    %get3A_806 = tpu.vector_load %arg6[%get3A_804, %get3A_805] {strides = array<i32>} : memref<4x224xf32, #tpu.memory_space<vmem>>, vector<16xf32>,
    %convert_element_type3A_807 = arith.fptosi %get3A_806 : vector<16xf32> to vector<16xi32>
    %convert_element_type3A_808 = arith.sitofp %convert_element_type3A_807 : vector<16xi32> to vector<16xf32>
    %get3A_809 = arith.constant 5 : i32
    %get3A_810 = arith.index_cast %get3A_809 : i32 to index
    %get3A_811 = arith.constant 192 : index
    %get3A_812 = tpu.vector_load %arg5[%get3A_810, %get3A_811] {strides = array<i32>} : memref<8x224xi32, #tpu.memory_space<vmem>>, vector<16xi32>,
    %bitcast3A_813 = vector.bitcast %get3A_812 : vector<16xi32> to vector<16xf32>
    %mul3A_814 = arith.mulf %convert_element_type3A_808, %bitcast3A_813 : vector<16xf32>
    %add3A_815 = arith.addf %mul3A_802, %mul3A_814 : vector<16xf32>
    %get3A_816 = arith.constant 2 : i32
    %get3A_817 = arith.index_cast %get3A_816 : i32 to index
    %get3A_818 = arith.constant 192 : index
    %get3A_819 = tpu.vector_load %arg6[%get3A_817, %get3A_818] {strides = array<i32>} : memref<4x224xf32, #tpu.memory_space<vmem>>, vector<16xf32>,
    %convert_element_type3A_820 = arith.fptosi %get3A_819 : vector<16xf32> to vector<16xi32>
    %convert_element_type3A_821 = arith.sitofp %convert_element_type3A_820 : vector<16xi32> to vector<16xf32>
    %get3A_822 = arith.constant 6 : i32
    %get3A_823 = arith.index_cast %get3A_822 : i32 to index
    %get3A_824 = arith.constant 192 : index
    %get3A_825 = tpu.vector_load %arg5[%get3A_823, %get3A_824] {strides = array<i32>} : memref<8x224xi32, #tpu.memory_space<vmem>>, vector<16xi32>,
    %bitcast3A_826 = vector.bitcast %get3A_825 : vector<16xi32> to vector<16xf32>
    %mul3A_827 = arith.mulf %convert_element_type3A_821, %bitcast3A_826 : vector<16xf32>
    %add3A_828 = arith.addf %add3A_815, %mul3A_827 : vector<16xf32>
    %get3A_829 = arith.constant 3 : i32
    %get3A_830 = arith.index_cast %get3A_829 : i32 to index
    %get3A_831 = arith.constant 192 : index
    %get3A_832 = tpu.vector_load %arg6[%get3A_830, %get3A_831] {strides = array<i32>} : memref<4x224xf32, #tpu.memory_space<vmem>>, vector<16xf32>,
    %convert_element_type3A_833 = arith.fptosi %get3A_832 : vector<16xf32> to vector<16xi32>
    %convert_element_type3A_834 = arith.sitofp %convert_element_type3A_833 : vector<16xi32> to vector<16xf32>
    %get3A_835 = arith.constant 7 : i32
    %get3A_836 = arith.index_cast %get3A_835 : i32 to index
    %get3A_837 = arith.constant 192 : index
    %get3A_838 = tpu.vector_load %arg5[%get3A_836, %get3A_837] {strides = array<i32>} : memref<8x224xi32, #tpu.memory_space<vmem>>, vector<16xi32>,
    %bitcast3A_839 = vector.bitcast %get3A_838 : vector<16xi32> to vector<16xf32>
    %mul3A_840 = arith.mulf %convert_element_type3A_834, %bitcast3A_839 : vector<16xf32>
    %add3A_841 = arith.addf %add3A_828, %mul3A_840 : vector<16xf32>
    %swap3A_842 = arith.constant 192 : index
    %swap3A_843 = tpu.vector_load %arg7[%swap3A_842] {strides = array<i32>} : memref<224xf32, #tpu.memory_space<vmem>>, vector<16xf32>,
    tpu.vector_store %arg7[%swap3A_842], %add3A_841 {strides = array<i32>} : memref<224xf32, #tpu.memory_space<vmem>>, vector<16xf32>,
    %get3A_844 = arith.constant 0 : i32
    %get3A_845 = arith.index_cast %get3A_844 : i32 to index
    %get3A_846 = arith.constant 208 : index
    %get3A_847 = tpu.vector_load %arg6[%get3A_845, %get3A_846] {strides = array<i32>} : memref<4x224xf32, #tpu.memory_space<vmem>>, vector<16xf32>,
    %convert_element_type3A_848 = arith.fptosi %get3A_847 : vector<16xf32> to vector<16xi32>
    %convert_element_type3A_849 = arith.sitofp %convert_element_type3A_848 : vector<16xi32> to vector<16xf32>
    %get3A_850 = arith.constant 4 : i32
    %get3A_851 = arith.index_cast %get3A_850 : i32 to index
    %get3A_852 = arith.constant 208 : index
    %get3A_853 = tpu.vector_load %arg5[%get3A_851, %get3A_852] {strides = array<i32>} : memref<8x224xi32, #tpu.memory_space<vmem>>, vector<16xi32>,
    %bitcast3A_854 = vector.bitcast %get3A_853 : vector<16xi32> to vector<16xf32>
    %mul3A_855 = arith.mulf %convert_element_type3A_849, %bitcast3A_854 : vector<16xf32>
    %get3A_856 = arith.constant 1 : i32
    %get3A_857 = arith.index_cast %get3A_856 : i32 to index
    %get3A_858 = arith.constant 208 : index
    %get3A_859 = tpu.vector_load %arg6[%get3A_857, %get3A_858] {strides = array<i32>} : memref<4x224xf32, #tpu.memory_space<vmem>>, vector<16xf32>,
    %convert_element_type3A_860 = arith.fptosi %get3A_859 : vector<16xf32> to vector<16xi32>
    %convert_element_type3A_861 = arith.sitofp %convert_element_type3A_860 : vector<16xi32> to vector<16xf32>
    %get3A_862 = arith.constant 5 : i32
    %get3A_863 = arith.index_cast %get3A_862 : i32 to index
    %get3A_864 = arith.constant 208 : index
    %get3A_865 = tpu.vector_load %arg5[%get3A_863, %get3A_864] {strides = array<i32>} : memref<8x224xi32, #tpu.memory_space<vmem>>, vector<16xi32>,
    %bitcast3A_866 = vector.bitcast %get3A_865 : vector<16xi32> to vector<16xf32>
    %mul3A_867 = arith.mulf %convert_element_type3A_861, %bitcast3A_866 : vector<16xf32>
    %add3A_868 = arith.addf %mul3A_855, %mul3A_867 : vector<16xf32>
    %get3A_869 = arith.constant 2 : i32
    %get3A_870 = arith.index_cast %get3A_869 : i32 to index
    %get3A_871 = arith.constant 208 : index
    %get3A_872 = tpu.vector_load %arg6[%get3A_870, %get3A_871] {strides = array<i32>} : memref<4x224xf32, #tpu.memory_space<vmem>>, vector<16xf32>,
    %convert_element_type3A_873 = arith.fptosi %get3A_872 : vector<16xf32> to vector<16xi32>
    %convert_element_type3A_874 = arith.sitofp %convert_element_type3A_873 : vector<16xi32> to vector<16xf32>
    %get3A_875 = arith.constant 6 : i32
    %get3A_876 = arith.index_cast %get3A_875 : i32 to index
    %get3A_877 = arith.constant 208 : index
    %get3A_878 = tpu.vector_load %arg5[%get3A_876, %get3A_877] {strides = array<i32>} : memref<8x224xi32, #tpu.memory_space<vmem>>, vector<16xi32>,
    %bitcast3A_879 = vector.bitcast %get3A_878 : vector<16xi32> to vector<16xf32>
    %mul3A_880 = arith.mulf %convert_element_type3A_874, %bitcast3A_879 : vector<16xf32>
    %add3A_881 = arith.addf %add3A_868, %mul3A_880 : vector<16xf32>
    %get3A_882 = arith.constant 3 : i32
    %get3A_883 = arith.index_cast %get3A_882 : i32 to index
    %get3A_884 = arith.constant 208 : index
    %get3A_885 = tpu.vector_load %arg6[%get3A_883, %get3A_884] {strides = array<i32>} : memref<4x224xf32, #tpu.memory_space<vmem>>, vector<16xf32>,
    %convert_element_type3A_886 = arith.fptosi %get3A_885 : vector<16xf32> to vector<16xi32>
    %convert_element_type3A_887 = arith.sitofp %convert_element_type3A_886 : vector<16xi32> to vector<16xf32>
    %get3A_888 = arith.constant 7 : i32
    %get3A_889 = arith.index_cast %get3A_888 : i32 to index
    %get3A_890 = arith.constant 208 : index
    %get3A_891 = tpu.vector_load %arg5[%get3A_889, %get3A_890] {strides = array<i32>} : memref<8x224xi32, #tpu.memory_space<vmem>>, vector<16xi32>,
    %bitcast3A_892 = vector.bitcast %get3A_891 : vector<16xi32> to vector<16xf32>
    %mul3A_893 = arith.mulf %convert_element_type3A_887, %bitcast3A_892 : vector<16xf32>
    %add3A_894 = arith.addf %add3A_881, %mul3A_893 : vector<16xf32>
    %swap3A_895 = arith.constant 208 : index
    %swap3A_896 = tpu.vector_load %arg7[%swap3A_895] {strides = array<i32>} : memref<224xf32, #tpu.memory_space<vmem>>, vector<16xf32>,
    tpu.vector_store %arg7[%swap3A_895], %add3A_894 {strides = array<i32>} : memref<224xf32, #tpu.memory_space<vmem>>, vector<16xf32>,
    %scan3A = arith.constant 0 : i32
    %scan3A_897 = arith.constant 0 : i32
    %scan3A_898 = arith.constant 12 : i32
    %scan3A_899 = arith.addi %scan3A_897, %scan3A_898 : i32
    %scan3A_900 = arith.constant 1 : i32
    scf.for %scan3A_1297 = %scan3A_897 to %scan3A_899 step %scan3A_900  : i32 {
      %mul3A_1298 = arith.constant 16 : i32
      %mul3A_1299 = arith.muli %scan3A_1297, %mul3A_1298 : i32
      %get3A_1300 = arith.index_cast %mul3A_1299 : i32 to index
      %get3A_1301 = tpu.vector_load %arg7[%get3A_1300] {strides = array<i32>} : memref<224xf32, #tpu.memory_space<vmem>>, vector<16xf32>,
      %slice3A_1302 = vector.extract_strided_slice %get3A_1301 {offsets = [0], sizes = [1], strides = [1]} : vector<16xf32> to vector<1xf32>
      %squeeze3A_1303 = vector.extract %slice3A_1302[0] : f32 from vector<1xf32>
      %broadcast_in_dim3A_1304 = vector.broadcast %squeeze3A_1303 : f32 to vector<16xf32>
      %mul3A_1305 = arith.constant 16 : i32
      %mul3A_1306 = arith.muli %scan3A_1297, %mul3A_1305 : i32
      %add3A_1307 = arith.constant 0 : i32
      %add3A_1308 = arith.addi %mul3A_1306, %add3A_1307 : i32
      %swap3A_1309 = arith.index_cast %add3A_1308 : i32 to index
      %swap3A_1310 = arith.constant 0 : index
      %swap3A_1311 = tpu.vector_load %arg8[%swap3A_1309, %swap3A_1310] {strides = array<i32>} : memref<196x384xf32, #tpu.memory_space<vmem>>, vector<16xf32>,
      tpu.vector_store %arg8[%swap3A_1309, %swap3A_1310], %broadcast_in_dim3A_1304 {strides = array<i32>} : memref<196x384xf32, #tpu.memory_space<vmem>>, vector<16xf32>,
      %swap3A_1312 = arith.index_cast %add3A_1308 : i32 to index
      %swap3A_1313 = arith.constant 16 : index
      %swap3A_1314 = tpu.vector_load %arg8[%swap3A_1312, %swap3A_1313] {strides = array<i32>} : memref<196x384xf32, #tpu.memory_space<vmem>>, vector<16xf32>,
      tpu.vector_store %arg8[%swap3A_1312, %swap3A_1313], %broadcast_in_dim3A_1304 {strides = array<i32>} : memref<196x384xf32, #tpu.memory_space<vmem>>, vector<16xf32>,
      %swap3A_1315 = arith.index_cast %add3A_1308 : i32 to index
      %swap3A_1316 = arith.constant 32 : index
      %swap3A_1317 = tpu.vector_load %arg8[%swap3A_1315, %swap3A_1316] {strides = array<i32>} : memref<196x384xf32, #tpu.memory_space<vmem>>, vector<16xf32>,
      tpu.vector_store %arg8[%swap3A_1315, %swap3A_1316], %broadcast_in_dim3A_1304 {strides = array<i32>} : memref<196x384xf32, #tpu.memory_space<vmem>>, vector<16xf32>,
      %swap3A_1318 = arith.index_cast %add3A_1308 : i32 to index
      %swap3A_1319 = arith.constant 48 : index
      %swap3A_1320 = tpu.vector_load %arg8[%swap3A_1318, %swap3A_1319] {strides = array<i32>} : memref<196x384xf32, #tpu.memory_space<vmem>>, vector<16xf32>,
      tpu.vector_store %arg8[%swap3A_1318, %swap3A_1319], %broadcast_in_dim3A_1304 {strides = array<i32>} : memref<196x384xf32, #tpu.memory_space<vmem>>, vector<16xf32>,
      %swap3A_1321 = arith.index_cast %add3A_1308 : i32 to index
      %swap3A_1322 = arith.constant 64 : index
      %swap3A_1323 = tpu.vector_load %arg8[%swap3A_1321, %swap3A_1322] {strides = array<i32>} : memref<196x384xf32, #tpu.memory_space<vmem>>, vector<16xf32>,
      tpu.vector_store %arg8[%swap3A_1321, %swap3A_1322], %broadcast_in_dim3A_1304 {strides = array<i32>} : memref<196x384xf32, #tpu.memory_space<vmem>>, vector<16xf32>,
      %swap3A_1324 = arith.index_cast %add3A_1308 : i32 to index
      %swap3A_1325 = arith.constant 80 : index
      %swap3A_1326 = tpu.vector_load %arg8[%swap3A_1324, %swap3A_1325] {strides = array<i32>} : memref<196x384xf32, #tpu.memory_space<vmem>>, vector<16xf32>,
      tpu.vector_store %arg8[%swap3A_1324, %swap3A_1325], %broadcast_in_dim3A_1304 {strides = array<i32>} : memref<196x384xf32, #tpu.memory_space<vmem>>, vector<16xf32>,
      %swap3A_1327 = arith.index_cast %add3A_1308 : i32 to index
      %swap3A_1328 = arith.constant 96 : index
      %swap3A_1329 = tpu.vector_load %arg8[%swap3A_1327, %swap3A_1328] {strides = array<i32>} : memref<196x384xf32, #tpu.memory_space<vmem>>, vector<16xf32>,
      tpu.vector_store %arg8[%swap3A_1327, %swap3A_1328], %broadcast_in_dim3A_1304 {strides = array<i32>} : memref<196x384xf32, #tpu.memory_space<vmem>>, vector<16xf32>,
      %swap3A_1330 = arith.index_cast %add3A_1308 : i32 to index
      %swap3A_1331 = arith.constant 112 : index
      %swap3A_1332 = tpu.vector_load %arg8[%swap3A_1330, %swap3A_1331] {strides = array<i32>} : memref<196x384xf32, #tpu.memory_space<vmem>>, vector<16xf32>,
      tpu.vector_store %arg8[%swap3A_1330, %swap3A_1331], %broadcast_in_dim3A_1304 {strides = array<i32>} : memref<196x384xf32, #tpu.memory_space<vmem>>, vector<16xf32>,
      %swap3A_1333 = arith.index_cast %add3A_1308 : i32 to index
      %swap3A_1334 = arith.constant 128 : index
      %swap3A_1335 = tpu.vector_load %arg8[%swap3A_1333, %swap3A_1334] {strides = array<i32>} : memref<196x384xf32, #tpu.memory_space<vmem>>, vector<16xf32>,
      tpu.vector_store %arg8[%swap3A_1333, %swap3A_1334], %broadcast_in_dim3A_1304 {strides = array<i32>} : memref<196x384xf32, #tpu.memory_space<vmem>>, vector<16xf32>,
      %swap3A_1336 = arith.index_cast %add3A_1308 : i32 to index
      %swap3A_1337 = arith.constant 144 : index
      %swap3A_1338 = tpu.vector_load %arg8[%swap3A_1336, %swap3A_1337] {strides = array<i32>} : memref<196x384xf32, #tpu.memory_space<vmem>>, vector<16xf32>,
      tpu.vector_store %arg8[%swap3A_1336, %swap3A_1337], %broadcast_in_dim3A_1304 {strides = array<i32>} : memref<196x384xf32, #tpu.memory_space<vmem>>, vector<16xf32>,
      %swap3A_1339 = arith.index_cast %add3A_1308 : i32 to index
      %swap3A_1340 = arith.constant 160 : index
      %swap3A_1341 = tpu.vector_load %arg8[%swap3A_1339, %swap3A_1340] {strides = array<i32>} : memref<196x384xf32, #tpu.memory_space<vmem>>, vector<16xf32>,
      tpu.vector_store %arg8[%swap3A_1339, %swap3A_1340], %broadcast_in_dim3A_1304 {strides = array<i32>} : memref<196x384xf32, #tpu.memory_space<vmem>>, vector<16xf32>,
      %swap3A_1342 = arith.index_cast %add3A_1308 : i32 to index
      %swap3A_1343 = arith.constant 176 : index
      %swap3A_1344 = tpu.vector_load %arg8[%swap3A_1342, %swap3A_1343] {strides = array<i32>} : memref<196x384xf32, #tpu.memory_space<vmem>>, vector<16xf32>,
      tpu.vector_store %arg8[%swap3A_1342, %swap3A_1343], %broadcast_in_dim3A_1304 {strides = array<i32>} : memref<196x384xf32, #tpu.memory_space<vmem>>, vector<16xf32>,
      %swap3A_1345 = arith.index_cast %add3A_1308 : i32 to index
      %swap3A_1346 = arith.constant 192 : index
      %swap3A_1347 = tpu.vector_load %arg8[%swap3A_1345, %swap3A_1346] {strides = array<i32>} : memref<196x384xf32, #tpu.memory_space<vmem>>, vector<16xf32>,
      tpu.vector_store %arg8[%swap3A_1345, %swap3A_1346], %broadcast_in_dim3A_1304 {strides = array<i32>} : memref<196x384xf32, #tpu.memory_space<vmem>>, vector<16xf32>,
      %swap3A_1348 = arith.index_cast %add3A_1308 : i32 to index
      %swap3A_1349 = arith.constant 208 : index
      %swap3A_1350 = tpu.vector_load %arg8[%swap3A_1348, %swap3A_1349] {strides = array<i32>} : memref<196x384xf32, #tpu.memory_space<vmem>>, vector<16xf32>,
      tpu.vector_store %arg8[%swap3A_1348, %swap3A_1349], %broadcast_in_dim3A_1304 {strides = array<i32>} : memref<196x384xf32, #tpu.memory_space<vmem>>, vector<16xf32>,
      %swap3A_1351 = arith.index_cast %add3A_1308 : i32 to index
      %swap3A_1352 = arith.constant 224 : index
      %swap3A_1353 = tpu.vector_load %arg8[%swap3A_1351, %swap3A_1352] {strides = array<i32>} : memref<196x384xf32, #tpu.memory_space<vmem>>, vector<16xf32>,
      tpu.vector_store %arg8[%swap3A_1351, %swap3A_1352], %broadcast_in_dim3A_1304 {strides = array<i32>} : memref<196x384xf32, #tpu.memory_space<vmem>>, vector<16xf32>,
      %swap3A_1354 = arith.index_cast %add3A_1308 : i32 to index
      %swap3A_1355 = arith.constant 240 : index
      %swap3A_1356 = tpu.vector_load %arg8[%swap3A_1354, %swap3A_1355] {strides = array<i32>} : memref<196x384xf32, #tpu.memory_space<vmem>>, vector<16xf32>,
      tpu.vector_store %arg8[%swap3A_1354, %swap3A_1355], %broadcast_in_dim3A_1304 {strides = array<i32>} : memref<196x384xf32, #tpu.memory_space<vmem>>, vector<16xf32>,
      %swap3A_1357 = arith.index_cast %add3A_1308 : i32 to index
      %swap3A_1358 = arith.constant 256 : index
      %swap3A_1359 = tpu.vector_load %arg8[%swap3A_1357, %swap3A_1358] {strides = array<i32>} : memref<196x384xf32, #tpu.memory_space<vmem>>, vector<16xf32>,
      tpu.vector_store %arg8[%swap3A_1357, %swap3A_1358], %broadcast_in_dim3A_1304 {strides = array<i32>} : memref<196x384xf32, #tpu.memory_space<vmem>>, vector<16xf32>,
      %swap3A_1360 = arith.index_cast %add3A_1308 : i32 to index
      %swap3A_1361 = arith.constant 272 : index
      %swap3A_1362 = tpu.vector_load %arg8[%swap3A_1360, %swap3A_1361] {strides = array<i32>} : memref<196x384xf32, #tpu.memory_space<vmem>>, vector<16xf32>,
      tpu.vector_store %arg8[%swap3A_1360, %swap3A_1361], %broadcast_in_dim3A_1304 {strides = array<i32>} : memref<196x384xf32, #tpu.memory_space<vmem>>, vector<16xf32>,
      %swap3A_1363 = arith.index_cast %add3A_1308 : i32 to index
      %swap3A_1364 = arith.constant 288 : index
      %swap3A_1365 = tpu.vector_load %arg8[%swap3A_1363, %swap3A_1364] {strides = array<i32>} : memref<196x384xf32, #tpu.memory_space<vmem>>, vector<16xf32>,
      tpu.vector_store %arg8[%swap3A_1363, %swap3A_1364], %broadcast_in_dim3A_1304 {strides = array<i32>} : memref<196x384xf32, #tpu.memory_space<vmem>>, vector<16xf32>,
      %swap3A_1366 = arith.index_cast %add3A_1308 : i32 to index
      %swap3A_1367 = arith.constant 304 : index
      %swap3A_1368 = tpu.vector_load %arg8[%swap3A_1366, %swap3A_1367] {strides = array<i32>} : memref<196x384xf32, #tpu.memory_space<vmem>>, vector<16xf32>,
      tpu.vector_store %arg8[%swap3A_1366, %swap3A_1367], %broadcast_in_dim3A_1304 {strides = array<i32>} : memref<196x384xf32, #tpu.memory_space<vmem>>, vector<16xf32>,
      %swap3A_1369 = arith.index_cast %add3A_1308 : i32 to index
      %swap3A_1370 = arith.constant 320 : index
      %swap3A_1371 = tpu.vector_load %arg8[%swap3A_1369, %swap3A_1370] {strides = array<i32>} : memref<196x384xf32, #tpu.memory_space<vmem>>, vector<16xf32>,
      tpu.vector_store %arg8[%swap3A_1369, %swap3A_1370], %broadcast_in_dim3A_1304 {strides = array<i32>} : memref<196x384xf32, #tpu.memory_space<vmem>>, vector<16xf32>,
      %swap3A_1372 = arith.index_cast %add3A_1308 : i32 to index
      %swap3A_1373 = arith.constant 336 : index
      %swap3A_1374 = tpu.vector_load %arg8[%swap3A_1372, %swap3A_1373] {strides = array<i32>} : memref<196x384xf32, #tpu.memory_space<vmem>>, vector<16xf32>,
      tpu.vector_store %arg8[%swap3A_1372, %swap3A_1373], %broadcast_in_dim3A_1304 {strides = array<i32>} : memref<196x384xf32, #tpu.memory_space<vmem>>, vector<16xf32>,
      %swap3A_1375 = arith.index_cast %add3A_1308 : i32 to index
      %swap3A_1376 = arith.constant 352 : index
      %swap3A_1377 = tpu.vector_load %arg8[%swap3A_1375, %swap3A_1376] {strides = array<i32>} : memref<196x384xf32, #tpu.memory_space<vmem>>, vector<16xf32>,
      tpu.vector_store %arg8[%swap3A_1375, %swap3A_1376], %broadcast_in_dim3A_1304 {strides = array<i32>} : memref<196x384xf32, #tpu.memory_space<vmem>>, vector<16xf32>,
      %swap3A_1378 = arith.index_cast %add3A_1308 : i32 to index
      %swap3A_1379 = arith.constant 368 : index
      %swap3A_1380 = tpu.vector_load %arg8[%swap3A_1378, %swap3A_1379] {strides = array<i32>} : memref<196x384xf32, #tpu.memory_space<vmem>>, vector<16xf32>,
      tpu.vector_store %arg8[%swap3A_1378, %swap3A_1379], %broadcast_in_dim3A_1304 {strides = array<i32>} : memref<196x384xf32, #tpu.memory_space<vmem>>, vector<16xf32>,
      %slice3A_1381 = vector.extract_strided_slice %get3A_1301 {offsets = [1], sizes = [1], strides = [1]} : vector<16xf32> to vector<1xf32>
      %squeeze3A_1382 = vector.extract %slice3A_1381[0] : f32 from vector<1xf32>
      %broadcast_in_dim3A_1383 = vector.broadcast %squeeze3A_1382 : f32 to vector<16xf32>
      %mul3A_1384 = arith.constant 16 : i32
      %mul3A_1385 = arith.muli %scan3A_1297, %mul3A_1384 : i32
      %add3A_1386 = arith.constant 1 : i32
      %add3A_1387 = arith.addi %mul3A_1385, %add3A_1386 : i32
      %swap3A_1388 = arith.index_cast %add3A_1387 : i32 to index
      %swap3A_1389 = arith.constant 0 : index
      %swap3A_1390 = tpu.vector_load %arg8[%swap3A_1388, %swap3A_1389] {strides = array<i32>} : memref<196x384xf32, #tpu.memory_space<vmem>>, vector<16xf32>,
      tpu.vector_store %arg8[%swap3A_1388, %swap3A_1389], %broadcast_in_dim3A_1383 {strides = array<i32>} : memref<196x384xf32, #tpu.memory_space<vmem>>, vector<16xf32>,
      %swap3A_1391 = arith.index_cast %add3A_1387 : i32 to index
      %swap3A_1392 = arith.constant 16 : index
      %swap3A_1393 = tpu.vector_load %arg8[%swap3A_1391, %swap3A_1392] {strides = array<i32>} : memref<196x384xf32, #tpu.memory_space<vmem>>, vector<16xf32>,
      tpu.vector_store %arg8[%swap3A_1391, %swap3A_1392], %broadcast_in_dim3A_1383 {strides = array<i32>} : memref<196x384xf32, #tpu.memory_space<vmem>>, vector<16xf32>,
      %swap3A_1394 = arith.index_cast %add3A_1387 : i32 to index
      %swap3A_1395 = arith.constant 32 : index
      %swap3A_1396 = tpu.vector_load %arg8[%swap3A_1394, %swap3A_1395] {strides = array<i32>} : memref<196x384xf32, #tpu.memory_space<vmem>>, vector<16xf32>,
      tpu.vector_store %arg8[%swap3A_1394, %swap3A_1395], %broadcast_in_dim3A_1383 {strides = array<i32>} : memref<196x384xf32, #tpu.memory_space<vmem>>, vector<16xf32>,
      %swap3A_1397 = arith.index_cast %add3A_1387 : i32 to index
      %swap3A_1398 = arith.constant 48 : index
      %swap3A_1399 = tpu.vector_load %arg8[%swap3A_1397, %swap3A_1398] {strides = array<i32>} : memref<196x384xf32, #tpu.memory_space<vmem>>, vector<16xf32>,
      tpu.vector_store %arg8[%swap3A_1397, %swap3A_1398], %broadcast_in_dim3A_1383 {strides = array<i32>} : memref<196x384xf32, #tpu.memory_space<vmem>>, vector<16xf32>,
      %swap3A_1400 = arith.index_cast %add3A_1387 : i32 to index
      %swap3A_1401 = arith.constant 64 : index
      %swap3A_1402 = tpu.vector_load %arg8[%swap3A_1400, %swap3A_1401] {strides = array<i32>} : memref<196x384xf32, #tpu.memory_space<vmem>>, vector<16xf32>,
      tpu.vector_store %arg8[%swap3A_1400, %swap3A_1401], %broadcast_in_dim3A_1383 {strides = array<i32>} : memref<196x384xf32, #tpu.memory_space<vmem>>, vector<16xf32>,
      %swap3A_1403 = arith.index_cast %add3A_1387 : i32 to index
      %swap3A_1404 = arith.constant 80 : index
      %swap3A_1405 = tpu.vector_load %arg8[%swap3A_1403, %swap3A_1404] {strides = array<i32>} : memref<196x384xf32, #tpu.memory_space<vmem>>, vector<16xf32>,
      tpu.vector_store %arg8[%swap3A_1403, %swap3A_1404], %broadcast_in_dim3A_1383 {strides = array<i32>} : memref<196x384xf32, #tpu.memory_space<vmem>>, vector<16xf32>,
      %swap3A_1406 = arith.index_cast %add3A_1387 : i32 to index
      %swap3A_1407 = arith.constant 96 : index
      %swap3A_1408 = tpu.vector_load %arg8[%swap3A_1406, %swap3A_1407] {strides = array<i32>} : memref<196x384xf32, #tpu.memory_space<vmem>>, vector<16xf32>,
      tpu.vector_store %arg8[%swap3A_1406, %swap3A_1407], %broadcast_in_dim3A_1383 {strides = array<i32>} : memref<196x384xf32, #tpu.memory_space<vmem>>, vector<16xf32>,
      %swap3A_1409 = arith.index_cast %add3A_1387 : i32 to index
      %swap3A_1410 = arith.constant 112 : index
      %swap3A_1411 = tpu.vector_load %arg8[%swap3A_1409, %swap3A_1410] {strides = array<i32>} : memref<196x384xf32, #tpu.memory_space<vmem>>, vector<16xf32>,
      tpu.vector_store %arg8[%swap3A_1409, %swap3A_1410], %broadcast_in_dim3A_1383 {strides = array<i32>} : memref<196x384xf32, #tpu.memory_space<vmem>>, vector<16xf32>,
      %swap3A_1412 = arith.index_cast %add3A_1387 : i32 to index
      %swap3A_1413 = arith.constant 128 : index
      %swap3A_1414 = tpu.vector_load %arg8[%swap3A_1412, %swap3A_1413] {strides = array<i32>} : memref<196x384xf32, #tpu.memory_space<vmem>>, vector<16xf32>,
      tpu.vector_store %arg8[%swap3A_1412, %swap3A_1413], %broadcast_in_dim3A_1383 {strides = array<i32>} : memref<196x384xf32, #tpu.memory_space<vmem>>, vector<16xf32>,
      %swap3A_1415 = arith.index_cast %add3A_1387 : i32 to index
      %swap3A_1416 = arith.constant 144 : index
      %swap3A_1417 = tpu.vector_load %arg8[%swap3A_1415, %swap3A_1416] {strides = array<i32>} : memref<196x384xf32, #tpu.memory_space<vmem>>, vector<16xf32>,
      tpu.vector_store %arg8[%swap3A_1415, %swap3A_1416], %broadcast_in_dim3A_1383 {strides = array<i32>} : memref<196x384xf32, #tpu.memory_space<vmem>>, vector<16xf32>,
      %swap3A_1418 = arith.index_cast %add3A_1387 : i32 to index
      %swap3A_1419 = arith.constant 160 : index
      %swap3A_1420 = tpu.vector_load %arg8[%swap3A_1418, %swap3A_1419] {strides = array<i32>} : memref<196x384xf32, #tpu.memory_space<vmem>>, vector<16xf32>,
      tpu.vector_store %arg8[%swap3A_1418, %swap3A_1419], %broadcast_in_dim3A_1383 {strides = array<i32>} : memref<196x384xf32, #tpu.memory_space<vmem>>, vector<16xf32>,
      %swap3A_1421 = arith.index_cast %add3A_1387 : i32 to index
      %swap3A_1422 = arith.constant 176 : index
      %swap3A_1423 = tpu.vector_load %arg8[%swap3A_1421, %swap3A_1422] {strides = array<i32>} : memref<196x384xf32, #tpu.memory_space<vmem>>, vector<16xf32>,
      tpu.vector_store %arg8[%swap3A_1421, %swap3A_1422], %broadcast_in_dim3A_1383 {strides = array<i32>} : memref<196x384xf32, #tpu.memory_space<vmem>>, vector<16xf32>,
      %swap3A_1424 = arith.index_cast %add3A_1387 : i32 to index
      %swap3A_1425 = arith.constant 192 : index
      %swap3A_1426 = tpu.vector_load %arg8[%swap3A_1424, %swap3A_1425] {strides = array<i32>} : memref<196x384xf32, #tpu.memory_space<vmem>>, vector<16xf32>,
      tpu.vector_store %arg8[%swap3A_1424, %swap3A_1425], %broadcast_in_dim3A_1383 {strides = array<i32>} : memref<196x384xf32, #tpu.memory_space<vmem>>, vector<16xf32>,
      %swap3A_1427 = arith.index_cast %add3A_1387 : i32 to index
      %swap3A_1428 = arith.constant 208 : index
      %swap3A_1429 = tpu.vector_load %arg8[%swap3A_1427, %swap3A_1428] {strides = array<i32>} : memref<196x384xf32, #tpu.memory_space<vmem>>, vector<16xf32>,
      tpu.vector_store %arg8[%swap3A_1427, %swap3A_1428], %broadcast_in_dim3A_1383 {strides = array<i32>} : memref<196x384xf32, #tpu.memory_space<vmem>>, vector<16xf32>,
      %swap3A_1430 = arith.index_cast %add3A_1387 : i32 to index
      %swap3A_1431 = arith.constant 224 : index
      %swap3A_1432 = tpu.vector_load %arg8[%swap3A_1430, %swap3A_1431] {strides = array<i32>} : memref<196x384xf32, #tpu.memory_space<vmem>>, vector<16xf32>,
      tpu.vector_store %arg8[%swap3A_1430, %swap3A_1431], %broadcast_in_dim3A_1383 {strides = array<i32>} : memref<196x384xf32, #tpu.memory_space<vmem>>, vector<16xf32>,
      %swap3A_1433 = arith.index_cast %add3A_1387 : i32 to index
      %swap3A_1434 = arith.constant 240 : index
      %swap3A_1435 = tpu.vector_load %arg8[%swap3A_1433, %swap3A_1434] {strides = array<i32>} : memref<196x384xf32, #tpu.memory_space<vmem>>, vector<16xf32>,
      tpu.vector_store %arg8[%swap3A_1433, %swap3A_1434], %broadcast_in_dim3A_1383 {strides = array<i32>} : memref<196x384xf32, #tpu.memory_space<vmem>>, vector<16xf32>,
      %swap3A_1436 = arith.index_cast %add3A_1387 : i32 to index
      %swap3A_1437 = arith.constant 256 : index
      %swap3A_1438 = tpu.vector_load %arg8[%swap3A_1436, %swap3A_1437] {strides = array<i32>} : memref<196x384xf32, #tpu.memory_space<vmem>>, vector<16xf32>,
      tpu.vector_store %arg8[%swap3A_1436, %swap3A_1437], %broadcast_in_dim3A_1383 {strides = array<i32>} : memref<196x384xf32, #tpu.memory_space<vmem>>, vector<16xf32>,
      %swap3A_1439 = arith.index_cast %add3A_1387 : i32 to index
      %swap3A_1440 = arith.constant 272 : index
      %swap3A_1441 = tpu.vector_load %arg8[%swap3A_1439, %swap3A_1440] {strides = array<i32>} : memref<196x384xf32, #tpu.memory_space<vmem>>, vector<16xf32>,
      tpu.vector_store %arg8[%swap3A_1439, %swap3A_1440], %broadcast_in_dim3A_1383 {strides = array<i32>} : memref<196x384xf32, #tpu.memory_space<vmem>>, vector<16xf32>,
      %swap3A_1442 = arith.index_cast %add3A_1387 : i32 to index
      %swap3A_1443 = arith.constant 288 : index
      %swap3A_1444 = tpu.vector_load %arg8[%swap3A_1442, %swap3A_1443] {strides = array<i32>} : memref<196x384xf32, #tpu.memory_space<vmem>>, vector<16xf32>,
      tpu.vector_store %arg8[%swap3A_1442, %swap3A_1443], %broadcast_in_dim3A_1383 {strides = array<i32>} : memref<196x384xf32, #tpu.memory_space<vmem>>, vector<16xf32>,
      %swap3A_1445 = arith.index_cast %add3A_1387 : i32 to index
      %swap3A_1446 = arith.constant 304 : index
      %swap3A_1447 = tpu.vector_load %arg8[%swap3A_1445, %swap3A_1446] {strides = array<i32>} : memref<196x384xf32, #tpu.memory_space<vmem>>, vector<16xf32>,
      tpu.vector_store %arg8[%swap3A_1445, %swap3A_1446], %broadcast_in_dim3A_1383 {strides = array<i32>} : memref<196x384xf32, #tpu.memory_space<vmem>>, vector<16xf32>,
      %swap3A_1448 = arith.index_cast %add3A_1387 : i32 to index
      %swap3A_1449 = arith.constant 320 : index
      %swap3A_1450 = tpu.vector_load %arg8[%swap3A_1448, %swap3A_1449] {strides = array<i32>} : memref<196x384xf32, #tpu.memory_space<vmem>>, vector<16xf32>,
      tpu.vector_store %arg8[%swap3A_1448, %swap3A_1449], %broadcast_in_dim3A_1383 {strides = array<i32>} : memref<196x384xf32, #tpu.memory_space<vmem>>, vector<16xf32>,
      %swap3A_1451 = arith.index_cast %add3A_1387 : i32 to index
      %swap3A_1452 = arith.constant 336 : index
      %swap3A_1453 = tpu.vector_load %arg8[%swap3A_1451, %swap3A_1452] {strides = array<i32>} : memref<196x384xf32, #tpu.memory_space<vmem>>, vector<16xf32>,
      tpu.vector_store %arg8[%swap3A_1451, %swap3A_1452], %broadcast_in_dim3A_1383 {strides = array<i32>} : memref<196x384xf32, #tpu.memory_space<vmem>>, vector<16xf32>,
      %swap3A_1454 = arith.index_cast %add3A_1387 : i32 to index
      %swap3A_1455 = arith.constant 352 : index
      %swap3A_1456 = tpu.vector_load %arg8[%swap3A_1454, %swap3A_1455] {strides = array<i32>} : memref<196x384xf32, #tpu.memory_space<vmem>>, vector<16xf32>,
      tpu.vector_store %arg8[%swap3A_1454, %swap3A_1455], %broadcast_in_dim3A_1383 {strides = array<i32>} : memref<196x384xf32, #tpu.memory_space<vmem>>, vector<16xf32>,
      %swap3A_1457 = arith.index_cast %add3A_1387 : i32 to index
      %swap3A_1458 = arith.constant 368 : index
      %swap3A_1459 = tpu.vector_load %arg8[%swap3A_1457, %swap3A_1458] {strides = array<i32>} : memref<196x384xf32, #tpu.memory_space<vmem>>, vector<16xf32>,
      tpu.vector_store %arg8[%swap3A_1457, %swap3A_1458], %broadcast_in_dim3A_1383 {strides = array<i32>} : memref<196x384xf32, #tpu.memory_space<vmem>>, vector<16xf32>,
      %slice3A_1460 = vector.extract_strided_slice %get3A_1301 {offsets = [2], sizes = [1], strides = [1]} : vector<16xf32> to vector<1xf32>
      %squeeze3A_1461 = vector.extract %slice3A_1460[0] : f32 from vector<1xf32>
      %broadcast_in_dim3A_1462 = vector.broadcast %squeeze3A_1461 : f32 to vector<16xf32>
      %mul3A_1463 = arith.constant 16 : i32
      %mul3A_1464 = arith.muli %scan3A_1297, %mul3A_1463 : i32
      %add3A_1465 = arith.constant 2 : i32
      %add3A_1466 = arith.addi %mul3A_1464, %add3A_1465 : i32
      %swap3A_1467 = arith.index_cast %add3A_1466 : i32 to index
      %swap3A_1468 = arith.constant 0 : index
      %swap3A_1469 = tpu.vector_load %arg8[%swap3A_1467, %swap3A_1468] {strides = array<i32>} : memref<196x384xf32, #tpu.memory_space<vmem>>, vector<16xf32>,
      tpu.vector_store %arg8[%swap3A_1467, %swap3A_1468], %broadcast_in_dim3A_1462 {strides = array<i32>} : memref<196x384xf32, #tpu.memory_space<vmem>>, vector<16xf32>,
      %swap3A_1470 = arith.index_cast %add3A_1466 : i32 to index
      %swap3A_1471 = arith.constant 16 : index
      %swap3A_1472 = tpu.vector_load %arg8[%swap3A_1470, %swap3A_1471] {strides = array<i32>} : memref<196x384xf32, #tpu.memory_space<vmem>>, vector<16xf32>,
      tpu.vector_store %arg8[%swap3A_1470, %swap3A_1471], %broadcast_in_dim3A_1462 {strides = array<i32>} : memref<196x384xf32, #tpu.memory_space<vmem>>, vector<16xf32>,
      %swap3A_1473 = arith.index_cast %add3A_1466 : i32 to index
      %swap3A_1474 = arith.constant 32 : index
      %swap3A_1475 = tpu.vector_load %arg8[%swap3A_1473, %swap3A_1474] {strides = array<i32>} : memref<196x384xf32, #tpu.memory_space<vmem>>, vector<16xf32>,
      tpu.vector_store %arg8[%swap3A_1473, %swap3A_1474], %broadcast_in_dim3A_1462 {strides = array<i32>} : memref<196x384xf32, #tpu.memory_space<vmem>>, vector<16xf32>,
      %swap3A_1476 = arith.index_cast %add3A_1466 : i32 to index
      %swap3A_1477 = arith.constant 48 : index
      %swap3A_1478 = tpu.vector_load %arg8[%swap3A_1476, %swap3A_1477] {strides = array<i32>} : memref<196x384xf32, #tpu.memory_space<vmem>>, vector<16xf32>,
      tpu.vector_store %arg8[%swap3A_1476, %swap3A_1477], %broadcast_in_dim3A_1462 {strides = array<i32>} : memref<196x384xf32, #tpu.memory_space<vmem>>, vector<16xf32>,
      %swap3A_1479 = arith.index_cast %add3A_1466 : i32 to index
      %swap3A_1480 = arith.constant 64 : index
      %swap3A_1481 = tpu.vector_load %arg8[%swap3A_1479, %swap3A_1480] {strides = array<i32>} : memref<196x384xf32, #tpu.memory_space<vmem>>, vector<16xf32>,
      tpu.vector_store %arg8[%swap3A_1479, %swap3A_1480], %broadcast_in_dim3A_1462 {strides = array<i32>} : memref<196x384xf32, #tpu.memory_space<vmem>>, vector<16xf32>,
      %swap3A_1482 = arith.index_cast %add3A_1466 : i32 to index
      %swap3A_1483 = arith.constant 80 : index
      %swap3A_1484 = tpu.vector_load %arg8[%swap3A_1482, %swap3A_1483] {strides = array<i32>} : memref<196x384xf32, #tpu.memory_space<vmem>>, vector<16xf32>,
      tpu.vector_store %arg8[%swap3A_1482, %swap3A_1483], %broadcast_in_dim3A_1462 {strides = array<i32>} : memref<196x384xf32, #tpu.memory_space<vmem>>, vector<16xf32>,
      %swap3A_1485 = arith.index_cast %add3A_1466 : i32 to index
      %swap3A_1486 = arith.constant 96 : index
      %swap3A_1487 = tpu.vector_load %arg8[%swap3A_1485, %swap3A_1486] {strides = array<i32>} : memref<196x384xf32, #tpu.memory_space<vmem>>, vector<16xf32>,
      tpu.vector_store %arg8[%swap3A_1485, %swap3A_1486], %broadcast_in_dim3A_1462 {strides = array<i32>} : memref<196x384xf32, #tpu.memory_space<vmem>>, vector<16xf32>,
      %swap3A_1488 = arith.index_cast %add3A_1466 : i32 to index
      %swap3A_1489 = arith.constant 112 : index
      %swap3A_1490 = tpu.vector_load %arg8[%swap3A_1488, %swap3A_1489] {strides = array<i32>} : memref<196x384xf32, #tpu.memory_space<vmem>>, vector<16xf32>,
      tpu.vector_store %arg8[%swap3A_1488, %swap3A_1489], %broadcast_in_dim3A_1462 {strides = array<i32>} : memref<196x384xf32, #tpu.memory_space<vmem>>, vector<16xf32>,
      %swap3A_1491 = arith.index_cast %add3A_1466 : i32 to index
      %swap3A_1492 = arith.constant 128 : index
      %swap3A_1493 = tpu.vector_load %arg8[%swap3A_1491, %swap3A_1492] {strides = array<i32>} : memref<196x384xf32, #tpu.memory_space<vmem>>, vector<16xf32>,
      tpu.vector_store %arg8[%swap3A_1491, %swap3A_1492], %broadcast_in_dim3A_1462 {strides = array<i32>} : memref<196x384xf32, #tpu.memory_space<vmem>>, vector<16xf32>,
      %swap3A_1494 = arith.index_cast %add3A_1466 : i32 to index
      %swap3A_1495 = arith.constant 144 : index
      %swap3A_1496 = tpu.vector_load %arg8[%swap3A_1494, %swap3A_1495] {strides = array<i32>} : memref<196x384xf32, #tpu.memory_space<vmem>>, vector<16xf32>,
      tpu.vector_store %arg8[%swap3A_1494, %swap3A_1495], %broadcast_in_dim3A_1462 {strides = array<i32>} : memref<196x384xf32, #tpu.memory_space<vmem>>, vector<16xf32>,
      %swap3A_1497 = arith.index_cast %add3A_1466 : i32 to index
      %swap3A_1498 = arith.constant 160 : index
      %swap3A_1499 = tpu.vector_load %arg8[%swap3A_1497, %swap3A_1498] {strides = array<i32>} : memref<196x384xf32, #tpu.memory_space<vmem>>, vector<16xf32>,
      tpu.vector_store %arg8[%swap3A_1497, %swap3A_1498], %broadcast_in_dim3A_1462 {strides = array<i32>} : memref<196x384xf32, #tpu.memory_space<vmem>>, vector<16xf32>,
      %swap3A_1500 = arith.index_cast %add3A_1466 : i32 to index
      %swap3A_1501 = arith.constant 176 : index
      %swap3A_1502 = tpu.vector_load %arg8[%swap3A_1500, %swap3A_1501] {strides = array<i32>} : memref<196x384xf32, #tpu.memory_space<vmem>>, vector<16xf32>,
      tpu.vector_store %arg8[%swap3A_1500, %swap3A_1501], %broadcast_in_dim3A_1462 {strides = array<i32>} : memref<196x384xf32, #tpu.memory_space<vmem>>, vector<16xf32>,
      %swap3A_1503 = arith.index_cast %add3A_1466 : i32 to index
      %swap3A_1504 = arith.constant 192 : index
      %swap3A_1505 = tpu.vector_load %arg8[%swap3A_1503, %swap3A_1504] {strides = array<i32>} : memref<196x384xf32, #tpu.memory_space<vmem>>, vector<16xf32>,
      tpu.vector_store %arg8[%swap3A_1503, %swap3A_1504], %broadcast_in_dim3A_1462 {strides = array<i32>} : memref<196x384xf32, #tpu.memory_space<vmem>>, vector<16xf32>,
      %swap3A_1506 = arith.index_cast %add3A_1466 : i32 to index
      %swap3A_1507 = arith.constant 208 : index
      %swap3A_1508 = tpu.vector_load %arg8[%swap3A_1506, %swap3A_1507] {strides = array<i32>} : memref<196x384xf32, #tpu.memory_space<vmem>>, vector<16xf32>,
      tpu.vector_store %arg8[%swap3A_1506, %swap3A_1507], %broadcast_in_dim3A_1462 {strides = array<i32>} : memref<196x384xf32, #tpu.memory_space<vmem>>, vector<16xf32>,
      %swap3A_1509 = arith.index_cast %add3A_1466 : i32 to index
      %swap3A_1510 = arith.constant 224 : index
      %swap3A_1511 = tpu.vector_load %arg8[%swap3A_1509, %swap3A_1510] {strides = array<i32>} : memref<196x384xf32, #tpu.memory_space<vmem>>, vector<16xf32>,
      tpu.vector_store %arg8[%swap3A_1509, %swap3A_1510], %broadcast_in_dim3A_1462 {strides = array<i32>} : memref<196x384xf32, #tpu.memory_space<vmem>>, vector<16xf32>,
      %swap3A_1512 = arith.index_cast %add3A_1466 : i32 to index
      %swap3A_1513 = arith.constant 240 : index
      %swap3A_1514 = tpu.vector_load %arg8[%swap3A_1512, %swap3A_1513] {strides = array<i32>} : memref<196x384xf32, #tpu.memory_space<vmem>>, vector<16xf32>,
      tpu.vector_store %arg8[%swap3A_1512, %swap3A_1513], %broadcast_in_dim3A_1462 {strides = array<i32>} : memref<196x384xf32, #tpu.memory_space<vmem>>, vector<16xf32>,
      %swap3A_1515 = arith.index_cast %add3A_1466 : i32 to index
      %swap3A_1516 = arith.constant 256 : index
      %swap3A_1517 = tpu.vector_load %arg8[%swap3A_1515, %swap3A_1516] {strides = array<i32>} : memref<196x384xf32, #tpu.memory_space<vmem>>, vector<16xf32>,
      tpu.vector_store %arg8[%swap3A_1515, %swap3A_1516], %broadcast_in_dim3A_1462 {strides = array<i32>} : memref<196x384xf32, #tpu.memory_space<vmem>>, vector<16xf32>,
      %swap3A_1518 = arith.index_cast %add3A_1466 : i32 to index
      %swap3A_1519 = arith.constant 272 : index
      %swap3A_1520 = tpu.vector_load %arg8[%swap3A_1518, %swap3A_1519] {strides = array<i32>} : memref<196x384xf32, #tpu.memory_space<vmem>>, vector<16xf32>,
      tpu.vector_store %arg8[%swap3A_1518, %swap3A_1519], %broadcast_in_dim3A_1462 {strides = array<i32>} : memref<196x384xf32, #tpu.memory_space<vmem>>, vector<16xf32>,
      %swap3A_1521 = arith.index_cast %add3A_1466 : i32 to index
      %swap3A_1522 = arith.constant 288 : index
      %swap3A_1523 = tpu.vector_load %arg8[%swap3A_1521, %swap3A_1522] {strides = array<i32>} : memref<196x384xf32, #tpu.memory_space<vmem>>, vector<16xf32>,
      tpu.vector_store %arg8[%swap3A_1521, %swap3A_1522], %broadcast_in_dim3A_1462 {strides = array<i32>} : memref<196x384xf32, #tpu.memory_space<vmem>>, vector<16xf32>,
      %swap3A_1524 = arith.index_cast %add3A_1466 : i32 to index
      %swap3A_1525 = arith.constant 304 : index
      %swap3A_1526 = tpu.vector_load %arg8[%swap3A_1524, %swap3A_1525] {strides = array<i32>} : memref<196x384xf32, #tpu.memory_space<vmem>>, vector<16xf32>,
      tpu.vector_store %arg8[%swap3A_1524, %swap3A_1525], %broadcast_in_dim3A_1462 {strides = array<i32>} : memref<196x384xf32, #tpu.memory_space<vmem>>, vector<16xf32>,
      %swap3A_1527 = arith.index_cast %add3A_1466 : i32 to index
      %swap3A_1528 = arith.constant 320 : index
      %swap3A_1529 = tpu.vector_load %arg8[%swap3A_1527, %swap3A_1528] {strides = array<i32>} : memref<196x384xf32, #tpu.memory_space<vmem>>, vector<16xf32>,
      tpu.vector_store %arg8[%swap3A_1527, %swap3A_1528], %broadcast_in_dim3A_1462 {strides = array<i32>} : memref<196x384xf32, #tpu.memory_space<vmem>>, vector<16xf32>,
      %swap3A_1530 = arith.index_cast %add3A_1466 : i32 to index
      %swap3A_1531 = arith.constant 336 : index
      %swap3A_1532 = tpu.vector_load %arg8[%swap3A_1530, %swap3A_1531] {strides = array<i32>} : memref<196x384xf32, #tpu.memory_space<vmem>>, vector<16xf32>,
      tpu.vector_store %arg8[%swap3A_1530, %swap3A_1531], %broadcast_in_dim3A_1462 {strides = array<i32>} : memref<196x384xf32, #tpu.memory_space<vmem>>, vector<16xf32>,
      %swap3A_1533 = arith.index_cast %add3A_1466 : i32 to index
      %swap3A_1534 = arith.constant 352 : index
      %swap3A_1535 = tpu.vector_load %arg8[%swap3A_1533, %swap3A_1534] {strides = array<i32>} : memref<196x384xf32, #tpu.memory_space<vmem>>, vector<16xf32>,
      tpu.vector_store %arg8[%swap3A_1533, %swap3A_1534], %broadcast_in_dim3A_1462 {strides = array<i32>} : memref<196x384xf32, #tpu.memory_space<vmem>>, vector<16xf32>,
      %swap3A_1536 = arith.index_cast %add3A_1466 : i32 to index
      %swap3A_1537 = arith.constant 368 : index
      %swap3A_1538 = tpu.vector_load %arg8[%swap3A_1536, %swap3A_1537] {strides = array<i32>} : memref<196x384xf32, #tpu.memory_space<vmem>>, vector<16xf32>,
      tpu.vector_store %arg8[%swap3A_1536, %swap3A_1537], %broadcast_in_dim3A_1462 {strides = array<i32>} : memref<196x384xf32, #tpu.memory_space<vmem>>, vector<16xf32>,
      %slice3A_1539 = vector.extract_strided_slice %get3A_1301 {offsets = [3], sizes = [1], strides = [1]} : vector<16xf32> to vector<1xf32>
      %squeeze3A_1540 = vector.extract %slice3A_1539[0] : f32 from vector<1xf32>
      %broadcast_in_dim3A_1541 = vector.broadcast %squeeze3A_1540 : f32 to vector<16xf32>
      %mul3A_1542 = arith.constant 16 : i32
      %mul3A_1543 = arith.muli %scan3A_1297, %mul3A_1542 : i32
      %add3A_1544 = arith.constant 3 : i32
      %add3A_1545 = arith.addi %mul3A_1543, %add3A_1544 : i32
      %swap3A_1546 = arith.index_cast %add3A_1545 : i32 to index
      %swap3A_1547 = arith.constant 0 : index
      %swap3A_1548 = tpu.vector_load %arg8[%swap3A_1546, %swap3A_1547] {strides = array<i32>} : memref<196x384xf32, #tpu.memory_space<vmem>>, vector<16xf32>,
      tpu.vector_store %arg8[%swap3A_1546, %swap3A_1547], %broadcast_in_dim3A_1541 {strides = array<i32>} : memref<196x384xf32, #tpu.memory_space<vmem>>, vector<16xf32>,
      %swap3A_1549 = arith.index_cast %add3A_1545 : i32 to index
      %swap3A_1550 = arith.constant 16 : index
      %swap3A_1551 = tpu.vector_load %arg8[%swap3A_1549, %swap3A_1550] {strides = array<i32>} : memref<196x384xf32, #tpu.memory_space<vmem>>, vector<16xf32>,
      tpu.vector_store %arg8[%swap3A_1549, %swap3A_1550], %broadcast_in_dim3A_1541 {strides = array<i32>} : memref<196x384xf32, #tpu.memory_space<vmem>>, vector<16xf32>,
      %swap3A_1552 = arith.index_cast %add3A_1545 : i32 to index
      %swap3A_1553 = arith.constant 32 : index
      %swap3A_1554 = tpu.vector_load %arg8[%swap3A_1552, %swap3A_1553] {strides = array<i32>} : memref<196x384xf32, #tpu.memory_space<vmem>>, vector<16xf32>,
      tpu.vector_store %arg8[%swap3A_1552, %swap3A_1553], %broadcast_in_dim3A_1541 {strides = array<i32>} : memref<196x384xf32, #tpu.memory_space<vmem>>, vector<16xf32>,
      %swap3A_1555 = arith.index_cast %add3A_1545 : i32 to index
      %swap3A_1556 = arith.constant 48 : index
      %swap3A_1557 = tpu.vector_load %arg8[%swap3A_1555, %swap3A_1556] {strides = array<i32>} : memref<196x384xf32, #tpu.memory_space<vmem>>, vector<16xf32>,
      tpu.vector_store %arg8[%swap3A_1555, %swap3A_1556], %broadcast_in_dim3A_1541 {strides = array<i32>} : memref<196x384xf32, #tpu.memory_space<vmem>>, vector<16xf32>,
      %swap3A_1558 = arith.index_cast %add3A_1545 : i32 to index
      %swap3A_1559 = arith.constant 64 : index
      %swap3A_1560 = tpu.vector_load %arg8[%swap3A_1558, %swap3A_1559] {strides = array<i32>} : memref<196x384xf32, #tpu.memory_space<vmem>>, vector<16xf32>,
      tpu.vector_store %arg8[%swap3A_1558, %swap3A_1559], %broadcast_in_dim3A_1541 {strides = array<i32>} : memref<196x384xf32, #tpu.memory_space<vmem>>, vector<16xf32>,
      %swap3A_1561 = arith.index_cast %add3A_1545 : i32 to index
      %swap3A_1562 = arith.constant 80 : index
      %swap3A_1563 = tpu.vector_load %arg8[%swap3A_1561, %swap3A_1562] {strides = array<i32>} : memref<196x384xf32, #tpu.memory_space<vmem>>, vector<16xf32>,
      tpu.vector_store %arg8[%swap3A_1561, %swap3A_1562], %broadcast_in_dim3A_1541 {strides = array<i32>} : memref<196x384xf32, #tpu.memory_space<vmem>>, vector<16xf32>,
      %swap3A_1564 = arith.index_cast %add3A_1545 : i32 to index
      %swap3A_1565 = arith.constant 96 : index
      %swap3A_1566 = tpu.vector_load %arg8[%swap3A_1564, %swap3A_1565] {strides = array<i32>} : memref<196x384xf32, #tpu.memory_space<vmem>>, vector<16xf32>,
      tpu.vector_store %arg8[%swap3A_1564, %swap3A_1565], %broadcast_in_dim3A_1541 {strides = array<i32>} : memref<196x384xf32, #tpu.memory_space<vmem>>, vector<16xf32>,
      %swap3A_1567 = arith.index_cast %add3A_1545 : i32 to index
      %swap3A_1568 = arith.constant 112 : index
      %swap3A_1569 = tpu.vector_load %arg8[%swap3A_1567, %swap3A_1568] {strides = array<i32>} : memref<196x384xf32, #tpu.memory_space<vmem>>, vector<16xf32>,
      tpu.vector_store %arg8[%swap3A_1567, %swap3A_1568], %broadcast_in_dim3A_1541 {strides = array<i32>} : memref<196x384xf32, #tpu.memory_space<vmem>>, vector<16xf32>,
      %swap3A_1570 = arith.index_cast %add3A_1545 : i32 to index
      %swap3A_1571 = arith.constant 128 : index
      %swap3A_1572 = tpu.vector_load %arg8[%swap3A_1570, %swap3A_1571] {strides = array<i32>} : memref<196x384xf32, #tpu.memory_space<vmem>>, vector<16xf32>,
      tpu.vector_store %arg8[%swap3A_1570, %swap3A_1571], %broadcast_in_dim3A_1541 {strides = array<i32>} : memref<196x384xf32, #tpu.memory_space<vmem>>, vector<16xf32>,
      %swap3A_1573 = arith.index_cast %add3A_1545 : i32 to index
      %swap3A_1574 = arith.constant 144 : index
      %swap3A_1575 = tpu.vector_load %arg8[%swap3A_1573, %swap3A_1574] {strides = array<i32>} : memref<196x384xf32, #tpu.memory_space<vmem>>, vector<16xf32>,
      tpu.vector_store %arg8[%swap3A_1573, %swap3A_1574], %broadcast_in_dim3A_1541 {strides = array<i32>} : memref<196x384xf32, #tpu.memory_space<vmem>>, vector<16xf32>,
      %swap3A_1576 = arith.index_cast %add3A_1545 : i32 to index
      %swap3A_1577 = arith.constant 160 : index
      %swap3A_1578 = tpu.vector_load %arg8[%swap3A_1576, %swap3A_1577] {strides = array<i32>} : memref<196x384xf32, #tpu.memory_space<vmem>>, vector<16xf32>,
      tpu.vector_store %arg8[%swap3A_1576, %swap3A_1577], %broadcast_in_dim3A_1541 {strides = array<i32>} : memref<196x384xf32, #tpu.memory_space<vmem>>, vector<16xf32>,
      %swap3A_1579 = arith.index_cast %add3A_1545 : i32 to index
      %swap3A_1580 = arith.constant 176 : index
      %swap3A_1581 = tpu.vector_load %arg8[%swap3A_1579, %swap3A_1580] {strides = array<i32>} : memref<196x384xf32, #tpu.memory_space<vmem>>, vector<16xf32>,
      tpu.vector_store %arg8[%swap3A_1579, %swap3A_1580], %broadcast_in_dim3A_1541 {strides = array<i32>} : memref<196x384xf32, #tpu.memory_space<vmem>>, vector<16xf32>,
      %swap3A_1582 = arith.index_cast %add3A_1545 : i32 to index
      %swap3A_1583 = arith.constant 192 : index
      %swap3A_1584 = tpu.vector_load %arg8[%swap3A_1582, %swap3A_1583] {strides = array<i32>} : memref<196x384xf32, #tpu.memory_space<vmem>>, vector<16xf32>,
      tpu.vector_store %arg8[%swap3A_1582, %swap3A_1583], %broadcast_in_dim3A_1541 {strides = array<i32>} : memref<196x384xf32, #tpu.memory_space<vmem>>, vector<16xf32>,
      %swap3A_1585 = arith.index_cast %add3A_1545 : i32 to index
      %swap3A_1586 = arith.constant 208 : index
      %swap3A_1587 = tpu.vector_load %arg8[%swap3A_1585, %swap3A_1586] {strides = array<i32>} : memref<196x384xf32, #tpu.memory_space<vmem>>, vector<16xf32>,
      tpu.vector_store %arg8[%swap3A_1585, %swap3A_1586], %broadcast_in_dim3A_1541 {strides = array<i32>} : memref<196x384xf32, #tpu.memory_space<vmem>>, vector<16xf32>,
      %swap3A_1588 = arith.index_cast %add3A_1545 : i32 to index
      %swap3A_1589 = arith.constant 224 : index
      %swap3A_1590 = tpu.vector_load %arg8[%swap3A_1588, %swap3A_1589] {strides = array<i32>} : memref<196x384xf32, #tpu.memory_space<vmem>>, vector<16xf32>,
      tpu.vector_store %arg8[%swap3A_1588, %swap3A_1589], %broadcast_in_dim3A_1541 {strides = array<i32>} : memref<196x384xf32, #tpu.memory_space<vmem>>, vector<16xf32>,
      %swap3A_1591 = arith.index_cast %add3A_1545 : i32 to index
      %swap3A_1592 = arith.constant 240 : index
      %swap3A_1593 = tpu.vector_load %arg8[%swap3A_1591, %swap3A_1592] {strides = array<i32>} : memref<196x384xf32, #tpu.memory_space<vmem>>, vector<16xf32>,
      tpu.vector_store %arg8[%swap3A_1591, %swap3A_1592], %broadcast_in_dim3A_1541 {strides = array<i32>} : memref<196x384xf32, #tpu.memory_space<vmem>>, vector<16xf32>,
      %swap3A_1594 = arith.index_cast %add3A_1545 : i32 to index
      %swap3A_1595 = arith.constant 256 : index
      %swap3A_1596 = tpu.vector_load %arg8[%swap3A_1594, %swap3A_1595] {strides = array<i32>} : memref<196x384xf32, #tpu.memory_space<vmem>>, vector<16xf32>,
      tpu.vector_store %arg8[%swap3A_1594, %swap3A_1595], %broadcast_in_dim3A_1541 {strides = array<i32>} : memref<196x384xf32, #tpu.memory_space<vmem>>, vector<16xf32>,
      %swap3A_1597 = arith.index_cast %add3A_1545 : i32 to index
      %swap3A_1598 = arith.constant 272 : index
      %swap3A_1599 = tpu.vector_load %arg8[%swap3A_1597, %swap3A_1598] {strides = array<i32>} : memref<196x384xf32, #tpu.memory_space<vmem>>, vector<16xf32>,
      tpu.vector_store %arg8[%swap3A_1597, %swap3A_1598], %broadcast_in_dim3A_1541 {strides = array<i32>} : memref<196x384xf32, #tpu.memory_space<vmem>>, vector<16xf32>,
      %swap3A_1600 = arith.index_cast %add3A_1545 : i32 to index
      %swap3A_1601 = arith.constant 288 : index
      %swap3A_1602 = tpu.vector_load %arg8[%swap3A_1600, %swap3A_1601] {strides = array<i32>} : memref<196x384xf32, #tpu.memory_space<vmem>>, vector<16xf32>,
      tpu.vector_store %arg8[%swap3A_1600, %swap3A_1601], %broadcast_in_dim3A_1541 {strides = array<i32>} : memref<196x384xf32, #tpu.memory_space<vmem>>, vector<16xf32>,
      %swap3A_1603 = arith.index_cast %add3A_1545 : i32 to index
      %swap3A_1604 = arith.constant 304 : index
      %swap3A_1605 = tpu.vector_load %arg8[%swap3A_1603, %swap3A_1604] {strides = array<i32>} : memref<196x384xf32, #tpu.memory_space<vmem>>, vector<16xf32>,
      tpu.vector_store %arg8[%swap3A_1603, %swap3A_1604], %broadcast_in_dim3A_1541 {strides = array<i32>} : memref<196x384xf32, #tpu.memory_space<vmem>>, vector<16xf32>,
      %swap3A_1606 = arith.index_cast %add3A_1545 : i32 to index
      %swap3A_1607 = arith.constant 320 : index
      %swap3A_1608 = tpu.vector_load %arg8[%swap3A_1606, %swap3A_1607] {strides = array<i32>} : memref<196x384xf32, #tpu.memory_space<vmem>>, vector<16xf32>,
      tpu.vector_store %arg8[%swap3A_1606, %swap3A_1607], %broadcast_in_dim3A_1541 {strides = array<i32>} : memref<196x384xf32, #tpu.memory_space<vmem>>, vector<16xf32>,
      %swap3A_1609 = arith.index_cast %add3A_1545 : i32 to index
      %swap3A_1610 = arith.constant 336 : index
      %swap3A_1611 = tpu.vector_load %arg8[%swap3A_1609, %swap3A_1610] {strides = array<i32>} : memref<196x384xf32, #tpu.memory_space<vmem>>, vector<16xf32>,
      tpu.vector_store %arg8[%swap3A_1609, %swap3A_1610], %broadcast_in_dim3A_1541 {strides = array<i32>} : memref<196x384xf32, #tpu.memory_space<vmem>>, vector<16xf32>,
      %swap3A_1612 = arith.index_cast %add3A_1545 : i32 to index
      %swap3A_1613 = arith.constant 352 : index
      %swap3A_1614 = tpu.vector_load %arg8[%swap3A_1612, %swap3A_1613] {strides = array<i32>} : memref<196x384xf32, #tpu.memory_space<vmem>>, vector<16xf32>,
      tpu.vector_store %arg8[%swap3A_1612, %swap3A_1613], %broadcast_in_dim3A_1541 {strides = array<i32>} : memref<196x384xf32, #tpu.memory_space<vmem>>, vector<16xf32>,
      %swap3A_1615 = arith.index_cast %add3A_1545 : i32 to index
      %swap3A_1616 = arith.constant 368 : index
      %swap3A_1617 = tpu.vector_load %arg8[%swap3A_1615, %swap3A_1616] {strides = array<i32>} : memref<196x384xf32, #tpu.memory_space<vmem>>, vector<16xf32>,
      tpu.vector_store %arg8[%swap3A_1615, %swap3A_1616], %broadcast_in_dim3A_1541 {strides = array<i32>} : memref<196x384xf32, #tpu.memory_space<vmem>>, vector<16xf32>,
      %slice3A_1618 = vector.extract_strided_slice %get3A_1301 {offsets = [4], sizes = [1], strides = [1]} : vector<16xf32> to vector<1xf32>
      %squeeze3A_1619 = vector.extract %slice3A_1618[0] : f32 from vector<1xf32>
      %broadcast_in_dim3A_1620 = vector.broadcast %squeeze3A_1619 : f32 to vector<16xf32>
      %mul3A_1621 = arith.constant 16 : i32
      %mul3A_1622 = arith.muli %scan3A_1297, %mul3A_1621 : i32
      %add3A_1623 = arith.constant 4 : i32
      %add3A_1624 = arith.addi %mul3A_1622, %add3A_1623 : i32
      %swap3A_1625 = arith.index_cast %add3A_1624 : i32 to index
      %swap3A_1626 = arith.constant 0 : index
      %swap3A_1627 = tpu.vector_load %arg8[%swap3A_1625, %swap3A_1626] {strides = array<i32>} : memref<196x384xf32, #tpu.memory_space<vmem>>, vector<16xf32>,
      tpu.vector_store %arg8[%swap3A_1625, %swap3A_1626], %broadcast_in_dim3A_1620 {strides = array<i32>} : memref<196x384xf32, #tpu.memory_space<vmem>>, vector<16xf32>,
      %swap3A_1628 = arith.index_cast %add3A_1624 : i32 to index
      %swap3A_1629 = arith.constant 16 : index
      %swap3A_1630 = tpu.vector_load %arg8[%swap3A_1628, %swap3A_1629] {strides = array<i32>} : memref<196x384xf32, #tpu.memory_space<vmem>>, vector<16xf32>,
      tpu.vector_store %arg8[%swap3A_1628, %swap3A_1629], %broadcast_in_dim3A_1620 {strides = array<i32>} : memref<196x384xf32, #tpu.memory_space<vmem>>, vector<16xf32>,
      %swap3A_1631 = arith.index_cast %add3A_1624 : i32 to index
      %swap3A_1632 = arith.constant 32 : index
      %swap3A_1633 = tpu.vector_load %arg8[%swap3A_1631, %swap3A_1632] {strides = array<i32>} : memref<196x384xf32, #tpu.memory_space<vmem>>, vector<16xf32>,
      tpu.vector_store %arg8[%swap3A_1631, %swap3A_1632], %broadcast_in_dim3A_1620 {strides = array<i32>} : memref<196x384xf32, #tpu.memory_space<vmem>>, vector<16xf32>,
      %swap3A_1634 = arith.index_cast %add3A_1624 : i32 to index
      %swap3A_1635 = arith.constant 48 : index
      %swap3A_1636 = tpu.vector_load %arg8[%swap3A_1634, %swap3A_1635] {strides = array<i32>} : memref<196x384xf32, #tpu.memory_space<vmem>>, vector<16xf32>,
      tpu.vector_store %arg8[%swap3A_1634, %swap3A_1635], %broadcast_in_dim3A_1620 {strides = array<i32>} : memref<196x384xf32, #tpu.memory_space<vmem>>, vector<16xf32>,
      %swap3A_1637 = arith.index_cast %add3A_1624 : i32 to index
      %swap3A_1638 = arith.constant 64 : index
      %swap3A_1639 = tpu.vector_load %arg8[%swap3A_1637, %swap3A_1638] {strides = array<i32>} : memref<196x384xf32, #tpu.memory_space<vmem>>, vector<16xf32>,
      tpu.vector_store %arg8[%swap3A_1637, %swap3A_1638], %broadcast_in_dim3A_1620 {strides = array<i32>} : memref<196x384xf32, #tpu.memory_space<vmem>>, vector<16xf32>,
      %swap3A_1640 = arith.index_cast %add3A_1624 : i32 to index
      %swap3A_1641 = arith.constant 80 : index
      %swap3A_1642 = tpu.vector_load %arg8[%swap3A_1640, %swap3A_1641] {strides = array<i32>} : memref<196x384xf32, #tpu.memory_space<vmem>>, vector<16xf32>,
      tpu.vector_store %arg8[%swap3A_1640, %swap3A_1641], %broadcast_in_dim3A_1620 {strides = array<i32>} : memref<196x384xf32, #tpu.memory_space<vmem>>, vector<16xf32>,
      %swap3A_1643 = arith.index_cast %add3A_1624 : i32 to index
      %swap3A_1644 = arith.constant 96 : index
      %swap3A_1645 = tpu.vector_load %arg8[%swap3A_1643, %swap3A_1644] {strides = array<i32>} : memref<196x384xf32, #tpu.memory_space<vmem>>, vector<16xf32>,
      tpu.vector_store %arg8[%swap3A_1643, %swap3A_1644], %broadcast_in_dim3A_1620 {strides = array<i32>} : memref<196x384xf32, #tpu.memory_space<vmem>>, vector<16xf32>,
      %swap3A_1646 = arith.index_cast %add3A_1624 : i32 to index
      %swap3A_1647 = arith.constant 112 : index
      %swap3A_1648 = tpu.vector_load %arg8[%swap3A_1646, %swap3A_1647] {strides = array<i32>} : memref<196x384xf32, #tpu.memory_space<vmem>>, vector<16xf32>,
      tpu.vector_store %arg8[%swap3A_1646, %swap3A_1647], %broadcast_in_dim3A_1620 {strides = array<i32>} : memref<196x384xf32, #tpu.memory_space<vmem>>, vector<16xf32>,
      %swap3A_1649 = arith.index_cast %add3A_1624 : i32 to index
      %swap3A_1650 = arith.constant 128 : index
      %swap3A_1651 = tpu.vector_load %arg8[%swap3A_1649, %swap3A_1650] {strides = array<i32>} : memref<196x384xf32, #tpu.memory_space<vmem>>, vector<16xf32>,
      tpu.vector_store %arg8[%swap3A_1649, %swap3A_1650], %broadcast_in_dim3A_1620 {strides = array<i32>} : memref<196x384xf32, #tpu.memory_space<vmem>>, vector<16xf32>,
      %swap3A_1652 = arith.index_cast %add3A_1624 : i32 to index
      %swap3A_1653 = arith.constant 144 : index
      %swap3A_1654 = tpu.vector_load %arg8[%swap3A_1652, %swap3A_1653] {strides = array<i32>} : memref<196x384xf32, #tpu.memory_space<vmem>>, vector<16xf32>,
      tpu.vector_store %arg8[%swap3A_1652, %swap3A_1653], %broadcast_in_dim3A_1620 {strides = array<i32>} : memref<196x384xf32, #tpu.memory_space<vmem>>, vector<16xf32>,
      %swap3A_1655 = arith.index_cast %add3A_1624 : i32 to index
      %swap3A_1656 = arith.constant 160 : index
      %swap3A_1657 = tpu.vector_load %arg8[%swap3A_1655, %swap3A_1656] {strides = array<i32>} : memref<196x384xf32, #tpu.memory_space<vmem>>, vector<16xf32>,
      tpu.vector_store %arg8[%swap3A_1655, %swap3A_1656], %broadcast_in_dim3A_1620 {strides = array<i32>} : memref<196x384xf32, #tpu.memory_space<vmem>>, vector<16xf32>,
      %swap3A_1658 = arith.index_cast %add3A_1624 : i32 to index
      %swap3A_1659 = arith.constant 176 : index
      %swap3A_1660 = tpu.vector_load %arg8[%swap3A_1658, %swap3A_1659] {strides = array<i32>} : memref<196x384xf32, #tpu.memory_space<vmem>>, vector<16xf32>,
      tpu.vector_store %arg8[%swap3A_1658, %swap3A_1659], %broadcast_in_dim3A_1620 {strides = array<i32>} : memref<196x384xf32, #tpu.memory_space<vmem>>, vector<16xf32>,
      %swap3A_1661 = arith.index_cast %add3A_1624 : i32 to index
      %swap3A_1662 = arith.constant 192 : index
      %swap3A_1663 = tpu.vector_load %arg8[%swap3A_1661, %swap3A_1662] {strides = array<i32>} : memref<196x384xf32, #tpu.memory_space<vmem>>, vector<16xf32>,
      tpu.vector_store %arg8[%swap3A_1661, %swap3A_1662], %broadcast_in_dim3A_1620 {strides = array<i32>} : memref<196x384xf32, #tpu.memory_space<vmem>>, vector<16xf32>,
      %swap3A_1664 = arith.index_cast %add3A_1624 : i32 to index
      %swap3A_1665 = arith.constant 208 : index
      %swap3A_1666 = tpu.vector_load %arg8[%swap3A_1664, %swap3A_1665] {strides = array<i32>} : memref<196x384xf32, #tpu.memory_space<vmem>>, vector<16xf32>,
      tpu.vector_store %arg8[%swap3A_1664, %swap3A_1665], %broadcast_in_dim3A_1620 {strides = array<i32>} : memref<196x384xf32, #tpu.memory_space<vmem>>, vector<16xf32>,
      %swap3A_1667 = arith.index_cast %add3A_1624 : i32 to index
      %swap3A_1668 = arith.constant 224 : index
      %swap3A_1669 = tpu.vector_load %arg8[%swap3A_1667, %swap3A_1668] {strides = array<i32>} : memref<196x384xf32, #tpu.memory_space<vmem>>, vector<16xf32>,
      tpu.vector_store %arg8[%swap3A_1667, %swap3A_1668], %broadcast_in_dim3A_1620 {strides = array<i32>} : memref<196x384xf32, #tpu.memory_space<vmem>>, vector<16xf32>,
      %swap3A_1670 = arith.index_cast %add3A_1624 : i32 to index
      %swap3A_1671 = arith.constant 240 : index
      %swap3A_1672 = tpu.vector_load %arg8[%swap3A_1670, %swap3A_1671] {strides = array<i32>} : memref<196x384xf32, #tpu.memory_space<vmem>>, vector<16xf32>,
      tpu.vector_store %arg8[%swap3A_1670, %swap3A_1671], %broadcast_in_dim3A_1620 {strides = array<i32>} : memref<196x384xf32, #tpu.memory_space<vmem>>, vector<16xf32>,
      %swap3A_1673 = arith.index_cast %add3A_1624 : i32 to index
      %swap3A_1674 = arith.constant 256 : index
      %swap3A_1675 = tpu.vector_load %arg8[%swap3A_1673, %swap3A_1674] {strides = array<i32>} : memref<196x384xf32, #tpu.memory_space<vmem>>, vector<16xf32>,
      tpu.vector_store %arg8[%swap3A_1673, %swap3A_1674], %broadcast_in_dim3A_1620 {strides = array<i32>} : memref<196x384xf32, #tpu.memory_space<vmem>>, vector<16xf32>,
      %swap3A_1676 = arith.index_cast %add3A_1624 : i32 to index
      %swap3A_1677 = arith.constant 272 : index
      %swap3A_1678 = tpu.vector_load %arg8[%swap3A_1676, %swap3A_1677] {strides = array<i32>} : memref<196x384xf32, #tpu.memory_space<vmem>>, vector<16xf32>,
      tpu.vector_store %arg8[%swap3A_1676, %swap3A_1677], %broadcast_in_dim3A_1620 {strides = array<i32>} : memref<196x384xf32, #tpu.memory_space<vmem>>, vector<16xf32>,
      %swap3A_1679 = arith.index_cast %add3A_1624 : i32 to index
      %swap3A_1680 = arith.constant 288 : index
      %swap3A_1681 = tpu.vector_load %arg8[%swap3A_1679, %swap3A_1680] {strides = array<i32>} : memref<196x384xf32, #tpu.memory_space<vmem>>, vector<16xf32>,
      tpu.vector_store %arg8[%swap3A_1679, %swap3A_1680], %broadcast_in_dim3A_1620 {strides = array<i32>} : memref<196x384xf32, #tpu.memory_space<vmem>>, vector<16xf32>,
      %swap3A_1682 = arith.index_cast %add3A_1624 : i32 to index
      %swap3A_1683 = arith.constant 304 : index
      %swap3A_1684 = tpu.vector_load %arg8[%swap3A_1682, %swap3A_1683] {strides = array<i32>} : memref<196x384xf32, #tpu.memory_space<vmem>>, vector<16xf32>,
      tpu.vector_store %arg8[%swap3A_1682, %swap3A_1683], %broadcast_in_dim3A_1620 {strides = array<i32>} : memref<196x384xf32, #tpu.memory_space<vmem>>, vector<16xf32>,
      %swap3A_1685 = arith.index_cast %add3A_1624 : i32 to index
      %swap3A_1686 = arith.constant 320 : index
      %swap3A_1687 = tpu.vector_load %arg8[%swap3A_1685, %swap3A_1686] {strides = array<i32>} : memref<196x384xf32, #tpu.memory_space<vmem>>, vector<16xf32>,
      tpu.vector_store %arg8[%swap3A_1685, %swap3A_1686], %broadcast_in_dim3A_1620 {strides = array<i32>} : memref<196x384xf32, #tpu.memory_space<vmem>>, vector<16xf32>,
      %swap3A_1688 = arith.index_cast %add3A_1624 : i32 to index
      %swap3A_1689 = arith.constant 336 : index
      %swap3A_1690 = tpu.vector_load %arg8[%swap3A_1688, %swap3A_1689] {strides = array<i32>} : memref<196x384xf32, #tpu.memory_space<vmem>>, vector<16xf32>,
      tpu.vector_store %arg8[%swap3A_1688, %swap3A_1689], %broadcast_in_dim3A_1620 {strides = array<i32>} : memref<196x384xf32, #tpu.memory_space<vmem>>, vector<16xf32>,
      %swap3A_1691 = arith.index_cast %add3A_1624 : i32 to index
      %swap3A_1692 = arith.constant 352 : index
      %swap3A_1693 = tpu.vector_load %arg8[%swap3A_1691, %swap3A_1692] {strides = array<i32>} : memref<196x384xf32, #tpu.memory_space<vmem>>, vector<16xf32>,
      tpu.vector_store %arg8[%swap3A_1691, %swap3A_1692], %broadcast_in_dim3A_1620 {strides = array<i32>} : memref<196x384xf32, #tpu.memory_space<vmem>>, vector<16xf32>,
      %swap3A_1694 = arith.index_cast %add3A_1624 : i32 to index
      %swap3A_1695 = arith.constant 368 : index
      %swap3A_1696 = tpu.vector_load %arg8[%swap3A_1694, %swap3A_1695] {strides = array<i32>} : memref<196x384xf32, #tpu.memory_space<vmem>>, vector<16xf32>,
      tpu.vector_store %arg8[%swap3A_1694, %swap3A_1695], %broadcast_in_dim3A_1620 {strides = array<i32>} : memref<196x384xf32, #tpu.memory_space<vmem>>, vector<16xf32>,
      %slice3A_1697 = vector.extract_strided_slice %get3A_1301 {offsets = [5], sizes = [1], strides = [1]} : vector<16xf32> to vector<1xf32>
      %squeeze3A_1698 = vector.extract %slice3A_1697[0] : f32 from vector<1xf32>
      %broadcast_in_dim3A_1699 = vector.broadcast %squeeze3A_1698 : f32 to vector<16xf32>
      %mul3A_1700 = arith.constant 16 : i32
      %mul3A_1701 = arith.muli %scan3A_1297, %mul3A_1700 : i32
      %add3A_1702 = arith.constant 5 : i32
      %add3A_1703 = arith.addi %mul3A_1701, %add3A_1702 : i32
      %swap3A_1704 = arith.index_cast %add3A_1703 : i32 to index
      %swap3A_1705 = arith.constant 0 : index
      %swap3A_1706 = tpu.vector_load %arg8[%swap3A_1704, %swap3A_1705] {strides = array<i32>} : memref<196x384xf32, #tpu.memory_space<vmem>>, vector<16xf32>,
      tpu.vector_store %arg8[%swap3A_1704, %swap3A_1705], %broadcast_in_dim3A_1699 {strides = array<i32>} : memref<196x384xf32, #tpu.memory_space<vmem>>, vector<16xf32>,
      %swap3A_1707 = arith.index_cast %add3A_1703 : i32 to index
      %swap3A_1708 = arith.constant 16 : index
      %swap3A_1709 = tpu.vector_load %arg8[%swap3A_1707, %swap3A_1708] {strides = array<i32>} : memref<196x384xf32, #tpu.memory_space<vmem>>, vector<16xf32>,
      tpu.vector_store %arg8[%swap3A_1707, %swap3A_1708], %broadcast_in_dim3A_1699 {strides = array<i32>} : memref<196x384xf32, #tpu.memory_space<vmem>>, vector<16xf32>,
      %swap3A_1710 = arith.index_cast %add3A_1703 : i32 to index
      %swap3A_1711 = arith.constant 32 : index
      %swap3A_1712 = tpu.vector_load %arg8[%swap3A_1710, %swap3A_1711] {strides = array<i32>} : memref<196x384xf32, #tpu.memory_space<vmem>>, vector<16xf32>,
      tpu.vector_store %arg8[%swap3A_1710, %swap3A_1711], %broadcast_in_dim3A_1699 {strides = array<i32>} : memref<196x384xf32, #tpu.memory_space<vmem>>, vector<16xf32>,
      %swap3A_1713 = arith.index_cast %add3A_1703 : i32 to index
      %swap3A_1714 = arith.constant 48 : index
      %swap3A_1715 = tpu.vector_load %arg8[%swap3A_1713, %swap3A_1714] {strides = array<i32>} : memref<196x384xf32, #tpu.memory_space<vmem>>, vector<16xf32>,
      tpu.vector_store %arg8[%swap3A_1713, %swap3A_1714], %broadcast_in_dim3A_1699 {strides = array<i32>} : memref<196x384xf32, #tpu.memory_space<vmem>>, vector<16xf32>,
      %swap3A_1716 = arith.index_cast %add3A_1703 : i32 to index
      %swap3A_1717 = arith.constant 64 : index
      %swap3A_1718 = tpu.vector_load %arg8[%swap3A_1716, %swap3A_1717] {strides = array<i32>} : memref<196x384xf32, #tpu.memory_space<vmem>>, vector<16xf32>,
      tpu.vector_store %arg8[%swap3A_1716, %swap3A_1717], %broadcast_in_dim3A_1699 {strides = array<i32>} : memref<196x384xf32, #tpu.memory_space<vmem>>, vector<16xf32>,
      %swap3A_1719 = arith.index_cast %add3A_1703 : i32 to index
      %swap3A_1720 = arith.constant 80 : index
      %swap3A_1721 = tpu.vector_load %arg8[%swap3A_1719, %swap3A_1720] {strides = array<i32>} : memref<196x384xf32, #tpu.memory_space<vmem>>, vector<16xf32>,
      tpu.vector_store %arg8[%swap3A_1719, %swap3A_1720], %broadcast_in_dim3A_1699 {strides = array<i32>} : memref<196x384xf32, #tpu.memory_space<vmem>>, vector<16xf32>,
      %swap3A_1722 = arith.index_cast %add3A_1703 : i32 to index
      %swap3A_1723 = arith.constant 96 : index
      %swap3A_1724 = tpu.vector_load %arg8[%swap3A_1722, %swap3A_1723] {strides = array<i32>} : memref<196x384xf32, #tpu.memory_space<vmem>>, vector<16xf32>,
      tpu.vector_store %arg8[%swap3A_1722, %swap3A_1723], %broadcast_in_dim3A_1699 {strides = array<i32>} : memref<196x384xf32, #tpu.memory_space<vmem>>, vector<16xf32>,
      %swap3A_1725 = arith.index_cast %add3A_1703 : i32 to index
      %swap3A_1726 = arith.constant 112 : index
      %swap3A_1727 = tpu.vector_load %arg8[%swap3A_1725, %swap3A_1726] {strides = array<i32>} : memref<196x384xf32, #tpu.memory_space<vmem>>, vector<16xf32>,
      tpu.vector_store %arg8[%swap3A_1725, %swap3A_1726], %broadcast_in_dim3A_1699 {strides = array<i32>} : memref<196x384xf32, #tpu.memory_space<vmem>>, vector<16xf32>,
      %swap3A_1728 = arith.index_cast %add3A_1703 : i32 to index
      %swap3A_1729 = arith.constant 128 : index
      %swap3A_1730 = tpu.vector_load %arg8[%swap3A_1728, %swap3A_1729] {strides = array<i32>} : memref<196x384xf32, #tpu.memory_space<vmem>>, vector<16xf32>,
      tpu.vector_store %arg8[%swap3A_1728, %swap3A_1729], %broadcast_in_dim3A_1699 {strides = array<i32>} : memref<196x384xf32, #tpu.memory_space<vmem>>, vector<16xf32>,
      %swap3A_1731 = arith.index_cast %add3A_1703 : i32 to index
      %swap3A_1732 = arith.constant 144 : index
      %swap3A_1733 = tpu.vector_load %arg8[%swap3A_1731, %swap3A_1732] {strides = array<i32>} : memref<196x384xf32, #tpu.memory_space<vmem>>, vector<16xf32>,
      tpu.vector_store %arg8[%swap3A_1731, %swap3A_1732], %broadcast_in_dim3A_1699 {strides = array<i32>} : memref<196x384xf32, #tpu.memory_space<vmem>>, vector<16xf32>,
      %swap3A_1734 = arith.index_cast %add3A_1703 : i32 to index
      %swap3A_1735 = arith.constant 160 : index
      %swap3A_1736 = tpu.vector_load %arg8[%swap3A_1734, %swap3A_1735] {strides = array<i32>} : memref<196x384xf32, #tpu.memory_space<vmem>>, vector<16xf32>,
      tpu.vector_store %arg8[%swap3A_1734, %swap3A_1735], %broadcast_in_dim3A_1699 {strides = array<i32>} : memref<196x384xf32, #tpu.memory_space<vmem>>, vector<16xf32>,
      %swap3A_1737 = arith.index_cast %add3A_1703 : i32 to index
      %swap3A_1738 = arith.constant 176 : index
      %swap3A_1739 = tpu.vector_load %arg8[%swap3A_1737, %swap3A_1738] {strides = array<i32>} : memref<196x384xf32, #tpu.memory_space<vmem>>, vector<16xf32>,
      tpu.vector_store %arg8[%swap3A_1737, %swap3A_1738], %broadcast_in_dim3A_1699 {strides = array<i32>} : memref<196x384xf32, #tpu.memory_space<vmem>>, vector<16xf32>,
      %swap3A_1740 = arith.index_cast %add3A_1703 : i32 to index
      %swap3A_1741 = arith.constant 192 : index
      %swap3A_1742 = tpu.vector_load %arg8[%swap3A_1740, %swap3A_1741] {strides = array<i32>} : memref<196x384xf32, #tpu.memory_space<vmem>>, vector<16xf32>,
      tpu.vector_store %arg8[%swap3A_1740, %swap3A_1741], %broadcast_in_dim3A_1699 {strides = array<i32>} : memref<196x384xf32, #tpu.memory_space<vmem>>, vector<16xf32>,
      %swap3A_1743 = arith.index_cast %add3A_1703 : i32 to index
      %swap3A_1744 = arith.constant 208 : index
      %swap3A_1745 = tpu.vector_load %arg8[%swap3A_1743, %swap3A_1744] {strides = array<i32>} : memref<196x384xf32, #tpu.memory_space<vmem>>, vector<16xf32>,
      tpu.vector_store %arg8[%swap3A_1743, %swap3A_1744], %broadcast_in_dim3A_1699 {strides = array<i32>} : memref<196x384xf32, #tpu.memory_space<vmem>>, vector<16xf32>,
      %swap3A_1746 = arith.index_cast %add3A_1703 : i32 to index
      %swap3A_1747 = arith.constant 224 : index
      %swap3A_1748 = tpu.vector_load %arg8[%swap3A_1746, %swap3A_1747] {strides = array<i32>} : memref<196x384xf32, #tpu.memory_space<vmem>>, vector<16xf32>,
      tpu.vector_store %arg8[%swap3A_1746, %swap3A_1747], %broadcast_in_dim3A_1699 {strides = array<i32>} : memref<196x384xf32, #tpu.memory_space<vmem>>, vector<16xf32>,
      %swap3A_1749 = arith.index_cast %add3A_1703 : i32 to index
      %swap3A_1750 = arith.constant 240 : index
      %swap3A_1751 = tpu.vector_load %arg8[%swap3A_1749, %swap3A_1750] {strides = array<i32>} : memref<196x384xf32, #tpu.memory_space<vmem>>, vector<16xf32>,
      tpu.vector_store %arg8[%swap3A_1749, %swap3A_1750], %broadcast_in_dim3A_1699 {strides = array<i32>} : memref<196x384xf32, #tpu.memory_space<vmem>>, vector<16xf32>,
      %swap3A_1752 = arith.index_cast %add3A_1703 : i32 to index
      %swap3A_1753 = arith.constant 256 : index
      %swap3A_1754 = tpu.vector_load %arg8[%swap3A_1752, %swap3A_1753] {strides = array<i32>} : memref<196x384xf32, #tpu.memory_space<vmem>>, vector<16xf32>,
      tpu.vector_store %arg8[%swap3A_1752, %swap3A_1753], %broadcast_in_dim3A_1699 {strides = array<i32>} : memref<196x384xf32, #tpu.memory_space<vmem>>, vector<16xf32>,
      %swap3A_1755 = arith.index_cast %add3A_1703 : i32 to index
      %swap3A_1756 = arith.constant 272 : index
      %swap3A_1757 = tpu.vector_load %arg8[%swap3A_1755, %swap3A_1756] {strides = array<i32>} : memref<196x384xf32, #tpu.memory_space<vmem>>, vector<16xf32>,
      tpu.vector_store %arg8[%swap3A_1755, %swap3A_1756], %broadcast_in_dim3A_1699 {strides = array<i32>} : memref<196x384xf32, #tpu.memory_space<vmem>>, vector<16xf32>,
      %swap3A_1758 = arith.index_cast %add3A_1703 : i32 to index
      %swap3A_1759 = arith.constant 288 : index
      %swap3A_1760 = tpu.vector_load %arg8[%swap3A_1758, %swap3A_1759] {strides = array<i32>} : memref<196x384xf32, #tpu.memory_space<vmem>>, vector<16xf32>,
      tpu.vector_store %arg8[%swap3A_1758, %swap3A_1759], %broadcast_in_dim3A_1699 {strides = array<i32>} : memref<196x384xf32, #tpu.memory_space<vmem>>, vector<16xf32>,
      %swap3A_1761 = arith.index_cast %add3A_1703 : i32 to index
      %swap3A_1762 = arith.constant 304 : index
      %swap3A_1763 = tpu.vector_load %arg8[%swap3A_1761, %swap3A_1762] {strides = array<i32>} : memref<196x384xf32, #tpu.memory_space<vmem>>, vector<16xf32>,
      tpu.vector_store %arg8[%swap3A_1761, %swap3A_1762], %broadcast_in_dim3A_1699 {strides = array<i32>} : memref<196x384xf32, #tpu.memory_space<vmem>>, vector<16xf32>,
      %swap3A_1764 = arith.index_cast %add3A_1703 : i32 to index
      %swap3A_1765 = arith.constant 320 : index
      %swap3A_1766 = tpu.vector_load %arg8[%swap3A_1764, %swap3A_1765] {strides = array<i32>} : memref<196x384xf32, #tpu.memory_space<vmem>>, vector<16xf32>,
      tpu.vector_store %arg8[%swap3A_1764, %swap3A_1765], %broadcast_in_dim3A_1699 {strides = array<i32>} : memref<196x384xf32, #tpu.memory_space<vmem>>, vector<16xf32>,
      %swap3A_1767 = arith.index_cast %add3A_1703 : i32 to index
      %swap3A_1768 = arith.constant 336 : index
      %swap3A_1769 = tpu.vector_load %arg8[%swap3A_1767, %swap3A_1768] {strides = array<i32>} : memref<196x384xf32, #tpu.memory_space<vmem>>, vector<16xf32>,
      tpu.vector_store %arg8[%swap3A_1767, %swap3A_1768], %broadcast_in_dim3A_1699 {strides = array<i32>} : memref<196x384xf32, #tpu.memory_space<vmem>>, vector<16xf32>,
      %swap3A_1770 = arith.index_cast %add3A_1703 : i32 to index
      %swap3A_1771 = arith.constant 352 : index
      %swap3A_1772 = tpu.vector_load %arg8[%swap3A_1770, %swap3A_1771] {strides = array<i32>} : memref<196x384xf32, #tpu.memory_space<vmem>>, vector<16xf32>,
      tpu.vector_store %arg8[%swap3A_1770, %swap3A_1771], %broadcast_in_dim3A_1699 {strides = array<i32>} : memref<196x384xf32, #tpu.memory_space<vmem>>, vector<16xf32>,
      %swap3A_1773 = arith.index_cast %add3A_1703 : i32 to index
      %swap3A_1774 = arith.constant 368 : index
      %swap3A_1775 = tpu.vector_load %arg8[%swap3A_1773, %swap3A_1774] {strides = array<i32>} : memref<196x384xf32, #tpu.memory_space<vmem>>, vector<16xf32>,
      tpu.vector_store %arg8[%swap3A_1773, %swap3A_1774], %broadcast_in_dim3A_1699 {strides = array<i32>} : memref<196x384xf32, #tpu.memory_space<vmem>>, vector<16xf32>,
      %slice3A_1776 = vector.extract_strided_slice %get3A_1301 {offsets = [6], sizes = [1], strides = [1]} : vector<16xf32> to vector<1xf32>
      %squeeze3A_1777 = vector.extract %slice3A_1776[0] : f32 from vector<1xf32>
      %broadcast_in_dim3A_1778 = vector.broadcast %squeeze3A_1777 : f32 to vector<16xf32>
      %mul3A_1779 = arith.constant 16 : i32
      %mul3A_1780 = arith.muli %scan3A_1297, %mul3A_1779 : i32
      %add3A_1781 = arith.constant 6 : i32
      %add3A_1782 = arith.addi %mul3A_1780, %add3A_1781 : i32
      %swap3A_1783 = arith.index_cast %add3A_1782 : i32 to index
      %swap3A_1784 = arith.constant 0 : index
      %swap3A_1785 = tpu.vector_load %arg8[%swap3A_1783, %swap3A_1784] {strides = array<i32>} : memref<196x384xf32, #tpu.memory_space<vmem>>, vector<16xf32>,
      tpu.vector_store %arg8[%swap3A_1783, %swap3A_1784], %broadcast_in_dim3A_1778 {strides = array<i32>} : memref<196x384xf32, #tpu.memory_space<vmem>>, vector<16xf32>,
      %swap3A_1786 = arith.index_cast %add3A_1782 : i32 to index
      %swap3A_1787 = arith.constant 16 : index
      %swap3A_1788 = tpu.vector_load %arg8[%swap3A_1786, %swap3A_1787] {strides = array<i32>} : memref<196x384xf32, #tpu.memory_space<vmem>>, vector<16xf32>,
      tpu.vector_store %arg8[%swap3A_1786, %swap3A_1787], %broadcast_in_dim3A_1778 {strides = array<i32>} : memref<196x384xf32, #tpu.memory_space<vmem>>, vector<16xf32>,
      %swap3A_1789 = arith.index_cast %add3A_1782 : i32 to index
      %swap3A_1790 = arith.constant 32 : index
      %swap3A_1791 = tpu.vector_load %arg8[%swap3A_1789, %swap3A_1790] {strides = array<i32>} : memref<196x384xf32, #tpu.memory_space<vmem>>, vector<16xf32>,
      tpu.vector_store %arg8[%swap3A_1789, %swap3A_1790], %broadcast_in_dim3A_1778 {strides = array<i32>} : memref<196x384xf32, #tpu.memory_space<vmem>>, vector<16xf32>,
      %swap3A_1792 = arith.index_cast %add3A_1782 : i32 to index
      %swap3A_1793 = arith.constant 48 : index
      %swap3A_1794 = tpu.vector_load %arg8[%swap3A_1792, %swap3A_1793] {strides = array<i32>} : memref<196x384xf32, #tpu.memory_space<vmem>>, vector<16xf32>,
      tpu.vector_store %arg8[%swap3A_1792, %swap3A_1793], %broadcast_in_dim3A_1778 {strides = array<i32>} : memref<196x384xf32, #tpu.memory_space<vmem>>, vector<16xf32>,
      %swap3A_1795 = arith.index_cast %add3A_1782 : i32 to index
      %swap3A_1796 = arith.constant 64 : index
      %swap3A_1797 = tpu.vector_load %arg8[%swap3A_1795, %swap3A_1796] {strides = array<i32>} : memref<196x384xf32, #tpu.memory_space<vmem>>, vector<16xf32>,
      tpu.vector_store %arg8[%swap3A_1795, %swap3A_1796], %broadcast_in_dim3A_1778 {strides = array<i32>} : memref<196x384xf32, #tpu.memory_space<vmem>>, vector<16xf32>,
      %swap3A_1798 = arith.index_cast %add3A_1782 : i32 to index
      %swap3A_1799 = arith.constant 80 : index
      %swap3A_1800 = tpu.vector_load %arg8[%swap3A_1798, %swap3A_1799] {strides = array<i32>} : memref<196x384xf32, #tpu.memory_space<vmem>>, vector<16xf32>,
      tpu.vector_store %arg8[%swap3A_1798, %swap3A_1799], %broadcast_in_dim3A_1778 {strides = array<i32>} : memref<196x384xf32, #tpu.memory_space<vmem>>, vector<16xf32>,
      %swap3A_1801 = arith.index_cast %add3A_1782 : i32 to index
      %swap3A_1802 = arith.constant 96 : index
      %swap3A_1803 = tpu.vector_load %arg8[%swap3A_1801, %swap3A_1802] {strides = array<i32>} : memref<196x384xf32, #tpu.memory_space<vmem>>, vector<16xf32>,
      tpu.vector_store %arg8[%swap3A_1801, %swap3A_1802], %broadcast_in_dim3A_1778 {strides = array<i32>} : memref<196x384xf32, #tpu.memory_space<vmem>>, vector<16xf32>,
      %swap3A_1804 = arith.index_cast %add3A_1782 : i32 to index
      %swap3A_1805 = arith.constant 112 : index
      %swap3A_1806 = tpu.vector_load %arg8[%swap3A_1804, %swap3A_1805] {strides = array<i32>} : memref<196x384xf32, #tpu.memory_space<vmem>>, vector<16xf32>,
      tpu.vector_store %arg8[%swap3A_1804, %swap3A_1805], %broadcast_in_dim3A_1778 {strides = array<i32>} : memref<196x384xf32, #tpu.memory_space<vmem>>, vector<16xf32>,
      %swap3A_1807 = arith.index_cast %add3A_1782 : i32 to index
      %swap3A_1808 = arith.constant 128 : index
      %swap3A_1809 = tpu.vector_load %arg8[%swap3A_1807, %swap3A_1808] {strides = array<i32>} : memref<196x384xf32, #tpu.memory_space<vmem>>, vector<16xf32>,
      tpu.vector_store %arg8[%swap3A_1807, %swap3A_1808], %broadcast_in_dim3A_1778 {strides = array<i32>} : memref<196x384xf32, #tpu.memory_space<vmem>>, vector<16xf32>,
      %swap3A_1810 = arith.index_cast %add3A_1782 : i32 to index
      %swap3A_1811 = arith.constant 144 : index
      %swap3A_1812 = tpu.vector_load %arg8[%swap3A_1810, %swap3A_1811] {strides = array<i32>} : memref<196x384xf32, #tpu.memory_space<vmem>>, vector<16xf32>,
      tpu.vector_store %arg8[%swap3A_1810, %swap3A_1811], %broadcast_in_dim3A_1778 {strides = array<i32>} : memref<196x384xf32, #tpu.memory_space<vmem>>, vector<16xf32>,
      %swap3A_1813 = arith.index_cast %add3A_1782 : i32 to index
      %swap3A_1814 = arith.constant 160 : index
      %swap3A_1815 = tpu.vector_load %arg8[%swap3A_1813, %swap3A_1814] {strides = array<i32>} : memref<196x384xf32, #tpu.memory_space<vmem>>, vector<16xf32>,
      tpu.vector_store %arg8[%swap3A_1813, %swap3A_1814], %broadcast_in_dim3A_1778 {strides = array<i32>} : memref<196x384xf32, #tpu.memory_space<vmem>>, vector<16xf32>,
      %swap3A_1816 = arith.index_cast %add3A_1782 : i32 to index
      %swap3A_1817 = arith.constant 176 : index
      %swap3A_1818 = tpu.vector_load %arg8[%swap3A_1816, %swap3A_1817] {strides = array<i32>} : memref<196x384xf32, #tpu.memory_space<vmem>>, vector<16xf32>,
      tpu.vector_store %arg8[%swap3A_1816, %swap3A_1817], %broadcast_in_dim3A_1778 {strides = array<i32>} : memref<196x384xf32, #tpu.memory_space<vmem>>, vector<16xf32>,
      %swap3A_1819 = arith.index_cast %add3A_1782 : i32 to index
      %swap3A_1820 = arith.constant 192 : index
      %swap3A_1821 = tpu.vector_load %arg8[%swap3A_1819, %swap3A_1820] {strides = array<i32>} : memref<196x384xf32, #tpu.memory_space<vmem>>, vector<16xf32>,
      tpu.vector_store %arg8[%swap3A_1819, %swap3A_1820], %broadcast_in_dim3A_1778 {strides = array<i32>} : memref<196x384xf32, #tpu.memory_space<vmem>>, vector<16xf32>,
      %swap3A_1822 = arith.index_cast %add3A_1782 : i32 to index
      %swap3A_1823 = arith.constant 208 : index
      %swap3A_1824 = tpu.vector_load %arg8[%swap3A_1822, %swap3A_1823] {strides = array<i32>} : memref<196x384xf32, #tpu.memory_space<vmem>>, vector<16xf32>,
      tpu.vector_store %arg8[%swap3A_1822, %swap3A_1823], %broadcast_in_dim3A_1778 {strides = array<i32>} : memref<196x384xf32, #tpu.memory_space<vmem>>, vector<16xf32>,
      %swap3A_1825 = arith.index_cast %add3A_1782 : i32 to index
      %swap3A_1826 = arith.constant 224 : index
      %swap3A_1827 = tpu.vector_load %arg8[%swap3A_1825, %swap3A_1826] {strides = array<i32>} : memref<196x384xf32, #tpu.memory_space<vmem>>, vector<16xf32>,
      tpu.vector_store %arg8[%swap3A_1825, %swap3A_1826], %broadcast_in_dim3A_1778 {strides = array<i32>} : memref<196x384xf32, #tpu.memory_space<vmem>>, vector<16xf32>,
      %swap3A_1828 = arith.index_cast %add3A_1782 : i32 to index
      %swap3A_1829 = arith.constant 240 : index
      %swap3A_1830 = tpu.vector_load %arg8[%swap3A_1828, %swap3A_1829] {strides = array<i32>} : memref<196x384xf32, #tpu.memory_space<vmem>>, vector<16xf32>,
      tpu.vector_store %arg8[%swap3A_1828, %swap3A_1829], %broadcast_in_dim3A_1778 {strides = array<i32>} : memref<196x384xf32, #tpu.memory_space<vmem>>, vector<16xf32>,
      %swap3A_1831 = arith.index_cast %add3A_1782 : i32 to index
      %swap3A_1832 = arith.constant 256 : index
      %swap3A_1833 = tpu.vector_load %arg8[%swap3A_1831, %swap3A_1832] {strides = array<i32>} : memref<196x384xf32, #tpu.memory_space<vmem>>, vector<16xf32>,
      tpu.vector_store %arg8[%swap3A_1831, %swap3A_1832], %broadcast_in_dim3A_1778 {strides = array<i32>} : memref<196x384xf32, #tpu.memory_space<vmem>>, vector<16xf32>,
      %swap3A_1834 = arith.index_cast %add3A_1782 : i32 to index
      %swap3A_1835 = arith.constant 272 : index
      %swap3A_1836 = tpu.vector_load %arg8[%swap3A_1834, %swap3A_1835] {strides = array<i32>} : memref<196x384xf32, #tpu.memory_space<vmem>>, vector<16xf32>,
      tpu.vector_store %arg8[%swap3A_1834, %swap3A_1835], %broadcast_in_dim3A_1778 {strides = array<i32>} : memref<196x384xf32, #tpu.memory_space<vmem>>, vector<16xf32>,
      %swap3A_1837 = arith.index_cast %add3A_1782 : i32 to index
      %swap3A_1838 = arith.constant 288 : index
      %swap3A_1839 = tpu.vector_load %arg8[%swap3A_1837, %swap3A_1838] {strides = array<i32>} : memref<196x384xf32, #tpu.memory_space<vmem>>, vector<16xf32>,
      tpu.vector_store %arg8[%swap3A_1837, %swap3A_1838], %broadcast_in_dim3A_1778 {strides = array<i32>} : memref<196x384xf32, #tpu.memory_space<vmem>>, vector<16xf32>,
      %swap3A_1840 = arith.index_cast %add3A_1782 : i32 to index
      %swap3A_1841 = arith.constant 304 : index
      %swap3A_1842 = tpu.vector_load %arg8[%swap3A_1840, %swap3A_1841] {strides = array<i32>} : memref<196x384xf32, #tpu.memory_space<vmem>>, vector<16xf32>,
      tpu.vector_store %arg8[%swap3A_1840, %swap3A_1841], %broadcast_in_dim3A_1778 {strides = array<i32>} : memref<196x384xf32, #tpu.memory_space<vmem>>, vector<16xf32>,
      %swap3A_1843 = arith.index_cast %add3A_1782 : i32 to index
      %swap3A_1844 = arith.constant 320 : index
      %swap3A_1845 = tpu.vector_load %arg8[%swap3A_1843, %swap3A_1844] {strides = array<i32>} : memref<196x384xf32, #tpu.memory_space<vmem>>, vector<16xf32>,
      tpu.vector_store %arg8[%swap3A_1843, %swap3A_1844], %broadcast_in_dim3A_1778 {strides = array<i32>} : memref<196x384xf32, #tpu.memory_space<vmem>>, vector<16xf32>,
      %swap3A_1846 = arith.index_cast %add3A_1782 : i32 to index
      %swap3A_1847 = arith.constant 336 : index
      %swap3A_1848 = tpu.vector_load %arg8[%swap3A_1846, %swap3A_1847] {strides = array<i32>} : memref<196x384xf32, #tpu.memory_space<vmem>>, vector<16xf32>,
      tpu.vector_store %arg8[%swap3A_1846, %swap3A_1847], %broadcast_in_dim3A_1778 {strides = array<i32>} : memref<196x384xf32, #tpu.memory_space<vmem>>, vector<16xf32>,
      %swap3A_1849 = arith.index_cast %add3A_1782 : i32 to index
      %swap3A_1850 = arith.constant 352 : index
      %swap3A_1851 = tpu.vector_load %arg8[%swap3A_1849, %swap3A_1850] {strides = array<i32>} : memref<196x384xf32, #tpu.memory_space<vmem>>, vector<16xf32>,
      tpu.vector_store %arg8[%swap3A_1849, %swap3A_1850], %broadcast_in_dim3A_1778 {strides = array<i32>} : memref<196x384xf32, #tpu.memory_space<vmem>>, vector<16xf32>,
      %swap3A_1852 = arith.index_cast %add3A_1782 : i32 to index
      %swap3A_1853 = arith.constant 368 : index
      %swap3A_1854 = tpu.vector_load %arg8[%swap3A_1852, %swap3A_1853] {strides = array<i32>} : memref<196x384xf32, #tpu.memory_space<vmem>>, vector<16xf32>,
      tpu.vector_store %arg8[%swap3A_1852, %swap3A_1853], %broadcast_in_dim3A_1778 {strides = array<i32>} : memref<196x384xf32, #tpu.memory_space<vmem>>, vector<16xf32>,
      %slice3A_1855 = vector.extract_strided_slice %get3A_1301 {offsets = [7], sizes = [1], strides = [1]} : vector<16xf32> to vector<1xf32>
      %squeeze3A_1856 = vector.extract %slice3A_1855[0] : f32 from vector<1xf32>
      %broadcast_in_dim3A_1857 = vector.broadcast %squeeze3A_1856 : f32 to vector<16xf32>
      %mul3A_1858 = arith.constant 16 : i32
      %mul3A_1859 = arith.muli %scan3A_1297, %mul3A_1858 : i32
      %add3A_1860 = arith.constant 7 : i32
      %add3A_1861 = arith.addi %mul3A_1859, %add3A_1860 : i32
      %swap3A_1862 = arith.index_cast %add3A_1861 : i32 to index
      %swap3A_1863 = arith.constant 0 : index
      %swap3A_1864 = tpu.vector_load %arg8[%swap3A_1862, %swap3A_1863] {strides = array<i32>} : memref<196x384xf32, #tpu.memory_space<vmem>>, vector<16xf32>,
      tpu.vector_store %arg8[%swap3A_1862, %swap3A_1863], %broadcast_in_dim3A_1857 {strides = array<i32>} : memref<196x384xf32, #tpu.memory_space<vmem>>, vector<16xf32>,
      %swap3A_1865 = arith.index_cast %add3A_1861 : i32 to index
      %swap3A_1866 = arith.constant 16 : index
      %swap3A_1867 = tpu.vector_load %arg8[%swap3A_1865, %swap3A_1866] {strides = array<i32>} : memref<196x384xf32, #tpu.memory_space<vmem>>, vector<16xf32>,
      tpu.vector_store %arg8[%swap3A_1865, %swap3A_1866], %broadcast_in_dim3A_1857 {strides = array<i32>} : memref<196x384xf32, #tpu.memory_space<vmem>>, vector<16xf32>,
      %swap3A_1868 = arith.index_cast %add3A_1861 : i32 to index
      %swap3A_1869 = arith.constant 32 : index
      %swap3A_1870 = tpu.vector_load %arg8[%swap3A_1868, %swap3A_1869] {strides = array<i32>} : memref<196x384xf32, #tpu.memory_space<vmem>>, vector<16xf32>,
      tpu.vector_store %arg8[%swap3A_1868, %swap3A_1869], %broadcast_in_dim3A_1857 {strides = array<i32>} : memref<196x384xf32, #tpu.memory_space<vmem>>, vector<16xf32>,
      %swap3A_1871 = arith.index_cast %add3A_1861 : i32 to index
      %swap3A_1872 = arith.constant 48 : index
      %swap3A_1873 = tpu.vector_load %arg8[%swap3A_1871, %swap3A_1872] {strides = array<i32>} : memref<196x384xf32, #tpu.memory_space<vmem>>, vector<16xf32>,
      tpu.vector_store %arg8[%swap3A_1871, %swap3A_1872], %broadcast_in_dim3A_1857 {strides = array<i32>} : memref<196x384xf32, #tpu.memory_space<vmem>>, vector<16xf32>,
      %swap3A_1874 = arith.index_cast %add3A_1861 : i32 to index
      %swap3A_1875 = arith.constant 64 : index
      %swap3A_1876 = tpu.vector_load %arg8[%swap3A_1874, %swap3A_1875] {strides = array<i32>} : memref<196x384xf32, #tpu.memory_space<vmem>>, vector<16xf32>,
      tpu.vector_store %arg8[%swap3A_1874, %swap3A_1875], %broadcast_in_dim3A_1857 {strides = array<i32>} : memref<196x384xf32, #tpu.memory_space<vmem>>, vector<16xf32>,
      %swap3A_1877 = arith.index_cast %add3A_1861 : i32 to index
      %swap3A_1878 = arith.constant 80 : index
      %swap3A_1879 = tpu.vector_load %arg8[%swap3A_1877, %swap3A_1878] {strides = array<i32>} : memref<196x384xf32, #tpu.memory_space<vmem>>, vector<16xf32>,
      tpu.vector_store %arg8[%swap3A_1877, %swap3A_1878], %broadcast_in_dim3A_1857 {strides = array<i32>} : memref<196x384xf32, #tpu.memory_space<vmem>>, vector<16xf32>,
      %swap3A_1880 = arith.index_cast %add3A_1861 : i32 to index
      %swap3A_1881 = arith.constant 96 : index
      %swap3A_1882 = tpu.vector_load %arg8[%swap3A_1880, %swap3A_1881] {strides = array<i32>} : memref<196x384xf32, #tpu.memory_space<vmem>>, vector<16xf32>,
      tpu.vector_store %arg8[%swap3A_1880, %swap3A_1881], %broadcast_in_dim3A_1857 {strides = array<i32>} : memref<196x384xf32, #tpu.memory_space<vmem>>, vector<16xf32>,
      %swap3A_1883 = arith.index_cast %add3A_1861 : i32 to index
      %swap3A_1884 = arith.constant 112 : index
      %swap3A_1885 = tpu.vector_load %arg8[%swap3A_1883, %swap3A_1884] {strides = array<i32>} : memref<196x384xf32, #tpu.memory_space<vmem>>, vector<16xf32>,
      tpu.vector_store %arg8[%swap3A_1883, %swap3A_1884], %broadcast_in_dim3A_1857 {strides = array<i32>} : memref<196x384xf32, #tpu.memory_space<vmem>>, vector<16xf32>,
      %swap3A_1886 = arith.index_cast %add3A_1861 : i32 to index
      %swap3A_1887 = arith.constant 128 : index
      %swap3A_1888 = tpu.vector_load %arg8[%swap3A_1886, %swap3A_1887] {strides = array<i32>} : memref<196x384xf32, #tpu.memory_space<vmem>>, vector<16xf32>,
      tpu.vector_store %arg8[%swap3A_1886, %swap3A_1887], %broadcast_in_dim3A_1857 {strides = array<i32>} : memref<196x384xf32, #tpu.memory_space<vmem>>, vector<16xf32>,
      %swap3A_1889 = arith.index_cast %add3A_1861 : i32 to index
      %swap3A_1890 = arith.constant 144 : index
      %swap3A_1891 = tpu.vector_load %arg8[%swap3A_1889, %swap3A_1890] {strides = array<i32>} : memref<196x384xf32, #tpu.memory_space<vmem>>, vector<16xf32>,
      tpu.vector_store %arg8[%swap3A_1889, %swap3A_1890], %broadcast_in_dim3A_1857 {strides = array<i32>} : memref<196x384xf32, #tpu.memory_space<vmem>>, vector<16xf32>,
      %swap3A_1892 = arith.index_cast %add3A_1861 : i32 to index
      %swap3A_1893 = arith.constant 160 : index
      %swap3A_1894 = tpu.vector_load %arg8[%swap3A_1892, %swap3A_1893] {strides = array<i32>} : memref<196x384xf32, #tpu.memory_space<vmem>>, vector<16xf32>,
      tpu.vector_store %arg8[%swap3A_1892, %swap3A_1893], %broadcast_in_dim3A_1857 {strides = array<i32>} : memref<196x384xf32, #tpu.memory_space<vmem>>, vector<16xf32>,
      %swap3A_1895 = arith.index_cast %add3A_1861 : i32 to index
      %swap3A_1896 = arith.constant 176 : index
      %swap3A_1897 = tpu.vector_load %arg8[%swap3A_1895, %swap3A_1896] {strides = array<i32>} : memref<196x384xf32, #tpu.memory_space<vmem>>, vector<16xf32>,
      tpu.vector_store %arg8[%swap3A_1895, %swap3A_1896], %broadcast_in_dim3A_1857 {strides = array<i32>} : memref<196x384xf32, #tpu.memory_space<vmem>>, vector<16xf32>,
      %swap3A_1898 = arith.index_cast %add3A_1861 : i32 to index
      %swap3A_1899 = arith.constant 192 : index
      %swap3A_1900 = tpu.vector_load %arg8[%swap3A_1898, %swap3A_1899] {strides = array<i32>} : memref<196x384xf32, #tpu.memory_space<vmem>>, vector<16xf32>,
      tpu.vector_store %arg8[%swap3A_1898, %swap3A_1899], %broadcast_in_dim3A_1857 {strides = array<i32>} : memref<196x384xf32, #tpu.memory_space<vmem>>, vector<16xf32>,
      %swap3A_1901 = arith.index_cast %add3A_1861 : i32 to index
      %swap3A_1902 = arith.constant 208 : index
      %swap3A_1903 = tpu.vector_load %arg8[%swap3A_1901, %swap3A_1902] {strides = array<i32>} : memref<196x384xf32, #tpu.memory_space<vmem>>, vector<16xf32>,
      tpu.vector_store %arg8[%swap3A_1901, %swap3A_1902], %broadcast_in_dim3A_1857 {strides = array<i32>} : memref<196x384xf32, #tpu.memory_space<vmem>>, vector<16xf32>,
      %swap3A_1904 = arith.index_cast %add3A_1861 : i32 to index
      %swap3A_1905 = arith.constant 224 : index
      %swap3A_1906 = tpu.vector_load %arg8[%swap3A_1904, %swap3A_1905] {strides = array<i32>} : memref<196x384xf32, #tpu.memory_space<vmem>>, vector<16xf32>,
      tpu.vector_store %arg8[%swap3A_1904, %swap3A_1905], %broadcast_in_dim3A_1857 {strides = array<i32>} : memref<196x384xf32, #tpu.memory_space<vmem>>, vector<16xf32>,
      %swap3A_1907 = arith.index_cast %add3A_1861 : i32 to index
      %swap3A_1908 = arith.constant 240 : index
      %swap3A_1909 = tpu.vector_load %arg8[%swap3A_1907, %swap3A_1908] {strides = array<i32>} : memref<196x384xf32, #tpu.memory_space<vmem>>, vector<16xf32>,
      tpu.vector_store %arg8[%swap3A_1907, %swap3A_1908], %broadcast_in_dim3A_1857 {strides = array<i32>} : memref<196x384xf32, #tpu.memory_space<vmem>>, vector<16xf32>,
      %swap3A_1910 = arith.index_cast %add3A_1861 : i32 to index
      %swap3A_1911 = arith.constant 256 : index
      %swap3A_1912 = tpu.vector_load %arg8[%swap3A_1910, %swap3A_1911] {strides = array<i32>} : memref<196x384xf32, #tpu.memory_space<vmem>>, vector<16xf32>,
      tpu.vector_store %arg8[%swap3A_1910, %swap3A_1911], %broadcast_in_dim3A_1857 {strides = array<i32>} : memref<196x384xf32, #tpu.memory_space<vmem>>, vector<16xf32>,
      %swap3A_1913 = arith.index_cast %add3A_1861 : i32 to index
      %swap3A_1914 = arith.constant 272 : index
      %swap3A_1915 = tpu.vector_load %arg8[%swap3A_1913, %swap3A_1914] {strides = array<i32>} : memref<196x384xf32, #tpu.memory_space<vmem>>, vector<16xf32>,
      tpu.vector_store %arg8[%swap3A_1913, %swap3A_1914], %broadcast_in_dim3A_1857 {strides = array<i32>} : memref<196x384xf32, #tpu.memory_space<vmem>>, vector<16xf32>,
      %swap3A_1916 = arith.index_cast %add3A_1861 : i32 to index
      %swap3A_1917 = arith.constant 288 : index
      %swap3A_1918 = tpu.vector_load %arg8[%swap3A_1916, %swap3A_1917] {strides = array<i32>} : memref<196x384xf32, #tpu.memory_space<vmem>>, vector<16xf32>,
      tpu.vector_store %arg8[%swap3A_1916, %swap3A_1917], %broadcast_in_dim3A_1857 {strides = array<i32>} : memref<196x384xf32, #tpu.memory_space<vmem>>, vector<16xf32>,
      %swap3A_1919 = arith.index_cast %add3A_1861 : i32 to index
      %swap3A_1920 = arith.constant 304 : index
      %swap3A_1921 = tpu.vector_load %arg8[%swap3A_1919, %swap3A_1920] {strides = array<i32>} : memref<196x384xf32, #tpu.memory_space<vmem>>, vector<16xf32>,
      tpu.vector_store %arg8[%swap3A_1919, %swap3A_1920], %broadcast_in_dim3A_1857 {strides = array<i32>} : memref<196x384xf32, #tpu.memory_space<vmem>>, vector<16xf32>,
      %swap3A_1922 = arith.index_cast %add3A_1861 : i32 to index
      %swap3A_1923 = arith.constant 320 : index
      %swap3A_1924 = tpu.vector_load %arg8[%swap3A_1922, %swap3A_1923] {strides = array<i32>} : memref<196x384xf32, #tpu.memory_space<vmem>>, vector<16xf32>,
      tpu.vector_store %arg8[%swap3A_1922, %swap3A_1923], %broadcast_in_dim3A_1857 {strides = array<i32>} : memref<196x384xf32, #tpu.memory_space<vmem>>, vector<16xf32>,
      %swap3A_1925 = arith.index_cast %add3A_1861 : i32 to index
      %swap3A_1926 = arith.constant 336 : index
      %swap3A_1927 = tpu.vector_load %arg8[%swap3A_1925, %swap3A_1926] {strides = array<i32>} : memref<196x384xf32, #tpu.memory_space<vmem>>, vector<16xf32>,
      tpu.vector_store %arg8[%swap3A_1925, %swap3A_1926], %broadcast_in_dim3A_1857 {strides = array<i32>} : memref<196x384xf32, #tpu.memory_space<vmem>>, vector<16xf32>,
      %swap3A_1928 = arith.index_cast %add3A_1861 : i32 to index
      %swap3A_1929 = arith.constant 352 : index
      %swap3A_1930 = tpu.vector_load %arg8[%swap3A_1928, %swap3A_1929] {strides = array<i32>} : memref<196x384xf32, #tpu.memory_space<vmem>>, vector<16xf32>,
      tpu.vector_store %arg8[%swap3A_1928, %swap3A_1929], %broadcast_in_dim3A_1857 {strides = array<i32>} : memref<196x384xf32, #tpu.memory_space<vmem>>, vector<16xf32>,
      %swap3A_1931 = arith.index_cast %add3A_1861 : i32 to index
      %swap3A_1932 = arith.constant 368 : index
      %swap3A_1933 = tpu.vector_load %arg8[%swap3A_1931, %swap3A_1932] {strides = array<i32>} : memref<196x384xf32, #tpu.memory_space<vmem>>, vector<16xf32>,
      tpu.vector_store %arg8[%swap3A_1931, %swap3A_1932], %broadcast_in_dim3A_1857 {strides = array<i32>} : memref<196x384xf32, #tpu.memory_space<vmem>>, vector<16xf32>,
      %slice3A_1934 = vector.extract_strided_slice %get3A_1301 {offsets = [8], sizes = [1], strides = [1]} : vector<16xf32> to vector<1xf32>
      %squeeze3A_1935 = vector.extract %slice3A_1934[0] : f32 from vector<1xf32>
      %broadcast_in_dim3A_1936 = vector.broadcast %squeeze3A_1935 : f32 to vector<16xf32>
      %mul3A_1937 = arith.constant 16 : i32
      %mul3A_1938 = arith.muli %scan3A_1297, %mul3A_1937 : i32
      %add3A_1939 = arith.constant 8 : i32
      %add3A_1940 = arith.addi %mul3A_1938, %add3A_1939 : i32
      %swap3A_1941 = arith.index_cast %add3A_1940 : i32 to index
      %swap3A_1942 = arith.constant 0 : index
      %swap3A_1943 = tpu.vector_load %arg8[%swap3A_1941, %swap3A_1942] {strides = array<i32>} : memref<196x384xf32, #tpu.memory_space<vmem>>, vector<16xf32>,
      tpu.vector_store %arg8[%swap3A_1941, %swap3A_1942], %broadcast_in_dim3A_1936 {strides = array<i32>} : memref<196x384xf32, #tpu.memory_space<vmem>>, vector<16xf32>,
      %swap3A_1944 = arith.index_cast %add3A_1940 : i32 to index
      %swap3A_1945 = arith.constant 16 : index
      %swap3A_1946 = tpu.vector_load %arg8[%swap3A_1944, %swap3A_1945] {strides = array<i32>} : memref<196x384xf32, #tpu.memory_space<vmem>>, vector<16xf32>,
      tpu.vector_store %arg8[%swap3A_1944, %swap3A_1945], %broadcast_in_dim3A_1936 {strides = array<i32>} : memref<196x384xf32, #tpu.memory_space<vmem>>, vector<16xf32>,
      %swap3A_1947 = arith.index_cast %add3A_1940 : i32 to index
      %swap3A_1948 = arith.constant 32 : index
      %swap3A_1949 = tpu.vector_load %arg8[%swap3A_1947, %swap3A_1948] {strides = array<i32>} : memref<196x384xf32, #tpu.memory_space<vmem>>, vector<16xf32>,
      tpu.vector_store %arg8[%swap3A_1947, %swap3A_1948], %broadcast_in_dim3A_1936 {strides = array<i32>} : memref<196x384xf32, #tpu.memory_space<vmem>>, vector<16xf32>,
      %swap3A_1950 = arith.index_cast %add3A_1940 : i32 to index
      %swap3A_1951 = arith.constant 48 : index
      %swap3A_1952 = tpu.vector_load %arg8[%swap3A_1950, %swap3A_1951] {strides = array<i32>} : memref<196x384xf32, #tpu.memory_space<vmem>>, vector<16xf32>,
      tpu.vector_store %arg8[%swap3A_1950, %swap3A_1951], %broadcast_in_dim3A_1936 {strides = array<i32>} : memref<196x384xf32, #tpu.memory_space<vmem>>, vector<16xf32>,
      %swap3A_1953 = arith.index_cast %add3A_1940 : i32 to index
      %swap3A_1954 = arith.constant 64 : index
      %swap3A_1955 = tpu.vector_load %arg8[%swap3A_1953, %swap3A_1954] {strides = array<i32>} : memref<196x384xf32, #tpu.memory_space<vmem>>, vector<16xf32>,
      tpu.vector_store %arg8[%swap3A_1953, %swap3A_1954], %broadcast_in_dim3A_1936 {strides = array<i32>} : memref<196x384xf32, #tpu.memory_space<vmem>>, vector<16xf32>,
      %swap3A_1956 = arith.index_cast %add3A_1940 : i32 to index
      %swap3A_1957 = arith.constant 80 : index
      %swap3A_1958 = tpu.vector_load %arg8[%swap3A_1956, %swap3A_1957] {strides = array<i32>} : memref<196x384xf32, #tpu.memory_space<vmem>>, vector<16xf32>,
      tpu.vector_store %arg8[%swap3A_1956, %swap3A_1957], %broadcast_in_dim3A_1936 {strides = array<i32>} : memref<196x384xf32, #tpu.memory_space<vmem>>, vector<16xf32>,
      %swap3A_1959 = arith.index_cast %add3A_1940 : i32 to index
      %swap3A_1960 = arith.constant 96 : index
      %swap3A_1961 = tpu.vector_load %arg8[%swap3A_1959, %swap3A_1960] {strides = array<i32>} : memref<196x384xf32, #tpu.memory_space<vmem>>, vector<16xf32>,
      tpu.vector_store %arg8[%swap3A_1959, %swap3A_1960], %broadcast_in_dim3A_1936 {strides = array<i32>} : memref<196x384xf32, #tpu.memory_space<vmem>>, vector<16xf32>,
      %swap3A_1962 = arith.index_cast %add3A_1940 : i32 to index
      %swap3A_1963 = arith.constant 112 : index
      %swap3A_1964 = tpu.vector_load %arg8[%swap3A_1962, %swap3A_1963] {strides = array<i32>} : memref<196x384xf32, #tpu.memory_space<vmem>>, vector<16xf32>,
      tpu.vector_store %arg8[%swap3A_1962, %swap3A_1963], %broadcast_in_dim3A_1936 {strides = array<i32>} : memref<196x384xf32, #tpu.memory_space<vmem>>, vector<16xf32>,
      %swap3A_1965 = arith.index_cast %add3A_1940 : i32 to index
      %swap3A_1966 = arith.constant 128 : index
      %swap3A_1967 = tpu.vector_load %arg8[%swap3A_1965, %swap3A_1966] {strides = array<i32>} : memref<196x384xf32, #tpu.memory_space<vmem>>, vector<16xf32>,
      tpu.vector_store %arg8[%swap3A_1965, %swap3A_1966], %broadcast_in_dim3A_1936 {strides = array<i32>} : memref<196x384xf32, #tpu.memory_space<vmem>>, vector<16xf32>,
      %swap3A_1968 = arith.index_cast %add3A_1940 : i32 to index
      %swap3A_1969 = arith.constant 144 : index
      %swap3A_1970 = tpu.vector_load %arg8[%swap3A_1968, %swap3A_1969] {strides = array<i32>} : memref<196x384xf32, #tpu.memory_space<vmem>>, vector<16xf32>,
      tpu.vector_store %arg8[%swap3A_1968, %swap3A_1969], %broadcast_in_dim3A_1936 {strides = array<i32>} : memref<196x384xf32, #tpu.memory_space<vmem>>, vector<16xf32>,
      %swap3A_1971 = arith.index_cast %add3A_1940 : i32 to index
      %swap3A_1972 = arith.constant 160 : index
      %swap3A_1973 = tpu.vector_load %arg8[%swap3A_1971, %swap3A_1972] {strides = array<i32>} : memref<196x384xf32, #tpu.memory_space<vmem>>, vector<16xf32>,
      tpu.vector_store %arg8[%swap3A_1971, %swap3A_1972], %broadcast_in_dim3A_1936 {strides = array<i32>} : memref<196x384xf32, #tpu.memory_space<vmem>>, vector<16xf32>,
      %swap3A_1974 = arith.index_cast %add3A_1940 : i32 to index
      %swap3A_1975 = arith.constant 176 : index
      %swap3A_1976 = tpu.vector_load %arg8[%swap3A_1974, %swap3A_1975] {strides = array<i32>} : memref<196x384xf32, #tpu.memory_space<vmem>>, vector<16xf32>,
      tpu.vector_store %arg8[%swap3A_1974, %swap3A_1975], %broadcast_in_dim3A_1936 {strides = array<i32>} : memref<196x384xf32, #tpu.memory_space<vmem>>, vector<16xf32>,
      %swap3A_1977 = arith.index_cast %add3A_1940 : i32 to index
      %swap3A_1978 = arith.constant 192 : index
      %swap3A_1979 = tpu.vector_load %arg8[%swap3A_1977, %swap3A_1978] {strides = array<i32>} : memref<196x384xf32, #tpu.memory_space<vmem>>, vector<16xf32>,
      tpu.vector_store %arg8[%swap3A_1977, %swap3A_1978], %broadcast_in_dim3A_1936 {strides = array<i32>} : memref<196x384xf32, #tpu.memory_space<vmem>>, vector<16xf32>,
      %swap3A_1980 = arith.index_cast %add3A_1940 : i32 to index
      %swap3A_1981 = arith.constant 208 : index
      %swap3A_1982 = tpu.vector_load %arg8[%swap3A_1980, %swap3A_1981] {strides = array<i32>} : memref<196x384xf32, #tpu.memory_space<vmem>>, vector<16xf32>,
      tpu.vector_store %arg8[%swap3A_1980, %swap3A_1981], %broadcast_in_dim3A_1936 {strides = array<i32>} : memref<196x384xf32, #tpu.memory_space<vmem>>, vector<16xf32>,
      %swap3A_1983 = arith.index_cast %add3A_1940 : i32 to index
      %swap3A_1984 = arith.constant 224 : index
      %swap3A_1985 = tpu.vector_load %arg8[%swap3A_1983, %swap3A_1984] {strides = array<i32>} : memref<196x384xf32, #tpu.memory_space<vmem>>, vector<16xf32>,
      tpu.vector_store %arg8[%swap3A_1983, %swap3A_1984], %broadcast_in_dim3A_1936 {strides = array<i32>} : memref<196x384xf32, #tpu.memory_space<vmem>>, vector<16xf32>,
      %swap3A_1986 = arith.index_cast %add3A_1940 : i32 to index
      %swap3A_1987 = arith.constant 240 : index
      %swap3A_1988 = tpu.vector_load %arg8[%swap3A_1986, %swap3A_1987] {strides = array<i32>} : memref<196x384xf32, #tpu.memory_space<vmem>>, vector<16xf32>,
      tpu.vector_store %arg8[%swap3A_1986, %swap3A_1987], %broadcast_in_dim3A_1936 {strides = array<i32>} : memref<196x384xf32, #tpu.memory_space<vmem>>, vector<16xf32>,
      %swap3A_1989 = arith.index_cast %add3A_1940 : i32 to index
      %swap3A_1990 = arith.constant 256 : index
      %swap3A_1991 = tpu.vector_load %arg8[%swap3A_1989, %swap3A_1990] {strides = array<i32>} : memref<196x384xf32, #tpu.memory_space<vmem>>, vector<16xf32>,
      tpu.vector_store %arg8[%swap3A_1989, %swap3A_1990], %broadcast_in_dim3A_1936 {strides = array<i32>} : memref<196x384xf32, #tpu.memory_space<vmem>>, vector<16xf32>,
      %swap3A_1992 = arith.index_cast %add3A_1940 : i32 to index
      %swap3A_1993 = arith.constant 272 : index
      %swap3A_1994 = tpu.vector_load %arg8[%swap3A_1992, %swap3A_1993] {strides = array<i32>} : memref<196x384xf32, #tpu.memory_space<vmem>>, vector<16xf32>,
      tpu.vector_store %arg8[%swap3A_1992, %swap3A_1993], %broadcast_in_dim3A_1936 {strides = array<i32>} : memref<196x384xf32, #tpu.memory_space<vmem>>, vector<16xf32>,
      %swap3A_1995 = arith.index_cast %add3A_1940 : i32 to index
      %swap3A_1996 = arith.constant 288 : index
      %swap3A_1997 = tpu.vector_load %arg8[%swap3A_1995, %swap3A_1996] {strides = array<i32>} : memref<196x384xf32, #tpu.memory_space<vmem>>, vector<16xf32>,
      tpu.vector_store %arg8[%swap3A_1995, %swap3A_1996], %broadcast_in_dim3A_1936 {strides = array<i32>} : memref<196x384xf32, #tpu.memory_space<vmem>>, vector<16xf32>,
      %swap3A_1998 = arith.index_cast %add3A_1940 : i32 to index
      %swap3A_1999 = arith.constant 304 : index
      %swap3A_2000 = tpu.vector_load %arg8[%swap3A_1998, %swap3A_1999] {strides = array<i32>} : memref<196x384xf32, #tpu.memory_space<vmem>>, vector<16xf32>,
      tpu.vector_store %arg8[%swap3A_1998, %swap3A_1999], %broadcast_in_dim3A_1936 {strides = array<i32>} : memref<196x384xf32, #tpu.memory_space<vmem>>, vector<16xf32>,
      %swap3A_2001 = arith.index_cast %add3A_1940 : i32 to index
      %swap3A_2002 = arith.constant 320 : index
      %swap3A_2003 = tpu.vector_load %arg8[%swap3A_2001, %swap3A_2002] {strides = array<i32>} : memref<196x384xf32, #tpu.memory_space<vmem>>, vector<16xf32>,
      tpu.vector_store %arg8[%swap3A_2001, %swap3A_2002], %broadcast_in_dim3A_1936 {strides = array<i32>} : memref<196x384xf32, #tpu.memory_space<vmem>>, vector<16xf32>,
      %swap3A_2004 = arith.index_cast %add3A_1940 : i32 to index
      %swap3A_2005 = arith.constant 336 : index
      %swap3A_2006 = tpu.vector_load %arg8[%swap3A_2004, %swap3A_2005] {strides = array<i32>} : memref<196x384xf32, #tpu.memory_space<vmem>>, vector<16xf32>,
      tpu.vector_store %arg8[%swap3A_2004, %swap3A_2005], %broadcast_in_dim3A_1936 {strides = array<i32>} : memref<196x384xf32, #tpu.memory_space<vmem>>, vector<16xf32>,
      %swap3A_2007 = arith.index_cast %add3A_1940 : i32 to index
      %swap3A_2008 = arith.constant 352 : index
      %swap3A_2009 = tpu.vector_load %arg8[%swap3A_2007, %swap3A_2008] {strides = array<i32>} : memref<196x384xf32, #tpu.memory_space<vmem>>, vector<16xf32>,
      tpu.vector_store %arg8[%swap3A_2007, %swap3A_2008], %broadcast_in_dim3A_1936 {strides = array<i32>} : memref<196x384xf32, #tpu.memory_space<vmem>>, vector<16xf32>,
      %swap3A_2010 = arith.index_cast %add3A_1940 : i32 to index
      %swap3A_2011 = arith.constant 368 : index
      %swap3A_2012 = tpu.vector_load %arg8[%swap3A_2010, %swap3A_2011] {strides = array<i32>} : memref<196x384xf32, #tpu.memory_space<vmem>>, vector<16xf32>,
      tpu.vector_store %arg8[%swap3A_2010, %swap3A_2011], %broadcast_in_dim3A_1936 {strides = array<i32>} : memref<196x384xf32, #tpu.memory_space<vmem>>, vector<16xf32>,
      %slice3A_2013 = vector.extract_strided_slice %get3A_1301 {offsets = [9], sizes = [1], strides = [1]} : vector<16xf32> to vector<1xf32>
      %squeeze3A_2014 = vector.extract %slice3A_2013[0] : f32 from vector<1xf32>
      %broadcast_in_dim3A_2015 = vector.broadcast %squeeze3A_2014 : f32 to vector<16xf32>
      %mul3A_2016 = arith.constant 16 : i32
      %mul3A_2017 = arith.muli %scan3A_1297, %mul3A_2016 : i32
      %add3A_2018 = arith.constant 9 : i32
      %add3A_2019 = arith.addi %mul3A_2017, %add3A_2018 : i32
      %swap3A_2020 = arith.index_cast %add3A_2019 : i32 to index
      %swap3A_2021 = arith.constant 0 : index
      %swap3A_2022 = tpu.vector_load %arg8[%swap3A_2020, %swap3A_2021] {strides = array<i32>} : memref<196x384xf32, #tpu.memory_space<vmem>>, vector<16xf32>,
      tpu.vector_store %arg8[%swap3A_2020, %swap3A_2021], %broadcast_in_dim3A_2015 {strides = array<i32>} : memref<196x384xf32, #tpu.memory_space<vmem>>, vector<16xf32>,
      %swap3A_2023 = arith.index_cast %add3A_2019 : i32 to index
      %swap3A_2024 = arith.constant 16 : index
      %swap3A_2025 = tpu.vector_load %arg8[%swap3A_2023, %swap3A_2024] {strides = array<i32>} : memref<196x384xf32, #tpu.memory_space<vmem>>, vector<16xf32>,
      tpu.vector_store %arg8[%swap3A_2023, %swap3A_2024], %broadcast_in_dim3A_2015 {strides = array<i32>} : memref<196x384xf32, #tpu.memory_space<vmem>>, vector<16xf32>,
      %swap3A_2026 = arith.index_cast %add3A_2019 : i32 to index
      %swap3A_2027 = arith.constant 32 : index
      %swap3A_2028 = tpu.vector_load %arg8[%swap3A_2026, %swap3A_2027] {strides = array<i32>} : memref<196x384xf32, #tpu.memory_space<vmem>>, vector<16xf32>,
      tpu.vector_store %arg8[%swap3A_2026, %swap3A_2027], %broadcast_in_dim3A_2015 {strides = array<i32>} : memref<196x384xf32, #tpu.memory_space<vmem>>, vector<16xf32>,
      %swap3A_2029 = arith.index_cast %add3A_2019 : i32 to index
      %swap3A_2030 = arith.constant 48 : index
      %swap3A_2031 = tpu.vector_load %arg8[%swap3A_2029, %swap3A_2030] {strides = array<i32>} : memref<196x384xf32, #tpu.memory_space<vmem>>, vector<16xf32>,
      tpu.vector_store %arg8[%swap3A_2029, %swap3A_2030], %broadcast_in_dim3A_2015 {strides = array<i32>} : memref<196x384xf32, #tpu.memory_space<vmem>>, vector<16xf32>,
      %swap3A_2032 = arith.index_cast %add3A_2019 : i32 to index
      %swap3A_2033 = arith.constant 64 : index
      %swap3A_2034 = tpu.vector_load %arg8[%swap3A_2032, %swap3A_2033] {strides = array<i32>} : memref<196x384xf32, #tpu.memory_space<vmem>>, vector<16xf32>,
      tpu.vector_store %arg8[%swap3A_2032, %swap3A_2033], %broadcast_in_dim3A_2015 {strides = array<i32>} : memref<196x384xf32, #tpu.memory_space<vmem>>, vector<16xf32>,
      %swap3A_2035 = arith.index_cast %add3A_2019 : i32 to index
      %swap3A_2036 = arith.constant 80 : index
      %swap3A_2037 = tpu.vector_load %arg8[%swap3A_2035, %swap3A_2036] {strides = array<i32>} : memref<196x384xf32, #tpu.memory_space<vmem>>, vector<16xf32>,
      tpu.vector_store %arg8[%swap3A_2035, %swap3A_2036], %broadcast_in_dim3A_2015 {strides = array<i32>} : memref<196x384xf32, #tpu.memory_space<vmem>>, vector<16xf32>,
      %swap3A_2038 = arith.index_cast %add3A_2019 : i32 to index
      %swap3A_2039 = arith.constant 96 : index
      %swap3A_2040 = tpu.vector_load %arg8[%swap3A_2038, %swap3A_2039] {strides = array<i32>} : memref<196x384xf32, #tpu.memory_space<vmem>>, vector<16xf32>,
      tpu.vector_store %arg8[%swap3A_2038, %swap3A_2039], %broadcast_in_dim3A_2015 {strides = array<i32>} : memref<196x384xf32, #tpu.memory_space<vmem>>, vector<16xf32>,
      %swap3A_2041 = arith.index_cast %add3A_2019 : i32 to index
      %swap3A_2042 = arith.constant 112 : index
      %swap3A_2043 = tpu.vector_load %arg8[%swap3A_2041, %swap3A_2042] {strides = array<i32>} : memref<196x384xf32, #tpu.memory_space<vmem>>, vector<16xf32>,
      tpu.vector_store %arg8[%swap3A_2041, %swap3A_2042], %broadcast_in_dim3A_2015 {strides = array<i32>} : memref<196x384xf32, #tpu.memory_space<vmem>>, vector<16xf32>,
      %swap3A_2044 = arith.index_cast %add3A_2019 : i32 to index
      %swap3A_2045 = arith.constant 128 : index
      %swap3A_2046 = tpu.vector_load %arg8[%swap3A_2044, %swap3A_2045] {strides = array<i32>} : memref<196x384xf32, #tpu.memory_space<vmem>>, vector<16xf32>,
      tpu.vector_store %arg8[%swap3A_2044, %swap3A_2045], %broadcast_in_dim3A_2015 {strides = array<i32>} : memref<196x384xf32, #tpu.memory_space<vmem>>, vector<16xf32>,
      %swap3A_2047 = arith.index_cast %add3A_2019 : i32 to index
      %swap3A_2048 = arith.constant 144 : index
      %swap3A_2049 = tpu.vector_load %arg8[%swap3A_2047, %swap3A_2048] {strides = array<i32>} : memref<196x384xf32, #tpu.memory_space<vmem>>, vector<16xf32>,
      tpu.vector_store %arg8[%swap3A_2047, %swap3A_2048], %broadcast_in_dim3A_2015 {strides = array<i32>} : memref<196x384xf32, #tpu.memory_space<vmem>>, vector<16xf32>,
      %swap3A_2050 = arith.index_cast %add3A_2019 : i32 to index
      %swap3A_2051 = arith.constant 160 : index
      %swap3A_2052 = tpu.vector_load %arg8[%swap3A_2050, %swap3A_2051] {strides = array<i32>} : memref<196x384xf32, #tpu.memory_space<vmem>>, vector<16xf32>,
      tpu.vector_store %arg8[%swap3A_2050, %swap3A_2051], %broadcast_in_dim3A_2015 {strides = array<i32>} : memref<196x384xf32, #tpu.memory_space<vmem>>, vector<16xf32>,
      %swap3A_2053 = arith.index_cast %add3A_2019 : i32 to index
      %swap3A_2054 = arith.constant 176 : index
      %swap3A_2055 = tpu.vector_load %arg8[%swap3A_2053, %swap3A_2054] {strides = array<i32>} : memref<196x384xf32, #tpu.memory_space<vmem>>, vector<16xf32>,
      tpu.vector_store %arg8[%swap3A_2053, %swap3A_2054], %broadcast_in_dim3A_2015 {strides = array<i32>} : memref<196x384xf32, #tpu.memory_space<vmem>>, vector<16xf32>,
      %swap3A_2056 = arith.index_cast %add3A_2019 : i32 to index
      %swap3A_2057 = arith.constant 192 : index
      %swap3A_2058 = tpu.vector_load %arg8[%swap3A_2056, %swap3A_2057] {strides = array<i32>} : memref<196x384xf32, #tpu.memory_space<vmem>>, vector<16xf32>,
      tpu.vector_store %arg8[%swap3A_2056, %swap3A_2057], %broadcast_in_dim3A_2015 {strides = array<i32>} : memref<196x384xf32, #tpu.memory_space<vmem>>, vector<16xf32>,
      %swap3A_2059 = arith.index_cast %add3A_2019 : i32 to index
      %swap3A_2060 = arith.constant 208 : index
      %swap3A_2061 = tpu.vector_load %arg8[%swap3A_2059, %swap3A_2060] {strides = array<i32>} : memref<196x384xf32, #tpu.memory_space<vmem>>, vector<16xf32>,
      tpu.vector_store %arg8[%swap3A_2059, %swap3A_2060], %broadcast_in_dim3A_2015 {strides = array<i32>} : memref<196x384xf32, #tpu.memory_space<vmem>>, vector<16xf32>,
      %swap3A_2062 = arith.index_cast %add3A_2019 : i32 to index
      %swap3A_2063 = arith.constant 224 : index
      %swap3A_2064 = tpu.vector_load %arg8[%swap3A_2062, %swap3A_2063] {strides = array<i32>} : memref<196x384xf32, #tpu.memory_space<vmem>>, vector<16xf32>,
      tpu.vector_store %arg8[%swap3A_2062, %swap3A_2063], %broadcast_in_dim3A_2015 {strides = array<i32>} : memref<196x384xf32, #tpu.memory_space<vmem>>, vector<16xf32>,
      %swap3A_2065 = arith.index_cast %add3A_2019 : i32 to index
      %swap3A_2066 = arith.constant 240 : index
      %swap3A_2067 = tpu.vector_load %arg8[%swap3A_2065, %swap3A_2066] {strides = array<i32>} : memref<196x384xf32, #tpu.memory_space<vmem>>, vector<16xf32>,
      tpu.vector_store %arg8[%swap3A_2065, %swap3A_2066], %broadcast_in_dim3A_2015 {strides = array<i32>} : memref<196x384xf32, #tpu.memory_space<vmem>>, vector<16xf32>,
      %swap3A_2068 = arith.index_cast %add3A_2019 : i32 to index
      %swap3A_2069 = arith.constant 256 : index
      %swap3A_2070 = tpu.vector_load %arg8[%swap3A_2068, %swap3A_2069] {strides = array<i32>} : memref<196x384xf32, #tpu.memory_space<vmem>>, vector<16xf32>,
      tpu.vector_store %arg8[%swap3A_2068, %swap3A_2069], %broadcast_in_dim3A_2015 {strides = array<i32>} : memref<196x384xf32, #tpu.memory_space<vmem>>, vector<16xf32>,
      %swap3A_2071 = arith.index_cast %add3A_2019 : i32 to index
      %swap3A_2072 = arith.constant 272 : index
      %swap3A_2073 = tpu.vector_load %arg8[%swap3A_2071, %swap3A_2072] {strides = array<i32>} : memref<196x384xf32, #tpu.memory_space<vmem>>, vector<16xf32>,
      tpu.vector_store %arg8[%swap3A_2071, %swap3A_2072], %broadcast_in_dim3A_2015 {strides = array<i32>} : memref<196x384xf32, #tpu.memory_space<vmem>>, vector<16xf32>,
      %swap3A_2074 = arith.index_cast %add3A_2019 : i32 to index
      %swap3A_2075 = arith.constant 288 : index
      %swap3A_2076 = tpu.vector_load %arg8[%swap3A_2074, %swap3A_2075] {strides = array<i32>} : memref<196x384xf32, #tpu.memory_space<vmem>>, vector<16xf32>,
      tpu.vector_store %arg8[%swap3A_2074, %swap3A_2075], %broadcast_in_dim3A_2015 {strides = array<i32>} : memref<196x384xf32, #tpu.memory_space<vmem>>, vector<16xf32>,
      %swap3A_2077 = arith.index_cast %add3A_2019 : i32 to index
      %swap3A_2078 = arith.constant 304 : index
      %swap3A_2079 = tpu.vector_load %arg8[%swap3A_2077, %swap3A_2078] {strides = array<i32>} : memref<196x384xf32, #tpu.memory_space<vmem>>, vector<16xf32>,
      tpu.vector_store %arg8[%swap3A_2077, %swap3A_2078], %broadcast_in_dim3A_2015 {strides = array<i32>} : memref<196x384xf32, #tpu.memory_space<vmem>>, vector<16xf32>,
      %swap3A_2080 = arith.index_cast %add3A_2019 : i32 to index
      %swap3A_2081 = arith.constant 320 : index
      %swap3A_2082 = tpu.vector_load %arg8[%swap3A_2080, %swap3A_2081] {strides = array<i32>} : memref<196x384xf32, #tpu.memory_space<vmem>>, vector<16xf32>,
      tpu.vector_store %arg8[%swap3A_2080, %swap3A_2081], %broadcast_in_dim3A_2015 {strides = array<i32>} : memref<196x384xf32, #tpu.memory_space<vmem>>, vector<16xf32>,
      %swap3A_2083 = arith.index_cast %add3A_2019 : i32 to index
      %swap3A_2084 = arith.constant 336 : index
      %swap3A_2085 = tpu.vector_load %arg8[%swap3A_2083, %swap3A_2084] {strides = array<i32>} : memref<196x384xf32, #tpu.memory_space<vmem>>, vector<16xf32>,
      tpu.vector_store %arg8[%swap3A_2083, %swap3A_2084], %broadcast_in_dim3A_2015 {strides = array<i32>} : memref<196x384xf32, #tpu.memory_space<vmem>>, vector<16xf32>,
      %swap3A_2086 = arith.index_cast %add3A_2019 : i32 to index
      %swap3A_2087 = arith.constant 352 : index
      %swap3A_2088 = tpu.vector_load %arg8[%swap3A_2086, %swap3A_2087] {strides = array<i32>} : memref<196x384xf32, #tpu.memory_space<vmem>>, vector<16xf32>,
      tpu.vector_store %arg8[%swap3A_2086, %swap3A_2087], %broadcast_in_dim3A_2015 {strides = array<i32>} : memref<196x384xf32, #tpu.memory_space<vmem>>, vector<16xf32>,
      %swap3A_2089 = arith.index_cast %add3A_2019 : i32 to index
      %swap3A_2090 = arith.constant 368 : index
      %swap3A_2091 = tpu.vector_load %arg8[%swap3A_2089, %swap3A_2090] {strides = array<i32>} : memref<196x384xf32, #tpu.memory_space<vmem>>, vector<16xf32>,
      tpu.vector_store %arg8[%swap3A_2089, %swap3A_2090], %broadcast_in_dim3A_2015 {strides = array<i32>} : memref<196x384xf32, #tpu.memory_space<vmem>>, vector<16xf32>,
      %slice3A_2092 = vector.extract_strided_slice %get3A_1301 {offsets = [10], sizes = [1], strides = [1]} : vector<16xf32> to vector<1xf32>
      %squeeze3A_2093 = vector.extract %slice3A_2092[0] : f32 from vector<1xf32>
      %broadcast_in_dim3A_2094 = vector.broadcast %squeeze3A_2093 : f32 to vector<16xf32>
      %mul3A_2095 = arith.constant 16 : i32
      %mul3A_2096 = arith.muli %scan3A_1297, %mul3A_2095 : i32
      %add3A_2097 = arith.constant 10 : i32
      %add3A_2098 = arith.addi %mul3A_2096, %add3A_2097 : i32
      %swap3A_2099 = arith.index_cast %add3A_2098 : i32 to index
      %swap3A_2100 = arith.constant 0 : index
      %swap3A_2101 = tpu.vector_load %arg8[%swap3A_2099, %swap3A_2100] {strides = array<i32>} : memref<196x384xf32, #tpu.memory_space<vmem>>, vector<16xf32>,
      tpu.vector_store %arg8[%swap3A_2099, %swap3A_2100], %broadcast_in_dim3A_2094 {strides = array<i32>} : memref<196x384xf32, #tpu.memory_space<vmem>>, vector<16xf32>,
      %swap3A_2102 = arith.index_cast %add3A_2098 : i32 to index
      %swap3A_2103 = arith.constant 16 : index
      %swap3A_2104 = tpu.vector_load %arg8[%swap3A_2102, %swap3A_2103] {strides = array<i32>} : memref<196x384xf32, #tpu.memory_space<vmem>>, vector<16xf32>,
      tpu.vector_store %arg8[%swap3A_2102, %swap3A_2103], %broadcast_in_dim3A_2094 {strides = array<i32>} : memref<196x384xf32, #tpu.memory_space<vmem>>, vector<16xf32>,
      %swap3A_2105 = arith.index_cast %add3A_2098 : i32 to index
      %swap3A_2106 = arith.constant 32 : index
      %swap3A_2107 = tpu.vector_load %arg8[%swap3A_2105, %swap3A_2106] {strides = array<i32>} : memref<196x384xf32, #tpu.memory_space<vmem>>, vector<16xf32>,
      tpu.vector_store %arg8[%swap3A_2105, %swap3A_2106], %broadcast_in_dim3A_2094 {strides = array<i32>} : memref<196x384xf32, #tpu.memory_space<vmem>>, vector<16xf32>,
      %swap3A_2108 = arith.index_cast %add3A_2098 : i32 to index
      %swap3A_2109 = arith.constant 48 : index
      %swap3A_2110 = tpu.vector_load %arg8[%swap3A_2108, %swap3A_2109] {strides = array<i32>} : memref<196x384xf32, #tpu.memory_space<vmem>>, vector<16xf32>,
      tpu.vector_store %arg8[%swap3A_2108, %swap3A_2109], %broadcast_in_dim3A_2094 {strides = array<i32>} : memref<196x384xf32, #tpu.memory_space<vmem>>, vector<16xf32>,
      %swap3A_2111 = arith.index_cast %add3A_2098 : i32 to index
      %swap3A_2112 = arith.constant 64 : index
      %swap3A_2113 = tpu.vector_load %arg8[%swap3A_2111, %swap3A_2112] {strides = array<i32>} : memref<196x384xf32, #tpu.memory_space<vmem>>, vector<16xf32>,
      tpu.vector_store %arg8[%swap3A_2111, %swap3A_2112], %broadcast_in_dim3A_2094 {strides = array<i32>} : memref<196x384xf32, #tpu.memory_space<vmem>>, vector<16xf32>,
      %swap3A_2114 = arith.index_cast %add3A_2098 : i32 to index
      %swap3A_2115 = arith.constant 80 : index
      %swap3A_2116 = tpu.vector_load %arg8[%swap3A_2114, %swap3A_2115] {strides = array<i32>} : memref<196x384xf32, #tpu.memory_space<vmem>>, vector<16xf32>,
      tpu.vector_store %arg8[%swap3A_2114, %swap3A_2115], %broadcast_in_dim3A_2094 {strides = array<i32>} : memref<196x384xf32, #tpu.memory_space<vmem>>, vector<16xf32>,
      %swap3A_2117 = arith.index_cast %add3A_2098 : i32 to index
      %swap3A_2118 = arith.constant 96 : index
      %swap3A_2119 = tpu.vector_load %arg8[%swap3A_2117, %swap3A_2118] {strides = array<i32>} : memref<196x384xf32, #tpu.memory_space<vmem>>, vector<16xf32>,
      tpu.vector_store %arg8[%swap3A_2117, %swap3A_2118], %broadcast_in_dim3A_2094 {strides = array<i32>} : memref<196x384xf32, #tpu.memory_space<vmem>>, vector<16xf32>,
      %swap3A_2120 = arith.index_cast %add3A_2098 : i32 to index
      %swap3A_2121 = arith.constant 112 : index
      %swap3A_2122 = tpu.vector_load %arg8[%swap3A_2120, %swap3A_2121] {strides = array<i32>} : memref<196x384xf32, #tpu.memory_space<vmem>>, vector<16xf32>,
      tpu.vector_store %arg8[%swap3A_2120, %swap3A_2121], %broadcast_in_dim3A_2094 {strides = array<i32>} : memref<196x384xf32, #tpu.memory_space<vmem>>, vector<16xf32>,
      %swap3A_2123 = arith.index_cast %add3A_2098 : i32 to index
      %swap3A_2124 = arith.constant 128 : index
      %swap3A_2125 = tpu.vector_load %arg8[%swap3A_2123, %swap3A_2124] {strides = array<i32>} : memref<196x384xf32, #tpu.memory_space<vmem>>, vector<16xf32>,
      tpu.vector_store %arg8[%swap3A_2123, %swap3A_2124], %broadcast_in_dim3A_2094 {strides = array<i32>} : memref<196x384xf32, #tpu.memory_space<vmem>>, vector<16xf32>,
      %swap3A_2126 = arith.index_cast %add3A_2098 : i32 to index
      %swap3A_2127 = arith.constant 144 : index
      %swap3A_2128 = tpu.vector_load %arg8[%swap3A_2126, %swap3A_2127] {strides = array<i32>} : memref<196x384xf32, #tpu.memory_space<vmem>>, vector<16xf32>,
      tpu.vector_store %arg8[%swap3A_2126, %swap3A_2127], %broadcast_in_dim3A_2094 {strides = array<i32>} : memref<196x384xf32, #tpu.memory_space<vmem>>, vector<16xf32>,
      %swap3A_2129 = arith.index_cast %add3A_2098 : i32 to index
      %swap3A_2130 = arith.constant 160 : index
      %swap3A_2131 = tpu.vector_load %arg8[%swap3A_2129, %swap3A_2130] {strides = array<i32>} : memref<196x384xf32, #tpu.memory_space<vmem>>, vector<16xf32>,
      tpu.vector_store %arg8[%swap3A_2129, %swap3A_2130], %broadcast_in_dim3A_2094 {strides = array<i32>} : memref<196x384xf32, #tpu.memory_space<vmem>>, vector<16xf32>,
      %swap3A_2132 = arith.index_cast %add3A_2098 : i32 to index
      %swap3A_2133 = arith.constant 176 : index
      %swap3A_2134 = tpu.vector_load %arg8[%swap3A_2132, %swap3A_2133] {strides = array<i32>} : memref<196x384xf32, #tpu.memory_space<vmem>>, vector<16xf32>,
      tpu.vector_store %arg8[%swap3A_2132, %swap3A_2133], %broadcast_in_dim3A_2094 {strides = array<i32>} : memref<196x384xf32, #tpu.memory_space<vmem>>, vector<16xf32>,
      %swap3A_2135 = arith.index_cast %add3A_2098 : i32 to index
      %swap3A_2136 = arith.constant 192 : index
      %swap3A_2137 = tpu.vector_load %arg8[%swap3A_2135, %swap3A_2136] {strides = array<i32>} : memref<196x384xf32, #tpu.memory_space<vmem>>, vector<16xf32>,
      tpu.vector_store %arg8[%swap3A_2135, %swap3A_2136], %broadcast_in_dim3A_2094 {strides = array<i32>} : memref<196x384xf32, #tpu.memory_space<vmem>>, vector<16xf32>,
      %swap3A_2138 = arith.index_cast %add3A_2098 : i32 to index
      %swap3A_2139 = arith.constant 208 : index
      %swap3A_2140 = tpu.vector_load %arg8[%swap3A_2138, %swap3A_2139] {strides = array<i32>} : memref<196x384xf32, #tpu.memory_space<vmem>>, vector<16xf32>,
      tpu.vector_store %arg8[%swap3A_2138, %swap3A_2139], %broadcast_in_dim3A_2094 {strides = array<i32>} : memref<196x384xf32, #tpu.memory_space<vmem>>, vector<16xf32>,
      %swap3A_2141 = arith.index_cast %add3A_2098 : i32 to index
      %swap3A_2142 = arith.constant 224 : index
      %swap3A_2143 = tpu.vector_load %arg8[%swap3A_2141, %swap3A_2142] {strides = array<i32>} : memref<196x384xf32, #tpu.memory_space<vmem>>, vector<16xf32>,
      tpu.vector_store %arg8[%swap3A_2141, %swap3A_2142], %broadcast_in_dim3A_2094 {strides = array<i32>} : memref<196x384xf32, #tpu.memory_space<vmem>>, vector<16xf32>,
      %swap3A_2144 = arith.index_cast %add3A_2098 : i32 to index
      %swap3A_2145 = arith.constant 240 : index
      %swap3A_2146 = tpu.vector_load %arg8[%swap3A_2144, %swap3A_2145] {strides = array<i32>} : memref<196x384xf32, #tpu.memory_space<vmem>>, vector<16xf32>,
      tpu.vector_store %arg8[%swap3A_2144, %swap3A_2145], %broadcast_in_dim3A_2094 {strides = array<i32>} : memref<196x384xf32, #tpu.memory_space<vmem>>, vector<16xf32>,
      %swap3A_2147 = arith.index_cast %add3A_2098 : i32 to index
      %swap3A_2148 = arith.constant 256 : index
      %swap3A_2149 = tpu.vector_load %arg8[%swap3A_2147, %swap3A_2148] {strides = array<i32>} : memref<196x384xf32, #tpu.memory_space<vmem>>, vector<16xf32>,
      tpu.vector_store %arg8[%swap3A_2147, %swap3A_2148], %broadcast_in_dim3A_2094 {strides = array<i32>} : memref<196x384xf32, #tpu.memory_space<vmem>>, vector<16xf32>,
      %swap3A_2150 = arith.index_cast %add3A_2098 : i32 to index
      %swap3A_2151 = arith.constant 272 : index
      %swap3A_2152 = tpu.vector_load %arg8[%swap3A_2150, %swap3A_2151] {strides = array<i32>} : memref<196x384xf32, #tpu.memory_space<vmem>>, vector<16xf32>,
      tpu.vector_store %arg8[%swap3A_2150, %swap3A_2151], %broadcast_in_dim3A_2094 {strides = array<i32>} : memref<196x384xf32, #tpu.memory_space<vmem>>, vector<16xf32>,
      %swap3A_2153 = arith.index_cast %add3A_2098 : i32 to index
      %swap3A_2154 = arith.constant 288 : index
      %swap3A_2155 = tpu.vector_load %arg8[%swap3A_2153, %swap3A_2154] {strides = array<i32>} : memref<196x384xf32, #tpu.memory_space<vmem>>, vector<16xf32>,
      tpu.vector_store %arg8[%swap3A_2153, %swap3A_2154], %broadcast_in_dim3A_2094 {strides = array<i32>} : memref<196x384xf32, #tpu.memory_space<vmem>>, vector<16xf32>,
      %swap3A_2156 = arith.index_cast %add3A_2098 : i32 to index
      %swap3A_2157 = arith.constant 304 : index
      %swap3A_2158 = tpu.vector_load %arg8[%swap3A_2156, %swap3A_2157] {strides = array<i32>} : memref<196x384xf32, #tpu.memory_space<vmem>>, vector<16xf32>,
      tpu.vector_store %arg8[%swap3A_2156, %swap3A_2157], %broadcast_in_dim3A_2094 {strides = array<i32>} : memref<196x384xf32, #tpu.memory_space<vmem>>, vector<16xf32>,
      %swap3A_2159 = arith.index_cast %add3A_2098 : i32 to index
      %swap3A_2160 = arith.constant 320 : index
      %swap3A_2161 = tpu.vector_load %arg8[%swap3A_2159, %swap3A_2160] {strides = array<i32>} : memref<196x384xf32, #tpu.memory_space<vmem>>, vector<16xf32>,
      tpu.vector_store %arg8[%swap3A_2159, %swap3A_2160], %broadcast_in_dim3A_2094 {strides = array<i32>} : memref<196x384xf32, #tpu.memory_space<vmem>>, vector<16xf32>,
      %swap3A_2162 = arith.index_cast %add3A_2098 : i32 to index
      %swap3A_2163 = arith.constant 336 : index
      %swap3A_2164 = tpu.vector_load %arg8[%swap3A_2162, %swap3A_2163] {strides = array<i32>} : memref<196x384xf32, #tpu.memory_space<vmem>>, vector<16xf32>,
      tpu.vector_store %arg8[%swap3A_2162, %swap3A_2163], %broadcast_in_dim3A_2094 {strides = array<i32>} : memref<196x384xf32, #tpu.memory_space<vmem>>, vector<16xf32>,
      %swap3A_2165 = arith.index_cast %add3A_2098 : i32 to index
      %swap3A_2166 = arith.constant 352 : index
      %swap3A_2167 = tpu.vector_load %arg8[%swap3A_2165, %swap3A_2166] {strides = array<i32>} : memref<196x384xf32, #tpu.memory_space<vmem>>, vector<16xf32>,
      tpu.vector_store %arg8[%swap3A_2165, %swap3A_2166], %broadcast_in_dim3A_2094 {strides = array<i32>} : memref<196x384xf32, #tpu.memory_space<vmem>>, vector<16xf32>,
      %swap3A_2168 = arith.index_cast %add3A_2098 : i32 to index
      %swap3A_2169 = arith.constant 368 : index
      %swap3A_2170 = tpu.vector_load %arg8[%swap3A_2168, %swap3A_2169] {strides = array<i32>} : memref<196x384xf32, #tpu.memory_space<vmem>>, vector<16xf32>,
      tpu.vector_store %arg8[%swap3A_2168, %swap3A_2169], %broadcast_in_dim3A_2094 {strides = array<i32>} : memref<196x384xf32, #tpu.memory_space<vmem>>, vector<16xf32>,
      %slice3A_2171 = vector.extract_strided_slice %get3A_1301 {offsets = [11], sizes = [1], strides = [1]} : vector<16xf32> to vector<1xf32>
      %squeeze3A_2172 = vector.extract %slice3A_2171[0] : f32 from vector<1xf32>
      %broadcast_in_dim3A_2173 = vector.broadcast %squeeze3A_2172 : f32 to vector<16xf32>
      %mul3A_2174 = arith.constant 16 : i32
      %mul3A_2175 = arith.muli %scan3A_1297, %mul3A_2174 : i32
      %add3A_2176 = arith.constant 11 : i32
      %add3A_2177 = arith.addi %mul3A_2175, %add3A_2176 : i32
      %swap3A_2178 = arith.index_cast %add3A_2177 : i32 to index
      %swap3A_2179 = arith.constant 0 : index
      %swap3A_2180 = tpu.vector_load %arg8[%swap3A_2178, %swap3A_2179] {strides = array<i32>} : memref<196x384xf32, #tpu.memory_space<vmem>>, vector<16xf32>,
      tpu.vector_store %arg8[%swap3A_2178, %swap3A_2179], %broadcast_in_dim3A_2173 {strides = array<i32>} : memref<196x384xf32, #tpu.memory_space<vmem>>, vector<16xf32>,
      %swap3A_2181 = arith.index_cast %add3A_2177 : i32 to index
      %swap3A_2182 = arith.constant 16 : index
      %swap3A_2183 = tpu.vector_load %arg8[%swap3A_2181, %swap3A_2182] {strides = array<i32>} : memref<196x384xf32, #tpu.memory_space<vmem>>, vector<16xf32>,
      tpu.vector_store %arg8[%swap3A_2181, %swap3A_2182], %broadcast_in_dim3A_2173 {strides = array<i32>} : memref<196x384xf32, #tpu.memory_space<vmem>>, vector<16xf32>,
      %swap3A_2184 = arith.index_cast %add3A_2177 : i32 to index
      %swap3A_2185 = arith.constant 32 : index
      %swap3A_2186 = tpu.vector_load %arg8[%swap3A_2184, %swap3A_2185] {strides = array<i32>} : memref<196x384xf32, #tpu.memory_space<vmem>>, vector<16xf32>,
      tpu.vector_store %arg8[%swap3A_2184, %swap3A_2185], %broadcast_in_dim3A_2173 {strides = array<i32>} : memref<196x384xf32, #tpu.memory_space<vmem>>, vector<16xf32>,
      %swap3A_2187 = arith.index_cast %add3A_2177 : i32 to index
      %swap3A_2188 = arith.constant 48 : index
      %swap3A_2189 = tpu.vector_load %arg8[%swap3A_2187, %swap3A_2188] {strides = array<i32>} : memref<196x384xf32, #tpu.memory_space<vmem>>, vector<16xf32>,
      tpu.vector_store %arg8[%swap3A_2187, %swap3A_2188], %broadcast_in_dim3A_2173 {strides = array<i32>} : memref<196x384xf32, #tpu.memory_space<vmem>>, vector<16xf32>,
      %swap3A_2190 = arith.index_cast %add3A_2177 : i32 to index
      %swap3A_2191 = arith.constant 64 : index
      %swap3A_2192 = tpu.vector_load %arg8[%swap3A_2190, %swap3A_2191] {strides = array<i32>} : memref<196x384xf32, #tpu.memory_space<vmem>>, vector<16xf32>,
      tpu.vector_store %arg8[%swap3A_2190, %swap3A_2191], %broadcast_in_dim3A_2173 {strides = array<i32>} : memref<196x384xf32, #tpu.memory_space<vmem>>, vector<16xf32>,
      %swap3A_2193 = arith.index_cast %add3A_2177 : i32 to index
      %swap3A_2194 = arith.constant 80 : index
      %swap3A_2195 = tpu.vector_load %arg8[%swap3A_2193, %swap3A_2194] {strides = array<i32>} : memref<196x384xf32, #tpu.memory_space<vmem>>, vector<16xf32>,
      tpu.vector_store %arg8[%swap3A_2193, %swap3A_2194], %broadcast_in_dim3A_2173 {strides = array<i32>} : memref<196x384xf32, #tpu.memory_space<vmem>>, vector<16xf32>,
      %swap3A_2196 = arith.index_cast %add3A_2177 : i32 to index
      %swap3A_2197 = arith.constant 96 : index
      %swap3A_2198 = tpu.vector_load %arg8[%swap3A_2196, %swap3A_2197] {strides = array<i32>} : memref<196x384xf32, #tpu.memory_space<vmem>>, vector<16xf32>,
      tpu.vector_store %arg8[%swap3A_2196, %swap3A_2197], %broadcast_in_dim3A_2173 {strides = array<i32>} : memref<196x384xf32, #tpu.memory_space<vmem>>, vector<16xf32>,
      %swap3A_2199 = arith.index_cast %add3A_2177 : i32 to index
      %swap3A_2200 = arith.constant 112 : index
      %swap3A_2201 = tpu.vector_load %arg8[%swap3A_2199, %swap3A_2200] {strides = array<i32>} : memref<196x384xf32, #tpu.memory_space<vmem>>, vector<16xf32>,
      tpu.vector_store %arg8[%swap3A_2199, %swap3A_2200], %broadcast_in_dim3A_2173 {strides = array<i32>} : memref<196x384xf32, #tpu.memory_space<vmem>>, vector<16xf32>,
      %swap3A_2202 = arith.index_cast %add3A_2177 : i32 to index
      %swap3A_2203 = arith.constant 128 : index
      %swap3A_2204 = tpu.vector_load %arg8[%swap3A_2202, %swap3A_2203] {strides = array<i32>} : memref<196x384xf32, #tpu.memory_space<vmem>>, vector<16xf32>,
      tpu.vector_store %arg8[%swap3A_2202, %swap3A_2203], %broadcast_in_dim3A_2173 {strides = array<i32>} : memref<196x384xf32, #tpu.memory_space<vmem>>, vector<16xf32>,
      %swap3A_2205 = arith.index_cast %add3A_2177 : i32 to index
      %swap3A_2206 = arith.constant 144 : index
      %swap3A_2207 = tpu.vector_load %arg8[%swap3A_2205, %swap3A_2206] {strides = array<i32>} : memref<196x384xf32, #tpu.memory_space<vmem>>, vector<16xf32>,
      tpu.vector_store %arg8[%swap3A_2205, %swap3A_2206], %broadcast_in_dim3A_2173 {strides = array<i32>} : memref<196x384xf32, #tpu.memory_space<vmem>>, vector<16xf32>,
      %swap3A_2208 = arith.index_cast %add3A_2177 : i32 to index
      %swap3A_2209 = arith.constant 160 : index
      %swap3A_2210 = tpu.vector_load %arg8[%swap3A_2208, %swap3A_2209] {strides = array<i32>} : memref<196x384xf32, #tpu.memory_space<vmem>>, vector<16xf32>,
      tpu.vector_store %arg8[%swap3A_2208, %swap3A_2209], %broadcast_in_dim3A_2173 {strides = array<i32>} : memref<196x384xf32, #tpu.memory_space<vmem>>, vector<16xf32>,
      %swap3A_2211 = arith.index_cast %add3A_2177 : i32 to index
      %swap3A_2212 = arith.constant 176 : index
      %swap3A_2213 = tpu.vector_load %arg8[%swap3A_2211, %swap3A_2212] {strides = array<i32>} : memref<196x384xf32, #tpu.memory_space<vmem>>, vector<16xf32>,
      tpu.vector_store %arg8[%swap3A_2211, %swap3A_2212], %broadcast_in_dim3A_2173 {strides = array<i32>} : memref<196x384xf32, #tpu.memory_space<vmem>>, vector<16xf32>,
      %swap3A_2214 = arith.index_cast %add3A_2177 : i32 to index
      %swap3A_2215 = arith.constant 192 : index
      %swap3A_2216 = tpu.vector_load %arg8[%swap3A_2214, %swap3A_2215] {strides = array<i32>} : memref<196x384xf32, #tpu.memory_space<vmem>>, vector<16xf32>,
      tpu.vector_store %arg8[%swap3A_2214, %swap3A_2215], %broadcast_in_dim3A_2173 {strides = array<i32>} : memref<196x384xf32, #tpu.memory_space<vmem>>, vector<16xf32>,
      %swap3A_2217 = arith.index_cast %add3A_2177 : i32 to index
      %swap3A_2218 = arith.constant 208 : index
      %swap3A_2219 = tpu.vector_load %arg8[%swap3A_2217, %swap3A_2218] {strides = array<i32>} : memref<196x384xf32, #tpu.memory_space<vmem>>, vector<16xf32>,
      tpu.vector_store %arg8[%swap3A_2217, %swap3A_2218], %broadcast_in_dim3A_2173 {strides = array<i32>} : memref<196x384xf32, #tpu.memory_space<vmem>>, vector<16xf32>,
      %swap3A_2220 = arith.index_cast %add3A_2177 : i32 to index
      %swap3A_2221 = arith.constant 224 : index
      %swap3A_2222 = tpu.vector_load %arg8[%swap3A_2220, %swap3A_2221] {strides = array<i32>} : memref<196x384xf32, #tpu.memory_space<vmem>>, vector<16xf32>,
      tpu.vector_store %arg8[%swap3A_2220, %swap3A_2221], %broadcast_in_dim3A_2173 {strides = array<i32>} : memref<196x384xf32, #tpu.memory_space<vmem>>, vector<16xf32>,
      %swap3A_2223 = arith.index_cast %add3A_2177 : i32 to index
      %swap3A_2224 = arith.constant 240 : index
      %swap3A_2225 = tpu.vector_load %arg8[%swap3A_2223, %swap3A_2224] {strides = array<i32>} : memref<196x384xf32, #tpu.memory_space<vmem>>, vector<16xf32>,
      tpu.vector_store %arg8[%swap3A_2223, %swap3A_2224], %broadcast_in_dim3A_2173 {strides = array<i32>} : memref<196x384xf32, #tpu.memory_space<vmem>>, vector<16xf32>,
      %swap3A_2226 = arith.index_cast %add3A_2177 : i32 to index
      %swap3A_2227 = arith.constant 256 : index
      %swap3A_2228 = tpu.vector_load %arg8[%swap3A_2226, %swap3A_2227] {strides = array<i32>} : memref<196x384xf32, #tpu.memory_space<vmem>>, vector<16xf32>,
      tpu.vector_store %arg8[%swap3A_2226, %swap3A_2227], %broadcast_in_dim3A_2173 {strides = array<i32>} : memref<196x384xf32, #tpu.memory_space<vmem>>, vector<16xf32>,
      %swap3A_2229 = arith.index_cast %add3A_2177 : i32 to index
      %swap3A_2230 = arith.constant 272 : index
      %swap3A_2231 = tpu.vector_load %arg8[%swap3A_2229, %swap3A_2230] {strides = array<i32>} : memref<196x384xf32, #tpu.memory_space<vmem>>, vector<16xf32>,
      tpu.vector_store %arg8[%swap3A_2229, %swap3A_2230], %broadcast_in_dim3A_2173 {strides = array<i32>} : memref<196x384xf32, #tpu.memory_space<vmem>>, vector<16xf32>,
      %swap3A_2232 = arith.index_cast %add3A_2177 : i32 to index
      %swap3A_2233 = arith.constant 288 : index
      %swap3A_2234 = tpu.vector_load %arg8[%swap3A_2232, %swap3A_2233] {strides = array<i32>} : memref<196x384xf32, #tpu.memory_space<vmem>>, vector<16xf32>,
      tpu.vector_store %arg8[%swap3A_2232, %swap3A_2233], %broadcast_in_dim3A_2173 {strides = array<i32>} : memref<196x384xf32, #tpu.memory_space<vmem>>, vector<16xf32>,
      %swap3A_2235 = arith.index_cast %add3A_2177 : i32 to index
      %swap3A_2236 = arith.constant 304 : index
      %swap3A_2237 = tpu.vector_load %arg8[%swap3A_2235, %swap3A_2236] {strides = array<i32>} : memref<196x384xf32, #tpu.memory_space<vmem>>, vector<16xf32>,
      tpu.vector_store %arg8[%swap3A_2235, %swap3A_2236], %broadcast_in_dim3A_2173 {strides = array<i32>} : memref<196x384xf32, #tpu.memory_space<vmem>>, vector<16xf32>,
      %swap3A_2238 = arith.index_cast %add3A_2177 : i32 to index
      %swap3A_2239 = arith.constant 320 : index
      %swap3A_2240 = tpu.vector_load %arg8[%swap3A_2238, %swap3A_2239] {strides = array<i32>} : memref<196x384xf32, #tpu.memory_space<vmem>>, vector<16xf32>,
      tpu.vector_store %arg8[%swap3A_2238, %swap3A_2239], %broadcast_in_dim3A_2173 {strides = array<i32>} : memref<196x384xf32, #tpu.memory_space<vmem>>, vector<16xf32>,
      %swap3A_2241 = arith.index_cast %add3A_2177 : i32 to index
      %swap3A_2242 = arith.constant 336 : index
      %swap3A_2243 = tpu.vector_load %arg8[%swap3A_2241, %swap3A_2242] {strides = array<i32>} : memref<196x384xf32, #tpu.memory_space<vmem>>, vector<16xf32>,
      tpu.vector_store %arg8[%swap3A_2241, %swap3A_2242], %broadcast_in_dim3A_2173 {strides = array<i32>} : memref<196x384xf32, #tpu.memory_space<vmem>>, vector<16xf32>,
      %swap3A_2244 = arith.index_cast %add3A_2177 : i32 to index
      %swap3A_2245 = arith.constant 352 : index
      %swap3A_2246 = tpu.vector_load %arg8[%swap3A_2244, %swap3A_2245] {strides = array<i32>} : memref<196x384xf32, #tpu.memory_space<vmem>>, vector<16xf32>,
      tpu.vector_store %arg8[%swap3A_2244, %swap3A_2245], %broadcast_in_dim3A_2173 {strides = array<i32>} : memref<196x384xf32, #tpu.memory_space<vmem>>, vector<16xf32>,
      %swap3A_2247 = arith.index_cast %add3A_2177 : i32 to index
      %swap3A_2248 = arith.constant 368 : index
      %swap3A_2249 = tpu.vector_load %arg8[%swap3A_2247, %swap3A_2248] {strides = array<i32>} : memref<196x384xf32, #tpu.memory_space<vmem>>, vector<16xf32>,
      tpu.vector_store %arg8[%swap3A_2247, %swap3A_2248], %broadcast_in_dim3A_2173 {strides = array<i32>} : memref<196x384xf32, #tpu.memory_space<vmem>>, vector<16xf32>,
      %slice3A_2250 = vector.extract_strided_slice %get3A_1301 {offsets = [12], sizes = [1], strides = [1]} : vector<16xf32> to vector<1xf32>
      %squeeze3A_2251 = vector.extract %slice3A_2250[0] : f32 from vector<1xf32>
      %broadcast_in_dim3A_2252 = vector.broadcast %squeeze3A_2251 : f32 to vector<16xf32>
      %mul3A_2253 = arith.constant 16 : i32
      %mul3A_2254 = arith.muli %scan3A_1297, %mul3A_2253 : i32
      %add3A_2255 = arith.constant 12 : i32
      %add3A_2256 = arith.addi %mul3A_2254, %add3A_2255 : i32
      %swap3A_2257 = arith.index_cast %add3A_2256 : i32 to index
      %swap3A_2258 = arith.constant 0 : index
      %swap3A_2259 = tpu.vector_load %arg8[%swap3A_2257, %swap3A_2258] {strides = array<i32>} : memref<196x384xf32, #tpu.memory_space<vmem>>, vector<16xf32>,
      tpu.vector_store %arg8[%swap3A_2257, %swap3A_2258], %broadcast_in_dim3A_2252 {strides = array<i32>} : memref<196x384xf32, #tpu.memory_space<vmem>>, vector<16xf32>,
      %swap3A_2260 = arith.index_cast %add3A_2256 : i32 to index
      %swap3A_2261 = arith.constant 16 : index
      %swap3A_2262 = tpu.vector_load %arg8[%swap3A_2260, %swap3A_2261] {strides = array<i32>} : memref<196x384xf32, #tpu.memory_space<vmem>>, vector<16xf32>,
      tpu.vector_store %arg8[%swap3A_2260, %swap3A_2261], %broadcast_in_dim3A_2252 {strides = array<i32>} : memref<196x384xf32, #tpu.memory_space<vmem>>, vector<16xf32>,
      %swap3A_2263 = arith.index_cast %add3A_2256 : i32 to index
      %swap3A_2264 = arith.constant 32 : index
      %swap3A_2265 = tpu.vector_load %arg8[%swap3A_2263, %swap3A_2264] {strides = array<i32>} : memref<196x384xf32, #tpu.memory_space<vmem>>, vector<16xf32>,
      tpu.vector_store %arg8[%swap3A_2263, %swap3A_2264], %broadcast_in_dim3A_2252 {strides = array<i32>} : memref<196x384xf32, #tpu.memory_space<vmem>>, vector<16xf32>,
      %swap3A_2266 = arith.index_cast %add3A_2256 : i32 to index
      %swap3A_2267 = arith.constant 48 : index
      %swap3A_2268 = tpu.vector_load %arg8[%swap3A_2266, %swap3A_2267] {strides = array<i32>} : memref<196x384xf32, #tpu.memory_space<vmem>>, vector<16xf32>,
      tpu.vector_store %arg8[%swap3A_2266, %swap3A_2267], %broadcast_in_dim3A_2252 {strides = array<i32>} : memref<196x384xf32, #tpu.memory_space<vmem>>, vector<16xf32>,
      %swap3A_2269 = arith.index_cast %add3A_2256 : i32 to index
      %swap3A_2270 = arith.constant 64 : index
      %swap3A_2271 = tpu.vector_load %arg8[%swap3A_2269, %swap3A_2270] {strides = array<i32>} : memref<196x384xf32, #tpu.memory_space<vmem>>, vector<16xf32>,
      tpu.vector_store %arg8[%swap3A_2269, %swap3A_2270], %broadcast_in_dim3A_2252 {strides = array<i32>} : memref<196x384xf32, #tpu.memory_space<vmem>>, vector<16xf32>,
      %swap3A_2272 = arith.index_cast %add3A_2256 : i32 to index
      %swap3A_2273 = arith.constant 80 : index
      %swap3A_2274 = tpu.vector_load %arg8[%swap3A_2272, %swap3A_2273] {strides = array<i32>} : memref<196x384xf32, #tpu.memory_space<vmem>>, vector<16xf32>,
      tpu.vector_store %arg8[%swap3A_2272, %swap3A_2273], %broadcast_in_dim3A_2252 {strides = array<i32>} : memref<196x384xf32, #tpu.memory_space<vmem>>, vector<16xf32>,
      %swap3A_2275 = arith.index_cast %add3A_2256 : i32 to index
      %swap3A_2276 = arith.constant 96 : index
      %swap3A_2277 = tpu.vector_load %arg8[%swap3A_2275, %swap3A_2276] {strides = array<i32>} : memref<196x384xf32, #tpu.memory_space<vmem>>, vector<16xf32>,
      tpu.vector_store %arg8[%swap3A_2275, %swap3A_2276], %broadcast_in_dim3A_2252 {strides = array<i32>} : memref<196x384xf32, #tpu.memory_space<vmem>>, vector<16xf32>,
      %swap3A_2278 = arith.index_cast %add3A_2256 : i32 to index
      %swap3A_2279 = arith.constant 112 : index
      %swap3A_2280 = tpu.vector_load %arg8[%swap3A_2278, %swap3A_2279] {strides = array<i32>} : memref<196x384xf32, #tpu.memory_space<vmem>>, vector<16xf32>,
      tpu.vector_store %arg8[%swap3A_2278, %swap3A_2279], %broadcast_in_dim3A_2252 {strides = array<i32>} : memref<196x384xf32, #tpu.memory_space<vmem>>, vector<16xf32>,
      %swap3A_2281 = arith.index_cast %add3A_2256 : i32 to index
      %swap3A_2282 = arith.constant 128 : index
      %swap3A_2283 = tpu.vector_load %arg8[%swap3A_2281, %swap3A_2282] {strides = array<i32>} : memref<196x384xf32, #tpu.memory_space<vmem>>, vector<16xf32>,
      tpu.vector_store %arg8[%swap3A_2281, %swap3A_2282], %broadcast_in_dim3A_2252 {strides = array<i32>} : memref<196x384xf32, #tpu.memory_space<vmem>>, vector<16xf32>,
      %swap3A_2284 = arith.index_cast %add3A_2256 : i32 to index
      %swap3A_2285 = arith.constant 144 : index
      %swap3A_2286 = tpu.vector_load %arg8[%swap3A_2284, %swap3A_2285] {strides = array<i32>} : memref<196x384xf32, #tpu.memory_space<vmem>>, vector<16xf32>,
      tpu.vector_store %arg8[%swap3A_2284, %swap3A_2285], %broadcast_in_dim3A_2252 {strides = array<i32>} : memref<196x384xf32, #tpu.memory_space<vmem>>, vector<16xf32>,
      %swap3A_2287 = arith.index_cast %add3A_2256 : i32 to index
      %swap3A_2288 = arith.constant 160 : index
      %swap3A_2289 = tpu.vector_load %arg8[%swap3A_2287, %swap3A_2288] {strides = array<i32>} : memref<196x384xf32, #tpu.memory_space<vmem>>, vector<16xf32>,
      tpu.vector_store %arg8[%swap3A_2287, %swap3A_2288], %broadcast_in_dim3A_2252 {strides = array<i32>} : memref<196x384xf32, #tpu.memory_space<vmem>>, vector<16xf32>,
      %swap3A_2290 = arith.index_cast %add3A_2256 : i32 to index
      %swap3A_2291 = arith.constant 176 : index
      %swap3A_2292 = tpu.vector_load %arg8[%swap3A_2290, %swap3A_2291] {strides = array<i32>} : memref<196x384xf32, #tpu.memory_space<vmem>>, vector<16xf32>,
      tpu.vector_store %arg8[%swap3A_2290, %swap3A_2291], %broadcast_in_dim3A_2252 {strides = array<i32>} : memref<196x384xf32, #tpu.memory_space<vmem>>, vector<16xf32>,
      %swap3A_2293 = arith.index_cast %add3A_2256 : i32 to index
      %swap3A_2294 = arith.constant 192 : index
      %swap3A_2295 = tpu.vector_load %arg8[%swap3A_2293, %swap3A_2294] {strides = array<i32>} : memref<196x384xf32, #tpu.memory_space<vmem>>, vector<16xf32>,
      tpu.vector_store %arg8[%swap3A_2293, %swap3A_2294], %broadcast_in_dim3A_2252 {strides = array<i32>} : memref<196x384xf32, #tpu.memory_space<vmem>>, vector<16xf32>,
      %swap3A_2296 = arith.index_cast %add3A_2256 : i32 to index
      %swap3A_2297 = arith.constant 208 : index
      %swap3A_2298 = tpu.vector_load %arg8[%swap3A_2296, %swap3A_2297] {strides = array<i32>} : memref<196x384xf32, #tpu.memory_space<vmem>>, vector<16xf32>,
      tpu.vector_store %arg8[%swap3A_2296, %swap3A_2297], %broadcast_in_dim3A_2252 {strides = array<i32>} : memref<196x384xf32, #tpu.memory_space<vmem>>, vector<16xf32>,
      %swap3A_2299 = arith.index_cast %add3A_2256 : i32 to index
      %swap3A_2300 = arith.constant 224 : index
      %swap3A_2301 = tpu.vector_load %arg8[%swap3A_2299, %swap3A_2300] {strides = array<i32>} : memref<196x384xf32, #tpu.memory_space<vmem>>, vector<16xf32>,
      tpu.vector_store %arg8[%swap3A_2299, %swap3A_2300], %broadcast_in_dim3A_2252 {strides = array<i32>} : memref<196x384xf32, #tpu.memory_space<vmem>>, vector<16xf32>,
      %swap3A_2302 = arith.index_cast %add3A_2256 : i32 to index
      %swap3A_2303 = arith.constant 240 : index
      %swap3A_2304 = tpu.vector_load %arg8[%swap3A_2302, %swap3A_2303] {strides = array<i32>} : memref<196x384xf32, #tpu.memory_space<vmem>>, vector<16xf32>,
      tpu.vector_store %arg8[%swap3A_2302, %swap3A_2303], %broadcast_in_dim3A_2252 {strides = array<i32>} : memref<196x384xf32, #tpu.memory_space<vmem>>, vector<16xf32>,
      %swap3A_2305 = arith.index_cast %add3A_2256 : i32 to index
      %swap3A_2306 = arith.constant 256 : index
      %swap3A_2307 = tpu.vector_load %arg8[%swap3A_2305, %swap3A_2306] {strides = array<i32>} : memref<196x384xf32, #tpu.memory_space<vmem>>, vector<16xf32>,
      tpu.vector_store %arg8[%swap3A_2305, %swap3A_2306], %broadcast_in_dim3A_2252 {strides = array<i32>} : memref<196x384xf32, #tpu.memory_space<vmem>>, vector<16xf32>,
      %swap3A_2308 = arith.index_cast %add3A_2256 : i32 to index
      %swap3A_2309 = arith.constant 272 : index
      %swap3A_2310 = tpu.vector_load %arg8[%swap3A_2308, %swap3A_2309] {strides = array<i32>} : memref<196x384xf32, #tpu.memory_space<vmem>>, vector<16xf32>,
      tpu.vector_store %arg8[%swap3A_2308, %swap3A_2309], %broadcast_in_dim3A_2252 {strides = array<i32>} : memref<196x384xf32, #tpu.memory_space<vmem>>, vector<16xf32>,
      %swap3A_2311 = arith.index_cast %add3A_2256 : i32 to index
      %swap3A_2312 = arith.constant 288 : index
      %swap3A_2313 = tpu.vector_load %arg8[%swap3A_2311, %swap3A_2312] {strides = array<i32>} : memref<196x384xf32, #tpu.memory_space<vmem>>, vector<16xf32>,
      tpu.vector_store %arg8[%swap3A_2311, %swap3A_2312], %broadcast_in_dim3A_2252 {strides = array<i32>} : memref<196x384xf32, #tpu.memory_space<vmem>>, vector<16xf32>,
      %swap3A_2314 = arith.index_cast %add3A_2256 : i32 to index
      %swap3A_2315 = arith.constant 304 : index
      %swap3A_2316 = tpu.vector_load %arg8[%swap3A_2314, %swap3A_2315] {strides = array<i32>} : memref<196x384xf32, #tpu.memory_space<vmem>>, vector<16xf32>,
      tpu.vector_store %arg8[%swap3A_2314, %swap3A_2315], %broadcast_in_dim3A_2252 {strides = array<i32>} : memref<196x384xf32, #tpu.memory_space<vmem>>, vector<16xf32>,
      %swap3A_2317 = arith.index_cast %add3A_2256 : i32 to index
      %swap3A_2318 = arith.constant 320 : index
      %swap3A_2319 = tpu.vector_load %arg8[%swap3A_2317, %swap3A_2318] {strides = array<i32>} : memref<196x384xf32, #tpu.memory_space<vmem>>, vector<16xf32>,
      tpu.vector_store %arg8[%swap3A_2317, %swap3A_2318], %broadcast_in_dim3A_2252 {strides = array<i32>} : memref<196x384xf32, #tpu.memory_space<vmem>>, vector<16xf32>,
      %swap3A_2320 = arith.index_cast %add3A_2256 : i32 to index
      %swap3A_2321 = arith.constant 336 : index
      %swap3A_2322 = tpu.vector_load %arg8[%swap3A_2320, %swap3A_2321] {strides = array<i32>} : memref<196x384xf32, #tpu.memory_space<vmem>>, vector<16xf32>,
      tpu.vector_store %arg8[%swap3A_2320, %swap3A_2321], %broadcast_in_dim3A_2252 {strides = array<i32>} : memref<196x384xf32, #tpu.memory_space<vmem>>, vector<16xf32>,
      %swap3A_2323 = arith.index_cast %add3A_2256 : i32 to index
      %swap3A_2324 = arith.constant 352 : index
      %swap3A_2325 = tpu.vector_load %arg8[%swap3A_2323, %swap3A_2324] {strides = array<i32>} : memref<196x384xf32, #tpu.memory_space<vmem>>, vector<16xf32>,
      tpu.vector_store %arg8[%swap3A_2323, %swap3A_2324], %broadcast_in_dim3A_2252 {strides = array<i32>} : memref<196x384xf32, #tpu.memory_space<vmem>>, vector<16xf32>,
      %swap3A_2326 = arith.index_cast %add3A_2256 : i32 to index
      %swap3A_2327 = arith.constant 368 : index
      %swap3A_2328 = tpu.vector_load %arg8[%swap3A_2326, %swap3A_2327] {strides = array<i32>} : memref<196x384xf32, #tpu.memory_space<vmem>>, vector<16xf32>,
      tpu.vector_store %arg8[%swap3A_2326, %swap3A_2327], %broadcast_in_dim3A_2252 {strides = array<i32>} : memref<196x384xf32, #tpu.memory_space<vmem>>, vector<16xf32>,
      %slice3A_2329 = vector.extract_strided_slice %get3A_1301 {offsets = [13], sizes = [1], strides = [1]} : vector<16xf32> to vector<1xf32>
      %squeeze3A_2330 = vector.extract %slice3A_2329[0] : f32 from vector<1xf32>
      %broadcast_in_dim3A_2331 = vector.broadcast %squeeze3A_2330 : f32 to vector<16xf32>
      %mul3A_2332 = arith.constant 16 : i32
      %mul3A_2333 = arith.muli %scan3A_1297, %mul3A_2332 : i32
      %add3A_2334 = arith.constant 13 : i32
      %add3A_2335 = arith.addi %mul3A_2333, %add3A_2334 : i32
      %swap3A_2336 = arith.index_cast %add3A_2335 : i32 to index
      %swap3A_2337 = arith.constant 0 : index
      %swap3A_2338 = tpu.vector_load %arg8[%swap3A_2336, %swap3A_2337] {strides = array<i32>} : memref<196x384xf32, #tpu.memory_space<vmem>>, vector<16xf32>,
      tpu.vector_store %arg8[%swap3A_2336, %swap3A_2337], %broadcast_in_dim3A_2331 {strides = array<i32>} : memref<196x384xf32, #tpu.memory_space<vmem>>, vector<16xf32>,
      %swap3A_2339 = arith.index_cast %add3A_2335 : i32 to index
      %swap3A_2340 = arith.constant 16 : index
      %swap3A_2341 = tpu.vector_load %arg8[%swap3A_2339, %swap3A_2340] {strides = array<i32>} : memref<196x384xf32, #tpu.memory_space<vmem>>, vector<16xf32>,
      tpu.vector_store %arg8[%swap3A_2339, %swap3A_2340], %broadcast_in_dim3A_2331 {strides = array<i32>} : memref<196x384xf32, #tpu.memory_space<vmem>>, vector<16xf32>,
      %swap3A_2342 = arith.index_cast %add3A_2335 : i32 to index
      %swap3A_2343 = arith.constant 32 : index
      %swap3A_2344 = tpu.vector_load %arg8[%swap3A_2342, %swap3A_2343] {strides = array<i32>} : memref<196x384xf32, #tpu.memory_space<vmem>>, vector<16xf32>,
      tpu.vector_store %arg8[%swap3A_2342, %swap3A_2343], %broadcast_in_dim3A_2331 {strides = array<i32>} : memref<196x384xf32, #tpu.memory_space<vmem>>, vector<16xf32>,
      %swap3A_2345 = arith.index_cast %add3A_2335 : i32 to index
      %swap3A_2346 = arith.constant 48 : index
      %swap3A_2347 = tpu.vector_load %arg8[%swap3A_2345, %swap3A_2346] {strides = array<i32>} : memref<196x384xf32, #tpu.memory_space<vmem>>, vector<16xf32>,
      tpu.vector_store %arg8[%swap3A_2345, %swap3A_2346], %broadcast_in_dim3A_2331 {strides = array<i32>} : memref<196x384xf32, #tpu.memory_space<vmem>>, vector<16xf32>,
      %swap3A_2348 = arith.index_cast %add3A_2335 : i32 to index
      %swap3A_2349 = arith.constant 64 : index
      %swap3A_2350 = tpu.vector_load %arg8[%swap3A_2348, %swap3A_2349] {strides = array<i32>} : memref<196x384xf32, #tpu.memory_space<vmem>>, vector<16xf32>,
      tpu.vector_store %arg8[%swap3A_2348, %swap3A_2349], %broadcast_in_dim3A_2331 {strides = array<i32>} : memref<196x384xf32, #tpu.memory_space<vmem>>, vector<16xf32>,
      %swap3A_2351 = arith.index_cast %add3A_2335 : i32 to index
      %swap3A_2352 = arith.constant 80 : index
      %swap3A_2353 = tpu.vector_load %arg8[%swap3A_2351, %swap3A_2352] {strides = array<i32>} : memref<196x384xf32, #tpu.memory_space<vmem>>, vector<16xf32>,
      tpu.vector_store %arg8[%swap3A_2351, %swap3A_2352], %broadcast_in_dim3A_2331 {strides = array<i32>} : memref<196x384xf32, #tpu.memory_space<vmem>>, vector<16xf32>,
      %swap3A_2354 = arith.index_cast %add3A_2335 : i32 to index
      %swap3A_2355 = arith.constant 96 : index
      %swap3A_2356 = tpu.vector_load %arg8[%swap3A_2354, %swap3A_2355] {strides = array<i32>} : memref<196x384xf32, #tpu.memory_space<vmem>>, vector<16xf32>,
      tpu.vector_store %arg8[%swap3A_2354, %swap3A_2355], %broadcast_in_dim3A_2331 {strides = array<i32>} : memref<196x384xf32, #tpu.memory_space<vmem>>, vector<16xf32>,
      %swap3A_2357 = arith.index_cast %add3A_2335 : i32 to index
      %swap3A_2358 = arith.constant 112 : index
      %swap3A_2359 = tpu.vector_load %arg8[%swap3A_2357, %swap3A_2358] {strides = array<i32>} : memref<196x384xf32, #tpu.memory_space<vmem>>, vector<16xf32>,
      tpu.vector_store %arg8[%swap3A_2357, %swap3A_2358], %broadcast_in_dim3A_2331 {strides = array<i32>} : memref<196x384xf32, #tpu.memory_space<vmem>>, vector<16xf32>,
      %swap3A_2360 = arith.index_cast %add3A_2335 : i32 to index
      %swap3A_2361 = arith.constant 128 : index
      %swap3A_2362 = tpu.vector_load %arg8[%swap3A_2360, %swap3A_2361] {strides = array<i32>} : memref<196x384xf32, #tpu.memory_space<vmem>>, vector<16xf32>,
      tpu.vector_store %arg8[%swap3A_2360, %swap3A_2361], %broadcast_in_dim3A_2331 {strides = array<i32>} : memref<196x384xf32, #tpu.memory_space<vmem>>, vector<16xf32>,
      %swap3A_2363 = arith.index_cast %add3A_2335 : i32 to index
      %swap3A_2364 = arith.constant 144 : index
      %swap3A_2365 = tpu.vector_load %arg8[%swap3A_2363, %swap3A_2364] {strides = array<i32>} : memref<196x384xf32, #tpu.memory_space<vmem>>, vector<16xf32>,
      tpu.vector_store %arg8[%swap3A_2363, %swap3A_2364], %broadcast_in_dim3A_2331 {strides = array<i32>} : memref<196x384xf32, #tpu.memory_space<vmem>>, vector<16xf32>,
      %swap3A_2366 = arith.index_cast %add3A_2335 : i32 to index
      %swap3A_2367 = arith.constant 160 : index
      %swap3A_2368 = tpu.vector_load %arg8[%swap3A_2366, %swap3A_2367] {strides = array<i32>} : memref<196x384xf32, #tpu.memory_space<vmem>>, vector<16xf32>,
      tpu.vector_store %arg8[%swap3A_2366, %swap3A_2367], %broadcast_in_dim3A_2331 {strides = array<i32>} : memref<196x384xf32, #tpu.memory_space<vmem>>, vector<16xf32>,
      %swap3A_2369 = arith.index_cast %add3A_2335 : i32 to index
      %swap3A_2370 = arith.constant 176 : index
      %swap3A_2371 = tpu.vector_load %arg8[%swap3A_2369, %swap3A_2370] {strides = array<i32>} : memref<196x384xf32, #tpu.memory_space<vmem>>, vector<16xf32>,
      tpu.vector_store %arg8[%swap3A_2369, %swap3A_2370], %broadcast_in_dim3A_2331 {strides = array<i32>} : memref<196x384xf32, #tpu.memory_space<vmem>>, vector<16xf32>,
      %swap3A_2372 = arith.index_cast %add3A_2335 : i32 to index
      %swap3A_2373 = arith.constant 192 : index
      %swap3A_2374 = tpu.vector_load %arg8[%swap3A_2372, %swap3A_2373] {strides = array<i32>} : memref<196x384xf32, #tpu.memory_space<vmem>>, vector<16xf32>,
      tpu.vector_store %arg8[%swap3A_2372, %swap3A_2373], %broadcast_in_dim3A_2331 {strides = array<i32>} : memref<196x384xf32, #tpu.memory_space<vmem>>, vector<16xf32>,
      %swap3A_2375 = arith.index_cast %add3A_2335 : i32 to index
      %swap3A_2376 = arith.constant 208 : index
      %swap3A_2377 = tpu.vector_load %arg8[%swap3A_2375, %swap3A_2376] {strides = array<i32>} : memref<196x384xf32, #tpu.memory_space<vmem>>, vector<16xf32>,
      tpu.vector_store %arg8[%swap3A_2375, %swap3A_2376], %broadcast_in_dim3A_2331 {strides = array<i32>} : memref<196x384xf32, #tpu.memory_space<vmem>>, vector<16xf32>,
      %swap3A_2378 = arith.index_cast %add3A_2335 : i32 to index
      %swap3A_2379 = arith.constant 224 : index
      %swap3A_2380 = tpu.vector_load %arg8[%swap3A_2378, %swap3A_2379] {strides = array<i32>} : memref<196x384xf32, #tpu.memory_space<vmem>>, vector<16xf32>,
      tpu.vector_store %arg8[%swap3A_2378, %swap3A_2379], %broadcast_in_dim3A_2331 {strides = array<i32>} : memref<196x384xf32, #tpu.memory_space<vmem>>, vector<16xf32>,
      %swap3A_2381 = arith.index_cast %add3A_2335 : i32 to index
      %swap3A_2382 = arith.constant 240 : index
      %swap3A_2383 = tpu.vector_load %arg8[%swap3A_2381, %swap3A_2382] {strides = array<i32>} : memref<196x384xf32, #tpu.memory_space<vmem>>, vector<16xf32>,
      tpu.vector_store %arg8[%swap3A_2381, %swap3A_2382], %broadcast_in_dim3A_2331 {strides = array<i32>} : memref<196x384xf32, #tpu.memory_space<vmem>>, vector<16xf32>,
      %swap3A_2384 = arith.index_cast %add3A_2335 : i32 to index
      %swap3A_2385 = arith.constant 256 : index
      %swap3A_2386 = tpu.vector_load %arg8[%swap3A_2384, %swap3A_2385] {strides = array<i32>} : memref<196x384xf32, #tpu.memory_space<vmem>>, vector<16xf32>,
      tpu.vector_store %arg8[%swap3A_2384, %swap3A_2385], %broadcast_in_dim3A_2331 {strides = array<i32>} : memref<196x384xf32, #tpu.memory_space<vmem>>, vector<16xf32>,
      %swap3A_2387 = arith.index_cast %add3A_2335 : i32 to index
      %swap3A_2388 = arith.constant 272 : index
      %swap3A_2389 = tpu.vector_load %arg8[%swap3A_2387, %swap3A_2388] {strides = array<i32>} : memref<196x384xf32, #tpu.memory_space<vmem>>, vector<16xf32>,
      tpu.vector_store %arg8[%swap3A_2387, %swap3A_2388], %broadcast_in_dim3A_2331 {strides = array<i32>} : memref<196x384xf32, #tpu.memory_space<vmem>>, vector<16xf32>,
      %swap3A_2390 = arith.index_cast %add3A_2335 : i32 to index
      %swap3A_2391 = arith.constant 288 : index
      %swap3A_2392 = tpu.vector_load %arg8[%swap3A_2390, %swap3A_2391] {strides = array<i32>} : memref<196x384xf32, #tpu.memory_space<vmem>>, vector<16xf32>,
      tpu.vector_store %arg8[%swap3A_2390, %swap3A_2391], %broadcast_in_dim3A_2331 {strides = array<i32>} : memref<196x384xf32, #tpu.memory_space<vmem>>, vector<16xf32>,
      %swap3A_2393 = arith.index_cast %add3A_2335 : i32 to index
      %swap3A_2394 = arith.constant 304 : index
      %swap3A_2395 = tpu.vector_load %arg8[%swap3A_2393, %swap3A_2394] {strides = array<i32>} : memref<196x384xf32, #tpu.memory_space<vmem>>, vector<16xf32>,
      tpu.vector_store %arg8[%swap3A_2393, %swap3A_2394], %broadcast_in_dim3A_2331 {strides = array<i32>} : memref<196x384xf32, #tpu.memory_space<vmem>>, vector<16xf32>,
      %swap3A_2396 = arith.index_cast %add3A_2335 : i32 to index
      %swap3A_2397 = arith.constant 320 : index
      %swap3A_2398 = tpu.vector_load %arg8[%swap3A_2396, %swap3A_2397] {strides = array<i32>} : memref<196x384xf32, #tpu.memory_space<vmem>>, vector<16xf32>,
      tpu.vector_store %arg8[%swap3A_2396, %swap3A_2397], %broadcast_in_dim3A_2331 {strides = array<i32>} : memref<196x384xf32, #tpu.memory_space<vmem>>, vector<16xf32>,
      %swap3A_2399 = arith.index_cast %add3A_2335 : i32 to index
      %swap3A_2400 = arith.constant 336 : index
      %swap3A_2401 = tpu.vector_load %arg8[%swap3A_2399, %swap3A_2400] {strides = array<i32>} : memref<196x384xf32, #tpu.memory_space<vmem>>, vector<16xf32>,
      tpu.vector_store %arg8[%swap3A_2399, %swap3A_2400], %broadcast_in_dim3A_2331 {strides = array<i32>} : memref<196x384xf32, #tpu.memory_space<vmem>>, vector<16xf32>,
      %swap3A_2402 = arith.index_cast %add3A_2335 : i32 to index
      %swap3A_2403 = arith.constant 352 : index
      %swap3A_2404 = tpu.vector_load %arg8[%swap3A_2402, %swap3A_2403] {strides = array<i32>} : memref<196x384xf32, #tpu.memory_space<vmem>>, vector<16xf32>,
      tpu.vector_store %arg8[%swap3A_2402, %swap3A_2403], %broadcast_in_dim3A_2331 {strides = array<i32>} : memref<196x384xf32, #tpu.memory_space<vmem>>, vector<16xf32>,
      %swap3A_2405 = arith.index_cast %add3A_2335 : i32 to index
      %swap3A_2406 = arith.constant 368 : index
      %swap3A_2407 = tpu.vector_load %arg8[%swap3A_2405, %swap3A_2406] {strides = array<i32>} : memref<196x384xf32, #tpu.memory_space<vmem>>, vector<16xf32>,
      tpu.vector_store %arg8[%swap3A_2405, %swap3A_2406], %broadcast_in_dim3A_2331 {strides = array<i32>} : memref<196x384xf32, #tpu.memory_space<vmem>>, vector<16xf32>,
      %slice3A_2408 = vector.extract_strided_slice %get3A_1301 {offsets = [14], sizes = [1], strides = [1]} : vector<16xf32> to vector<1xf32>
      %squeeze3A_2409 = vector.extract %slice3A_2408[0] : f32 from vector<1xf32>
      %broadcast_in_dim3A_2410 = vector.broadcast %squeeze3A_2409 : f32 to vector<16xf32>
      %mul3A_2411 = arith.constant 16 : i32
      %mul3A_2412 = arith.muli %scan3A_1297, %mul3A_2411 : i32
      %add3A_2413 = arith.constant 14 : i32
      %add3A_2414 = arith.addi %mul3A_2412, %add3A_2413 : i32
      %swap3A_2415 = arith.index_cast %add3A_2414 : i32 to index
      %swap3A_2416 = arith.constant 0 : index
      %swap3A_2417 = tpu.vector_load %arg8[%swap3A_2415, %swap3A_2416] {strides = array<i32>} : memref<196x384xf32, #tpu.memory_space<vmem>>, vector<16xf32>,
      tpu.vector_store %arg8[%swap3A_2415, %swap3A_2416], %broadcast_in_dim3A_2410 {strides = array<i32>} : memref<196x384xf32, #tpu.memory_space<vmem>>, vector<16xf32>,
      %swap3A_2418 = arith.index_cast %add3A_2414 : i32 to index
      %swap3A_2419 = arith.constant 16 : index
      %swap3A_2420 = tpu.vector_load %arg8[%swap3A_2418, %swap3A_2419] {strides = array<i32>} : memref<196x384xf32, #tpu.memory_space<vmem>>, vector<16xf32>,
      tpu.vector_store %arg8[%swap3A_2418, %swap3A_2419], %broadcast_in_dim3A_2410 {strides = array<i32>} : memref<196x384xf32, #tpu.memory_space<vmem>>, vector<16xf32>,
      %swap3A_2421 = arith.index_cast %add3A_2414 : i32 to index
      %swap3A_2422 = arith.constant 32 : index
      %swap3A_2423 = tpu.vector_load %arg8[%swap3A_2421, %swap3A_2422] {strides = array<i32>} : memref<196x384xf32, #tpu.memory_space<vmem>>, vector<16xf32>,
      tpu.vector_store %arg8[%swap3A_2421, %swap3A_2422], %broadcast_in_dim3A_2410 {strides = array<i32>} : memref<196x384xf32, #tpu.memory_space<vmem>>, vector<16xf32>,
      %swap3A_2424 = arith.index_cast %add3A_2414 : i32 to index
      %swap3A_2425 = arith.constant 48 : index
      %swap3A_2426 = tpu.vector_load %arg8[%swap3A_2424, %swap3A_2425] {strides = array<i32>} : memref<196x384xf32, #tpu.memory_space<vmem>>, vector<16xf32>,
      tpu.vector_store %arg8[%swap3A_2424, %swap3A_2425], %broadcast_in_dim3A_2410 {strides = array<i32>} : memref<196x384xf32, #tpu.memory_space<vmem>>, vector<16xf32>,
      %swap3A_2427 = arith.index_cast %add3A_2414 : i32 to index
      %swap3A_2428 = arith.constant 64 : index
      %swap3A_2429 = tpu.vector_load %arg8[%swap3A_2427, %swap3A_2428] {strides = array<i32>} : memref<196x384xf32, #tpu.memory_space<vmem>>, vector<16xf32>,
      tpu.vector_store %arg8[%swap3A_2427, %swap3A_2428], %broadcast_in_dim3A_2410 {strides = array<i32>} : memref<196x384xf32, #tpu.memory_space<vmem>>, vector<16xf32>,
      %swap3A_2430 = arith.index_cast %add3A_2414 : i32 to index
      %swap3A_2431 = arith.constant 80 : index
      %swap3A_2432 = tpu.vector_load %arg8[%swap3A_2430, %swap3A_2431] {strides = array<i32>} : memref<196x384xf32, #tpu.memory_space<vmem>>, vector<16xf32>,
      tpu.vector_store %arg8[%swap3A_2430, %swap3A_2431], %broadcast_in_dim3A_2410 {strides = array<i32>} : memref<196x384xf32, #tpu.memory_space<vmem>>, vector<16xf32>,
      %swap3A_2433 = arith.index_cast %add3A_2414 : i32 to index
      %swap3A_2434 = arith.constant 96 : index
      %swap3A_2435 = tpu.vector_load %arg8[%swap3A_2433, %swap3A_2434] {strides = array<i32>} : memref<196x384xf32, #tpu.memory_space<vmem>>, vector<16xf32>,
      tpu.vector_store %arg8[%swap3A_2433, %swap3A_2434], %broadcast_in_dim3A_2410 {strides = array<i32>} : memref<196x384xf32, #tpu.memory_space<vmem>>, vector<16xf32>,
      %swap3A_2436 = arith.index_cast %add3A_2414 : i32 to index
      %swap3A_2437 = arith.constant 112 : index
      %swap3A_2438 = tpu.vector_load %arg8[%swap3A_2436, %swap3A_2437] {strides = array<i32>} : memref<196x384xf32, #tpu.memory_space<vmem>>, vector<16xf32>,
      tpu.vector_store %arg8[%swap3A_2436, %swap3A_2437], %broadcast_in_dim3A_2410 {strides = array<i32>} : memref<196x384xf32, #tpu.memory_space<vmem>>, vector<16xf32>,
      %swap3A_2439 = arith.index_cast %add3A_2414 : i32 to index
      %swap3A_2440 = arith.constant 128 : index
      %swap3A_2441 = tpu.vector_load %arg8[%swap3A_2439, %swap3A_2440] {strides = array<i32>} : memref<196x384xf32, #tpu.memory_space<vmem>>, vector<16xf32>,
      tpu.vector_store %arg8[%swap3A_2439, %swap3A_2440], %broadcast_in_dim3A_2410 {strides = array<i32>} : memref<196x384xf32, #tpu.memory_space<vmem>>, vector<16xf32>,
      %swap3A_2442 = arith.index_cast %add3A_2414 : i32 to index
      %swap3A_2443 = arith.constant 144 : index
      %swap3A_2444 = tpu.vector_load %arg8[%swap3A_2442, %swap3A_2443] {strides = array<i32>} : memref<196x384xf32, #tpu.memory_space<vmem>>, vector<16xf32>,
      tpu.vector_store %arg8[%swap3A_2442, %swap3A_2443], %broadcast_in_dim3A_2410 {strides = array<i32>} : memref<196x384xf32, #tpu.memory_space<vmem>>, vector<16xf32>,
      %swap3A_2445 = arith.index_cast %add3A_2414 : i32 to index
      %swap3A_2446 = arith.constant 160 : index
      %swap3A_2447 = tpu.vector_load %arg8[%swap3A_2445, %swap3A_2446] {strides = array<i32>} : memref<196x384xf32, #tpu.memory_space<vmem>>, vector<16xf32>,
      tpu.vector_store %arg8[%swap3A_2445, %swap3A_2446], %broadcast_in_dim3A_2410 {strides = array<i32>} : memref<196x384xf32, #tpu.memory_space<vmem>>, vector<16xf32>,
      %swap3A_2448 = arith.index_cast %add3A_2414 : i32 to index
      %swap3A_2449 = arith.constant 176 : index
      %swap3A_2450 = tpu.vector_load %arg8[%swap3A_2448, %swap3A_2449] {strides = array<i32>} : memref<196x384xf32, #tpu.memory_space<vmem>>, vector<16xf32>,
      tpu.vector_store %arg8[%swap3A_2448, %swap3A_2449], %broadcast_in_dim3A_2410 {strides = array<i32>} : memref<196x384xf32, #tpu.memory_space<vmem>>, vector<16xf32>,
      %swap3A_2451 = arith.index_cast %add3A_2414 : i32 to index
      %swap3A_2452 = arith.constant 192 : index
      %swap3A_2453 = tpu.vector_load %arg8[%swap3A_2451, %swap3A_2452] {strides = array<i32>} : memref<196x384xf32, #tpu.memory_space<vmem>>, vector<16xf32>,
      tpu.vector_store %arg8[%swap3A_2451, %swap3A_2452], %broadcast_in_dim3A_2410 {strides = array<i32>} : memref<196x384xf32, #tpu.memory_space<vmem>>, vector<16xf32>,
      %swap3A_2454 = arith.index_cast %add3A_2414 : i32 to index
      %swap3A_2455 = arith.constant 208 : index
      %swap3A_2456 = tpu.vector_load %arg8[%swap3A_2454, %swap3A_2455] {strides = array<i32>} : memref<196x384xf32, #tpu.memory_space<vmem>>, vector<16xf32>,
      tpu.vector_store %arg8[%swap3A_2454, %swap3A_2455], %broadcast_in_dim3A_2410 {strides = array<i32>} : memref<196x384xf32, #tpu.memory_space<vmem>>, vector<16xf32>,
      %swap3A_2457 = arith.index_cast %add3A_2414 : i32 to index
      %swap3A_2458 = arith.constant 224 : index
      %swap3A_2459 = tpu.vector_load %arg8[%swap3A_2457, %swap3A_2458] {strides = array<i32>} : memref<196x384xf32, #tpu.memory_space<vmem>>, vector<16xf32>,
      tpu.vector_store %arg8[%swap3A_2457, %swap3A_2458], %broadcast_in_dim3A_2410 {strides = array<i32>} : memref<196x384xf32, #tpu.memory_space<vmem>>, vector<16xf32>,
      %swap3A_2460 = arith.index_cast %add3A_2414 : i32 to index
      %swap3A_2461 = arith.constant 240 : index
      %swap3A_2462 = tpu.vector_load %arg8[%swap3A_2460, %swap3A_2461] {strides = array<i32>} : memref<196x384xf32, #tpu.memory_space<vmem>>, vector<16xf32>,
      tpu.vector_store %arg8[%swap3A_2460, %swap3A_2461], %broadcast_in_dim3A_2410 {strides = array<i32>} : memref<196x384xf32, #tpu.memory_space<vmem>>, vector<16xf32>,
      %swap3A_2463 = arith.index_cast %add3A_2414 : i32 to index
      %swap3A_2464 = arith.constant 256 : index
      %swap3A_2465 = tpu.vector_load %arg8[%swap3A_2463, %swap3A_2464] {strides = array<i32>} : memref<196x384xf32, #tpu.memory_space<vmem>>, vector<16xf32>,
      tpu.vector_store %arg8[%swap3A_2463, %swap3A_2464], %broadcast_in_dim3A_2410 {strides = array<i32>} : memref<196x384xf32, #tpu.memory_space<vmem>>, vector<16xf32>,
      %swap3A_2466 = arith.index_cast %add3A_2414 : i32 to index
      %swap3A_2467 = arith.constant 272 : index
      %swap3A_2468 = tpu.vector_load %arg8[%swap3A_2466, %swap3A_2467] {strides = array<i32>} : memref<196x384xf32, #tpu.memory_space<vmem>>, vector<16xf32>,
      tpu.vector_store %arg8[%swap3A_2466, %swap3A_2467], %broadcast_in_dim3A_2410 {strides = array<i32>} : memref<196x384xf32, #tpu.memory_space<vmem>>, vector<16xf32>,
      %swap3A_2469 = arith.index_cast %add3A_2414 : i32 to index
      %swap3A_2470 = arith.constant 288 : index
      %swap3A_2471 = tpu.vector_load %arg8[%swap3A_2469, %swap3A_2470] {strides = array<i32>} : memref<196x384xf32, #tpu.memory_space<vmem>>, vector<16xf32>,
      tpu.vector_store %arg8[%swap3A_2469, %swap3A_2470], %broadcast_in_dim3A_2410 {strides = array<i32>} : memref<196x384xf32, #tpu.memory_space<vmem>>, vector<16xf32>,
      %swap3A_2472 = arith.index_cast %add3A_2414 : i32 to index
      %swap3A_2473 = arith.constant 304 : index
      %swap3A_2474 = tpu.vector_load %arg8[%swap3A_2472, %swap3A_2473] {strides = array<i32>} : memref<196x384xf32, #tpu.memory_space<vmem>>, vector<16xf32>,
      tpu.vector_store %arg8[%swap3A_2472, %swap3A_2473], %broadcast_in_dim3A_2410 {strides = array<i32>} : memref<196x384xf32, #tpu.memory_space<vmem>>, vector<16xf32>,
      %swap3A_2475 = arith.index_cast %add3A_2414 : i32 to index
      %swap3A_2476 = arith.constant 320 : index
      %swap3A_2477 = tpu.vector_load %arg8[%swap3A_2475, %swap3A_2476] {strides = array<i32>} : memref<196x384xf32, #tpu.memory_space<vmem>>, vector<16xf32>,
      tpu.vector_store %arg8[%swap3A_2475, %swap3A_2476], %broadcast_in_dim3A_2410 {strides = array<i32>} : memref<196x384xf32, #tpu.memory_space<vmem>>, vector<16xf32>,
      %swap3A_2478 = arith.index_cast %add3A_2414 : i32 to index
      %swap3A_2479 = arith.constant 336 : index
      %swap3A_2480 = tpu.vector_load %arg8[%swap3A_2478, %swap3A_2479] {strides = array<i32>} : memref<196x384xf32, #tpu.memory_space<vmem>>, vector<16xf32>,
      tpu.vector_store %arg8[%swap3A_2478, %swap3A_2479], %broadcast_in_dim3A_2410 {strides = array<i32>} : memref<196x384xf32, #tpu.memory_space<vmem>>, vector<16xf32>,
      %swap3A_2481 = arith.index_cast %add3A_2414 : i32 to index
      %swap3A_2482 = arith.constant 352 : index
      %swap3A_2483 = tpu.vector_load %arg8[%swap3A_2481, %swap3A_2482] {strides = array<i32>} : memref<196x384xf32, #tpu.memory_space<vmem>>, vector<16xf32>,
      tpu.vector_store %arg8[%swap3A_2481, %swap3A_2482], %broadcast_in_dim3A_2410 {strides = array<i32>} : memref<196x384xf32, #tpu.memory_space<vmem>>, vector<16xf32>,
      %swap3A_2484 = arith.index_cast %add3A_2414 : i32 to index
      %swap3A_2485 = arith.constant 368 : index
      %swap3A_2486 = tpu.vector_load %arg8[%swap3A_2484, %swap3A_2485] {strides = array<i32>} : memref<196x384xf32, #tpu.memory_space<vmem>>, vector<16xf32>,
      tpu.vector_store %arg8[%swap3A_2484, %swap3A_2485], %broadcast_in_dim3A_2410 {strides = array<i32>} : memref<196x384xf32, #tpu.memory_space<vmem>>, vector<16xf32>,
      %slice3A_2487 = vector.extract_strided_slice %get3A_1301 {offsets = [15], sizes = [1], strides = [1]} : vector<16xf32> to vector<1xf32>
      %squeeze3A_2488 = vector.extract %slice3A_2487[0] : f32 from vector<1xf32>
      %broadcast_in_dim3A_2489 = vector.broadcast %squeeze3A_2488 : f32 to vector<16xf32>
      %mul3A_2490 = arith.constant 16 : i32
      %mul3A_2491 = arith.muli %scan3A_1297, %mul3A_2490 : i32
      %add3A_2492 = arith.constant 15 : i32
      %add3A_2493 = arith.addi %mul3A_2491, %add3A_2492 : i32
      %swap3A_2494 = arith.index_cast %add3A_2493 : i32 to index
      %swap3A_2495 = arith.constant 0 : index
      %swap3A_2496 = tpu.vector_load %arg8[%swap3A_2494, %swap3A_2495] {strides = array<i32>} : memref<196x384xf32, #tpu.memory_space<vmem>>, vector<16xf32>,
      tpu.vector_store %arg8[%swap3A_2494, %swap3A_2495], %broadcast_in_dim3A_2489 {strides = array<i32>} : memref<196x384xf32, #tpu.memory_space<vmem>>, vector<16xf32>,
      %swap3A_2497 = arith.index_cast %add3A_2493 : i32 to index
      %swap3A_2498 = arith.constant 16 : index
      %swap3A_2499 = tpu.vector_load %arg8[%swap3A_2497, %swap3A_2498] {strides = array<i32>} : memref<196x384xf32, #tpu.memory_space<vmem>>, vector<16xf32>,
      tpu.vector_store %arg8[%swap3A_2497, %swap3A_2498], %broadcast_in_dim3A_2489 {strides = array<i32>} : memref<196x384xf32, #tpu.memory_space<vmem>>, vector<16xf32>,
      %swap3A_2500 = arith.index_cast %add3A_2493 : i32 to index
      %swap3A_2501 = arith.constant 32 : index
      %swap3A_2502 = tpu.vector_load %arg8[%swap3A_2500, %swap3A_2501] {strides = array<i32>} : memref<196x384xf32, #tpu.memory_space<vmem>>, vector<16xf32>,
      tpu.vector_store %arg8[%swap3A_2500, %swap3A_2501], %broadcast_in_dim3A_2489 {strides = array<i32>} : memref<196x384xf32, #tpu.memory_space<vmem>>, vector<16xf32>,
      %swap3A_2503 = arith.index_cast %add3A_2493 : i32 to index
      %swap3A_2504 = arith.constant 48 : index
      %swap3A_2505 = tpu.vector_load %arg8[%swap3A_2503, %swap3A_2504] {strides = array<i32>} : memref<196x384xf32, #tpu.memory_space<vmem>>, vector<16xf32>,
      tpu.vector_store %arg8[%swap3A_2503, %swap3A_2504], %broadcast_in_dim3A_2489 {strides = array<i32>} : memref<196x384xf32, #tpu.memory_space<vmem>>, vector<16xf32>,
      %swap3A_2506 = arith.index_cast %add3A_2493 : i32 to index
      %swap3A_2507 = arith.constant 64 : index
      %swap3A_2508 = tpu.vector_load %arg8[%swap3A_2506, %swap3A_2507] {strides = array<i32>} : memref<196x384xf32, #tpu.memory_space<vmem>>, vector<16xf32>,
      tpu.vector_store %arg8[%swap3A_2506, %swap3A_2507], %broadcast_in_dim3A_2489 {strides = array<i32>} : memref<196x384xf32, #tpu.memory_space<vmem>>, vector<16xf32>,
      %swap3A_2509 = arith.index_cast %add3A_2493 : i32 to index
      %swap3A_2510 = arith.constant 80 : index
      %swap3A_2511 = tpu.vector_load %arg8[%swap3A_2509, %swap3A_2510] {strides = array<i32>} : memref<196x384xf32, #tpu.memory_space<vmem>>, vector<16xf32>,
      tpu.vector_store %arg8[%swap3A_2509, %swap3A_2510], %broadcast_in_dim3A_2489 {strides = array<i32>} : memref<196x384xf32, #tpu.memory_space<vmem>>, vector<16xf32>,
      %swap3A_2512 = arith.index_cast %add3A_2493 : i32 to index
      %swap3A_2513 = arith.constant 96 : index
      %swap3A_2514 = tpu.vector_load %arg8[%swap3A_2512, %swap3A_2513] {strides = array<i32>} : memref<196x384xf32, #tpu.memory_space<vmem>>, vector<16xf32>,
      tpu.vector_store %arg8[%swap3A_2512, %swap3A_2513], %broadcast_in_dim3A_2489 {strides = array<i32>} : memref<196x384xf32, #tpu.memory_space<vmem>>, vector<16xf32>,
      %swap3A_2515 = arith.index_cast %add3A_2493 : i32 to index
      %swap3A_2516 = arith.constant 112 : index
      %swap3A_2517 = tpu.vector_load %arg8[%swap3A_2515, %swap3A_2516] {strides = array<i32>} : memref<196x384xf32, #tpu.memory_space<vmem>>, vector<16xf32>,
      tpu.vector_store %arg8[%swap3A_2515, %swap3A_2516], %broadcast_in_dim3A_2489 {strides = array<i32>} : memref<196x384xf32, #tpu.memory_space<vmem>>, vector<16xf32>,
      %swap3A_2518 = arith.index_cast %add3A_2493 : i32 to index
      %swap3A_2519 = arith.constant 128 : index
      %swap3A_2520 = tpu.vector_load %arg8[%swap3A_2518, %swap3A_2519] {strides = array<i32>} : memref<196x384xf32, #tpu.memory_space<vmem>>, vector<16xf32>,
      tpu.vector_store %arg8[%swap3A_2518, %swap3A_2519], %broadcast_in_dim3A_2489 {strides = array<i32>} : memref<196x384xf32, #tpu.memory_space<vmem>>, vector<16xf32>,
      %swap3A_2521 = arith.index_cast %add3A_2493 : i32 to index
      %swap3A_2522 = arith.constant 144 : index
      %swap3A_2523 = tpu.vector_load %arg8[%swap3A_2521, %swap3A_2522] {strides = array<i32>} : memref<196x384xf32, #tpu.memory_space<vmem>>, vector<16xf32>,
      tpu.vector_store %arg8[%swap3A_2521, %swap3A_2522], %broadcast_in_dim3A_2489 {strides = array<i32>} : memref<196x384xf32, #tpu.memory_space<vmem>>, vector<16xf32>,
      %swap3A_2524 = arith.index_cast %add3A_2493 : i32 to index
      %swap3A_2525 = arith.constant 160 : index
      %swap3A_2526 = tpu.vector_load %arg8[%swap3A_2524, %swap3A_2525] {strides = array<i32>} : memref<196x384xf32, #tpu.memory_space<vmem>>, vector<16xf32>,
      tpu.vector_store %arg8[%swap3A_2524, %swap3A_2525], %broadcast_in_dim3A_2489 {strides = array<i32>} : memref<196x384xf32, #tpu.memory_space<vmem>>, vector<16xf32>,
      %swap3A_2527 = arith.index_cast %add3A_2493 : i32 to index
      %swap3A_2528 = arith.constant 176 : index
      %swap3A_2529 = tpu.vector_load %arg8[%swap3A_2527, %swap3A_2528] {strides = array<i32>} : memref<196x384xf32, #tpu.memory_space<vmem>>, vector<16xf32>,
      tpu.vector_store %arg8[%swap3A_2527, %swap3A_2528], %broadcast_in_dim3A_2489 {strides = array<i32>} : memref<196x384xf32, #tpu.memory_space<vmem>>, vector<16xf32>,
      %swap3A_2530 = arith.index_cast %add3A_2493 : i32 to index
      %swap3A_2531 = arith.constant 192 : index
      %swap3A_2532 = tpu.vector_load %arg8[%swap3A_2530, %swap3A_2531] {strides = array<i32>} : memref<196x384xf32, #tpu.memory_space<vmem>>, vector<16xf32>,
      tpu.vector_store %arg8[%swap3A_2530, %swap3A_2531], %broadcast_in_dim3A_2489 {strides = array<i32>} : memref<196x384xf32, #tpu.memory_space<vmem>>, vector<16xf32>,
      %swap3A_2533 = arith.index_cast %add3A_2493 : i32 to index
      %swap3A_2534 = arith.constant 208 : index
      %swap3A_2535 = tpu.vector_load %arg8[%swap3A_2533, %swap3A_2534] {strides = array<i32>} : memref<196x384xf32, #tpu.memory_space<vmem>>, vector<16xf32>,
      tpu.vector_store %arg8[%swap3A_2533, %swap3A_2534], %broadcast_in_dim3A_2489 {strides = array<i32>} : memref<196x384xf32, #tpu.memory_space<vmem>>, vector<16xf32>,
      %swap3A_2536 = arith.index_cast %add3A_2493 : i32 to index
      %swap3A_2537 = arith.constant 224 : index
      %swap3A_2538 = tpu.vector_load %arg8[%swap3A_2536, %swap3A_2537] {strides = array<i32>} : memref<196x384xf32, #tpu.memory_space<vmem>>, vector<16xf32>,
      tpu.vector_store %arg8[%swap3A_2536, %swap3A_2537], %broadcast_in_dim3A_2489 {strides = array<i32>} : memref<196x384xf32, #tpu.memory_space<vmem>>, vector<16xf32>,
      %swap3A_2539 = arith.index_cast %add3A_2493 : i32 to index
      %swap3A_2540 = arith.constant 240 : index
      %swap3A_2541 = tpu.vector_load %arg8[%swap3A_2539, %swap3A_2540] {strides = array<i32>} : memref<196x384xf32, #tpu.memory_space<vmem>>, vector<16xf32>,
      tpu.vector_store %arg8[%swap3A_2539, %swap3A_2540], %broadcast_in_dim3A_2489 {strides = array<i32>} : memref<196x384xf32, #tpu.memory_space<vmem>>, vector<16xf32>,
      %swap3A_2542 = arith.index_cast %add3A_2493 : i32 to index
      %swap3A_2543 = arith.constant 256 : index
      %swap3A_2544 = tpu.vector_load %arg8[%swap3A_2542, %swap3A_2543] {strides = array<i32>} : memref<196x384xf32, #tpu.memory_space<vmem>>, vector<16xf32>,
      tpu.vector_store %arg8[%swap3A_2542, %swap3A_2543], %broadcast_in_dim3A_2489 {strides = array<i32>} : memref<196x384xf32, #tpu.memory_space<vmem>>, vector<16xf32>,
      %swap3A_2545 = arith.index_cast %add3A_2493 : i32 to index
      %swap3A_2546 = arith.constant 272 : index
      %swap3A_2547 = tpu.vector_load %arg8[%swap3A_2545, %swap3A_2546] {strides = array<i32>} : memref<196x384xf32, #tpu.memory_space<vmem>>, vector<16xf32>,
      tpu.vector_store %arg8[%swap3A_2545, %swap3A_2546], %broadcast_in_dim3A_2489 {strides = array<i32>} : memref<196x384xf32, #tpu.memory_space<vmem>>, vector<16xf32>,
      %swap3A_2548 = arith.index_cast %add3A_2493 : i32 to index
      %swap3A_2549 = arith.constant 288 : index
      %swap3A_2550 = tpu.vector_load %arg8[%swap3A_2548, %swap3A_2549] {strides = array<i32>} : memref<196x384xf32, #tpu.memory_space<vmem>>, vector<16xf32>,
      tpu.vector_store %arg8[%swap3A_2548, %swap3A_2549], %broadcast_in_dim3A_2489 {strides = array<i32>} : memref<196x384xf32, #tpu.memory_space<vmem>>, vector<16xf32>,
      %swap3A_2551 = arith.index_cast %add3A_2493 : i32 to index
      %swap3A_2552 = arith.constant 304 : index
      %swap3A_2553 = tpu.vector_load %arg8[%swap3A_2551, %swap3A_2552] {strides = array<i32>} : memref<196x384xf32, #tpu.memory_space<vmem>>, vector<16xf32>,
      tpu.vector_store %arg8[%swap3A_2551, %swap3A_2552], %broadcast_in_dim3A_2489 {strides = array<i32>} : memref<196x384xf32, #tpu.memory_space<vmem>>, vector<16xf32>,
      %swap3A_2554 = arith.index_cast %add3A_2493 : i32 to index
      %swap3A_2555 = arith.constant 320 : index
      %swap3A_2556 = tpu.vector_load %arg8[%swap3A_2554, %swap3A_2555] {strides = array<i32>} : memref<196x384xf32, #tpu.memory_space<vmem>>, vector<16xf32>,
      tpu.vector_store %arg8[%swap3A_2554, %swap3A_2555], %broadcast_in_dim3A_2489 {strides = array<i32>} : memref<196x384xf32, #tpu.memory_space<vmem>>, vector<16xf32>,
      %swap3A_2557 = arith.index_cast %add3A_2493 : i32 to index
      %swap3A_2558 = arith.constant 336 : index
      %swap3A_2559 = tpu.vector_load %arg8[%swap3A_2557, %swap3A_2558] {strides = array<i32>} : memref<196x384xf32, #tpu.memory_space<vmem>>, vector<16xf32>,
      tpu.vector_store %arg8[%swap3A_2557, %swap3A_2558], %broadcast_in_dim3A_2489 {strides = array<i32>} : memref<196x384xf32, #tpu.memory_space<vmem>>, vector<16xf32>,
      %swap3A_2560 = arith.index_cast %add3A_2493 : i32 to index
      %swap3A_2561 = arith.constant 352 : index
      %swap3A_2562 = tpu.vector_load %arg8[%swap3A_2560, %swap3A_2561] {strides = array<i32>} : memref<196x384xf32, #tpu.memory_space<vmem>>, vector<16xf32>,
      tpu.vector_store %arg8[%swap3A_2560, %swap3A_2561], %broadcast_in_dim3A_2489 {strides = array<i32>} : memref<196x384xf32, #tpu.memory_space<vmem>>, vector<16xf32>,
      %swap3A_2563 = arith.index_cast %add3A_2493 : i32 to index
      %swap3A_2564 = arith.constant 368 : index
      %swap3A_2565 = tpu.vector_load %arg8[%swap3A_2563, %swap3A_2564] {strides = array<i32>} : memref<196x384xf32, #tpu.memory_space<vmem>>, vector<16xf32>,
      tpu.vector_store %arg8[%swap3A_2563, %swap3A_2564], %broadcast_in_dim3A_2489 {strides = array<i32>} : memref<196x384xf32, #tpu.memory_space<vmem>>, vector<16xf32>,
    }
    %scan3A_901 = arith.constant 12 : i32
    %get3A_902 = arith.constant 192 : index
    %get3A_903 = tpu.vector_load %arg7[%get3A_902] {strides = array<i32>} : memref<224xf32, #tpu.memory_space<vmem>>, vector<16xf32>,
    %slice3A = vector.extract_strided_slice %get3A_903 {offsets = [0], sizes = [1], strides = [1]} : vector<16xf32> to vector<1xf32>
    %squeeze3A = vector.extract %slice3A[0] : f32 from vector<1xf32>
    %broadcast_in_dim3A = vector.broadcast %squeeze3A : f32 to vector<16xf32>
    %swap3A_904 = arith.constant 192 : i32
    %swap3A_905 = arith.index_cast %swap3A_904 : i32 to index
    %swap3A_906 = arith.constant 0 : index
    %swap3A_907 = tpu.vector_load %arg8[%swap3A_905, %swap3A_906] {strides = array<i32>} : memref<196x384xf32, #tpu.memory_space<vmem>>, vector<16xf32>,
    tpu.vector_store %arg8[%swap3A_905, %swap3A_906], %broadcast_in_dim3A {strides = array<i32>} : memref<196x384xf32, #tpu.memory_space<vmem>>, vector<16xf32>,
    %swap3A_908 = arith.constant 192 : i32
    %swap3A_909 = arith.index_cast %swap3A_908 : i32 to index
    %swap3A_910 = arith.constant 16 : index
    %swap3A_911 = tpu.vector_load %arg8[%swap3A_909, %swap3A_910] {strides = array<i32>} : memref<196x384xf32, #tpu.memory_space<vmem>>, vector<16xf32>,
    tpu.vector_store %arg8[%swap3A_909, %swap3A_910], %broadcast_in_dim3A {strides = array<i32>} : memref<196x384xf32, #tpu.memory_space<vmem>>, vector<16xf32>,
    %swap3A_912 = arith.constant 192 : i32
    %swap3A_913 = arith.index_cast %swap3A_912 : i32 to index
    %swap3A_914 = arith.constant 32 : index
    %swap3A_915 = tpu.vector_load %arg8[%swap3A_913, %swap3A_914] {strides = array<i32>} : memref<196x384xf32, #tpu.memory_space<vmem>>, vector<16xf32>,
    tpu.vector_store %arg8[%swap3A_913, %swap3A_914], %broadcast_in_dim3A {strides = array<i32>} : memref<196x384xf32, #tpu.memory_space<vmem>>, vector<16xf32>,
    %swap3A_916 = arith.constant 192 : i32
    %swap3A_917 = arith.index_cast %swap3A_916 : i32 to index
    %swap3A_918 = arith.constant 48 : index
    %swap3A_919 = tpu.vector_load %arg8[%swap3A_917, %swap3A_918] {strides = array<i32>} : memref<196x384xf32, #tpu.memory_space<vmem>>, vector<16xf32>,
    tpu.vector_store %arg8[%swap3A_917, %swap3A_918], %broadcast_in_dim3A {strides = array<i32>} : memref<196x384xf32, #tpu.memory_space<vmem>>, vector<16xf32>,
    %swap3A_920 = arith.constant 192 : i32
    %swap3A_921 = arith.index_cast %swap3A_920 : i32 to index
    %swap3A_922 = arith.constant 64 : index
    %swap3A_923 = tpu.vector_load %arg8[%swap3A_921, %swap3A_922] {strides = array<i32>} : memref<196x384xf32, #tpu.memory_space<vmem>>, vector<16xf32>,
    tpu.vector_store %arg8[%swap3A_921, %swap3A_922], %broadcast_in_dim3A {strides = array<i32>} : memref<196x384xf32, #tpu.memory_space<vmem>>, vector<16xf32>,
    %swap3A_924 = arith.constant 192 : i32
    %swap3A_925 = arith.index_cast %swap3A_924 : i32 to index
    %swap3A_926 = arith.constant 80 : index
    %swap3A_927 = tpu.vector_load %arg8[%swap3A_925, %swap3A_926] {strides = array<i32>} : memref<196x384xf32, #tpu.memory_space<vmem>>, vector<16xf32>,
    tpu.vector_store %arg8[%swap3A_925, %swap3A_926], %broadcast_in_dim3A {strides = array<i32>} : memref<196x384xf32, #tpu.memory_space<vmem>>, vector<16xf32>,
    %swap3A_928 = arith.constant 192 : i32
    %swap3A_929 = arith.index_cast %swap3A_928 : i32 to index
    %swap3A_930 = arith.constant 96 : index
    %swap3A_931 = tpu.vector_load %arg8[%swap3A_929, %swap3A_930] {strides = array<i32>} : memref<196x384xf32, #tpu.memory_space<vmem>>, vector<16xf32>,
    tpu.vector_store %arg8[%swap3A_929, %swap3A_930], %broadcast_in_dim3A {strides = array<i32>} : memref<196x384xf32, #tpu.memory_space<vmem>>, vector<16xf32>,
    %swap3A_932 = arith.constant 192 : i32
    %swap3A_933 = arith.index_cast %swap3A_932 : i32 to index
    %swap3A_934 = arith.constant 112 : index
    %swap3A_935 = tpu.vector_load %arg8[%swap3A_933, %swap3A_934] {strides = array<i32>} : memref<196x384xf32, #tpu.memory_space<vmem>>, vector<16xf32>,
    tpu.vector_store %arg8[%swap3A_933, %swap3A_934], %broadcast_in_dim3A {strides = array<i32>} : memref<196x384xf32, #tpu.memory_space<vmem>>, vector<16xf32>,
    %swap3A_936 = arith.constant 192 : i32
    %swap3A_937 = arith.index_cast %swap3A_936 : i32 to index
    %swap3A_938 = arith.constant 128 : index
    %swap3A_939 = tpu.vector_load %arg8[%swap3A_937, %swap3A_938] {strides = array<i32>} : memref<196x384xf32, #tpu.memory_space<vmem>>, vector<16xf32>,
    tpu.vector_store %arg8[%swap3A_937, %swap3A_938], %broadcast_in_dim3A {strides = array<i32>} : memref<196x384xf32, #tpu.memory_space<vmem>>, vector<16xf32>,
    %swap3A_940 = arith.constant 192 : i32
    %swap3A_941 = arith.index_cast %swap3A_940 : i32 to index
    %swap3A_942 = arith.constant 144 : index
    %swap3A_943 = tpu.vector_load %arg8[%swap3A_941, %swap3A_942] {strides = array<i32>} : memref<196x384xf32, #tpu.memory_space<vmem>>, vector<16xf32>,
    tpu.vector_store %arg8[%swap3A_941, %swap3A_942], %broadcast_in_dim3A {strides = array<i32>} : memref<196x384xf32, #tpu.memory_space<vmem>>, vector<16xf32>,
    %swap3A_944 = arith.constant 192 : i32
    %swap3A_945 = arith.index_cast %swap3A_944 : i32 to index
    %swap3A_946 = arith.constant 160 : index
    %swap3A_947 = tpu.vector_load %arg8[%swap3A_945, %swap3A_946] {strides = array<i32>} : memref<196x384xf32, #tpu.memory_space<vmem>>, vector<16xf32>,
    tpu.vector_store %arg8[%swap3A_945, %swap3A_946], %broadcast_in_dim3A {strides = array<i32>} : memref<196x384xf32, #tpu.memory_space<vmem>>, vector<16xf32>,
    %swap3A_948 = arith.constant 192 : i32
    %swap3A_949 = arith.index_cast %swap3A_948 : i32 to index
    %swap3A_950 = arith.constant 176 : index
    %swap3A_951 = tpu.vector_load %arg8[%swap3A_949, %swap3A_950] {strides = array<i32>} : memref<196x384xf32, #tpu.memory_space<vmem>>, vector<16xf32>,
    tpu.vector_store %arg8[%swap3A_949, %swap3A_950], %broadcast_in_dim3A {strides = array<i32>} : memref<196x384xf32, #tpu.memory_space<vmem>>, vector<16xf32>,
    %swap3A_952 = arith.constant 192 : i32
    %swap3A_953 = arith.index_cast %swap3A_952 : i32 to index
    %swap3A_954 = arith.constant 192 : index
    %swap3A_955 = tpu.vector_load %arg8[%swap3A_953, %swap3A_954] {strides = array<i32>} : memref<196x384xf32, #tpu.memory_space<vmem>>, vector<16xf32>,
    tpu.vector_store %arg8[%swap3A_953, %swap3A_954], %broadcast_in_dim3A {strides = array<i32>} : memref<196x384xf32, #tpu.memory_space<vmem>>, vector<16xf32>,
    %swap3A_956 = arith.constant 192 : i32
    %swap3A_957 = arith.index_cast %swap3A_956 : i32 to index
    %swap3A_958 = arith.constant 208 : index
    %swap3A_959 = tpu.vector_load %arg8[%swap3A_957, %swap3A_958] {strides = array<i32>} : memref<196x384xf32, #tpu.memory_space<vmem>>, vector<16xf32>,
    tpu.vector_store %arg8[%swap3A_957, %swap3A_958], %broadcast_in_dim3A {strides = array<i32>} : memref<196x384xf32, #tpu.memory_space<vmem>>, vector<16xf32>,
    %swap3A_960 = arith.constant 192 : i32
    %swap3A_961 = arith.index_cast %swap3A_960 : i32 to index
    %swap3A_962 = arith.constant 224 : index
    %swap3A_963 = tpu.vector_load %arg8[%swap3A_961, %swap3A_962] {strides = array<i32>} : memref<196x384xf32, #tpu.memory_space<vmem>>, vector<16xf32>,
    tpu.vector_store %arg8[%swap3A_961, %swap3A_962], %broadcast_in_dim3A {strides = array<i32>} : memref<196x384xf32, #tpu.memory_space<vmem>>, vector<16xf32>,
    %swap3A_964 = arith.constant 192 : i32
    %swap3A_965 = arith.index_cast %swap3A_964 : i32 to index
    %swap3A_966 = arith.constant 240 : index
    %swap3A_967 = tpu.vector_load %arg8[%swap3A_965, %swap3A_966] {strides = array<i32>} : memref<196x384xf32, #tpu.memory_space<vmem>>, vector<16xf32>,
    tpu.vector_store %arg8[%swap3A_965, %swap3A_966], %broadcast_in_dim3A {strides = array<i32>} : memref<196x384xf32, #tpu.memory_space<vmem>>, vector<16xf32>,
    %swap3A_968 = arith.constant 192 : i32
    %swap3A_969 = arith.index_cast %swap3A_968 : i32 to index
    %swap3A_970 = arith.constant 256 : index
    %swap3A_971 = tpu.vector_load %arg8[%swap3A_969, %swap3A_970] {strides = array<i32>} : memref<196x384xf32, #tpu.memory_space<vmem>>, vector<16xf32>,
    tpu.vector_store %arg8[%swap3A_969, %swap3A_970], %broadcast_in_dim3A {strides = array<i32>} : memref<196x384xf32, #tpu.memory_space<vmem>>, vector<16xf32>,
    %swap3A_972 = arith.constant 192 : i32
    %swap3A_973 = arith.index_cast %swap3A_972 : i32 to index
    %swap3A_974 = arith.constant 272 : index
    %swap3A_975 = tpu.vector_load %arg8[%swap3A_973, %swap3A_974] {strides = array<i32>} : memref<196x384xf32, #tpu.memory_space<vmem>>, vector<16xf32>,
    tpu.vector_store %arg8[%swap3A_973, %swap3A_974], %broadcast_in_dim3A {strides = array<i32>} : memref<196x384xf32, #tpu.memory_space<vmem>>, vector<16xf32>,
    %swap3A_976 = arith.constant 192 : i32
    %swap3A_977 = arith.index_cast %swap3A_976 : i32 to index
    %swap3A_978 = arith.constant 288 : index
    %swap3A_979 = tpu.vector_load %arg8[%swap3A_977, %swap3A_978] {strides = array<i32>} : memref<196x384xf32, #tpu.memory_space<vmem>>, vector<16xf32>,
    tpu.vector_store %arg8[%swap3A_977, %swap3A_978], %broadcast_in_dim3A {strides = array<i32>} : memref<196x384xf32, #tpu.memory_space<vmem>>, vector<16xf32>,
    %swap3A_980 = arith.constant 192 : i32
    %swap3A_981 = arith.index_cast %swap3A_980 : i32 to index
    %swap3A_982 = arith.constant 304 : index
    %swap3A_983 = tpu.vector_load %arg8[%swap3A_981, %swap3A_982] {strides = array<i32>} : memref<196x384xf32, #tpu.memory_space<vmem>>, vector<16xf32>,
    tpu.vector_store %arg8[%swap3A_981, %swap3A_982], %broadcast_in_dim3A {strides = array<i32>} : memref<196x384xf32, #tpu.memory_space<vmem>>, vector<16xf32>,
    %swap3A_984 = arith.constant 192 : i32
    %swap3A_985 = arith.index_cast %swap3A_984 : i32 to index
    %swap3A_986 = arith.constant 320 : index
    %swap3A_987 = tpu.vector_load %arg8[%swap3A_985, %swap3A_986] {strides = array<i32>} : memref<196x384xf32, #tpu.memory_space<vmem>>, vector<16xf32>,
    tpu.vector_store %arg8[%swap3A_985, %swap3A_986], %broadcast_in_dim3A {strides = array<i32>} : memref<196x384xf32, #tpu.memory_space<vmem>>, vector<16xf32>,
    %swap3A_988 = arith.constant 192 : i32
    %swap3A_989 = arith.index_cast %swap3A_988 : i32 to index
    %swap3A_990 = arith.constant 336 : index
    %swap3A_991 = tpu.vector_load %arg8[%swap3A_989, %swap3A_990] {strides = array<i32>} : memref<196x384xf32, #tpu.memory_space<vmem>>, vector<16xf32>,
    tpu.vector_store %arg8[%swap3A_989, %swap3A_990], %broadcast_in_dim3A {strides = array<i32>} : memref<196x384xf32, #tpu.memory_space<vmem>>, vector<16xf32>,
    %swap3A_992 = arith.constant 192 : i32
    %swap3A_993 = arith.index_cast %swap3A_992 : i32 to index
    %swap3A_994 = arith.constant 352 : index
    %swap3A_995 = tpu.vector_load %arg8[%swap3A_993, %swap3A_994] {strides = array<i32>} : memref<196x384xf32, #tpu.memory_space<vmem>>, vector<16xf32>,
    tpu.vector_store %arg8[%swap3A_993, %swap3A_994], %broadcast_in_dim3A {strides = array<i32>} : memref<196x384xf32, #tpu.memory_space<vmem>>, vector<16xf32>,
    %swap3A_996 = arith.constant 192 : i32
    %swap3A_997 = arith.index_cast %swap3A_996 : i32 to index
    %swap3A_998 = arith.constant 368 : index
    %swap3A_999 = tpu.vector_load %arg8[%swap3A_997, %swap3A_998] {strides = array<i32>} : memref<196x384xf32, #tpu.memory_space<vmem>>, vector<16xf32>,
    tpu.vector_store %arg8[%swap3A_997, %swap3A_998], %broadcast_in_dim3A {strides = array<i32>} : memref<196x384xf32, #tpu.memory_space<vmem>>, vector<16xf32>,
    %slice3A_1000 = vector.extract_strided_slice %get3A_903 {offsets = [1], sizes = [1], strides = [1]} : vector<16xf32> to vector<1xf32>
    %squeeze3A_1001 = vector.extract %slice3A_1000[0] : f32 from vector<1xf32>
    %broadcast_in_dim3A_1002 = vector.broadcast %squeeze3A_1001 : f32 to vector<16xf32>
    %swap3A_1003 = arith.constant 193 : i32
    %swap3A_1004 = arith.index_cast %swap3A_1003 : i32 to index
    %swap3A_1005 = arith.constant 0 : index
    %swap3A_1006 = tpu.vector_load %arg8[%swap3A_1004, %swap3A_1005] {strides = array<i32>} : memref<196x384xf32, #tpu.memory_space<vmem>>, vector<16xf32>,
    tpu.vector_store %arg8[%swap3A_1004, %swap3A_1005], %broadcast_in_dim3A_1002 {strides = array<i32>} : memref<196x384xf32, #tpu.memory_space<vmem>>, vector<16xf32>,
    %swap3A_1007 = arith.constant 193 : i32
    %swap3A_1008 = arith.index_cast %swap3A_1007 : i32 to index
    %swap3A_1009 = arith.constant 16 : index
    %swap3A_1010 = tpu.vector_load %arg8[%swap3A_1008, %swap3A_1009] {strides = array<i32>} : memref<196x384xf32, #tpu.memory_space<vmem>>, vector<16xf32>,
    tpu.vector_store %arg8[%swap3A_1008, %swap3A_1009], %broadcast_in_dim3A_1002 {strides = array<i32>} : memref<196x384xf32, #tpu.memory_space<vmem>>, vector<16xf32>,
    %swap3A_1011 = arith.constant 193 : i32
    %swap3A_1012 = arith.index_cast %swap3A_1011 : i32 to index
    %swap3A_1013 = arith.constant 32 : index
    %swap3A_1014 = tpu.vector_load %arg8[%swap3A_1012, %swap3A_1013] {strides = array<i32>} : memref<196x384xf32, #tpu.memory_space<vmem>>, vector<16xf32>,
    tpu.vector_store %arg8[%swap3A_1012, %swap3A_1013], %broadcast_in_dim3A_1002 {strides = array<i32>} : memref<196x384xf32, #tpu.memory_space<vmem>>, vector<16xf32>,
    %swap3A_1015 = arith.constant 193 : i32
    %swap3A_1016 = arith.index_cast %swap3A_1015 : i32 to index
    %swap3A_1017 = arith.constant 48 : index
    %swap3A_1018 = tpu.vector_load %arg8[%swap3A_1016, %swap3A_1017] {strides = array<i32>} : memref<196x384xf32, #tpu.memory_space<vmem>>, vector<16xf32>,
    tpu.vector_store %arg8[%swap3A_1016, %swap3A_1017], %broadcast_in_dim3A_1002 {strides = array<i32>} : memref<196x384xf32, #tpu.memory_space<vmem>>, vector<16xf32>,
    %swap3A_1019 = arith.constant 193 : i32
    %swap3A_1020 = arith.index_cast %swap3A_1019 : i32 to index
    %swap3A_1021 = arith.constant 64 : index
    %swap3A_1022 = tpu.vector_load %arg8[%swap3A_1020, %swap3A_1021] {strides = array<i32>} : memref<196x384xf32, #tpu.memory_space<vmem>>, vector<16xf32>,
    tpu.vector_store %arg8[%swap3A_1020, %swap3A_1021], %broadcast_in_dim3A_1002 {strides = array<i32>} : memref<196x384xf32, #tpu.memory_space<vmem>>, vector<16xf32>,
    %swap3A_1023 = arith.constant 193 : i32
    %swap3A_1024 = arith.index_cast %swap3A_1023 : i32 to index
    %swap3A_1025 = arith.constant 80 : index
    %swap3A_1026 = tpu.vector_load %arg8[%swap3A_1024, %swap3A_1025] {strides = array<i32>} : memref<196x384xf32, #tpu.memory_space<vmem>>, vector<16xf32>,
    tpu.vector_store %arg8[%swap3A_1024, %swap3A_1025], %broadcast_in_dim3A_1002 {strides = array<i32>} : memref<196x384xf32, #tpu.memory_space<vmem>>, vector<16xf32>,
    %swap3A_1027 = arith.constant 193 : i32
    %swap3A_1028 = arith.index_cast %swap3A_1027 : i32 to index
    %swap3A_1029 = arith.constant 96 : index
    %swap3A_1030 = tpu.vector_load %arg8[%swap3A_1028, %swap3A_1029] {strides = array<i32>} : memref<196x384xf32, #tpu.memory_space<vmem>>, vector<16xf32>,
    tpu.vector_store %arg8[%swap3A_1028, %swap3A_1029], %broadcast_in_dim3A_1002 {strides = array<i32>} : memref<196x384xf32, #tpu.memory_space<vmem>>, vector<16xf32>,
    %swap3A_1031 = arith.constant 193 : i32
    %swap3A_1032 = arith.index_cast %swap3A_1031 : i32 to index
    %swap3A_1033 = arith.constant 112 : index
    %swap3A_1034 = tpu.vector_load %arg8[%swap3A_1032, %swap3A_1033] {strides = array<i32>} : memref<196x384xf32, #tpu.memory_space<vmem>>, vector<16xf32>,
    tpu.vector_store %arg8[%swap3A_1032, %swap3A_1033], %broadcast_in_dim3A_1002 {strides = array<i32>} : memref<196x384xf32, #tpu.memory_space<vmem>>, vector<16xf32>,
    %swap3A_1035 = arith.constant 193 : i32
    %swap3A_1036 = arith.index_cast %swap3A_1035 : i32 to index
    %swap3A_1037 = arith.constant 128 : index
    %swap3A_1038 = tpu.vector_load %arg8[%swap3A_1036, %swap3A_1037] {strides = array<i32>} : memref<196x384xf32, #tpu.memory_space<vmem>>, vector<16xf32>,
    tpu.vector_store %arg8[%swap3A_1036, %swap3A_1037], %broadcast_in_dim3A_1002 {strides = array<i32>} : memref<196x384xf32, #tpu.memory_space<vmem>>, vector<16xf32>,
    %swap3A_1039 = arith.constant 193 : i32
    %swap3A_1040 = arith.index_cast %swap3A_1039 : i32 to index
    %swap3A_1041 = arith.constant 144 : index
    %swap3A_1042 = tpu.vector_load %arg8[%swap3A_1040, %swap3A_1041] {strides = array<i32>} : memref<196x384xf32, #tpu.memory_space<vmem>>, vector<16xf32>,
    tpu.vector_store %arg8[%swap3A_1040, %swap3A_1041], %broadcast_in_dim3A_1002 {strides = array<i32>} : memref<196x384xf32, #tpu.memory_space<vmem>>, vector<16xf32>,
    %swap3A_1043 = arith.constant 193 : i32
    %swap3A_1044 = arith.index_cast %swap3A_1043 : i32 to index
    %swap3A_1045 = arith.constant 160 : index
    %swap3A_1046 = tpu.vector_load %arg8[%swap3A_1044, %swap3A_1045] {strides = array<i32>} : memref<196x384xf32, #tpu.memory_space<vmem>>, vector<16xf32>,
    tpu.vector_store %arg8[%swap3A_1044, %swap3A_1045], %broadcast_in_dim3A_1002 {strides = array<i32>} : memref<196x384xf32, #tpu.memory_space<vmem>>, vector<16xf32>,
    %swap3A_1047 = arith.constant 193 : i32
    %swap3A_1048 = arith.index_cast %swap3A_1047 : i32 to index
    %swap3A_1049 = arith.constant 176 : index
    %swap3A_1050 = tpu.vector_load %arg8[%swap3A_1048, %swap3A_1049] {strides = array<i32>} : memref<196x384xf32, #tpu.memory_space<vmem>>, vector<16xf32>,
    tpu.vector_store %arg8[%swap3A_1048, %swap3A_1049], %broadcast_in_dim3A_1002 {strides = array<i32>} : memref<196x384xf32, #tpu.memory_space<vmem>>, vector<16xf32>,
    %swap3A_1051 = arith.constant 193 : i32
    %swap3A_1052 = arith.index_cast %swap3A_1051 : i32 to index
    %swap3A_1053 = arith.constant 192 : index
    %swap3A_1054 = tpu.vector_load %arg8[%swap3A_1052, %swap3A_1053] {strides = array<i32>} : memref<196x384xf32, #tpu.memory_space<vmem>>, vector<16xf32>,
    tpu.vector_store %arg8[%swap3A_1052, %swap3A_1053], %broadcast_in_dim3A_1002 {strides = array<i32>} : memref<196x384xf32, #tpu.memory_space<vmem>>, vector<16xf32>,
    %swap3A_1055 = arith.constant 193 : i32
    %swap3A_1056 = arith.index_cast %swap3A_1055 : i32 to index
    %swap3A_1057 = arith.constant 208 : index
    %swap3A_1058 = tpu.vector_load %arg8[%swap3A_1056, %swap3A_1057] {strides = array<i32>} : memref<196x384xf32, #tpu.memory_space<vmem>>, vector<16xf32>,
    tpu.vector_store %arg8[%swap3A_1056, %swap3A_1057], %broadcast_in_dim3A_1002 {strides = array<i32>} : memref<196x384xf32, #tpu.memory_space<vmem>>, vector<16xf32>,
    %swap3A_1059 = arith.constant 193 : i32
    %swap3A_1060 = arith.index_cast %swap3A_1059 : i32 to index
    %swap3A_1061 = arith.constant 224 : index
    %swap3A_1062 = tpu.vector_load %arg8[%swap3A_1060, %swap3A_1061] {strides = array<i32>} : memref<196x384xf32, #tpu.memory_space<vmem>>, vector<16xf32>,
    tpu.vector_store %arg8[%swap3A_1060, %swap3A_1061], %broadcast_in_dim3A_1002 {strides = array<i32>} : memref<196x384xf32, #tpu.memory_space<vmem>>, vector<16xf32>,
    %swap3A_1063 = arith.constant 193 : i32
    %swap3A_1064 = arith.index_cast %swap3A_1063 : i32 to index
    %swap3A_1065 = arith.constant 240 : index
    %swap3A_1066 = tpu.vector_load %arg8[%swap3A_1064, %swap3A_1065] {strides = array<i32>} : memref<196x384xf32, #tpu.memory_space<vmem>>, vector<16xf32>,
    tpu.vector_store %arg8[%swap3A_1064, %swap3A_1065], %broadcast_in_dim3A_1002 {strides = array<i32>} : memref<196x384xf32, #tpu.memory_space<vmem>>, vector<16xf32>,
    %swap3A_1067 = arith.constant 193 : i32
    %swap3A_1068 = arith.index_cast %swap3A_1067 : i32 to index
    %swap3A_1069 = arith.constant 256 : index
    %swap3A_1070 = tpu.vector_load %arg8[%swap3A_1068, %swap3A_1069] {strides = array<i32>} : memref<196x384xf32, #tpu.memory_space<vmem>>, vector<16xf32>,
    tpu.vector_store %arg8[%swap3A_1068, %swap3A_1069], %broadcast_in_dim3A_1002 {strides = array<i32>} : memref<196x384xf32, #tpu.memory_space<vmem>>, vector<16xf32>,
    %swap3A_1071 = arith.constant 193 : i32
    %swap3A_1072 = arith.index_cast %swap3A_1071 : i32 to index
    %swap3A_1073 = arith.constant 272 : index
    %swap3A_1074 = tpu.vector_load %arg8[%swap3A_1072, %swap3A_1073] {strides = array<i32>} : memref<196x384xf32, #tpu.memory_space<vmem>>, vector<16xf32>,
    tpu.vector_store %arg8[%swap3A_1072, %swap3A_1073], %broadcast_in_dim3A_1002 {strides = array<i32>} : memref<196x384xf32, #tpu.memory_space<vmem>>, vector<16xf32>,
    %swap3A_1075 = arith.constant 193 : i32
    %swap3A_1076 = arith.index_cast %swap3A_1075 : i32 to index
    %swap3A_1077 = arith.constant 288 : index
    %swap3A_1078 = tpu.vector_load %arg8[%swap3A_1076, %swap3A_1077] {strides = array<i32>} : memref<196x384xf32, #tpu.memory_space<vmem>>, vector<16xf32>,
    tpu.vector_store %arg8[%swap3A_1076, %swap3A_1077], %broadcast_in_dim3A_1002 {strides = array<i32>} : memref<196x384xf32, #tpu.memory_space<vmem>>, vector<16xf32>,
    %swap3A_1079 = arith.constant 193 : i32
    %swap3A_1080 = arith.index_cast %swap3A_1079 : i32 to index
    %swap3A_1081 = arith.constant 304 : index
    %swap3A_1082 = tpu.vector_load %arg8[%swap3A_1080, %swap3A_1081] {strides = array<i32>} : memref<196x384xf32, #tpu.memory_space<vmem>>, vector<16xf32>,
    tpu.vector_store %arg8[%swap3A_1080, %swap3A_1081], %broadcast_in_dim3A_1002 {strides = array<i32>} : memref<196x384xf32, #tpu.memory_space<vmem>>, vector<16xf32>,
    %swap3A_1083 = arith.constant 193 : i32
    %swap3A_1084 = arith.index_cast %swap3A_1083 : i32 to index
    %swap3A_1085 = arith.constant 320 : index
    %swap3A_1086 = tpu.vector_load %arg8[%swap3A_1084, %swap3A_1085] {strides = array<i32>} : memref<196x384xf32, #tpu.memory_space<vmem>>, vector<16xf32>,
    tpu.vector_store %arg8[%swap3A_1084, %swap3A_1085], %broadcast_in_dim3A_1002 {strides = array<i32>} : memref<196x384xf32, #tpu.memory_space<vmem>>, vector<16xf32>,
    %swap3A_1087 = arith.constant 193 : i32
    %swap3A_1088 = arith.index_cast %swap3A_1087 : i32 to index
    %swap3A_1089 = arith.constant 336 : index
    %swap3A_1090 = tpu.vector_load %arg8[%swap3A_1088, %swap3A_1089] {strides = array<i32>} : memref<196x384xf32, #tpu.memory_space<vmem>>, vector<16xf32>,
    tpu.vector_store %arg8[%swap3A_1088, %swap3A_1089], %broadcast_in_dim3A_1002 {strides = array<i32>} : memref<196x384xf32, #tpu.memory_space<vmem>>, vector<16xf32>,
    %swap3A_1091 = arith.constant 193 : i32
    %swap3A_1092 = arith.index_cast %swap3A_1091 : i32 to index
    %swap3A_1093 = arith.constant 352 : index
    %swap3A_1094 = tpu.vector_load %arg8[%swap3A_1092, %swap3A_1093] {strides = array<i32>} : memref<196x384xf32, #tpu.memory_space<vmem>>, vector<16xf32>,
    tpu.vector_store %arg8[%swap3A_1092, %swap3A_1093], %broadcast_in_dim3A_1002 {strides = array<i32>} : memref<196x384xf32, #tpu.memory_space<vmem>>, vector<16xf32>,
    %swap3A_1095 = arith.constant 193 : i32
    %swap3A_1096 = arith.index_cast %swap3A_1095 : i32 to index
    %swap3A_1097 = arith.constant 368 : index
    %swap3A_1098 = tpu.vector_load %arg8[%swap3A_1096, %swap3A_1097] {strides = array<i32>} : memref<196x384xf32, #tpu.memory_space<vmem>>, vector<16xf32>,
    tpu.vector_store %arg8[%swap3A_1096, %swap3A_1097], %broadcast_in_dim3A_1002 {strides = array<i32>} : memref<196x384xf32, #tpu.memory_space<vmem>>, vector<16xf32>,
    %slice3A_1099 = vector.extract_strided_slice %get3A_903 {offsets = [2], sizes = [1], strides = [1]} : vector<16xf32> to vector<1xf32>
    %squeeze3A_1100 = vector.extract %slice3A_1099[0] : f32 from vector<1xf32>
    %broadcast_in_dim3A_1101 = vector.broadcast %squeeze3A_1100 : f32 to vector<16xf32>
    %swap3A_1102 = arith.constant 194 : i32
    %swap3A_1103 = arith.index_cast %swap3A_1102 : i32 to index
    %swap3A_1104 = arith.constant 0 : index
    %swap3A_1105 = tpu.vector_load %arg8[%swap3A_1103, %swap3A_1104] {strides = array<i32>} : memref<196x384xf32, #tpu.memory_space<vmem>>, vector<16xf32>,
    tpu.vector_store %arg8[%swap3A_1103, %swap3A_1104], %broadcast_in_dim3A_1101 {strides = array<i32>} : memref<196x384xf32, #tpu.memory_space<vmem>>, vector<16xf32>,
    %swap3A_1106 = arith.constant 194 : i32
    %swap3A_1107 = arith.index_cast %swap3A_1106 : i32 to index
    %swap3A_1108 = arith.constant 16 : index
    %swap3A_1109 = tpu.vector_load %arg8[%swap3A_1107, %swap3A_1108] {strides = array<i32>} : memref<196x384xf32, #tpu.memory_space<vmem>>, vector<16xf32>,
    tpu.vector_store %arg8[%swap3A_1107, %swap3A_1108], %broadcast_in_dim3A_1101 {strides = array<i32>} : memref<196x384xf32, #tpu.memory_space<vmem>>, vector<16xf32>,
    %swap3A_1110 = arith.constant 194 : i32
    %swap3A_1111 = arith.index_cast %swap3A_1110 : i32 to index
    %swap3A_1112 = arith.constant 32 : index
    %swap3A_1113 = tpu.vector_load %arg8[%swap3A_1111, %swap3A_1112] {strides = array<i32>} : memref<196x384xf32, #tpu.memory_space<vmem>>, vector<16xf32>,
    tpu.vector_store %arg8[%swap3A_1111, %swap3A_1112], %broadcast_in_dim3A_1101 {strides = array<i32>} : memref<196x384xf32, #tpu.memory_space<vmem>>, vector<16xf32>,
    %swap3A_1114 = arith.constant 194 : i32
    %swap3A_1115 = arith.index_cast %swap3A_1114 : i32 to index
    %swap3A_1116 = arith.constant 48 : index
    %swap3A_1117 = tpu.vector_load %arg8[%swap3A_1115, %swap3A_1116] {strides = array<i32>} : memref<196x384xf32, #tpu.memory_space<vmem>>, vector<16xf32>,
    tpu.vector_store %arg8[%swap3A_1115, %swap3A_1116], %broadcast_in_dim3A_1101 {strides = array<i32>} : memref<196x384xf32, #tpu.memory_space<vmem>>, vector<16xf32>,
    %swap3A_1118 = arith.constant 194 : i32
    %swap3A_1119 = arith.index_cast %swap3A_1118 : i32 to index
    %swap3A_1120 = arith.constant 64 : index
    %swap3A_1121 = tpu.vector_load %arg8[%swap3A_1119, %swap3A_1120] {strides = array<i32>} : memref<196x384xf32, #tpu.memory_space<vmem>>, vector<16xf32>,
    tpu.vector_store %arg8[%swap3A_1119, %swap3A_1120], %broadcast_in_dim3A_1101 {strides = array<i32>} : memref<196x384xf32, #tpu.memory_space<vmem>>, vector<16xf32>,
    %swap3A_1122 = arith.constant 194 : i32
    %swap3A_1123 = arith.index_cast %swap3A_1122 : i32 to index
    %swap3A_1124 = arith.constant 80 : index
    %swap3A_1125 = tpu.vector_load %arg8[%swap3A_1123, %swap3A_1124] {strides = array<i32>} : memref<196x384xf32, #tpu.memory_space<vmem>>, vector<16xf32>,
    tpu.vector_store %arg8[%swap3A_1123, %swap3A_1124], %broadcast_in_dim3A_1101 {strides = array<i32>} : memref<196x384xf32, #tpu.memory_space<vmem>>, vector<16xf32>,
    %swap3A_1126 = arith.constant 194 : i32
    %swap3A_1127 = arith.index_cast %swap3A_1126 : i32 to index
    %swap3A_1128 = arith.constant 96 : index
    %swap3A_1129 = tpu.vector_load %arg8[%swap3A_1127, %swap3A_1128] {strides = array<i32>} : memref<196x384xf32, #tpu.memory_space<vmem>>, vector<16xf32>,
    tpu.vector_store %arg8[%swap3A_1127, %swap3A_1128], %broadcast_in_dim3A_1101 {strides = array<i32>} : memref<196x384xf32, #tpu.memory_space<vmem>>, vector<16xf32>,
    %swap3A_1130 = arith.constant 194 : i32
    %swap3A_1131 = arith.index_cast %swap3A_1130 : i32 to index
    %swap3A_1132 = arith.constant 112 : index
    %swap3A_1133 = tpu.vector_load %arg8[%swap3A_1131, %swap3A_1132] {strides = array<i32>} : memref<196x384xf32, #tpu.memory_space<vmem>>, vector<16xf32>,
    tpu.vector_store %arg8[%swap3A_1131, %swap3A_1132], %broadcast_in_dim3A_1101 {strides = array<i32>} : memref<196x384xf32, #tpu.memory_space<vmem>>, vector<16xf32>,
    %swap3A_1134 = arith.constant 194 : i32
    %swap3A_1135 = arith.index_cast %swap3A_1134 : i32 to index
    %swap3A_1136 = arith.constant 128 : index
    %swap3A_1137 = tpu.vector_load %arg8[%swap3A_1135, %swap3A_1136] {strides = array<i32>} : memref<196x384xf32, #tpu.memory_space<vmem>>, vector<16xf32>,
    tpu.vector_store %arg8[%swap3A_1135, %swap3A_1136], %broadcast_in_dim3A_1101 {strides = array<i32>} : memref<196x384xf32, #tpu.memory_space<vmem>>, vector<16xf32>,
    %swap3A_1138 = arith.constant 194 : i32
    %swap3A_1139 = arith.index_cast %swap3A_1138 : i32 to index
    %swap3A_1140 = arith.constant 144 : index
    %swap3A_1141 = tpu.vector_load %arg8[%swap3A_1139, %swap3A_1140] {strides = array<i32>} : memref<196x384xf32, #tpu.memory_space<vmem>>, vector<16xf32>,
    tpu.vector_store %arg8[%swap3A_1139, %swap3A_1140], %broadcast_in_dim3A_1101 {strides = array<i32>} : memref<196x384xf32, #tpu.memory_space<vmem>>, vector<16xf32>,
    %swap3A_1142 = arith.constant 194 : i32
    %swap3A_1143 = arith.index_cast %swap3A_1142 : i32 to index
    %swap3A_1144 = arith.constant 160 : index
    %swap3A_1145 = tpu.vector_load %arg8[%swap3A_1143, %swap3A_1144] {strides = array<i32>} : memref<196x384xf32, #tpu.memory_space<vmem>>, vector<16xf32>,
    tpu.vector_store %arg8[%swap3A_1143, %swap3A_1144], %broadcast_in_dim3A_1101 {strides = array<i32>} : memref<196x384xf32, #tpu.memory_space<vmem>>, vector<16xf32>,
    %swap3A_1146 = arith.constant 194 : i32
    %swap3A_1147 = arith.index_cast %swap3A_1146 : i32 to index
    %swap3A_1148 = arith.constant 176 : index
    %swap3A_1149 = tpu.vector_load %arg8[%swap3A_1147, %swap3A_1148] {strides = array<i32>} : memref<196x384xf32, #tpu.memory_space<vmem>>, vector<16xf32>,
    tpu.vector_store %arg8[%swap3A_1147, %swap3A_1148], %broadcast_in_dim3A_1101 {strides = array<i32>} : memref<196x384xf32, #tpu.memory_space<vmem>>, vector<16xf32>,
    %swap3A_1150 = arith.constant 194 : i32
    %swap3A_1151 = arith.index_cast %swap3A_1150 : i32 to index
    %swap3A_1152 = arith.constant 192 : index
    %swap3A_1153 = tpu.vector_load %arg8[%swap3A_1151, %swap3A_1152] {strides = array<i32>} : memref<196x384xf32, #tpu.memory_space<vmem>>, vector<16xf32>,
    tpu.vector_store %arg8[%swap3A_1151, %swap3A_1152], %broadcast_in_dim3A_1101 {strides = array<i32>} : memref<196x384xf32, #tpu.memory_space<vmem>>, vector<16xf32>,
    %swap3A_1154 = arith.constant 194 : i32
    %swap3A_1155 = arith.index_cast %swap3A_1154 : i32 to index
    %swap3A_1156 = arith.constant 208 : index
    %swap3A_1157 = tpu.vector_load %arg8[%swap3A_1155, %swap3A_1156] {strides = array<i32>} : memref<196x384xf32, #tpu.memory_space<vmem>>, vector<16xf32>,
    tpu.vector_store %arg8[%swap3A_1155, %swap3A_1156], %broadcast_in_dim3A_1101 {strides = array<i32>} : memref<196x384xf32, #tpu.memory_space<vmem>>, vector<16xf32>,
    %swap3A_1158 = arith.constant 194 : i32
    %swap3A_1159 = arith.index_cast %swap3A_1158 : i32 to index
    %swap3A_1160 = arith.constant 224 : index
    %swap3A_1161 = tpu.vector_load %arg8[%swap3A_1159, %swap3A_1160] {strides = array<i32>} : memref<196x384xf32, #tpu.memory_space<vmem>>, vector<16xf32>,
    tpu.vector_store %arg8[%swap3A_1159, %swap3A_1160], %broadcast_in_dim3A_1101 {strides = array<i32>} : memref<196x384xf32, #tpu.memory_space<vmem>>, vector<16xf32>,
    %swap3A_1162 = arith.constant 194 : i32
    %swap3A_1163 = arith.index_cast %swap3A_1162 : i32 to index
    %swap3A_1164 = arith.constant 240 : index
    %swap3A_1165 = tpu.vector_load %arg8[%swap3A_1163, %swap3A_1164] {strides = array<i32>} : memref<196x384xf32, #tpu.memory_space<vmem>>, vector<16xf32>,
    tpu.vector_store %arg8[%swap3A_1163, %swap3A_1164], %broadcast_in_dim3A_1101 {strides = array<i32>} : memref<196x384xf32, #tpu.memory_space<vmem>>, vector<16xf32>,
    %swap3A_1166 = arith.constant 194 : i32
    %swap3A_1167 = arith.index_cast %swap3A_1166 : i32 to index
    %swap3A_1168 = arith.constant 256 : index
    %swap3A_1169 = tpu.vector_load %arg8[%swap3A_1167, %swap3A_1168] {strides = array<i32>} : memref<196x384xf32, #tpu.memory_space<vmem>>, vector<16xf32>,
    tpu.vector_store %arg8[%swap3A_1167, %swap3A_1168], %broadcast_in_dim3A_1101 {strides = array<i32>} : memref<196x384xf32, #tpu.memory_space<vmem>>, vector<16xf32>,
    %swap3A_1170 = arith.constant 194 : i32
    %swap3A_1171 = arith.index_cast %swap3A_1170 : i32 to index
    %swap3A_1172 = arith.constant 272 : index
    %swap3A_1173 = tpu.vector_load %arg8[%swap3A_1171, %swap3A_1172] {strides = array<i32>} : memref<196x384xf32, #tpu.memory_space<vmem>>, vector<16xf32>,
    tpu.vector_store %arg8[%swap3A_1171, %swap3A_1172], %broadcast_in_dim3A_1101 {strides = array<i32>} : memref<196x384xf32, #tpu.memory_space<vmem>>, vector<16xf32>,
    %swap3A_1174 = arith.constant 194 : i32
    %swap3A_1175 = arith.index_cast %swap3A_1174 : i32 to index
    %swap3A_1176 = arith.constant 288 : index
    %swap3A_1177 = tpu.vector_load %arg8[%swap3A_1175, %swap3A_1176] {strides = array<i32>} : memref<196x384xf32, #tpu.memory_space<vmem>>, vector<16xf32>,
    tpu.vector_store %arg8[%swap3A_1175, %swap3A_1176], %broadcast_in_dim3A_1101 {strides = array<i32>} : memref<196x384xf32, #tpu.memory_space<vmem>>, vector<16xf32>,
    %swap3A_1178 = arith.constant 194 : i32
    %swap3A_1179 = arith.index_cast %swap3A_1178 : i32 to index
    %swap3A_1180 = arith.constant 304 : index
    %swap3A_1181 = tpu.vector_load %arg8[%swap3A_1179, %swap3A_1180] {strides = array<i32>} : memref<196x384xf32, #tpu.memory_space<vmem>>, vector<16xf32>,
    tpu.vector_store %arg8[%swap3A_1179, %swap3A_1180], %broadcast_in_dim3A_1101 {strides = array<i32>} : memref<196x384xf32, #tpu.memory_space<vmem>>, vector<16xf32>,
    %swap3A_1182 = arith.constant 194 : i32
    %swap3A_1183 = arith.index_cast %swap3A_1182 : i32 to index
    %swap3A_1184 = arith.constant 320 : index
    %swap3A_1185 = tpu.vector_load %arg8[%swap3A_1183, %swap3A_1184] {strides = array<i32>} : memref<196x384xf32, #tpu.memory_space<vmem>>, vector<16xf32>,
    tpu.vector_store %arg8[%swap3A_1183, %swap3A_1184], %broadcast_in_dim3A_1101 {strides = array<i32>} : memref<196x384xf32, #tpu.memory_space<vmem>>, vector<16xf32>,
    %swap3A_1186 = arith.constant 194 : i32
    %swap3A_1187 = arith.index_cast %swap3A_1186 : i32 to index
    %swap3A_1188 = arith.constant 336 : index
    %swap3A_1189 = tpu.vector_load %arg8[%swap3A_1187, %swap3A_1188] {strides = array<i32>} : memref<196x384xf32, #tpu.memory_space<vmem>>, vector<16xf32>,
    tpu.vector_store %arg8[%swap3A_1187, %swap3A_1188], %broadcast_in_dim3A_1101 {strides = array<i32>} : memref<196x384xf32, #tpu.memory_space<vmem>>, vector<16xf32>,
    %swap3A_1190 = arith.constant 194 : i32
    %swap3A_1191 = arith.index_cast %swap3A_1190 : i32 to index
    %swap3A_1192 = arith.constant 352 : index
    %swap3A_1193 = tpu.vector_load %arg8[%swap3A_1191, %swap3A_1192] {strides = array<i32>} : memref<196x384xf32, #tpu.memory_space<vmem>>, vector<16xf32>,
    tpu.vector_store %arg8[%swap3A_1191, %swap3A_1192], %broadcast_in_dim3A_1101 {strides = array<i32>} : memref<196x384xf32, #tpu.memory_space<vmem>>, vector<16xf32>,
    %swap3A_1194 = arith.constant 194 : i32
    %swap3A_1195 = arith.index_cast %swap3A_1194 : i32 to index
    %swap3A_1196 = arith.constant 368 : index
    %swap3A_1197 = tpu.vector_load %arg8[%swap3A_1195, %swap3A_1196] {strides = array<i32>} : memref<196x384xf32, #tpu.memory_space<vmem>>, vector<16xf32>,
    tpu.vector_store %arg8[%swap3A_1195, %swap3A_1196], %broadcast_in_dim3A_1101 {strides = array<i32>} : memref<196x384xf32, #tpu.memory_space<vmem>>, vector<16xf32>,
    %slice3A_1198 = vector.extract_strided_slice %get3A_903 {offsets = [3], sizes = [1], strides = [1]} : vector<16xf32> to vector<1xf32>
    %squeeze3A_1199 = vector.extract %slice3A_1198[0] : f32 from vector<1xf32>
    %broadcast_in_dim3A_1200 = vector.broadcast %squeeze3A_1199 : f32 to vector<16xf32>
    %swap3A_1201 = arith.constant 195 : i32
    %swap3A_1202 = arith.index_cast %swap3A_1201 : i32 to index
    %swap3A_1203 = arith.constant 0 : index
    %swap3A_1204 = tpu.vector_load %arg8[%swap3A_1202, %swap3A_1203] {strides = array<i32>} : memref<196x384xf32, #tpu.memory_space<vmem>>, vector<16xf32>,
    tpu.vector_store %arg8[%swap3A_1202, %swap3A_1203], %broadcast_in_dim3A_1200 {strides = array<i32>} : memref<196x384xf32, #tpu.memory_space<vmem>>, vector<16xf32>,
    %swap3A_1205 = arith.constant 195 : i32
    %swap3A_1206 = arith.index_cast %swap3A_1205 : i32 to index
    %swap3A_1207 = arith.constant 16 : index
    %swap3A_1208 = tpu.vector_load %arg8[%swap3A_1206, %swap3A_1207] {strides = array<i32>} : memref<196x384xf32, #tpu.memory_space<vmem>>, vector<16xf32>,
    tpu.vector_store %arg8[%swap3A_1206, %swap3A_1207], %broadcast_in_dim3A_1200 {strides = array<i32>} : memref<196x384xf32, #tpu.memory_space<vmem>>, vector<16xf32>,
    %swap3A_1209 = arith.constant 195 : i32
    %swap3A_1210 = arith.index_cast %swap3A_1209 : i32 to index
    %swap3A_1211 = arith.constant 32 : index
    %swap3A_1212 = tpu.vector_load %arg8[%swap3A_1210, %swap3A_1211] {strides = array<i32>} : memref<196x384xf32, #tpu.memory_space<vmem>>, vector<16xf32>,
    tpu.vector_store %arg8[%swap3A_1210, %swap3A_1211], %broadcast_in_dim3A_1200 {strides = array<i32>} : memref<196x384xf32, #tpu.memory_space<vmem>>, vector<16xf32>,
    %swap3A_1213 = arith.constant 195 : i32
    %swap3A_1214 = arith.index_cast %swap3A_1213 : i32 to index
    %swap3A_1215 = arith.constant 48 : index
    %swap3A_1216 = tpu.vector_load %arg8[%swap3A_1214, %swap3A_1215] {strides = array<i32>} : memref<196x384xf32, #tpu.memory_space<vmem>>, vector<16xf32>,
    tpu.vector_store %arg8[%swap3A_1214, %swap3A_1215], %broadcast_in_dim3A_1200 {strides = array<i32>} : memref<196x384xf32, #tpu.memory_space<vmem>>, vector<16xf32>,
    %swap3A_1217 = arith.constant 195 : i32
    %swap3A_1218 = arith.index_cast %swap3A_1217 : i32 to index
    %swap3A_1219 = arith.constant 64 : index
    %swap3A_1220 = tpu.vector_load %arg8[%swap3A_1218, %swap3A_1219] {strides = array<i32>} : memref<196x384xf32, #tpu.memory_space<vmem>>, vector<16xf32>,
    tpu.vector_store %arg8[%swap3A_1218, %swap3A_1219], %broadcast_in_dim3A_1200 {strides = array<i32>} : memref<196x384xf32, #tpu.memory_space<vmem>>, vector<16xf32>,
    %swap3A_1221 = arith.constant 195 : i32
    %swap3A_1222 = arith.index_cast %swap3A_1221 : i32 to index
    %swap3A_1223 = arith.constant 80 : index
    %swap3A_1224 = tpu.vector_load %arg8[%swap3A_1222, %swap3A_1223] {strides = array<i32>} : memref<196x384xf32, #tpu.memory_space<vmem>>, vector<16xf32>,
    tpu.vector_store %arg8[%swap3A_1222, %swap3A_1223], %broadcast_in_dim3A_1200 {strides = array<i32>} : memref<196x384xf32, #tpu.memory_space<vmem>>, vector<16xf32>,
    %swap3A_1225 = arith.constant 195 : i32
    %swap3A_1226 = arith.index_cast %swap3A_1225 : i32 to index
    %swap3A_1227 = arith.constant 96 : index
    %swap3A_1228 = tpu.vector_load %arg8[%swap3A_1226, %swap3A_1227] {strides = array<i32>} : memref<196x384xf32, #tpu.memory_space<vmem>>, vector<16xf32>,
    tpu.vector_store %arg8[%swap3A_1226, %swap3A_1227], %broadcast_in_dim3A_1200 {strides = array<i32>} : memref<196x384xf32, #tpu.memory_space<vmem>>, vector<16xf32>,
    %swap3A_1229 = arith.constant 195 : i32
    %swap3A_1230 = arith.index_cast %swap3A_1229 : i32 to index
    %swap3A_1231 = arith.constant 112 : index
    %swap3A_1232 = tpu.vector_load %arg8[%swap3A_1230, %swap3A_1231] {strides = array<i32>} : memref<196x384xf32, #tpu.memory_space<vmem>>, vector<16xf32>,
    tpu.vector_store %arg8[%swap3A_1230, %swap3A_1231], %broadcast_in_dim3A_1200 {strides = array<i32>} : memref<196x384xf32, #tpu.memory_space<vmem>>, vector<16xf32>,
    %swap3A_1233 = arith.constant 195 : i32
    %swap3A_1234 = arith.index_cast %swap3A_1233 : i32 to index
    %swap3A_1235 = arith.constant 128 : index
    %swap3A_1236 = tpu.vector_load %arg8[%swap3A_1234, %swap3A_1235] {strides = array<i32>} : memref<196x384xf32, #tpu.memory_space<vmem>>, vector<16xf32>,
    tpu.vector_store %arg8[%swap3A_1234, %swap3A_1235], %broadcast_in_dim3A_1200 {strides = array<i32>} : memref<196x384xf32, #tpu.memory_space<vmem>>, vector<16xf32>,
    %swap3A_1237 = arith.constant 195 : i32
    %swap3A_1238 = arith.index_cast %swap3A_1237 : i32 to index
    %swap3A_1239 = arith.constant 144 : index
    %swap3A_1240 = tpu.vector_load %arg8[%swap3A_1238, %swap3A_1239] {strides = array<i32>} : memref<196x384xf32, #tpu.memory_space<vmem>>, vector<16xf32>,
    tpu.vector_store %arg8[%swap3A_1238, %swap3A_1239], %broadcast_in_dim3A_1200 {strides = array<i32>} : memref<196x384xf32, #tpu.memory_space<vmem>>, vector<16xf32>,
    %swap3A_1241 = arith.constant 195 : i32
    %swap3A_1242 = arith.index_cast %swap3A_1241 : i32 to index
    %swap3A_1243 = arith.constant 160 : index
    %swap3A_1244 = tpu.vector_load %arg8[%swap3A_1242, %swap3A_1243] {strides = array<i32>} : memref<196x384xf32, #tpu.memory_space<vmem>>, vector<16xf32>,
    tpu.vector_store %arg8[%swap3A_1242, %swap3A_1243], %broadcast_in_dim3A_1200 {strides = array<i32>} : memref<196x384xf32, #tpu.memory_space<vmem>>, vector<16xf32>,
    %swap3A_1245 = arith.constant 195 : i32
    %swap3A_1246 = arith.index_cast %swap3A_1245 : i32 to index
    %swap3A_1247 = arith.constant 176 : index
    %swap3A_1248 = tpu.vector_load %arg8[%swap3A_1246, %swap3A_1247] {strides = array<i32>} : memref<196x384xf32, #tpu.memory_space<vmem>>, vector<16xf32>,
    tpu.vector_store %arg8[%swap3A_1246, %swap3A_1247], %broadcast_in_dim3A_1200 {strides = array<i32>} : memref<196x384xf32, #tpu.memory_space<vmem>>, vector<16xf32>,
    %swap3A_1249 = arith.constant 195 : i32
    %swap3A_1250 = arith.index_cast %swap3A_1249 : i32 to index
    %swap3A_1251 = arith.constant 192 : index
    %swap3A_1252 = tpu.vector_load %arg8[%swap3A_1250, %swap3A_1251] {strides = array<i32>} : memref<196x384xf32, #tpu.memory_space<vmem>>, vector<16xf32>,
    tpu.vector_store %arg8[%swap3A_1250, %swap3A_1251], %broadcast_in_dim3A_1200 {strides = array<i32>} : memref<196x384xf32, #tpu.memory_space<vmem>>, vector<16xf32>,
    %swap3A_1253 = arith.constant 195 : i32
    %swap3A_1254 = arith.index_cast %swap3A_1253 : i32 to index
    %swap3A_1255 = arith.constant 208 : index
    %swap3A_1256 = tpu.vector_load %arg8[%swap3A_1254, %swap3A_1255] {strides = array<i32>} : memref<196x384xf32, #tpu.memory_space<vmem>>, vector<16xf32>,
    tpu.vector_store %arg8[%swap3A_1254, %swap3A_1255], %broadcast_in_dim3A_1200 {strides = array<i32>} : memref<196x384xf32, #tpu.memory_space<vmem>>, vector<16xf32>,
    %swap3A_1257 = arith.constant 195 : i32
    %swap3A_1258 = arith.index_cast %swap3A_1257 : i32 to index
    %swap3A_1259 = arith.constant 224 : index
    %swap3A_1260 = tpu.vector_load %arg8[%swap3A_1258, %swap3A_1259] {strides = array<i32>} : memref<196x384xf32, #tpu.memory_space<vmem>>, vector<16xf32>,
    tpu.vector_store %arg8[%swap3A_1258, %swap3A_1259], %broadcast_in_dim3A_1200 {strides = array<i32>} : memref<196x384xf32, #tpu.memory_space<vmem>>, vector<16xf32>,
    %swap3A_1261 = arith.constant 195 : i32
    %swap3A_1262 = arith.index_cast %swap3A_1261 : i32 to index
    %swap3A_1263 = arith.constant 240 : index
    %swap3A_1264 = tpu.vector_load %arg8[%swap3A_1262, %swap3A_1263] {strides = array<i32>} : memref<196x384xf32, #tpu.memory_space<vmem>>, vector<16xf32>,
    tpu.vector_store %arg8[%swap3A_1262, %swap3A_1263], %broadcast_in_dim3A_1200 {strides = array<i32>} : memref<196x384xf32, #tpu.memory_space<vmem>>, vector<16xf32>,
    %swap3A_1265 = arith.constant 195 : i32
    %swap3A_1266 = arith.index_cast %swap3A_1265 : i32 to index
    %swap3A_1267 = arith.constant 256 : index
    %swap3A_1268 = tpu.vector_load %arg8[%swap3A_1266, %swap3A_1267] {strides = array<i32>} : memref<196x384xf32, #tpu.memory_space<vmem>>, vector<16xf32>,
    tpu.vector_store %arg8[%swap3A_1266, %swap3A_1267], %broadcast_in_dim3A_1200 {strides = array<i32>} : memref<196x384xf32, #tpu.memory_space<vmem>>, vector<16xf32>,
    %swap3A_1269 = arith.constant 195 : i32
    %swap3A_1270 = arith.index_cast %swap3A_1269 : i32 to index
    %swap3A_1271 = arith.constant 272 : index
    %swap3A_1272 = tpu.vector_load %arg8[%swap3A_1270, %swap3A_1271] {strides = array<i32>} : memref<196x384xf32, #tpu.memory_space<vmem>>, vector<16xf32>,
    tpu.vector_store %arg8[%swap3A_1270, %swap3A_1271], %broadcast_in_dim3A_1200 {strides = array<i32>} : memref<196x384xf32, #tpu.memory_space<vmem>>, vector<16xf32>,
    %swap3A_1273 = arith.constant 195 : i32
    %swap3A_1274 = arith.index_cast %swap3A_1273 : i32 to index
    %swap3A_1275 = arith.constant 288 : index
    %swap3A_1276 = tpu.vector_load %arg8[%swap3A_1274, %swap3A_1275] {strides = array<i32>} : memref<196x384xf32, #tpu.memory_space<vmem>>, vector<16xf32>,
    tpu.vector_store %arg8[%swap3A_1274, %swap3A_1275], %broadcast_in_dim3A_1200 {strides = array<i32>} : memref<196x384xf32, #tpu.memory_space<vmem>>, vector<16xf32>,
    %swap3A_1277 = arith.constant 195 : i32
    %swap3A_1278 = arith.index_cast %swap3A_1277 : i32 to index
    %swap3A_1279 = arith.constant 304 : index
    %swap3A_1280 = tpu.vector_load %arg8[%swap3A_1278, %swap3A_1279] {strides = array<i32>} : memref<196x384xf32, #tpu.memory_space<vmem>>, vector<16xf32>,
    tpu.vector_store %arg8[%swap3A_1278, %swap3A_1279], %broadcast_in_dim3A_1200 {strides = array<i32>} : memref<196x384xf32, #tpu.memory_space<vmem>>, vector<16xf32>,
    %swap3A_1281 = arith.constant 195 : i32
    %swap3A_1282 = arith.index_cast %swap3A_1281 : i32 to index
    %swap3A_1283 = arith.constant 320 : index
    %swap3A_1284 = tpu.vector_load %arg8[%swap3A_1282, %swap3A_1283] {strides = array<i32>} : memref<196x384xf32, #tpu.memory_space<vmem>>, vector<16xf32>,
    tpu.vector_store %arg8[%swap3A_1282, %swap3A_1283], %broadcast_in_dim3A_1200 {strides = array<i32>} : memref<196x384xf32, #tpu.memory_space<vmem>>, vector<16xf32>,
    %swap3A_1285 = arith.constant 195 : i32
    %swap3A_1286 = arith.index_cast %swap3A_1285 : i32 to index
    %swap3A_1287 = arith.constant 336 : index
    %swap3A_1288 = tpu.vector_load %arg8[%swap3A_1286, %swap3A_1287] {strides = array<i32>} : memref<196x384xf32, #tpu.memory_space<vmem>>, vector<16xf32>,
    tpu.vector_store %arg8[%swap3A_1286, %swap3A_1287], %broadcast_in_dim3A_1200 {strides = array<i32>} : memref<196x384xf32, #tpu.memory_space<vmem>>, vector<16xf32>,
    %swap3A_1289 = arith.constant 195 : i32
    %swap3A_1290 = arith.index_cast %swap3A_1289 : i32 to index
    %swap3A_1291 = arith.constant 352 : index
    %swap3A_1292 = tpu.vector_load %arg8[%swap3A_1290, %swap3A_1291] {strides = array<i32>} : memref<196x384xf32, #tpu.memory_space<vmem>>, vector<16xf32>,
    tpu.vector_store %arg8[%swap3A_1290, %swap3A_1291], %broadcast_in_dim3A_1200 {strides = array<i32>} : memref<196x384xf32, #tpu.memory_space<vmem>>, vector<16xf32>,
    %swap3A_1293 = arith.constant 195 : i32
    %swap3A_1294 = arith.index_cast %swap3A_1293 : i32 to index
    %swap3A_1295 = arith.constant 368 : index
    %swap3A_1296 = tpu.vector_load %arg8[%swap3A_1294, %swap3A_1295] {strides = array<i32>} : memref<196x384xf32, #tpu.memory_space<vmem>>, vector<16xf32>,
    tpu.vector_store %arg8[%swap3A_1294, %swap3A_1295], %broadcast_in_dim3A_1200 {strides = array<i32>} : memref<196x384xf32, #tpu.memory_space<vmem>>, vector<16xf32>,
    "tpu.region"() ({
      %run_scoped3A = tpu.sem_alloc : memref<!tpu.dma_semaphore, #tpu.memory_space<semaphore_mem>>
      %dma_start3A_1297 = arith.constant 0 : i32
      %dma_start3A_1298 = arith.constant 0 : i32
      %dma_start3A_1299 = tpu.memref_slice %arg4[%add3A, %dma_start3A_1297, %dma_start3A_1298] : memref<32x196x384xf32, #tpu.memory_space<hbm>> -> memref<1x196x384xf32, #tpu.memory_space<hbm>>
      %dma_start3A_1300 = tpu.memref_squeeze %dma_start3A_1299 : memref<1x196x384xf32, #tpu.memory_space<hbm>> -> memref<196x384xf32, #tpu.memory_space<hbm>>
      %dma_start3A_1301 = arith.constant 0 : i32
      %dma_start3A_1302 = arith.constant 0 : i32
      %dma_start3A_1303 = tpu.memref_slice %arg4[%add3A, %dma_start3A_1301, %dma_start3A_1302] : memref<32x196x384xf32, #tpu.memory_space<hbm>> -> memref<1x196x384xf32, #tpu.memory_space<hbm>>
      %dma_start3A_1304 = tpu.memref_squeeze %dma_start3A_1303 : memref<1x196x384xf32, #tpu.memory_space<hbm>> -> memref<196x384xf32, #tpu.memory_space<hbm>>
      tpu.enqueue_dma source(%arg8 : memref<196x384xf32, #tpu.memory_space<vmem>>) target(%dma_start3A_1304 : memref<196x384xf32, #tpu.memory_space<hbm>>) target_semaphore(%run_scoped3A : memref<!tpu.dma_semaphore, #tpu.memory_space<semaphore_mem>>)
      %dma_wait3A_1305 = arith.constant 0 : i32
      %dma_wait3A_1306 = arith.constant 0 : i32
      %dma_wait3A_1307 = tpu.memref_slice %arg4[%add3A, %dma_wait3A_1305, %dma_wait3A_1306] : memref<32x196x384xf32, #tpu.memory_space<hbm>> -> memref<1x196x384xf32, #tpu.memory_space<hbm>>
      %dma_wait3A_1308 = tpu.memref_squeeze %dma_wait3A_1307 : memref<1x196x384xf32, #tpu.memory_space<hbm>> -> memref<196x384xf32, #tpu.memory_space<hbm>>
      %dma_wait3A_1309 = arith.constant 0 : i32
      %dma_wait3A_1310 = arith.constant 0 : i32
      %dma_wait3A_1311 = tpu.memref_slice %arg4[%add3A, %dma_wait3A_1309, %dma_wait3A_1310] : memref<32x196x384xf32, #tpu.memory_space<hbm>> -> memref<1x196x384xf32, #tpu.memory_space<hbm>>
      %dma_wait3A_1312 = tpu.memref_squeeze %dma_wait3A_1311 : memref<1x196x384xf32, #tpu.memory_space<hbm>> -> memref<196x384xf32, #tpu.memory_space<hbm>>
      tpu.wait_dma2 semaphore(%run_scoped3A : memref<!tpu.dma_semaphore, #tpu.memory_space<semaphore_mem>>) src(%arg8 : memref<196x384xf32, #tpu.memory_space<vmem>>) dst(%dma_wait3A_1312 : memref<196x384xf32, #tpu.memory_space<hbm>>)
      tpu.yield
    }) : () -> ()
    return
  }
}

module attributes {stable_mosaic.version = 14 : i64} {
  func.func @_grid_body(%arg0: i32, %arg1: memref<32x6xf32, #tpu.memory_space<vmem>>, %arg2: memref<1x1x224x384xf32, #tpu.memory_space<vmem>>, %arg3: memref<32x8x224xi32, #tpu.memory_space<vmem>>, %arg4: memref<224x384xf32, #tpu.memory_space<vmem>>) attributes {dimension_semantics = [#tpu.dimension_semantics<arbitrary>], iteration_bounds = array<i64: 1>, scalar_prefetch = 0 : i64, scratch_operands = 0 : i64, tpu.core_type = #tpu.core_type<tc>, window_params = [{pipeline_mode = #tpu.pipeline_mode<synchronous>, transform_indices = @transform_0, window_bounds = array<i64: 32, 6>}, {transform_indices = @transform_1, window_bounds = array<i64: 1, 1, 224, 384>}, {pipeline_mode = #tpu.pipeline_mode<synchronous>, transform_indices = @transform_2, window_bounds = array<i64: 32, 8, 224>}, {pipeline_mode = #tpu.pipeline_mode<synchronous>, transform_indices = @transform_3, window_bounds = array<i64: 224, 384>}]} {
    %get3A = arith.constant 0 : index
    %get3A_0 = arith.constant 0 : index
    %get3A_1 = vector.load %arg1[%get3A, %get3A_0] : memref<32x6xf32, #tpu.memory_space<vmem>>, vector<32x1xf32>
    %get3A_2 = arith.constant 0 : index
    %get3A_3 = arith.constant 1 : index
    %get3A_4 = vector.load %arg1[%get3A_2, %get3A_3] : memref<32x6xf32, #tpu.memory_space<vmem>>, vector<32x1xf32>
    %get3A_5 = arith.constant 0 : index
    %get3A_6 = arith.constant 2 : index
    %get3A_7 = vector.load %arg1[%get3A_5, %get3A_6] : memref<32x6xf32, #tpu.memory_space<vmem>>, vector<32x1xf32>
    %get3A_8 = arith.constant 0 : index
    %get3A_9 = arith.constant 3 : index
    %get3A_10 = vector.load %arg1[%get3A_8, %get3A_9] : memref<32x6xf32, #tpu.memory_space<vmem>>, vector<32x1xf32>
    %get3A_11 = arith.constant 0 : index
    %get3A_12 = arith.constant 4 : index
    %get3A_13 = vector.load %arg1[%get3A_11, %get3A_12] : memref<32x6xf32, #tpu.memory_space<vmem>>, vector<32x1xf32>
    %get3A_14 = arith.constant 0 : index
    %get3A_15 = arith.constant 5 : index
    %get3A_16 = vector.load %arg1[%get3A_14, %get3A_15] : memref<32x6xf32, #tpu.memory_space<vmem>>, vector<32x1xf32>
    %iota3A = tpu.iota {dimensions = array<i32: 1>} : vector<32x224xi32>
    %div3A = arith.constant 14 : i32
    %div3A_17 = vector.broadcast %div3A : i32 to vector<32x224xi32>
    %div3A_18 = arith.divsi %iota3A, %div3A_17 : vector<32x224xi32>
    %mul3A = arith.constant 14 : i32
    %mul3A_19 = vector.broadcast %mul3A : i32 to vector<32x224xi32>
    %mul3A_20 = arith.muli %div3A_18, %mul3A_19 : vector<32x224xi32>
    %sub3A = arith.subi %iota3A, %mul3A_20 : vector<32x224xi32>
    %convert_element_type3A = arith.sitofp %sub3A : vector<32x224xi32> to vector<32x224xf32>
    %convert_element_type3A_21 = arith.sitofp %div3A_18 : vector<32x224xi32> to vector<32x224xf32>
    %add3A = arith.constant 1.000000e+00 : f32
    %add3A_22 = vector.broadcast %add3A : f32 to vector<32x224xf32>
    %add3A_23 = arith.addf %convert_element_type3A, %add3A_22 : vector<32x224xf32>
    %add3A_24 = arith.constant 1.000000e+00 : f32
    %add3A_25 = vector.broadcast %add3A_24 : f32 to vector<32x224xf32>
    %add3A_26 = arith.addf %convert_element_type3A_21, %add3A_25 : vector<32x224xf32>
    %mul3A_27 = vector.broadcast %get3A_1 : vector<32x1xf32> to vector<32x224xf32>
    %mul3A_28 = arith.mulf %mul3A_27, %convert_element_type3A : vector<32x224xf32>
    %mul3A_29 = vector.broadcast %get3A_4 : vector<32x1xf32> to vector<32x224xf32>
    %mul3A_30 = arith.mulf %mul3A_29, %convert_element_type3A_21 : vector<32x224xf32>
    %add3A_31 = arith.addf %mul3A_28, %mul3A_30 : vector<32x224xf32>
    %add3A_32 = vector.broadcast %get3A_7 : vector<32x1xf32> to vector<32x224xf32>
    %add3A_33 = arith.addf %add3A_31, %add3A_32 : vector<32x224xf32>
    %mul3A_34 = vector.broadcast %get3A_10 : vector<32x1xf32> to vector<32x224xf32>
    %mul3A_35 = arith.mulf %mul3A_34, %convert_element_type3A : vector<32x224xf32>
    %mul3A_36 = vector.broadcast %get3A_13 : vector<32x1xf32> to vector<32x224xf32>
    %mul3A_37 = arith.mulf %mul3A_36, %convert_element_type3A_21 : vector<32x224xf32>
    %add3A_38 = arith.addf %mul3A_35, %mul3A_37 : vector<32x224xf32>
    %add3A_39 = vector.broadcast %get3A_16 : vector<32x1xf32> to vector<32x224xf32>
    %add3A_40 = arith.addf %add3A_38, %add3A_39 : vector<32x224xf32>
    %mul3A_41 = vector.broadcast %get3A_1 : vector<32x1xf32> to vector<32x224xf32>
    %mul3A_42 = arith.mulf %mul3A_41, %convert_element_type3A : vector<32x224xf32>
    %mul3A_43 = vector.broadcast %get3A_4 : vector<32x1xf32> to vector<32x224xf32>
    %mul3A_44 = arith.mulf %mul3A_43, %add3A_26 : vector<32x224xf32>
    %add3A_45 = arith.addf %mul3A_42, %mul3A_44 : vector<32x224xf32>
    %add3A_46 = vector.broadcast %get3A_7 : vector<32x1xf32> to vector<32x224xf32>
    %add3A_47 = arith.addf %add3A_45, %add3A_46 : vector<32x224xf32>
    %mul3A_48 = vector.broadcast %get3A_10 : vector<32x1xf32> to vector<32x224xf32>
    %mul3A_49 = arith.mulf %mul3A_48, %convert_element_type3A : vector<32x224xf32>
    %mul3A_50 = vector.broadcast %get3A_13 : vector<32x1xf32> to vector<32x224xf32>
    %mul3A_51 = arith.mulf %mul3A_50, %add3A_26 : vector<32x224xf32>
    %add3A_52 = arith.addf %mul3A_49, %mul3A_51 : vector<32x224xf32>
    %add3A_53 = vector.broadcast %get3A_16 : vector<32x1xf32> to vector<32x224xf32>
    %add3A_54 = arith.addf %add3A_52, %add3A_53 : vector<32x224xf32>
    %mul3A_55 = vector.broadcast %get3A_1 : vector<32x1xf32> to vector<32x224xf32>
    %mul3A_56 = arith.mulf %mul3A_55, %add3A_23 : vector<32x224xf32>
    %mul3A_57 = vector.broadcast %get3A_4 : vector<32x1xf32> to vector<32x224xf32>
    %mul3A_58 = arith.mulf %mul3A_57, %convert_element_type3A_21 : vector<32x224xf32>
    %add3A_59 = arith.addf %mul3A_56, %mul3A_58 : vector<32x224xf32>
    %add3A_60 = vector.broadcast %get3A_7 : vector<32x1xf32> to vector<32x224xf32>
    %add3A_61 = arith.addf %add3A_59, %add3A_60 : vector<32x224xf32>
    %mul3A_62 = vector.broadcast %get3A_10 : vector<32x1xf32> to vector<32x224xf32>
    %mul3A_63 = arith.mulf %mul3A_62, %add3A_23 : vector<32x224xf32>
    %mul3A_64 = vector.broadcast %get3A_13 : vector<32x1xf32> to vector<32x224xf32>
    %mul3A_65 = arith.mulf %mul3A_64, %convert_element_type3A_21 : vector<32x224xf32>
    %add3A_66 = arith.addf %mul3A_63, %mul3A_65 : vector<32x224xf32>
    %add3A_67 = vector.broadcast %get3A_16 : vector<32x1xf32> to vector<32x224xf32>
    %add3A_68 = arith.addf %add3A_66, %add3A_67 : vector<32x224xf32>
    %mul3A_69 = vector.broadcast %get3A_1 : vector<32x1xf32> to vector<32x224xf32>
    %mul3A_70 = arith.mulf %mul3A_69, %add3A_23 : vector<32x224xf32>
    %mul3A_71 = vector.broadcast %get3A_4 : vector<32x1xf32> to vector<32x224xf32>
    %mul3A_72 = arith.mulf %mul3A_71, %add3A_26 : vector<32x224xf32>
    %add3A_73 = arith.addf %mul3A_70, %mul3A_72 : vector<32x224xf32>
    %add3A_74 = vector.broadcast %get3A_7 : vector<32x1xf32> to vector<32x224xf32>
    %add3A_75 = arith.addf %add3A_73, %add3A_74 : vector<32x224xf32>
    %mul3A_76 = vector.broadcast %get3A_10 : vector<32x1xf32> to vector<32x224xf32>
    %mul3A_77 = arith.mulf %mul3A_76, %add3A_23 : vector<32x224xf32>
    %mul3A_78 = vector.broadcast %get3A_13 : vector<32x1xf32> to vector<32x224xf32>
    %mul3A_79 = arith.mulf %mul3A_78, %add3A_26 : vector<32x224xf32>
    %add3A_80 = arith.addf %mul3A_77, %mul3A_79 : vector<32x224xf32>
    %add3A_81 = vector.broadcast %get3A_16 : vector<32x1xf32> to vector<32x224xf32>
    %add3A_82 = arith.addf %add3A_80, %add3A_81 : vector<32x224xf32>
    %min3A = arith.minimumf %add3A_33, %add3A_47 : vector<32x224xf32>
    %min3A_83 = arith.minimumf %add3A_61, %add3A_75 : vector<32x224xf32>
    %min3A_84 = arith.minimumf %min3A, %min3A_83 : vector<32x224xf32>
    %round3A = math.roundeven %min3A_84 : vector<32x224xf32>
    %max3A = arith.constant 0.000000e+00 : f32
    %max3A_85 = vector.broadcast %max3A : f32 to vector<32x224xf32>
    %max3A_86 = arith.maximumf %round3A, %max3A_85 : vector<32x224xf32>
    %max3A_87 = arith.maximumf %add3A_33, %add3A_47 : vector<32x224xf32>
    %max3A_88 = arith.maximumf %add3A_61, %add3A_75 : vector<32x224xf32>
    %max3A_89 = arith.maximumf %max3A_87, %max3A_88 : vector<32x224xf32>
    %round3A_90 = math.roundeven %max3A_89 : vector<32x224xf32>
    %min3A_91 = arith.constant 2.230000e+02 : f32
    %min3A_92 = vector.broadcast %min3A_91 : f32 to vector<32x224xf32>
    %min3A_93 = arith.minimumf %round3A_90, %min3A_92 : vector<32x224xf32>
    %min3A_94 = arith.minimumf %add3A_40, %add3A_54 : vector<32x224xf32>
    %min3A_95 = arith.minimumf %add3A_68, %add3A_82 : vector<32x224xf32>
    %min3A_96 = arith.minimumf %min3A_94, %min3A_95 : vector<32x224xf32>
    %round3A_97 = math.roundeven %min3A_96 : vector<32x224xf32>
    %max3A_98 = arith.constant 0.000000e+00 : f32
    %max3A_99 = vector.broadcast %max3A_98 : f32 to vector<32x224xf32>
    %max3A_100 = arith.maximumf %round3A_97, %max3A_99 : vector<32x224xf32>
    %max3A_101 = arith.maximumf %add3A_40, %add3A_54 : vector<32x224xf32>
    %max3A_102 = arith.maximumf %add3A_68, %add3A_82 : vector<32x224xf32>
    %max3A_103 = arith.maximumf %max3A_101, %max3A_102 : vector<32x224xf32>
    %round3A_104 = math.roundeven %max3A_103 : vector<32x224xf32>
    %min3A_105 = arith.constant 2.230000e+02 : f32
    %min3A_106 = vector.broadcast %min3A_105 : f32 to vector<32x224xf32>
    %min3A_107 = arith.minimumf %round3A_104, %min3A_106 : vector<32x224xf32>
    %add3A_108 = arith.addf %max3A_86, %min3A_93 : vector<32x224xf32>
    %div3A_109 = arith.constant 2.000000e+00 : f32
    %div3A_110 = vector.broadcast %div3A_109 : f32 to vector<32x224xf32>
    %div3A_111 = arith.divf %add3A_108, %div3A_110 : vector<32x224xf32>
    %add3A_112 = arith.addf %max3A_100, %min3A_107 : vector<32x224xf32>
    %div3A_113 = arith.constant 2.000000e+00 : f32
    %div3A_114 = vector.broadcast %div3A_113 : f32 to vector<32x224xf32>
    %div3A_115 = arith.divf %add3A_112, %div3A_114 : vector<32x224xf32>
    %floor3A = math.floor %div3A_111 : vector<32x224xf32>
    %floor3A_116 = math.floor %div3A_115 : vector<32x224xf32>
    %sub3A_117 = arith.subf %div3A_111, %floor3A : vector<32x224xf32>
    %sub3A_118 = arith.subf %div3A_115, %floor3A_116 : vector<32x224xf32>
    %convert_element_type3A_119 = arith.fptosi %floor3A : vector<32x224xf32> to vector<32x224xi32>
    %jit3A = arith.constant 0 : i32
    %jit3A_120 = arith.constant 223 : i32
    %max3A_121 = vector.broadcast %jit3A : i32 to vector<32x224xi32>
    %max3A_122 = arith.maxsi %max3A_121, %convert_element_type3A_119 : vector<32x224xi32>
    %min3A_123 = vector.broadcast %jit3A_120 : i32 to vector<32x224xi32>
    %min3A_124 = arith.minsi %min3A_123, %max3A_122 : vector<32x224xi32>
    %ceil3A = math.ceil %div3A_111 : vector<32x224xf32>
    %convert_element_type3A_125 = arith.fptosi %ceil3A : vector<32x224xf32> to vector<32x224xi32>
    %jit3A_126 = arith.constant 0 : i32
    %jit3A_127 = arith.constant 223 : i32
    %max3A_128 = vector.broadcast %jit3A_126 : i32 to vector<32x224xi32>
    %max3A_129 = arith.maxsi %max3A_128, %convert_element_type3A_125 : vector<32x224xi32>
    %min3A_130 = vector.broadcast %jit3A_127 : i32 to vector<32x224xi32>
    %min3A_131 = arith.minsi %min3A_130, %max3A_129 : vector<32x224xi32>
    %convert_element_type3A_132 = arith.fptosi %floor3A_116 : vector<32x224xf32> to vector<32x224xi32>
    %jit3A_133 = arith.constant 0 : i32
    %jit3A_134 = arith.constant 383 : i32
    %max3A_135 = vector.broadcast %jit3A_133 : i32 to vector<32x224xi32>
    %max3A_136 = arith.maxsi %max3A_135, %convert_element_type3A_132 : vector<32x224xi32>
    %min3A_137 = vector.broadcast %jit3A_134 : i32 to vector<32x224xi32>
    %min3A_138 = arith.minsi %min3A_137, %max3A_136 : vector<32x224xi32>
    %ceil3A_139 = math.ceil %div3A_115 : vector<32x224xf32>
    %convert_element_type3A_140 = arith.fptosi %ceil3A_139 : vector<32x224xf32> to vector<32x224xi32>
    %jit3A_141 = arith.constant 0 : i32
    %jit3A_142 = arith.constant 383 : i32
    %max3A_143 = vector.broadcast %jit3A_141 : i32 to vector<32x224xi32>
    %max3A_144 = arith.maxsi %max3A_143, %convert_element_type3A_140 : vector<32x224xi32>
    %min3A_145 = vector.broadcast %jit3A_142 : i32 to vector<32x224xi32>
    %min3A_146 = arith.minsi %min3A_145, %max3A_144 : vector<32x224xi32>
    %mul3A_147 = arith.constant 384 : i32
    %mul3A_148 = vector.broadcast %mul3A_147 : i32 to vector<32x224xi32>
    %mul3A_149 = arith.muli %min3A_124, %mul3A_148 : vector<32x224xi32>
    %add3A_150 = arith.addi %mul3A_149, %min3A_138 : vector<32x224xi32>
    %swap3A = arith.constant 0 : index
    %swap3A_151 = arith.constant 0 : index
    %swap3A_152 = arith.constant 0 : index
    %swap3A_153 = vector.load %arg3[%swap3A, %swap3A_151, %swap3A_152] : memref<32x8x224xi32, #tpu.memory_space<vmem>>, vector<32x1x224xi32>
    %swap3A_154 = vector.shape_cast %swap3A_153 : vector<32x1x224xi32> to vector<32x224xi32>
    %swap3A_155 = vector.shape_cast %add3A_150 : vector<32x224xi32> to vector<32x1x224xi32>
    tpu.vector_store %arg3[%swap3A, %swap3A_151, %swap3A_152], %swap3A_155 {strides = array<i32>} : memref<32x8x224xi32, #tpu.memory_space<vmem>>, vector<32x1x224xi32>,
    %mul3A_156 = arith.constant 384 : i32
    %mul3A_157 = vector.broadcast %mul3A_156 : i32 to vector<32x224xi32>
    %mul3A_158 = arith.muli %min3A_131, %mul3A_157 : vector<32x224xi32>
    %add3A_159 = arith.addi %mul3A_158, %min3A_138 : vector<32x224xi32>
    %swap3A_160 = arith.constant 0 : index
    %swap3A_161 = arith.constant 1 : index
    %swap3A_162 = arith.constant 0 : index
    %swap3A_163 = vector.load %arg3[%swap3A_160, %swap3A_161, %swap3A_162] : memref<32x8x224xi32, #tpu.memory_space<vmem>>, vector<32x1x224xi32>
    %swap3A_164 = vector.shape_cast %swap3A_163 : vector<32x1x224xi32> to vector<32x224xi32>
    %swap3A_165 = vector.shape_cast %add3A_159 : vector<32x224xi32> to vector<32x1x224xi32>
    tpu.vector_store %arg3[%swap3A_160, %swap3A_161, %swap3A_162], %swap3A_165 {strides = array<i32>} : memref<32x8x224xi32, #tpu.memory_space<vmem>>, vector<32x1x224xi32>,
    %mul3A_166 = arith.constant 384 : i32
    %mul3A_167 = vector.broadcast %mul3A_166 : i32 to vector<32x224xi32>
    %mul3A_168 = arith.muli %min3A_131, %mul3A_167 : vector<32x224xi32>
    %add3A_169 = arith.addi %mul3A_168, %min3A_146 : vector<32x224xi32>
    %swap3A_170 = arith.constant 0 : index
    %swap3A_171 = arith.constant 2 : index
    %swap3A_172 = arith.constant 0 : index
    %swap3A_173 = vector.load %arg3[%swap3A_170, %swap3A_171, %swap3A_172] : memref<32x8x224xi32, #tpu.memory_space<vmem>>, vector<32x1x224xi32>
    %swap3A_174 = vector.shape_cast %swap3A_173 : vector<32x1x224xi32> to vector<32x224xi32>
    %swap3A_175 = vector.shape_cast %add3A_169 : vector<32x224xi32> to vector<32x1x224xi32>
    tpu.vector_store %arg3[%swap3A_170, %swap3A_171, %swap3A_172], %swap3A_175 {strides = array<i32>} : memref<32x8x224xi32, #tpu.memory_space<vmem>>, vector<32x1x224xi32>,
    %mul3A_176 = arith.constant 384 : i32
    %mul3A_177 = vector.broadcast %mul3A_176 : i32 to vector<32x224xi32>
    %mul3A_178 = arith.muli %min3A_124, %mul3A_177 : vector<32x224xi32>
    %add3A_179 = arith.addi %mul3A_178, %min3A_146 : vector<32x224xi32>
    %swap3A_180 = arith.constant 0 : index
    %swap3A_181 = arith.constant 3 : index
    %swap3A_182 = arith.constant 0 : index
    %swap3A_183 = vector.load %arg3[%swap3A_180, %swap3A_181, %swap3A_182] : memref<32x8x224xi32, #tpu.memory_space<vmem>>, vector<32x1x224xi32>
    %swap3A_184 = vector.shape_cast %swap3A_183 : vector<32x1x224xi32> to vector<32x224xi32>
    %swap3A_185 = vector.shape_cast %add3A_179 : vector<32x224xi32> to vector<32x1x224xi32>
    tpu.vector_store %arg3[%swap3A_180, %swap3A_181, %swap3A_182], %swap3A_185 {strides = array<i32>} : memref<32x8x224xi32, #tpu.memory_space<vmem>>, vector<32x1x224xi32>,
    %sub3A_186 = arith.constant 1.000000e+00 : f32
    %sub3A_187 = vector.broadcast %sub3A_186 : f32 to vector<32x224xf32>
    %sub3A_188 = arith.subf %sub3A_187, %sub3A_117 : vector<32x224xf32>
    %sub3A_189 = arith.constant 1.000000e+00 : f32
    %sub3A_190 = vector.broadcast %sub3A_189 : f32 to vector<32x224xf32>
    %sub3A_191 = arith.subf %sub3A_190, %sub3A_118 : vector<32x224xf32>
    %mul3A_192 = arith.mulf %sub3A_188, %sub3A_191 : vector<32x224xf32>
    %bitcast_convert_type3A = tpu.bitcast %mul3A_192 : vector<32x224xf32> -> vector<32x224xi32>
    %swap3A_193 = arith.constant 0 : index
    %swap3A_194 = arith.constant 4 : index
    %swap3A_195 = arith.constant 0 : index
    %swap3A_196 = vector.load %arg3[%swap3A_193, %swap3A_194, %swap3A_195] : memref<32x8x224xi32, #tpu.memory_space<vmem>>, vector<32x1x224xi32>
    %swap3A_197 = vector.shape_cast %swap3A_196 : vector<32x1x224xi32> to vector<32x224xi32>
    %swap3A_198 = vector.shape_cast %bitcast_convert_type3A : vector<32x224xi32> to vector<32x1x224xi32>
    tpu.vector_store %arg3[%swap3A_193, %swap3A_194, %swap3A_195], %swap3A_198 {strides = array<i32>} : memref<32x8x224xi32, #tpu.memory_space<vmem>>, vector<32x1x224xi32>,
    %sub3A_199 = arith.constant 1.000000e+00 : f32
    %sub3A_200 = vector.broadcast %sub3A_199 : f32 to vector<32x224xf32>
    %sub3A_201 = arith.subf %sub3A_200, %sub3A_118 : vector<32x224xf32>
    %mul3A_202 = arith.mulf %sub3A_117, %sub3A_201 : vector<32x224xf32>
    %bitcast_convert_type3A_203 = tpu.bitcast %mul3A_202 : vector<32x224xf32> -> vector<32x224xi32>
    %swap3A_204 = arith.constant 0 : index
    %swap3A_205 = arith.constant 5 : index
    %swap3A_206 = arith.constant 0 : index
    %swap3A_207 = vector.load %arg3[%swap3A_204, %swap3A_205, %swap3A_206] : memref<32x8x224xi32, #tpu.memory_space<vmem>>, vector<32x1x224xi32>
    %swap3A_208 = vector.shape_cast %swap3A_207 : vector<32x1x224xi32> to vector<32x224xi32>
    %swap3A_209 = vector.shape_cast %bitcast_convert_type3A_203 : vector<32x224xi32> to vector<32x1x224xi32>
    tpu.vector_store %arg3[%swap3A_204, %swap3A_205, %swap3A_206], %swap3A_209 {strides = array<i32>} : memref<32x8x224xi32, #tpu.memory_space<vmem>>, vector<32x1x224xi32>,
    %mul3A_210 = arith.mulf %sub3A_117, %sub3A_118 : vector<32x224xf32>
    %bitcast_convert_type3A_211 = tpu.bitcast %mul3A_210 : vector<32x224xf32> -> vector<32x224xi32>
    %swap3A_212 = arith.constant 0 : index
    %swap3A_213 = arith.constant 6 : index
    %swap3A_214 = arith.constant 0 : index
    %swap3A_215 = vector.load %arg3[%swap3A_212, %swap3A_213, %swap3A_214] : memref<32x8x224xi32, #tpu.memory_space<vmem>>, vector<32x1x224xi32>
    %swap3A_216 = vector.shape_cast %swap3A_215 : vector<32x1x224xi32> to vector<32x224xi32>
    %swap3A_217 = vector.shape_cast %bitcast_convert_type3A_211 : vector<32x224xi32> to vector<32x1x224xi32>
    tpu.vector_store %arg3[%swap3A_212, %swap3A_213, %swap3A_214], %swap3A_217 {strides = array<i32>} : memref<32x8x224xi32, #tpu.memory_space<vmem>>, vector<32x1x224xi32>,
    %sub3A_218 = arith.constant 1.000000e+00 : f32
    %sub3A_219 = vector.broadcast %sub3A_218 : f32 to vector<32x224xf32>
    %sub3A_220 = arith.subf %sub3A_219, %sub3A_117 : vector<32x224xf32>
    %mul3A_221 = arith.mulf %sub3A_220, %sub3A_118 : vector<32x224xf32>
    %bitcast_convert_type3A_222 = tpu.bitcast %mul3A_221 : vector<32x224xf32> -> vector<32x224xi32>
    %swap3A_223 = arith.constant 0 : index
    %swap3A_224 = arith.constant 7 : index
    %swap3A_225 = arith.constant 0 : index
    %swap3A_226 = vector.load %arg3[%swap3A_223, %swap3A_224, %swap3A_225] : memref<32x8x224xi32, #tpu.memory_space<vmem>>, vector<32x1x224xi32>
    %swap3A_227 = vector.shape_cast %swap3A_226 : vector<32x1x224xi32> to vector<32x224xi32>
    %swap3A_228 = vector.shape_cast %bitcast_convert_type3A_222 : vector<32x224xi32> to vector<32x1x224xi32>
    tpu.vector_store %arg3[%swap3A_223, %swap3A_224, %swap3A_225], %swap3A_228 {strides = array<i32>} : memref<32x8x224xi32, #tpu.memory_space<vmem>>, vector<32x1x224xi32>,
    %get3A_229 = arith.constant 0 : index
    %get3A_230 = arith.constant 0 : index
    %get3A_231 = arith.constant 0 : index
    %get3A_232 = arith.constant 0 : index
    %get3A_233 = vector.load %arg2[%get3A_229, %get3A_230, %get3A_231, %get3A_232] : memref<1x1x224x384xf32, #tpu.memory_space<vmem>>, vector<1x1x224x384xf32>
    %get3A_234 = vector.shape_cast %get3A_233 : vector<1x1x224x384xf32> to vector<224x384xf32>
    %swap3A_235 = arith.constant 0 : index
    %swap3A_236 = arith.constant 0 : index
    %swap3A_237 = vector.load %arg4[%swap3A_235, %swap3A_236] : memref<224x384xf32, #tpu.memory_space<vmem>>, vector<224x384xf32>
    tpu.vector_store %arg4[%swap3A_235, %swap3A_236], %get3A_234 {strides = array<i32>} : memref<224x384xf32, #tpu.memory_space<vmem>>, vector<224x384xf32>,
    return
  }
  func.func @transform_0(%arg0: i32) -> (i32, i32) {
    %c0_i32 = arith.constant 0 : i32
    %c0_i32_0 = arith.constant 0 : i32
    %c0_i32_1 = arith.constant 0 : i32
    return %c0_i32, %c0_i32_0 : i32, i32
  }
  func.func @transform_1(%arg0: i32) -> (i32, i32, i32, i32) {
    %c0_i32 = arith.constant 0 : i32
    %c0_i32_0 = arith.constant 0 : i32
    %c0_i32_1 = arith.constant 0 : i32
    %c0_i32_2 = arith.constant 0 : i32
    %c0_i32_3 = arith.constant 0 : i32
    return %c0_i32, %c0_i32_0, %c0_i32_1, %c0_i32_2 : i32, i32, i32, i32
  }
  func.func @transform_2(%arg0: i32) -> (i32, i32, i32) {
    %c0_i32 = arith.constant 0 : i32
    %c0_i32_0 = arith.constant 0 : i32
    %c0_i32_1 = arith.constant 0 : i32
    %c0_i32_2 = arith.constant 0 : i32
    return %c0_i32, %c0_i32_0, %c0_i32_1 : i32, i32, i32
  }
  func.func @transform_3(%arg0: i32) -> (i32, i32) {
    %c0_i32 = arith.constant 0 : i32
    %c0_i32_0 = arith.constant 0 : i32
    %c0_i32_1 = arith.constant 0 : i32
    return %c0_i32, %c0_i32_0 : i32, i32
  }
}

</mosaic_0001>

<sc_bundles>
// kernel: kernel.4.cloned.1.call-start
scs
__scs_entry_jumppad:
0x0: {  	(pc) =	sbr.rel $0x88, $3  }
0x1: {  	(tag) =	ssettag $0x0;
	lr =	simm.s32 $0x1  }
0x2: {  	[smem:$0x3F9C] =	sst lr;
	_ =	strace $0xD0000000  }
0x3: {  	_ = 	snop  }
0x4: {  	_ = 	snop  }
0x5: {  	_ = 	snop  }
0x6: {  	_ = 	snop  }
0x7: {  	_ = 	snop  }
__scs_overlays_trampoline_lowered:
0x8: {  	[smem:$0x3FAB] =	sst s0  }
0x9: {  	[smem:$0x3FAC] =	sst s1  }
0xa: {  	[smem:$0x3FAD] =	sst s2  }
0xb: {  	[smem:$0x3FAE] =	sst s3  }
0xc: {  	[smem:$0x3FAF] =	sst s4  }
0xd: {  	[smem:$0x3FB0] =	sst s5  }
0xe: {  	[smem:$0x3FB1] =	sst s6  }
0xf: {  	[smem:$0x3FB2] =	sst s7  }
0x10: {  	[smem:$0x3FB3] =	sst s8  }
0x11: {  	[smem:$0x3FB4] =	sst s9;
	s0 =	simm.s32 @!p0 $0x0  }
0x12: {  	s1 =	sld [smem:$0x3F9A];
	s0 =	simm.s32 @p0 $0x1  }
0x13: {  	[smem:$0x3FB5] =	sst s0;
	s0 =	simm.s32 @!p1 $0x0  }
0x14: {  	s2 =	sld [smem:$0x3F99];
	s0 =	simm.s32 @p1 $0x1  }
0x15: {  	[smem:$0x3FB6] =	sst s0;
	s0 =	simm.s32 @!p2 $0x0  }
0x16: {  	s3 =	sld [smem:$0x3FDB];
	s0 =	simm.s32 @p2 $0x1  }
0x17: {  	s4 =	simm.s32 $0x1BF5;
	[smem:$0x3FB8] =	sst s0  }
0x18: {  	s0 =	sld [smem:$0x3F9B];
	_ =	swait.ge [sflag:s4], $0x0  }
0x19: {  	s7 =	sld [smem:$0x3F9C]  }
0x1a: {  	s8 =	sadd.s32 $0xFFFFE003, lr  }
0x1b: {  	s9 =	sadd.s32 $0xFFFFFEF7, lr;
	s5 =	simm.s32 $0xFFFFFFFF;
	p2 =	slt.u32 s8, $0xFFFFF086  }
0x1c: {  	p1 =	slt.u32 s9, $0xF7A;
	s5 =	simm.s32 @!p2 $0x0  }
0x1d: {  	s5 =	simm.s32 @p1 $0x1;
	p0 =	seq.s32 s7, s2  }
0x1e: {  	s7 =	smul.u32 @!p0 $0xF7A, s2;
	p2 =	seq.s32 @!p0 s5, $0x0  }
0x1f: {  	s9 =	smul.u32 $0xF7A, s1;
	s8 =	simm.s32 @!p0 $0x1BF5;
	p2 =	por !p2, p0  }
0x20: {  	[sflag:s8] =	ssyncset.s32 @!p0 $0xFFFFF086;
	s6 =	sadd.s32 @!p0 s3, s7;
	s7 =	simm.s32 @!p0 $0x108  }
0x21: {  	s3 =	sadd.s32 s3, s9;
	s6 =	sadd.s32 @!p0 $0x88, s6;
	s7 =	simm.s32 @p2 $0x1082  }
0x22: {  	[simem:s7], [sflag:s8] =	dma.local @!p0 [hbm:s6], $0xF7A  }
0x23: {  	s9 =	sor.u32 $0xD0000000, s2;
	s6 =	simm.s32 $0x108;
	_ =	swait.ge @!p0 [sflag:s8], $0x0  }
0x24: {  	s3 =	sadd.s32 $0x88, s3;
	s6 =	simm.s32 @!p1 $0x1082;
	[sflag:s4] =	ssyncset.s32 $0xFFFFF086  }
0x25: {  	[simem:s6], [sflag:s4] =	dma.local [hbm:s3], $0xF7A  }
0x26: {  	[smem:$0x3F9C] =	sst s1;
	(tag) =	ssettag s2;
	_ =	strace s9  }
0x27: {  	s1 =	sld [smem:$0x3FAC]  }
0x28: {  	s2 =	sld [smem:$0x3FAD]  }
0x29: {  	s4 =	sld [smem:$0x3FAF]  }
0x2a: {  	p0 =	seq.s32 s5, $0x0;
	s5 =	sld [smem:$0x3FB0]  }
0x2b: {  	s6 =	sld [smem:$0x3FB1]  }
0x2c: {  	s7 =	sld [smem:$0x3FB2]  }
0x2d: {  	s3 =	simm.s32 $0x108;
	s8 =	sld [smem:$0x3FB3]  }
0x2e: {  	s3 =	simm.s32 @!p0 $0x1082;
	s9 =	sld [smem:$0x3FB4]  }
0x2f: {  	lr =	sadd.s32 s0, s3;
	s0 =	sld [smem:$0x3FAB]  }
0x30: {  	s3 =	sld [smem:$0x3FAE]  }
0x31: {  	[smem:$0x3FB7] =	sst s10  }
0x32: {  	s10 =	sld [smem:$0x3FB5];
	_ =	sdelay $0x3  }
0x33: {  	p0 =	seq.s32 s10, $0x1;
	s10 =	sld [smem:$0x3FB7];
	_ =	sdelay $0x3  }
0x34: {  	[smem:$0x3FB7] =	sst s10  }
0x35: {  	s10 =	sld [smem:$0x3FB6];
	_ =	sdelay $0x3  }
0x36: {  	p1 =	seq.s32 s10, $0x1;
	s10 =	sld [smem:$0x3FB7];
	_ =	sdelay $0x3  }
0x37: {  	[smem:$0x3FB7] =	sst s10  }
0x38: {  	s10 =	sld [smem:$0x3FB8]  }
0x39: {  	_ = 	snop;
	(pc) =	sbr.ind lr, $3  }
0x3a: {  	_ = 	snop  }
0x3b: {  	_ = 	snop  }
0x3c: {  	p2 =	seq.s32 s10, $0x1;
	s10 =	sld [smem:$0x3FB7]  }
0x3d: {  	_ =	shalt  }
0x3e: {  	_ =	shalt  }
0x3f: {  	_ =	shalt  }
0x40: {  	_ =	shalt  }
0x41: {  	_ =	shalt  }
0x42: {  	_ =	shalt  }
0x43: {  	_ =	shalt  }
0x44: {  	_ =	shalt  }
0x45: {  	_ =	shalt  }
0x46: {  	_ =	shalt  }
0x47: {  	_ =	shalt  }
0x48: {  	_ =	shalt  }
0x49: {  	_ =	shalt  }
0x4a: {  	_ =	shalt  }
0x4b: {  	_ =	shalt  }
0x4c: {  	_ =	shalt  }
0x4d: {  	_ =	shalt  }
0x4e: {  	_ =	shalt  }
0x4f: {  	_ =	shalt  }
0x50: {  	_ =	shalt  }
0x51: {  	_ =	shalt  }
0x52: {  	_ =	shalt  }
0x53: {  	_ =	shalt  }
0x54: {  	_ =	shalt  }
0x55: {  	_ =	shalt  }
0x56: {  	_ =	shalt  }
0x57: {  	_ =	shalt  }
0x58: {  	_ =	shalt  }
0x59: {  	_ =	shalt  }
0x5a: {  	_ =	shalt  }
0x5b: {  	_ =	shalt  }
0x5c: {  	_ =	shalt  }
0x5d: {  	_ =	shalt  }
0x5e: {  	_ =	shalt  }
0x5f: {  	_ =	shalt  }
0x60: {  	_ =	shalt  }
0x61: {  	_ =	shalt  }
0x62: {  	_ =	shalt  }
0x63: {  	_ =	shalt  }
0x64: {  	_ =	shalt  }
0x65: {  	_ =	shalt  }
0x66: {  	_ =	shalt  }
0x67: {  	_ =	shalt  }
0x68: {  	_ =	shalt  }
0x69: {  	_ =	shalt  }
0x6a: {  	_ =	shalt  }
0x6b: {  	_ =	shalt  }
0x6c: {  	_ =	shalt  }
0x6d: {  	_ =	shalt  }
0x6e: {  	_ =	shalt  }
0x6f: {  	_ =	shalt  }
0x70: {  	_ =	shalt  }
0x71: {  	_ =	shalt  }
0x72: {  	_ =	shalt  }
0x73: {  	_ =	shalt  }
0x74: {  	_ =	shalt  }
0x75: {  	_ =	shalt  }
0x76: {  	_ =	shalt  }
0x77: {  	_ =	shalt  }
0x78: {  	_ =	shalt  }
0x79: {  	_ =	shalt  }
0x7a: {  	_ =	shalt  }
0x7b: {  	_ =	shalt  }
0x7c: {  	_ =	shalt  }
0x7d: {  	_ =	shalt  }
0x7e: {  	_ =	shalt  }
0x7f: {  	_ =	shalt  }
0x80: {  	_ =	shalt  }
0x81: {  	_ =	shalt  }
0x82: {  	_ =	shalt  }
0x83: {  	_ =	shalt  }
0x84: {  	_ =	shalt  }
0x85: {  	_ =	shalt  }
0x86: {  	_ =	shalt  }
0x87: {  	_ =	shalt  }
.Lfunc_end0:
.L_simem_size_0:
called_computation_lowered:
.L_overlay_start_0:
0x88: {  	s2 =	sld [smem:$0x3FD9]  }
0x89: {  	s3 =	sld [smem:$0x3FFE];
	_ =	sdelay $0x1  }
0x8a: {  	s1 =	srdreg.scid  }
0x8b: {  	s0 =	sand.u32 $0x1, s1  }
0x8c: {  	s17 =	sshll.u32 s0, $0xA;
	s2 =	sadd.s32 s3, s2  }
0x8d: {  	s2 =	sadd.s32 s2, s17  }
0x8e: {  	[smem:$0x3FC3] =	sst s2  }
0x8f: {  	_ = 	snop  }
0x90: {  	s2 =	sld [smem:$0x3FD0];
	(tm) =	ssettm $0x1  }
0x91: {  	s18 =	sld [smem:$0x3FFB];
	_ =	sdelay $0x3  }
0x92: {  	_ =	strace s18  }
0x93: {  	s3 =	sld [smem:$0x3FFC];
	_ =	sdelay $0x3  }
0x94: {  	_ =	strace s3  }
0x95: {  	s3 =	sld [smem:$0x3FFD];
	_ =	sdelay $0x3  }
0x96: {  	_ =	strace s3  }
0x97: {  	_ =	strace $0x8FFFFFFF  }
0x98: {  	s19 =	sld [smem:$0x3FDB];
	_ =	sdelay $0x1  }
0x99: {  	s4 =	simm.s32 $_scs_section_size  }
0x9a: {  	s5 =	simm.s32 $_size__tile_overlayer_lowered;
	s6 =	simm.s32 $_tile_overlayer_lowered  }
0x9b: {  	s22 =	simm.s32 $0x1BFF;
	s21 =	sshll.u32 s6, $0x1;
	s3 =	sadd.s32 s4, s19  }
0x9c: {  	s7 =	simm.s32 $0x0;
	s20 =	sshll.u32 s5, $0x1;
	s5 =	sadd.s32 s21, s3  }
0x9d: {  	[timem:s7], [sflag:s22] =	dma.local [hbm:s5], s20  }
0x9e: {  	_ =	swait.ge [sflag:s22], s20  }
0x9f: {  	s4 =	ssub.s32 $0x0, s20;
	[sflag:s22] =	ssyncset.done $0x0  }
0xa0: {  	[sflag:s22] =	ssyncadd.s32 s4;
	_ =	sdelay $0x1  }
0xa1: {  	s23 =	simm.s32 $0x1B8B  }
0xa2: {  	_ =	swait.ge [sflag:s23], $0x1  }
0xa3: {  	[sflag:s23] =	ssyncset.done $0x0  }
0xa4: {  	s25 =	simm.s32 $0x1B8E;
	s24 =	sld [smem:$0x3FFE];
	[sflag:s23] =	ssyncadd.s32 $0xFFFFFFFF  }
0xa5: {  	s26 =	simm.s32 $execute0_lowered;
	[smem:$0x3FD2] =	sst s25  }
0xa6: {  	s5 =	sshll.u32 s26, $0x1;
	_ =	strace $0x80000046;
	[dreg:$0x1] =	wrdreg $0xFFFFFFFF  }
0xa7: {  	s28 =	simm.s32 $_size_execute0_lowered;
	s3 =	sadd.s32 s3, s5;
	[dreg:$0x0] =	wrdreg $0x0  }
0xa8: {  	s5 =	sshll.u32 s28, $0x1;
	[dreg:$0x2] =	wrdreg s3  }
0xa9: {  	[dreg:$0x3] =	wrdreg s5  }
0xaa: {  	[dreg:$0x4] =	wrdreg $0xC0  }
0xab: {  	_ =	task [dreg:s7], $0x5FFFF  }
0xac: {  	[dreg:$0x1] =	wrdreg $0xFFFFFFFF  }
0xad: {  	[dreg:$0x0] =	wrdreg $0x60  }
0xae: {  	[dreg:$0x2] =	wrdreg s24  }
0xaf: {  	[dreg:$0x3] =	wrdreg s2  }
0xb0: {  	[dreg:$0x4] =	wrdreg $0x9  }
0xb1: {  	_ =	task.clear_ibuf [dreg:s7], $0x5FFFF;
	_ =	strace $0x90000046  }
0xb2: {  	s29 =	simm.s32 $0x9;
	_ =	strace $0x80000048  }
0xb3: {  	_ =	swait.ge [sflag:s29], $0x1  }
0xb4: {  	[sflag:s29] =	ssyncadd.s32 $0xFFFFFFFF  }
0xb5: {  	_ =	strace $0x90000048  }
0xb6: {  	_ =	sfence  }
0xb7: {  	s30 =	sld [smem:$0x0];
	_ =	sdelay $0x2  }
0xb8: {  	s31 =	sshll.u32 s1, $0xD;
	s1 =	sshrl.u32 s1, $0x2  }
0xb9: {  	s3 =	sand.u32 $0x4000, s31;
	s1 =	sadd.s32 s1, s30  }
0xba: {  	s0 =	sor.u32 s3, s0;
	s1 =	sshll.u32 s1, $0x11  }
0xbb: {  	s0 =	sor.u32 s1, s0  }
0xbc: {  	s0 =	sadd.s32 $0x8F2B, s0  }
0xbd: {  	[sflag:s0] =	ssyncadd.remote.s32 $0x1  }
0xbe: {  	_ =	sfence.sel $0xFFFF  }
0xbf: {  	[dreg:$0x0] =	wrdreg $0xFFFFFFFF;
	(pc) =	sbr.abs _section_cstart, $3  }
0xc0: {  	[dreg:$0x1] =	wrdreg $0xFFFFFFFF  }
0xc1: {  	_ =	task.clear_ibuf [dreg:s7], $0x2FFFF;
	_ =	strace $0x9FFFFFFF  }
0xc2: {  	(tm) =	ssettm $0x7FFFFFFF  }
0xc3: {  	_ =	shalt  }
tec
execute0_lowered:
.L_overlay_start_1:
0x0: {  	(tag) =	ssettag $0x1  }
0x1: {  	s3 =	rddreg [dreg:$0x0];
	s1 =	srdreg.scid  }
0x2: {  	s0 =	stileid.u32;
	s5 =	rddreg [dreg:$0x1]  }
0x3: {  	s2 =	simm.s32 $0x0;
	s9 =	simm.s32 $0x700;
	s10 =	simm.s32 $0x770  }
0x4: {  	s11 =	simm.s32 $0xE0;
	s12 =	simm.s32 $0x7E0;
	s13 =	simm.s32 $0x150  }
0x5: {  	s14 =	simm.s32 $0x850;
	s15 =	simm.s32 $0x1C0;
	s16 =	simm.s32 $0x8C0  }
0x6: {  	s17 =	simm.s32 $0x230;
	s18 =	simm.s32 $0x930;
	s19 =	simm.s32 $0x2A0  }
0x7: {  	s20 =	simm.s32 $0x9A0;
	s21 =	simm.s32 $0x310;
	s22 =	simm.s32 $0xA10  }
0x8: {  	s23 =	simm.s32 $0x1;
	s4 =	sand.u32 $0x1, s1;
	s6 =	sshll.u32 s0, $0x1  }
0x9: {  	s24 =	simm.s32 $0xB60;
	s25 =	simm.s32 $0x0;
	s6 =	sor.u32 s4, s6  }
0xa: {  	s1 =	rddreg [dreg:$0x2];
	s4 =	ssub.s32 $0x2, s4;
	s7 =	smul.u32 $0xE0, s6  }
0xb: {  	[smem:$0x7FF] =	sst s2;
	s8 =	sshrl.u32 s4, $0x1;
	s6 =	smul.u32 $0x24C0, s6  }
0xc: {  	_ =	strace $0x80000047;
	s8 =	ssub.s32 s4, s8;
	s7 =	sadd.s32 s7, s3  }
0xd: {  	s3 =	sadd.s32 $0xA00, s3;
	s5 =	sadd.s32 s5, s6;
	s6 =	smax.u32 s8, $0x1  }
0xe: {  	s8 =	simm.s32 $0x70;
	s4 =	sadd.s32 $0x3400, s7;
	s7 =	simm.s32 $0x2  }
.LBB2_1:
0xf: {  	[tilespmem:s2], [sflag:$0x2] =	stream.linear.gather [hbm4b:s4+s2], $0x700, $0x38;
	[tilespmem:$0x13160] =	vst v63  }
0x10: {  	_ =	swait.ge [sflag:s7], $0x700  }
0x11: {  	[sflag:s7] =	ssyncset.done $0x0  }
0x12: {  	[sflag:s7] =	ssyncadd.s32 $0xFFFFF900  }
0x13: {  	[tilespmem:s9], [sflag:$0x1] =	stream.indirect.gather [hbm4b:s3+s8], $0x1, s2, s8, $0xb8;
	[tilespmem:$0x13160] =	vst v63  }
0x14: {  	_ = 	snop  }
0x15: {  	[tilespmem:s10], [sflag:$0x1] =	stream.indirect.gather [hbm4b:s3+s8], $0x1, s8, s8, $0xb8;
	[tilespmem:$0x13160] =	vst v63  }
0x16: {  	_ = 	snop  }
0x17: {  	[tilespmem:s12], [sflag:$0x1] =	stream.indirect.gather [hbm4b:s3+s8], $0x1, s11, s8, $0xb8;
	[tilespmem:$0x13160] =	vst v63  }
0x18: {  	_ = 	snop  }
0x19: {  	[tilespmem:s14], [sflag:$0x1] =	stream.indirect.gather [hbm4b:s3+s8], $0x1, s13, s8, $0xb8;
	[tilespmem:$0x13160] =	vst v63  }
0x1a: {  	_ = 	snop  }
0x1b: {  	[tilespmem:s16], [sflag:$0x1] =	stream.indirect.gather [hbm4b:s3+s8], $0x1, s15, s8, $0xb8;
	[tilespmem:$0x13160] =	vst v63  }
0x1c: {  	_ = 	snop  }
0x1d: {  	[tilespmem:s18], [sflag:$0x1] =	stream.indirect.gather [hbm4b:s3+s8], $0x1, s17, s8, $0xb8;
	[tilespmem:$0x13160] =	vst v63  }
0x1e: {  	_ = 	snop  }
0x1f: {  	[tilespmem:s20], [sflag:$0x1] =	stream.indirect.gather [hbm4b:s3+s8], $0x1, s19, s8, $0xb8;
	[tilespmem:$0x13160] =	vst v63  }
0x20: {  	_ = 	snop  }
0x21: {  	[tilespmem:s22], [sflag:$0x1] =	stream.indirect.gather [hbm4b:s3+s8], $0x1, s21, s8, $0xb8;
	[tilespmem:$0x13160] =	vst v63  }
0x22: {  	_ =	swait.ge [sflag:s23], $0x70  }
0x23: {  	[sflag:s23] =	ssyncset.done $0x0  }
0x24: {  	[sflag:s23] =	ssyncadd.s32 $0xFFFFFF90  }
0x25: {  	_ =	swait.ge [sflag:s23], $0x70  }
0x26: {  	[sflag:s23] =	ssyncset.done $0x0  }
0x27: {  	[sflag:s23] =	ssyncadd.s32 $0xFFFFFF90  }
0x28: {  	_ =	swait.ge [sflag:s23], $0x70  }
0x29: {  	[sflag:s23] =	ssyncset.done $0x0  }
0x2a: {  	[sflag:s23] =	ssyncadd.s32 $0xFFFFFF90  }
0x2b: {  	_ =	swait.ge [sflag:s23], $0x70  }
0x2c: {  	[sflag:s23] =	ssyncset.done $0x0  }
0x2d: {  	[sflag:s23] =	ssyncadd.s32 $0xFFFFFF90  }
0x2e: {  	_ =	swait.ge [sflag:s23], $0x70  }
0x2f: {  	[sflag:s23] =	ssyncset.done $0x0  }
0x30: {  	[sflag:s23] =	ssyncadd.s32 $0xFFFFFF90  }
0x31: {  	_ =	swait.ge [sflag:s23], $0x70  }
0x32: {  	[sflag:s23] =	ssyncset.done $0x0  }
0x33: {  	[sflag:s23] =	ssyncadd.s32 $0xFFFFFF90  }
0x34: {  	_ =	swait.ge [sflag:s23], $0x70  }
0x35: {  	[sflag:s23] =	ssyncset.done $0x0  }
0x36: {  	[sflag:s23] =	ssyncadd.s32 $0xFFFFFF90  }
0x37: {  	_ =	swait.ge [sflag:s23], $0x70  }
0x38: {  	[sflag:s23] =	ssyncset.done $0x0  }
0x39: {  	[sflag:s23] =	ssyncadd.s32 $0xFFFFFF90  }
0x3a: {  	v0 =	vld [tilespmem:$0x700]  }
0x3b: {  	v1 =	vld [tilespmem:$0x7E0];
	_ =	sdelay $0x1  }
0x3c: {  	v2 =	vld [tilespmem:$0x380]  }
0x3d: {  	v3 =	vld [tilespmem:$0x8C0]  }
0x3e: {  	v4 =	vld [tilespmem:$0x460];
	v0 =	vtrunc.f32 v0  }
0x3f: {  	v5 =	vld [tilespmem:$0x9A0];
	v1 =	vtrunc.f32 v1;
	v0 =	vcvt.f32.s32 v0  }
0x40: {  	v1 =	vcvt.f32.s32 v1  }
0x41: {  	v0 =	vcvt.s32.f32 v0  }
0x42: {  	v6 =	vld [tilespmem:$0x540];
	v3 =	vtrunc.f32 v3;
	v1 =	vcvt.s32.f32 v1  }
0x43: {  	v0 =	vmul.f32 v0, v2;
	v2 =	vcvt.f32.s32 v3  }
0x44: {  	v25 =	vld [tilespmem:$0x620];
	v1 =	vmul.f32 v1, v4;
	v3 =	vtrunc.f32 v5  }
0x45: {  	v3 =	vcvt.f32.s32 v3;
	v2 =	vcvt.s32.f32 v2;
	_ =	sdelay $0x1  }
0x46: {  	v0 =	vadd.f32 v1, v0;
	v1 =	vmul.f32 v2, v6;
	v2 =	vcvt.s32.f32 v3;
	_ =	sdelay $0x1  }
0x47: {  	v0 =	vadd.f32 v1, v0;
	v1 =	vmul.f32 v2, v25;
	_ =	sdelay $0x1  }
0x48: {  	v0 =	vadd.f32 v1, v0;
	_ =	sdelay $0x1  }
0x49: {  	[tilespmem:$0xA80] =	vst v0;
	v0 =	vld [tilespmem:$0x710]  }
0x4a: {  	v1 =	vld [tilespmem:$0x390]  }
0x4b: {  	v2 =	vld [tilespmem:$0x7F0]  }
0x4c: {  	v3 =	vld [tilespmem:$0x8D0]  }
0x4d: {  	v28 =	vld [tilespmem:$0x720]  }
0x4e: {  	v7 =	vld [tilespmem:$0x800]  }
0x4f: {  	v30 =	vld [tilespmem:$0x8E0]  }
0x50: {  	v11 =	vld [tilespmem:$0x730]  }
0x51: {  	v12 =	vld [tilespmem:$0x810]  }
0x52: {  	v38 =	vld [tilespmem:$0x9D0]  }
0x53: {  	v15 =	vld [tilespmem:$0x740]  }
0x54: {  	v16 =	vld [tilespmem:$0x820]  }
0x55: {  	v46 =	vld [tilespmem:$0x9E0]  }
0x56: {  	v19 =	vld [tilespmem:$0x750];
	v0 =	vtrunc.f32 v0  }
0x57: {  	v20 =	vld [tilespmem:$0x830];
	v0 =	vcvt.f32.s32 v0;
	v2 =	vtrunc.f32 v2  }
0x58: {  	v54 =	vld [tilespmem:$0x9F0];
	v3 =	vtrunc.f32 v3;
	v6 =	vtrunc.f32 v28  }
0x59: {  	v23 =	vld [tilespmem:$0x760];
	v7 =	vtrunc.f32 v7;
	v5 =	vtrunc.f32 v30  }
0x5a: {  	v24 =	vld [tilespmem:$0x840];
	v35 =	vtrunc.f32 v11;
	v12 =	vtrunc.f32 v12  }
0x5b: {  	v41 =	vtrunc.f32 v38;
	v43 =	vtrunc.f32 v15  }
0x5c: {  	v16 =	vtrunc.f32 v16;
	v49 =	vtrunc.f32 v46  }
0x5d: {  	v51 =	vtrunc.f32 v19;
	v20 =	vtrunc.f32 v20  }
0x5e: {  	v57 =	vtrunc.f32 v54;
	v59 =	vtrunc.f32 v23  }
0x5f: {  	v24 =	vtrunc.f32 v24;
	v2 =	vcvt.f32.s32 v2  }
0x60: {  	v3 =	vcvt.f32.s32 v3;
	v6 =	vcvt.f32.s32 v6  }
0x61: {  	v7 =	vcvt.f32.s32 v7;
	v13 =	vcvt.f32.s32 v5  }
0x62: {  	v42 =	vld [tilespmem:$0x900];
	v12 =	vcvt.f32.s32 v12;
	v16 =	vcvt.f32.s32 v16  }
0x63: {  	v26 =	vld [tilespmem:$0x470];
	v20 =	vcvt.f32.s32 v20;
	v24 =	vcvt.f32.s32 v24  }
0x64: {  	v27 =	vld [tilespmem:$0x9B0];
	v0 =	vcvt.s32.f32 v0;
	v2 =	vcvt.s32.f32 v2  }
0x65: {  	v8 =	vld [tilespmem:$0x550];
	v6 =	vcvt.s32.f32 v6;
	v7 =	vcvt.s32.f32 v7  }
0x66: {  	v10 =	vld [tilespmem:$0x480];
	v33 =	vcvt.s32.f32 v13;
	v12 =	vcvt.s32.f32 v12  }
0x67: {  	v45 =	vld [tilespmem:$0x4A0];
	v16 =	vcvt.s32.f32 v16;
	v13 =	vtrunc.f32 v42  }
0x68: {  	v28 =	vld [tilespmem:$0x850];
	v20 =	vcvt.s32.f32 v20;
	v24 =	vcvt.s32.f32 v24  }
0x69: {  	v29 =	vld [tilespmem:$0x630];
	v0 =	vmul.f32 v0, v1;
	v21 =	vcvt.f32.s32 v13  }
0x6a: {  	v58 =	vld [tilespmem:$0x920];
	v1 =	vmul.f32 v2, v26;
	v2 =	vcvt.s32.f32 v3  }
0x6b: {  	v31 =	vld [tilespmem:$0x9C0];
	v3 =	vtrunc.f32 v27;
	v5 =	vmul.f32 v7, v10  }
0x6c: {  	v9 =	vld [tilespmem:$0x3A0];
	v10 =	vcvt.f32.s32 v35;
	v13 =	vmul.f32 v16, v45  }
0x6d: {  	v14 =	vld [tilespmem:$0x560];
	v16 =	vcvt.f32.s32 v49;
	v28 =	vtrunc.f32 v28  }
0x6e: {  	v42 =	vld [tilespmem:$0xA10];
	v3 =	vcvt.f32.s32 v3;
	v48 =	vcvt.s32.f32 v21  }
0x6f: {  	v47 =	vld [tilespmem:$0x660];
	v21 =	vtrunc.f32 v58;
	v28 =	vcvt.f32.s32 v28  }
0x70: {  	v32 =	vld [tilespmem:$0x640];
	v2 =	vmul.f32 v2, v8;
	v8 =	vtrunc.f32 v31  }
0x71: {  	v34 =	vld [tilespmem:$0x8F0];
	v10 =	vcvt.s32.f32 v10;
	v16 =	vcvt.s32.f32 v16  }
0x72: {  	v61 =	vld [tilespmem:$0x4C0];
	v3 =	vcvt.s32.f32 v3;
	v8 =	vcvt.f32.s32 v8  }
0x73: {  	v35 =	vld [tilespmem:$0x790];
	v28 =	vcvt.s32.f32 v28;
	v46 =	vtrunc.f32 v42  }
0x74: {  	v37 =	vld [tilespmem:$0x490];
	v15 =	vmul.f32 v16, v47;
	v4 =	vmul.f32 v3, v29  }
0x75: {  	v62 =	vld [tilespmem:$0xA00];
	v3 =	vmul.f32 v6, v9;
	v6 =	vmul.f32 v33, v14  }
0x76: {  	v36 =	vld [tilespmem:$0x3B0];
	v8 =	vcvt.s32.f32 v8;
	v9 =	vtrunc.f32 v34  }
0x77: {  	v18 =	vld [tilespmem:$0x570];
	v14 =	vcvt.f32.s32 v43;
	v29 =	vcvt.f32.s32 v21  }
0x78: {  	v39 =	vld [tilespmem:$0x650];
	v21 =	vmul.f32 v24, v61;
	v35 =	vtrunc.f32 v35  }
0x79: {  	v31 =	vld [tilespmem:$0x780];
	v17 =	vcvt.f32.s32 v9;
	v9 =	vmul.f32 v12, v37  }
0x7a: {  	v44 =	vld [tilespmem:$0x3C0];
	v12 =	vcvt.f32.s32 v41;
	v37 =	vtrunc.f32 v62  }
0x7b: {  	v50 =	vld [tilespmem:$0x910];
	v35 =	vcvt.f32.s32 v35;
	v7 =	vmul.f32 v8, v32  }
0x7c: {  	v22 =	vld [tilespmem:$0x580];
	v8 =	vmul.f32 v10, v36;
	v14 =	vcvt.s32.f32 v14  }
0x7d: {  	v52 =	vld [tilespmem:$0x3D0];
	v36 =	vcvt.s32.f32 v29;
	v24 =	vcvt.f32.s32 v37  }
0x7e: {  	v53 =	vld [tilespmem:$0x4B0];
	v29 =	vcvt.f32.s32 v46;
	v31 =	vtrunc.f32 v31  }
0x7f: {  	v55 =	vld [tilespmem:$0x670];
	v40 =	vcvt.s32.f32 v17;
	v12 =	vcvt.s32.f32 v12  }
0x80: {  	v60 =	vld [tilespmem:$0x3E0];
	v17 =	vtrunc.f32 v50;
	v31 =	vcvt.f32.s32 v31  }
0x81: {  	v63 =	vld [tilespmem:$0x680];
	v35 =	vcvt.s32.f32 v35;
	v11 =	vmul.f32 v14, v44  }
0x82: {  	v27 =	vld [tilespmem:$0x770];
	v14 =	vmul.f32 v48, v22;
	v25 =	vcvt.f32.s32 v17  }
0x83: {  	v38 =	vld [tilespmem:$0x930];
	v17 =	vmul.f32 v20, v53;
	v20 =	vcvt.f32.s32 v57  }
0x84: {  	v45 =	vld [tilespmem:$0x690];
	v22 =	vcvt.f32.s32 v59;
	v24 =	vcvt.s32.f32 v24  }
0x85: {  	v41 =	vld [tilespmem:$0x4D0];
	v29 =	vcvt.s32.f32 v29;
	v10 =	vmul.f32 v40, v18  }
0x86: {  	v33 =	vld [tilespmem:$0x400];
	v12 =	vmul.f32 v12, v39;
	v18 =	vcvt.f32.s32 v51  }
0x87: {  	v32 =	vld [tilespmem:$0x860];
	v39 =	vtrunc.f32 v27;
	v31 =	vcvt.s32.f32 v31  }
0x88: {  	v37 =	vld [tilespmem:$0x410];
	v56 =	vcvt.s32.f32 v25;
	v20 =	vcvt.s32.f32 v20  }
0x89: {  	v30 =	vld [tilespmem:$0x5A0];
	v22 =	vcvt.s32.f32 v22;
	v25 =	vtrunc.f32 v38  }
0x8a: {  	v49 =	vld [tilespmem:$0xA20];
	v23 =	vmul.f32 v24, v63;
	v27 =	vmul.f32 v28, v41  }
0x8b: {  	v47 =	vld [tilespmem:$0x940];
	v28 =	vmul.f32 v29, v45;
	v18 =	vcvt.s32.f32 v18  }
0x8c: {  	v26 =	vld [tilespmem:$0x590];
	v43 =	vcvt.f32.s32 v25;
	v32 =	vtrunc.f32 v32  }
0x8d: {  	v58 =	vld [tilespmem:$0x6B0];
	v0 =	vadd.f32 v1, v0;
	v31 =	vmul.f32 v31, v33;
	v1 =	vmul.f32 v35, v37  }
0x8e: {  	v34 =	vld [tilespmem:$0x4E0];
	v20 =	vmul.f32 v20, v55;
	v19 =	vmul.f32 v22, v60  }
0x8f: {  	v59 =	vld [tilespmem:$0x960];
	v22 =	vmul.f32 v36, v30;
	v48 =	vcvt.f32.s32 v32  }
0x90: {  	v44 =	vld [tilespmem:$0x5B0];
	v30 =	vtrunc.f32 v47;
	v32 =	vtrunc.f32 v49  }
0x91: {  	v53 =	vld [tilespmem:$0x950];
	v16 =	vmul.f32 v18, v52;
	v18 =	vmul.f32 v56, v26  }
0x92: {  	v40 =	vld [tilespmem:$0x3F0];
	v26 =	vcvt.f32.s32 v39;
	v24 =	vcvt.s32.f32 v43  }
0x93: {  	v51 =	vld [tilespmem:$0x5C0];
	v50 =	vcvt.f32.s32 v30;
	v32 =	vcvt.f32.s32 v32  }
0x94: {  	v36 =	vld [tilespmem:$0x870];
	v25 =	vcvt.s32.f32 v48;
	v48 =	vtrunc.f32 v59  }
0x95: {  	v55 =	vld [tilespmem:$0xA30];
	v26 =	vcvt.s32.f32 v26;
	v24 =	vmul.f32 v24, v44  }
0x96: {  	v52 =	vld [tilespmem:$0x6A0];
	v29 =	vcvt.s32.f32 v50;
	v32 =	vcvt.s32.f32 v32  }
0x97: {  	v39 =	vld [tilespmem:$0x7A0];
	v50 =	vcvt.f32.s32 v48;
	v25 =	vmul.f32 v25, v34  }
0x98: {  	v3 =	vadd.f32 v5, v3;
	v46 =	vld [tilespmem:$0x7B0];
	v34 =	vtrunc.f32 v53;
	v26 =	vmul.f32 v26, v40  }
0x99: {  	v61 =	vld [tilespmem:$0x420];
	v8 =	vadd.f32 v9, v8;
	v36 =	vtrunc.f32 v36;
	v29 =	vmul.f32 v29, v51  }
0x9a: {  	v3 =	vadd.f32 v6, v3;
	v59 =	vld [tilespmem:$0xA50];
	v56 =	vcvt.f32.s32 v34;
	v6 =	vcvt.s32.f32 v50  }
0x9b: {  	v44 =	vld [tilespmem:$0xA40];
	v54 =	vcvt.f32.s32 v36;
	v32 =	vmul.f32 v32, v52  }
0x9c: {  	v57 =	vld [tilespmem:$0x5D0];
	v8 =	vadd.f32 v10, v8;
	v36 =	vtrunc.f32 v55;
	v60 =	vtrunc.f32 v39  }
0x9d: {  	v0 =	vadd.f32 v2, v0;
	v38 =	vld [tilespmem:$0x4F0];
	v55 =	vtrunc.f32 v46;
	v33 =	vcvt.s32.f32 v56  }
0x9e: {  	v49 =	vld [tilespmem:$0x890];
	v8 =	vadd.f32 v12, v8;
	v2 =	vcvt.f32.s32 v36;
	v36 =	vcvt.f32.s32 v60  }
0x9f: {  	v16 =	vadd.f32 v17, v16;
	v40 =	vld [tilespmem:$0x880];
	v12 =	vcvt.f32.s32 v55;
	v17 =	vtrunc.f32 v59  }
0xa0: {  	v51 =	vld [tilespmem:$0x5E0];
	v30 =	vcvt.s32.f32 v54;
	v53 =	vtrunc.f32 v44  }
0xa1: {  	v0 =	vadd.f32 v4, v0;
	v63 =	vld [tilespmem:$0x500];
	v17 =	vcvt.f32.s32 v17;
	v4 =	vmul.f32 v33, v57  }
0xa2: {  	v37 =	vld [tilespmem:$0x6D0];
	v2 =	vcvt.s32.f32 v2;
	v45 =	vcvt.s32.f32 v36  }
0xa3: {  	v3 =	vadd.f32 v7, v3;
	v46 =	vld [tilespmem:$0xA60];
	v7 =	vcvt.f32.s32 v53;
	v57 =	vtrunc.f32 v49  }
0xa4: {  	v56 =	vld [tilespmem:$0x430];
	v12 =	vcvt.s32.f32 v12;
	v30 =	vmul.f32 v30, v38  }
0xa5: {  	v60 =	vld [tilespmem:$0x7C0];
	v62 =	vtrunc.f32 v40;
	v6 =	vmul.f32 v6, v51  }
0xa6: {  	v11 =	vadd.f32 v13, v11;
	v52 =	vld [tilespmem:$0x6C0];
	v13 =	vcvt.f32.s32 v57;
	v17 =	vcvt.s32.f32 v17  }
0xa7: {  	v39 =	vadd.f32 v27, v26;
	v54 =	vld [tilespmem:$0x970];
	v43 =	vcvt.f32.s32 v62;
	v2 =	vmul.f32 v2, v58  }
0xa8: {  	v19 =	vadd.f32 v21, v19;
	v44 =	vld [tilespmem:$0x7D0];
	v5 =	vmul.f32 v45, v61;
	v7 =	vcvt.s32.f32 v7  }
0xa9: {  	v21 =	vadd.f32 v24, v39;
	v49 =	vld [tilespmem:$0x990];
	v24 =	vtrunc.f32 v46;
	v13 =	vcvt.s32.f32 v13  }
0xaa: {  	v11 =	vadd.f32 v14, v11;
	v53 =	vld [tilespmem:$0xA70];
	v12 =	vmul.f32 v12, v56;
	v14 =	vtrunc.f32 v60  }
0xab: {  	v38 =	vld [tilespmem:$0x980];
	v17 =	vmul.f32 v17, v37;
	v47 =	vcvt.s32.f32 v43  }
0xac: {  	v58 =	vld [tilespmem:$0x510];
	v61 =	vtrunc.f32 v54;
	v7 =	vmul.f32 v7, v52  }
0xad: {  	v19 =	vadd.f32 v22, v19;
	v62 =	vld [tilespmem:$0x8A0];
	v14 =	vcvt.f32.s32 v14;
	v22 =	vtrunc.f32 v44  }
0xae: {  	v16 =	vadd.f32 v18, v16;
	v45 =	vld [tilespmem:$0x8B0];
	v51 =	vcvt.f32.s32 v22;
	v55 =	vtrunc.f32 v49  }
0xaf: {  	v1 =	vadd.f32 v30, v1;
	v59 =	vtrunc.f32 v53;
	v9 =	vmul.f32 v47, v63  }
0xb0: {  	v16 =	vadd.f32 v20, v16;
	v40 =	vld [tilespmem:$0x440];
	v63 =	vcvt.f32.s32 v61;
	v14 =	vcvt.s32.f32 v14  }
0xb1: {  	v1 =	vadd.f32 v4, v1;
	v20 =	vtrunc.f32 v38;
	v13 =	vmul.f32 v13, v58  }
0xb2: {  	v48 =	vld [tilespmem:$0x450];
	v25 =	vadd.f32 v25, v31;
	v41 =	vtrunc.f32 v62;
	v47 =	vcvt.f32.s32 v20  }
0xb3: {  	[tilespmem:$0xA90] =	vst v0;
	v52 =	vtrunc.f32 v45;
	v0 =	vadd.f32 v2, v1;
	v2 =	vcvt.f32.s32 v24  }
0xb4: {  	v11 =	vadd.f32 v15, v11;
	v34 =	vld [tilespmem:$0x5F0];
	v4 =	vcvt.s32.f32 v51;
	v10 =	vcvt.s32.f32 v63  }
0xb5: {  	v42 =	vld [tilespmem:$0x520];
	v25 =	vadd.f32 v29, v25;
	v43 =	vcvt.f32.s32 v41;
	v14 =	vmul.f32 v14, v40  }
0xb6: {  	[tilespmem:$0xAA0] =	vst v3;
	v50 =	vld [tilespmem:$0x530];
	v22 =	vcvt.f32.s32 v52;
	v3 =	vadd.f32 v9, v5;
	v9 =	vcvt.f32.s32 v55  }
0xb7: {  	v19 =	vadd.f32 v23, v19;
	v1 =	vld [tilespmem:$0x600];
	v18 =	vcvt.s32.f32 v47;
	v4 =	vmul.f32 v4, v48  }
0xb8: {  	v25 =	vadd.f32 v32, v25;
	v56 =	vld [tilespmem:$0x610];
	v2 =	vcvt.s32.f32 v2;
	v15 =	vcvt.s32.f32 v43  }
0xb9: {  	[tilespmem:$0xAB0] =	vst v8;
	v21 =	vadd.f32 v28, v21;
	v58 =	vld [tilespmem:$0x6E0];
	v10 =	vmul.f32 v10, v34;
	v54 =	vcvt.s32.f32 v22  }
0xba: {  	[tilespmem:$0xAC0] =	vst v11;
	v60 =	vld [tilespmem:$0x6F0];
	v57 =	vadd.f32 v13, v12;
	v9 =	vcvt.s32.f32 v9;
	v15 =	vmul.f32 v15, v42  }
0xbb: {  	[tilespmem:$0xAE0] =	vst v19;
	v3 =	vadd.f32 v6, v3;
	v6 =	vcvt.f32.s32 v59;
	v5 =	vmul.f32 v54, v50  }
0xbc: {  	[tilespmem:$0xAD0] =	vst v16;
	v8 =	vadd.f32 v10, v57;
	v1 =	vmul.f32 v18, v1;
	v61 =	vadd.f32 v15, v14  }
0xbd: {  	[tilespmem:$0xB00] =	vst v25;
	v62 =	vmul.f32 v9, v56;
	v6 =	vcvt.s32.f32 v6;
	v4 =	vadd.f32 v5, v4  }
0xbe: {  	[tilespmem:$0xAF0] =	vst v21;
	v3 =	vadd.f32 v7, v3;
	v2 =	vmul.f32 v2, v58;
	v1 =	vadd.f32 v1, v61  }
0xbf: {  	[tilespmem:$0xB10] =	vst v0;
	v0 =	vadd.f32 v17, v8;
	v63 =	vmul.f32 v6, v60;
	v4 =	vadd.f32 v62, v4  }
0xc0: {  	[tilespmem:$0xB20] =	vst v3;
	v1 =	vadd.f32 v2, v1  }
0xc1: {  	[tilespmem:$0xB30] =	vst v0;
	v0 =	vadd.f32 v63, v4  }
0xc2: {  	s26 =	simm.s32 $0x0;
	[tilespmem:$0xB40] =	vst v1  }
0xc3: {  	s26 =	sand.u32 $0x3FFFFFF0, s26;
	[tilespmem:$0xB50] =	vst v0  }
0xc4: {  	v0 =	vld [tilespmem:s26+$0xA80];
	_ =	sdelay $0x3  }
0xc5: {  	s31 =	smul.u32 $0x6000, s2  }
0xc6: {  	v1 =	vbroadcast v0, $0x0  }
0xc7: {  	s26 =	sshra.s32 s31, $0x2  }
0xc8: {  	[tilespmem:s26+$0xB60] =	vst v1  }
0xc9: {  	[tilespmem:s26+$0xB70] =	vst v1  }
0xca: {  	[tilespmem:s26+$0xB80] =	vst v1  }
0xcb: {  	[tilespmem:s26+$0xB90] =	vst v1  }
0xcc: {  	[tilespmem:s26+$0xBA0] =	vst v1  }
0xcd: {  	[tilespmem:s26+$0xBB0] =	vst v1  }
0xce: {  	[tilespmem:s26+$0xBC0] =	vst v1  }
0xcf: {  	[tilespmem:s26+$0xBD0] =	vst v1  }
0xd0: {  	[tilespmem:s26+$0xBE0] =	vst v1  }
0xd1: {  	[tilespmem:s26+$0xBF0] =	vst v1  }
0xd2: {  	[tilespmem:s26+$0xC00] =	vst v1  }
0xd3: {  	[tilespmem:s26+$0xC10] =	vst v1  }
0xd4: {  	[tilespmem:s26+$0xC20] =	vst v1  }
0xd5: {  	[tilespmem:s26+$0xC30] =	vst v1  }
0xd6: {  	[tilespmem:s26+$0xC40] =	vst v1  }
0xd7: {  	[tilespmem:s26+$0xC50] =	vst v1  }
0xd8: {  	[tilespmem:s26+$0xC60] =	vst v1  }
0xd9: {  	[tilespmem:s26+$0xC70] =	vst v1  }
0xda: {  	[tilespmem:s26+$0xC80] =	vst v1  }
0xdb: {  	[tilespmem:s26+$0xC90] =	vst v1  }
0xdc: {  	[tilespmem:s26+$0xCA0] =	vst v1  }
0xdd: {  	[tilespmem:s26+$0xCB0] =	vst v1  }
0xde: {  	v2 =	vbroadcast v0, $0x1;
	[tilespmem:s26+$0xCC0] =	vst v1  }
0xdf: {  	[tilespmem:s26+$0xCD0] =	vst v1  }
0xe0: {  	[tilespmem:s26+$0xCE0] =	vst v2  }
0xe1: {  	[tilespmem:s26+$0xCF0] =	vst v2  }
0xe2: {  	[tilespmem:s26+$0xD00] =	vst v2  }
0xe3: {  	[tilespmem:s26+$0xD10] =	vst v2  }
0xe4: {  	[tilespmem:s26+$0xD20] =	vst v2  }
0xe5: {  	[tilespmem:s26+$0xD30] =	vst v2  }
0xe6: {  	[tilespmem:s26+$0xD40] =	vst v2  }
0xe7: {  	[tilespmem:s26+$0xD50] =	vst v2  }
0xe8: {  	[tilespmem:s26+$0xD60] =	vst v2  }
0xe9: {  	[tilespmem:s26+$0xD70] =	vst v2  }
0xea: {  	[tilespmem:s26+$0xD80] =	vst v2  }
0xeb: {  	[tilespmem:s26+$0xD90] =	vst v2  }
0xec: {  	[tilespmem:s26+$0xDA0] =	vst v2  }
0xed: {  	[tilespmem:s26+$0xDB0] =	vst v2  }
0xee: {  	[tilespmem:s26+$0xDC0] =	vst v2  }
0xef: {  	[tilespmem:s26+$0xDD0] =	vst v2  }
0xf0: {  	[tilespmem:s26+$0xDE0] =	vst v2  }
0xf1: {  	[tilespmem:s26+$0xDF0] =	vst v2  }
0xf2: {  	[tilespmem:s26+$0xE00] =	vst v2  }
0xf3: {  	[tilespmem:s26+$0xE10] =	vst v2  }
0xf4: {  	[tilespmem:s26+$0xE20] =	vst v2  }
0xf5: {  	[tilespmem:s26+$0xE30] =	vst v2  }
0xf6: {  	v1 =	vbroadcast v0, $0x2;
	[tilespmem:s26+$0xE40] =	vst v2  }
0xf7: {  	[tilespmem:s26+$0xE50] =	vst v2  }
0xf8: {  	[tilespmem:s26+$0xE60] =	vst v1  }
0xf9: {  	[tilespmem:s26+$0xE70] =	vst v1  }
0xfa: {  	[tilespmem:s26+$0xE80] =	vst v1  }
0xfb: {  	[tilespmem:s26+$0xE90] =	vst v1  }
0xfc: {  	[tilespmem:s26+$0xEA0] =	vst v1  }
0xfd: {  	[tilespmem:s26+$0xEB0] =	vst v1  }
0xfe: {  	[tilespmem:s26+$0xEC0] =	vst v1  }
0xff: {  	[tilespmem:s26+$0xED0] =	vst v1  }
0x100: {  	[tilespmem:s26+$0xEE0] =	vst v1  }
0x101: {  	[tilespmem:s26+$0xEF0] =	vst v1  }
0x102: {  	[tilespmem:s26+$0xF00] =	vst v1  }
0x103: {  	[tilespmem:s26+$0xF10] =	vst v1  }
0x104: {  	[tilespmem:s26+$0xF20] =	vst v1  }
0x105: {  	[tilespmem:s26+$0xF30] =	vst v1  }
0x106: {  	[tilespmem:s26+$0xF40] =	vst v1  }
0x107: {  	[tilespmem:s26+$0xF50] =	vst v1  }
0x108: {  	[tilespmem:s26+$0xF60] =	vst v1  }
0x109: {  	[tilespmem:s26+$0xF70] =	vst v1  }
0x10a: {  	[tilespmem:s26+$0xF80] =	vst v1  }
0x10b: {  	[tilespmem:s26+$0xF90] =	vst v1  }
0x10c: {  	[tilespmem:s26+$0xFA0] =	vst v1  }
0x10d: {  	[tilespmem:s26+$0xFB0] =	vst v1  }
0x10e: {  	v2 =	vbroadcast v0, $0x3;
	[tilespmem:s26+$0xFC0] =	vst v1  }
0x10f: {  	[tilespmem:s26+$0xFD0] =	vst v1  }
0x110: {  	[tilespmem:s26+$0xFE0] =	vst v2  }
0x111: {  	[tilespmem:s26+$0xFF0] =	vst v2  }
0x112: {  	[tilespmem:s26+$0x1000] =	vst v2  }
0x113: {  	[tilespmem:s26+$0x1010] =	vst v2  }
0x114: {  	[tilespmem:s26+$0x1020] =	vst v2  }
0x115: {  	[tilespmem:s26+$0x1030] =	vst v2  }
0x116: {  	[tilespmem:s26+$0x1040] =	vst v2  }
0x117: {  	[tilespmem:s26+$0x1050] =	vst v2  }
0x118: {  	[tilespmem:s26+$0x1060] =	vst v2  }
0x119: {  	[tilespmem:s26+$0x1070] =	vst v2  }
0x11a: {  	[tilespmem:s26+$0x1080] =	vst v2  }
0x11b: {  	[tilespmem:s26+$0x1090] =	vst v2  }
0x11c: {  	[tilespmem:s26+$0x10A0] =	vst v2  }
0x11d: {  	[tilespmem:s26+$0x10B0] =	vst v2  }
0x11e: {  	[tilespmem:s26+$0x10C0] =	vst v2  }
0x11f: {  	[tilespmem:s26+$0x10D0] =	vst v2  }
0x120: {  	[tilespmem:s26+$0x10E0] =	vst v2  }
0x121: {  	[tilespmem:s26+$0x10F0] =	vst v2  }
0x122: {  	[tilespmem:s26+$0x1100] =	vst v2  }
0x123: {  	[tilespmem:s26+$0x1110] =	vst v2  }
0x124: {  	[tilespmem:s26+$0x1120] =	vst v2  }
0x125: {  	[tilespmem:s26+$0x1130] =	vst v2  }
0x126: {  	v1 =	vbroadcast v0, $0x4;
	[tilespmem:s26+$0x1140] =	vst v2  }
0x127: {  	[tilespmem:s26+$0x1150] =	vst v2  }
0x128: {  	[tilespmem:s26+$0x1160] =	vst v1  }
0x129: {  	[tilespmem:s26+$0x1170] =	vst v1  }
0x12a: {  	[tilespmem:s26+$0x1180] =	vst v1  }
0x12b: {  	[tilespmem:s26+$0x1190] =	vst v1  }
0x12c: {  	[tilespmem:s26+$0x11A0] =	vst v1  }
0x12d: {  	[tilespmem:s26+$0x11B0] =	vst v1  }
0x12e: {  	[tilespmem:s26+$0x11C0] =	vst v1  }
0x12f: {  	[tilespmem:s26+$0x11D0] =	vst v1  }
0x130: {  	[tilespmem:s26+$0x11E0] =	vst v1  }
0x131: {  	[tilespmem:s26+$0x11F0] =	vst v1  }
0x132: {  	[tilespmem:s26+$0x1200] =	vst v1  }
0x133: {  	[tilespmem:s26+$0x1210] =	vst v1  }
0x134: {  	[tilespmem:s26+$0x1220] =	vst v1  }
0x135: {  	[tilespmem:s26+$0x1230] =	vst v1  }
0x136: {  	[tilespmem:s26+$0x1240] =	vst v1  }
0x137: {  	[tilespmem:s26+$0x1250] =	vst v1  }
0x138: {  	[tilespmem:s26+$0x1260] =	vst v1  }
0x139: {  	[tilespmem:s26+$0x1270] =	vst v1  }
0x13a: {  	[tilespmem:s26+$0x1280] =	vst v1  }
0x13b: {  	[tilespmem:s26+$0x1290] =	vst v1  }
0x13c: {  	[tilespmem:s26+$0x12A0] =	vst v1  }
0x13d: {  	[tilespmem:s26+$0x12B0] =	vst v1  }
0x13e: {  	v2 =	vbroadcast v0, $0x5;
	[tilespmem:s26+$0x12C0] =	vst v1  }
0x13f: {  	[tilespmem:s26+$0x12D0] =	vst v1  }
0x140: {  	[tilespmem:s26+$0x12E0] =	vst v2  }
0x141: {  	[tilespmem:s26+$0x12F0] =	vst v2  }
0x142: {  	[tilespmem:s26+$0x1300] =	vst v2  }
0x143: {  	[tilespmem:s26+$0x1310] =	vst v2  }
0x144: {  	[tilespmem:s26+$0x1320] =	vst v2  }
0x145: {  	[tilespmem:s26+$0x1330] =	vst v2  }
0x146: {  	[tilespmem:s26+$0x1340] =	vst v2  }
0x147: {  	[tilespmem:s26+$0x1350] =	vst v2  }
0x148: {  	[tilespmem:s26+$0x1360] =	vst v2  }
0x149: {  	[tilespmem:s26+$0x1370] =	vst v2  }
0x14a: {  	[tilespmem:s26+$0x1380] =	vst v2  }
0x14b: {  	[tilespmem:s26+$0x1390] =	vst v2  }
0x14c: {  	[tilespmem:s26+$0x13A0] =	vst v2  }
0x14d: {  	[tilespmem:s26+$0x13B0] =	vst v2  }
0x14e: {  	[tilespmem:s26+$0x13C0] =	vst v2  }
0x14f: {  	[tilespmem:s26+$0x13D0] =	vst v2  }
0x150: {  	[tilespmem:s26+$0x13E0] =	vst v2  }
0x151: {  	[tilespmem:s26+$0x13F0] =	vst v2  }
0x152: {  	[tilespmem:s26+$0x1400] =	vst v2  }
0x153: {  	[tilespmem:s26+$0x1410] =	vst v2  }
0x154: {  	[tilespmem:s26+$0x1420] =	vst v2  }
0x155: {  	[tilespmem:s26+$0x1430] =	vst v2  }
0x156: {  	v1 =	vbroadcast v0, $0x6;
	[tilespmem:s26+$0x1440] =	vst v2  }
0x157: {  	[tilespmem:s26+$0x1450] =	vst v2  }
0x158: {  	[tilespmem:s26+$0x1460] =	vst v1  }
0x159: {  	[tilespmem:s26+$0x1470] =	vst v1  }
0x15a: {  	[tilespmem:s26+$0x1480] =	vst v1  }
0x15b: {  	[tilespmem:s26+$0x1490] =	vst v1  }
0x15c: {  	[tilespmem:s26+$0x14A0] =	vst v1  }
0x15d: {  	[tilespmem:s26+$0x14B0] =	vst v1  }
0x15e: {  	[tilespmem:s26+$0x14C0] =	vst v1  }
0x15f: {  	[tilespmem:s26+$0x14D0] =	vst v1  }
0x160: {  	[tilespmem:s26+$0x14E0] =	vst v1  }
0x161: {  	[tilespmem:s26+$0x14F0] =	vst v1  }
0x162: {  	[tilespmem:s26+$0x1500] =	vst v1  }
0x163: {  	[tilespmem:s26+$0x1510] =	vst v1  }
0x164: {  	[tilespmem:s26+$0x1520] =	vst v1  }
0x165: {  	[tilespmem:s26+$0x1530] =	vst v1  }
0x166: {  	[tilespmem:s26+$0x1540] =	vst v1  }
0x167: {  	[tilespmem:s26+$0x1550] =	vst v1  }
0x168: {  	[tilespmem:s26+$0x1560] =	vst v1  }
0x169: {  	[tilespmem:s26+$0x1570] =	vst v1  }
0x16a: {  	[tilespmem:s26+$0x1580] =	vst v1  }
0x16b: {  	[tilespmem:s26+$0x1590] =	vst v1  }
0x16c: {  	[tilespmem:s26+$0x15A0] =	vst v1  }
0x16d: {  	[tilespmem:s26+$0x15B0] =	vst v1  }
0x16e: {  	v2 =	vbroadcast v0, $0x7;
	[tilespmem:s26+$0x15C0] =	vst v1  }
0x16f: {  	[tilespmem:s26+$0x15D0] =	vst v1  }
0x170: {  	[tilespmem:s26+$0x15E0] =	vst v2  }
0x171: {  	[tilespmem:s26+$0x15F0] =	vst v2  }
0x172: {  	[tilespmem:s26+$0x1600] =	vst v2  }
0x173: {  	[tilespmem:s26+$0x1610] =	vst v2  }
0x174: {  	[tilespmem:s26+$0x1620] =	vst v2  }
0x175: {  	[tilespmem:s26+$0x1630] =	vst v2  }
0x176: {  	[tilespmem:s26+$0x1640] =	vst v2  }
0x177: {  	[tilespmem:s26+$0x1650] =	vst v2  }
0x178: {  	[tilespmem:s26+$0x1660] =	vst v2  }
0x179: {  	[tilespmem:s26+$0x1670] =	vst v2  }
0x17a: {  	[tilespmem:s26+$0x1680] =	vst v2  }
0x17b: {  	[tilespmem:s26+$0x1690] =	vst v2  }
0x17c: {  	[tilespmem:s26+$0x16A0] =	vst v2  }
0x17d: {  	[tilespmem:s26+$0x16B0] =	vst v2  }
0x17e: {  	[tilespmem:s26+$0x16C0] =	vst v2  }
0x17f: {  	[tilespmem:s26+$0x16D0] =	vst v2  }
0x180: {  	[tilespmem:s26+$0x16E0] =	vst v2  }
0x181: {  	[tilespmem:s26+$0x16F0] =	vst v2  }
0x182: {  	[tilespmem:s26+$0x1700] =	vst v2  }
0x183: {  	[tilespmem:s26+$0x1710] =	vst v2  }
0x184: {  	[tilespmem:s26+$0x1720] =	vst v2  }
0x185: {  	[tilespmem:s26+$0x1730] =	vst v2  }
0x186: {  	v1 =	vbroadcast v0, $0x8;
	[tilespmem:s26+$0x1740] =	vst v2  }
0x187: {  	[tilespmem:s26+$0x1750] =	vst v2  }
0x188: {  	[tilespmem:s26+$0x1760] =	vst v1  }
0x189: {  	[tilespmem:s26+$0x1770] =	vst v1  }
0x18a: {  	[tilespmem:s26+$0x1780] =	vst v1  }
0x18b: {  	[tilespmem:s26+$0x1790] =	vst v1  }
0x18c: {  	[tilespmem:s26+$0x17A0] =	vst v1  }
0x18d: {  	[tilespmem:s26+$0x17B0] =	vst v1  }
0x18e: {  	[tilespmem:s26+$0x17C0] =	vst v1  }
0x18f: {  	[tilespmem:s26+$0x17D0] =	vst v1  }
0x190: {  	[tilespmem:s26+$0x17E0] =	vst v1  }
0x191: {  	[tilespmem:s26+$0x17F0] =	vst v1  }
0x192: {  	[tilespmem:s26+$0x1800] =	vst v1  }
0x193: {  	[tilespmem:s26+$0x1810] =	vst v1  }
0x194: {  	[tilespmem:s26+$0x1820] =	vst v1  }
0x195: {  	[tilespmem:s26+$0x1830] =	vst v1  }
0x196: {  	[tilespmem:s26+$0x1840] =	vst v1  }
0x197: {  	[tilespmem:s26+$0x1850] =	vst v1  }
0x198: {  	[tilespmem:s26+$0x1860] =	vst v1  }
0x199: {  	[tilespmem:s26+$0x1870] =	vst v1  }
0x19a: {  	[tilespmem:s26+$0x1880] =	vst v1  }
0x19b: {  	[tilespmem:s26+$0x1890] =	vst v1  }
0x19c: {  	[tilespmem:s26+$0x18A0] =	vst v1  }
0x19d: {  	[tilespmem:s26+$0x18B0] =	vst v1  }
0x19e: {  	v2 =	vbroadcast v0, $0x9;
	[tilespmem:s26+$0x18C0] =	vst v1  }
0x19f: {  	[tilespmem:s26+$0x18D0] =	vst v1  }
0x1a0: {  	[tilespmem:s26+$0x18E0] =	vst v2  }
0x1a1: {  	[tilespmem:s26+$0x18F0] =	vst v2  }
0x1a2: {  	[tilespmem:s26+$0x1900] =	vst v2  }
0x1a3: {  	[tilespmem:s26+$0x1910] =	vst v2  }
0x1a4: {  	[tilespmem:s26+$0x1920] =	vst v2  }
0x1a5: {  	[tilespmem:s26+$0x1930] =	vst v2  }
0x1a6: {  	[tilespmem:s26+$0x1940] =	vst v2  }
0x1a7: {  	[tilespmem:s26+$0x1950] =	vst v2  }
0x1a8: {  	[tilespmem:s26+$0x1960] =	vst v2  }
0x1a9: {  	[tilespmem:s26+$0x1970] =	vst v2  }
0x1aa: {  	[tilespmem:s26+$0x1980] =	vst v2  }
0x1ab: {  	[tilespmem:s26+$0x1990] =	vst v2  }
0x1ac: {  	[tilespmem:s26+$0x19A0] =	vst v2  }
0x1ad: {  	[tilespmem:s26+$0x19B0] =	vst v2  }
0x1ae: {  	[tilespmem:s26+$0x19C0] =	vst v2  }
0x1af: {  	[tilespmem:s26+$0x19D0] =	vst v2  }
0x1b0: {  	[tilespmem:s26+$0x19E0] =	vst v2  }
0x1b1: {  	[tilespmem:s26+$0x19F0] =	vst v2  }
0x1b2: {  	[tilespmem:s26+$0x1A00] =	vst v2  }
0x1b3: {  	[tilespmem:s26+$0x1A10] =	vst v2  }
0x1b4: {  	[tilespmem:s26+$0x1A20] =	vst v2  }
0x1b5: {  	[tilespmem:s26+$0x1A30] =	vst v2  }
0x1b6: {  	v1 =	vbroadcast v0, $0xA;
	[tilespmem:s26+$0x1A40] =	vst v2  }
0x1b7: {  	[tilespmem:s26+$0x1A50] =	vst v2  }
0x1b8: {  	[tilespmem:s26+$0x1A60] =	vst v1  }
0x1b9: {  	[tilespmem:s26+$0x1A70] =	vst v1  }
0x1ba: {  	[tilespmem:s26+$0x1A80] =	vst v1  }
0x1bb: {  	[tilespmem:s26+$0x1A90] =	vst v1  }
0x1bc: {  	[tilespmem:s26+$0x1AA0] =	vst v1  }
0x1bd: {  	[tilespmem:s26+$0x1AB0] =	vst v1  }
0x1be: {  	[tilespmem:s26+$0x1AC0] =	vst v1  }
0x1bf: {  	[tilespmem:s26+$0x1AD0] =	vst v1  }
0x1c0: {  	[tilespmem:s26+$0x1AE0] =	vst v1  }
0x1c1: {  	[tilespmem:s26+$0x1AF0] =	vst v1  }
0x1c2: {  	[tilespmem:s26+$0x1B00] =	vst v1  }
0x1c3: {  	[tilespmem:s26+$0x1B10] =	vst v1  }
0x1c4: {  	[tilespmem:s26+$0x1B20] =	vst v1  }
0x1c5: {  	[tilespmem:s26+$0x1B30] =	vst v1  }
0x1c6: {  	[tilespmem:s26+$0x1B40] =	vst v1  }
0x1c7: {  	[tilespmem:s26+$0x1B50] =	vst v1  }
0x1c8: {  	[tilespmem:s26+$0x1B60] =	vst v1  }
0x1c9: {  	[tilespmem:s26+$0x1B70] =	vst v1  }
0x1ca: {  	[tilespmem:s26+$0x1B80] =	vst v1  }
0x1cb: {  	[tilespmem:s26+$0x1B90] =	vst v1  }
0x1cc: {  	[tilespmem:s26+$0x1BA0] =	vst v1  }
0x1cd: {  	[tilespmem:s26+$0x1BB0] =	vst v1  }
0x1ce: {  	v2 =	vbroadcast v0, $0xB;
	[tilespmem:s26+$0x1BC0] =	vst v1  }
0x1cf: {  	[tilespmem:s26+$0x1BD0] =	vst v1  }
0x1d0: {  	[tilespmem:s26+$0x1BE0] =	vst v2  }
0x1d1: {  	[tilespmem:s26+$0x1BF0] =	vst v2  }
0x1d2: {  	[tilespmem:s26+$0x1C00] =	vst v2  }
0x1d3: {  	[tilespmem:s26+$0x1C10] =	vst v2  }
0x1d4: {  	[tilespmem:s26+$0x1C20] =	vst v2  }
0x1d5: {  	[tilespmem:s26+$0x1C30] =	vst v2  }
0x1d6: {  	[tilespmem:s26+$0x1C40] =	vst v2  }
0x1d7: {  	[tilespmem:s26+$0x1C50] =	vst v2  }
0x1d8: {  	[tilespmem:s26+$0x1C60] =	vst v2  }
0x1d9: {  	[tilespmem:s26+$0x1C70] =	vst v2  }
0x1da: {  	[tilespmem:s26+$0x1C80] =	vst v2  }
0x1db: {  	[tilespmem:s26+$0x1C90] =	vst v2  }
0x1dc: {  	[tilespmem:s26+$0x1CA0] =	vst v2  }
0x1dd: {  	[tilespmem:s26+$0x1CB0] =	vst v2  }
0x1de: {  	[tilespmem:s26+$0x1CC0] =	vst v2  }
0x1df: {  	[tilespmem:s26+$0x1CD0] =	vst v2  }
0x1e0: {  	[tilespmem:s26+$0x1CE0] =	vst v2  }
0x1e1: {  	[tilespmem:s26+$0x1CF0] =	vst v2  }
0x1e2: {  	[tilespmem:s26+$0x1D00] =	vst v2  }
0x1e3: {  	[tilespmem:s26+$0x1D10] =	vst v2  }
0x1e4: {  	[tilespmem:s26+$0x1D20] =	vst v2  }
0x1e5: {  	[tilespmem:s26+$0x1D30] =	vst v2  }
0x1e6: {  	v1 =	vbroadcast v0, $0xC;
	[tilespmem:s26+$0x1D40] =	vst v2  }
0x1e7: {  	[tilespmem:s26+$0x1D50] =	vst v2  }
0x1e8: {  	[tilespmem:s26+$0x1D60] =	vst v1  }
0x1e9: {  	[tilespmem:s26+$0x1D70] =	vst v1  }
0x1ea: {  	[tilespmem:s26+$0x1D80] =	vst v1  }
0x1eb: {  	[tilespmem:s26+$0x1D90] =	vst v1  }
0x1ec: {  	[tilespmem:s26+$0x1DA0] =	vst v1  }
0x1ed: {  	[tilespmem:s26+$0x1DB0] =	vst v1  }
0x1ee: {  	[tilespmem:s26+$0x1DC0] =	vst v1  }
0x1ef: {  	[tilespmem:s26+$0x1DD0] =	vst v1  }
0x1f0: {  	[tilespmem:s26+$0x1DE0] =	vst v1  }
0x1f1: {  	[tilespmem:s26+$0x1DF0] =	vst v1  }
0x1f2: {  	[tilespmem:s26+$0x1E00] =	vst v1  }
0x1f3: {  	[tilespmem:s26+$0x1E10] =	vst v1  }
0x1f4: {  	[tilespmem:s26+$0x1E20] =	vst v1  }
0x1f5: {  	[tilespmem:s26+$0x1E30] =	vst v1  }
0x1f6: {  	[tilespmem:s26+$0x1E40] =	vst v1  }
0x1f7: {  	[tilespmem:s26+$0x1E50] =	vst v1  }
0x1f8: {  	[tilespmem:s26+$0x1E60] =	vst v1  }
0x1f9: {  	[tilespmem:s26+$0x1E70] =	vst v1  }
0x1fa: {  	[tilespmem:s26+$0x1E80] =	vst v1  }
0x1fb: {  	[tilespmem:s26+$0x1E90] =	vst v1  }
0x1fc: {  	[tilespmem:s26+$0x1EA0] =	vst v1  }
0x1fd: {  	[tilespmem:s26+$0x1EB0] =	vst v1  }
0x1fe: {  	v2 =	vbroadcast v0, $0xD;
	[tilespmem:s26+$0x1EC0] =	vst v1  }
0x1ff: {  	[tilespmem:s26+$0x1ED0] =	vst v1  }
0x200: {  	[tilespmem:s26+$0x1EE0] =	vst v2  }
0x201: {  	[tilespmem:s26+$0x1EF0] =	vst v2  }
0x202: {  	[tilespmem:s26+$0x1F00] =	vst v2  }
0x203: {  	[tilespmem:s26+$0x1F10] =	vst v2  }
0x204: {  	[tilespmem:s26+$0x1F20] =	vst v2  }
0x205: {  	[tilespmem:s26+$0x1F30] =	vst v2  }
0x206: {  	[tilespmem:s26+$0x1F40] =	vst v2  }
0x207: {  	[tilespmem:s26+$0x1F50] =	vst v2  }
0x208: {  	[tilespmem:s26+$0x1F60] =	vst v2  }
0x209: {  	[tilespmem:s26+$0x1F70] =	vst v2  }
0x20a: {  	[tilespmem:s26+$0x1F80] =	vst v2  }
0x20b: {  	[tilespmem:s26+$0x1F90] =	vst v2  }
0x20c: {  	[tilespmem:s26+$0x1FA0] =	vst v2  }
0x20d: {  	[tilespmem:s26+$0x1FB0] =	vst v2  }
0x20e: {  	[tilespmem:s26+$0x1FC0] =	vst v2  }
0x20f: {  	[tilespmem:s26+$0x1FD0] =	vst v2  }
0x210: {  	[tilespmem:s26+$0x1FE0] =	vst v2  }
0x211: {  	[tilespmem:s26+$0x1FF0] =	vst v2  }
0x212: {  	[tilespmem:s26+$0x2000] =	vst v2  }
0x213: {  	[tilespmem:s26+$0x2010] =	vst v2  }
0x214: {  	[tilespmem:s26+$0x2020] =	vst v2  }
0x215: {  	[tilespmem:s26+$0x2030] =	vst v2  }
0x216: {  	v1 =	vbroadcast v0, $0xE;
	[tilespmem:s26+$0x2040] =	vst v2  }
0x217: {  	[tilespmem:s26+$0x2050] =	vst v2  }
0x218: {  	[tilespmem:s26+$0x2060] =	vst v1  }
0x219: {  	[tilespmem:s26+$0x2070] =	vst v1  }
0x21a: {  	[tilespmem:s26+$0x2080] =	vst v1  }
0x21b: {  	[tilespmem:s26+$0x2090] =	vst v1  }
0x21c: {  	[tilespmem:s26+$0x20A0] =	vst v1  }
0x21d: {  	[tilespmem:s26+$0x20B0] =	vst v1  }
0x21e: {  	[tilespmem:s26+$0x20C0] =	vst v1  }
0x21f: {  	[tilespmem:s26+$0x20D0] =	vst v1  }
0x220: {  	[tilespmem:s26+$0x20E0] =	vst v1  }
0x221: {  	[tilespmem:s26+$0x20F0] =	vst v1  }
0x222: {  	[tilespmem:s26+$0x2100] =	vst v1  }
0x223: {  	[tilespmem:s26+$0x2110] =	vst v1  }
0x224: {  	[tilespmem:s26+$0x2120] =	vst v1  }
0x225: {  	[tilespmem:s26+$0x2130] =	vst v1  }
0x226: {  	[tilespmem:s26+$0x2140] =	vst v1  }
0x227: {  	[tilespmem:s26+$0x2150] =	vst v1  }
0x228: {  	[tilespmem:s26+$0x2160] =	vst v1  }
0x229: {  	[tilespmem:s26+$0x2170] =	vst v1  }
0x22a: {  	[tilespmem:s26+$0x2180] =	vst v1  }
0x22b: {  	[tilespmem:s26+$0x2190] =	vst v1  }
0x22c: {  	[tilespmem:s26+$0x21A0] =	vst v1  }
0x22d: {  	[tilespmem:s26+$0x21B0] =	vst v1  }
0x22e: {  	v0 =	vbroadcast v0, $0xF;
	[tilespmem:s26+$0x21C0] =	vst v1  }
0x22f: {  	[tilespmem:s26+$0x21D0] =	vst v1  }
0x230: {  	[tilespmem:s26+$0x21E0] =	vst v0  }
0x231: {  	[tilespmem:s26+$0x21F0] =	vst v0  }
0x232: {  	[tilespmem:s26+$0x2200] =	vst v0  }
0x233: {  	[tilespmem:s26+$0x2210] =	vst v0  }
0x234: {  	[tilespmem:s26+$0x2220] =	vst v0  }
0x235: {  	[tilespmem:s26+$0x2230] =	vst v0  }
0x236: {  	[tilespmem:s26+$0x2240] =	vst v0  }
0x237: {  	[tilespmem:s26+$0x2250] =	vst v0  }
0x238: {  	[tilespmem:s26+$0x2260] =	vst v0  }
0x239: {  	[tilespmem:s26+$0x2270] =	vst v0  }
0x23a: {  	[tilespmem:s26+$0x2280] =	vst v0  }
0x23b: {  	[tilespmem:s26+$0x2290] =	vst v0  }
0x23c: {  	[tilespmem:s26+$0x22A0] =	vst v0  }
0x23d: {  	[tilespmem:s26+$0x22B0] =	vst v0  }
0x23e: {  	[tilespmem:s26+$0x22C0] =	vst v0  }
0x23f: {  	[tilespmem:s26+$0x22D0] =	vst v0  }
0x240: {  	[tilespmem:s26+$0x22E0] =	vst v0  }
0x241: {  	[tilespmem:s26+$0x22F0] =	vst v0  }
0x242: {  	[tilespmem:s26+$0x2300] =	vst v0  }
0x243: {  	[tilespmem:s26+$0x2310] =	vst v0  }
0x244: {  	[tilespmem:s26+$0x2320] =	vst v0  }
0x245: {  	[tilespmem:s26+$0x2330] =	vst v0  }
0x246: {  	s28 =	simm.s32 $0x1;
	s30 =	simm.s32 $0x10;
	s29 =	simm.s32 $0x2;
	[tilespmem:s26+$0x2340] =	vst v0  }
.LBB2_2:
0x247: {  	p0 =	sne.s32 s29, $0xB;
	s30 =	sand.u32 $0x3FFFFFF0, s30;
	[tilespmem:s26+$0x2350] =	vst v0  }
0x248: {  	v0 =	vld [tilespmem:s30+$0xA80];
	_ =	sdelay $0x3  }
0x249: {  	s26 =	smul.u32 $0x6000, s28;
	s28 =	smov.u32 s29  }
0x24a: {  	v14 =	vbroadcast v0, $0x0;
	v15 =	vbroadcast v0, $0x1  }
0x24b: {  	s26 =	sshra.s32 s26, $0x2;
	v13 =	vbroadcast v0, $0x2;
	v12 =	vbroadcast v0, $0x3  }
0x24c: {  	v11 =	vbroadcast v0, $0x4;
	v10 =	vbroadcast v0, $0x5;
	[tilespmem:s26+$0xB60] =	vst v14  }
0x24d: {  	v9 =	vbroadcast v0, $0x6;
	v8 =	vbroadcast v0, $0x7;
	[tilespmem:s26+$0xB70] =	vst v14  }
0x24e: {  	v7 =	vbroadcast v0, $0x8;
	v6 =	vbroadcast v0, $0x9;
	[tilespmem:s26+$0xB80] =	vst v14  }
0x24f: {  	v5 =	vbroadcast v0, $0xA;
	v4 =	vbroadcast v0, $0xB;
	[tilespmem:s26+$0xB90] =	vst v14  }
0x250: {  	v3 =	vbroadcast v0, $0xC;
	v2 =	vbroadcast v0, $0xD;
	[tilespmem:s26+$0xBA0] =	vst v14  }
0x251: {  	v1 =	vbroadcast v0, $0xE;
	v0 =	vbroadcast v0, $0xF;
	[tilespmem:s26+$0xBB0] =	vst v14  }
0x252: {  	[tilespmem:s26+$0xBC0] =	vst v14  }
0x253: {  	[tilespmem:s26+$0xBD0] =	vst v14  }
0x254: {  	[tilespmem:s26+$0xBE0] =	vst v14  }
0x255: {  	[tilespmem:s26+$0xBF0] =	vst v14  }
0x256: {  	[tilespmem:s26+$0xC00] =	vst v14  }
0x257: {  	[tilespmem:s26+$0xC10] =	vst v14  }
0x258: {  	[tilespmem:s26+$0xC20] =	vst v14  }
0x259: {  	[tilespmem:s26+$0xC30] =	vst v14  }
0x25a: {  	[tilespmem:s26+$0xC40] =	vst v14  }
0x25b: {  	[tilespmem:s26+$0xC50] =	vst v14  }
0x25c: {  	[tilespmem:s26+$0xC60] =	vst v14  }
0x25d: {  	[tilespmem:s26+$0xC70] =	vst v14  }
0x25e: {  	[tilespmem:s26+$0xC80] =	vst v14  }
0x25f: {  	[tilespmem:s26+$0xC90] =	vst v14  }
0x260: {  	[tilespmem:s26+$0xCA0] =	vst v14  }
0x261: {  	[tilespmem:s26+$0xCB0] =	vst v14  }
0x262: {  	[tilespmem:s26+$0xCC0] =	vst v14  }
0x263: {  	[tilespmem:s26+$0xCD0] =	vst v14  }
0x264: {  	[tilespmem:s26+$0xCE0] =	vst v15  }
0x265: {  	[tilespmem:s26+$0xCF0] =	vst v15  }
0x266: {  	[tilespmem:s26+$0xD00] =	vst v15  }
0x267: {  	[tilespmem:s26+$0xD10] =	vst v15  }
0x268: {  	[tilespmem:s26+$0xD20] =	vst v15  }
0x269: {  	[tilespmem:s26+$0xD30] =	vst v15  }
0x26a: {  	[tilespmem:s26+$0xD40] =	vst v15  }
0x26b: {  	[tilespmem:s26+$0xD50] =	vst v15  }
0x26c: {  	[tilespmem:s26+$0xD60] =	vst v15  }
0x26d: {  	[tilespmem:s26+$0xD70] =	vst v15  }
0x26e: {  	[tilespmem:s26+$0xD80] =	vst v15  }
0x26f: {  	[tilespmem:s26+$0xD90] =	vst v15  }
0x270: {  	[tilespmem:s26+$0xDA0] =	vst v15  }
0x271: {  	[tilespmem:s26+$0xDB0] =	vst v15  }
0x272: {  	[tilespmem:s26+$0xDC0] =	vst v15  }
0x273: {  	[tilespmem:s26+$0xDD0] =	vst v15  }
0x274: {  	[tilespmem:s26+$0xDE0] =	vst v15  }
0x275: {  	[tilespmem:s26+$0xDF0] =	vst v15  }
0x276: {  	[tilespmem:s26+$0xE00] =	vst v15  }
0x277: {  	[tilespmem:s26+$0xE10] =	vst v15  }
0x278: {  	[tilespmem:s26+$0xE20] =	vst v15  }
0x279: {  	[tilespmem:s26+$0xE30] =	vst v15  }
0x27a: {  	[tilespmem:s26+$0xE40] =	vst v15  }
0x27b: {  	[tilespmem:s26+$0xE50] =	vst v15  }
0x27c: {  	[tilespmem:s26+$0xE60] =	vst v13  }
0x27d: {  	[tilespmem:s26+$0xE70] =	vst v13  }
0x27e: {  	[tilespmem:s26+$0xE80] =	vst v13  }
0x27f: {  	[tilespmem:s26+$0xE90] =	vst v13  }
0x280: {  	[tilespmem:s26+$0xEA0] =	vst v13  }
0x281: {  	[tilespmem:s26+$0xEB0] =	vst v13  }
0x282: {  	[tilespmem:s26+$0xEC0] =	vst v13  }
0x283: {  	[tilespmem:s26+$0xED0] =	vst v13  }
0x284: {  	[tilespmem:s26+$0xEE0] =	vst v13  }
0x285: {  	[tilespmem:s26+$0xEF0] =	vst v13  }
0x286: {  	[tilespmem:s26+$0xF00] =	vst v13  }
0x287: {  	[tilespmem:s26+$0xF10] =	vst v13  }
0x288: {  	[tilespmem:s26+$0xF20] =	vst v13  }
0x289: {  	[tilespmem:s26+$0xF30] =	vst v13  }
0x28a: {  	[tilespmem:s26+$0xF40] =	vst v13  }
0x28b: {  	[tilespmem:s26+$0xF50] =	vst v13  }
0x28c: {  	[tilespmem:s26+$0xF60] =	vst v13  }
0x28d: {  	[tilespmem:s26+$0xF70] =	vst v13  }
0x28e: {  	[tilespmem:s26+$0xF80] =	vst v13  }
0x28f: {  	[tilespmem:s26+$0xF90] =	vst v13  }
0x290: {  	[tilespmem:s26+$0xFA0] =	vst v13  }
0x291: {  	[tilespmem:s26+$0xFB0] =	vst v13  }
0x292: {  	[tilespmem:s26+$0xFC0] =	vst v13  }
0x293: {  	[tilespmem:s26+$0xFD0] =	vst v13  }
0x294: {  	[tilespmem:s26+$0xFE0] =	vst v12  }
0x295: {  	[tilespmem:s26+$0xFF0] =	vst v12  }
0x296: {  	[tilespmem:s26+$0x1000] =	vst v12  }
0x297: {  	[tilespmem:s26+$0x1010] =	vst v12  }
0x298: {  	[tilespmem:s26+$0x1020] =	vst v12  }
0x299: {  	[tilespmem:s26+$0x1030] =	vst v12  }
0x29a: {  	[tilespmem:s26+$0x1040] =	vst v12  }
0x29b: {  	[tilespmem:s26+$0x1050] =	vst v12  }
0x29c: {  	[tilespmem:s26+$0x1060] =	vst v12  }
0x29d: {  	[tilespmem:s26+$0x1070] =	vst v12  }
0x29e: {  	[tilespmem:s26+$0x1080] =	vst v12  }
0x29f: {  	[tilespmem:s26+$0x1090] =	vst v12  }
0x2a0: {  	[tilespmem:s26+$0x10A0] =	vst v12  }
0x2a1: {  	[tilespmem:s26+$0x10B0] =	vst v12  }
0x2a2: {  	[tilespmem:s26+$0x10C0] =	vst v12  }
0x2a3: {  	[tilespmem:s26+$0x10D0] =	vst v12  }
0x2a4: {  	[tilespmem:s26+$0x10E0] =	vst v12  }
0x2a5: {  	[tilespmem:s26+$0x10F0] =	vst v12  }
0x2a6: {  	[tilespmem:s26+$0x1100] =	vst v12  }
0x2a7: {  	[tilespmem:s26+$0x1110] =	vst v12  }
0x2a8: {  	[tilespmem:s26+$0x1120] =	vst v12  }
0x2a9: {  	[tilespmem:s26+$0x1130] =	vst v12  }
0x2aa: {  	[tilespmem:s26+$0x1140] =	vst v12  }
0x2ab: {  	[tilespmem:s26+$0x1150] =	vst v12  }
0x2ac: {  	[tilespmem:s26+$0x1160] =	vst v11  }
0x2ad: {  	[tilespmem:s26+$0x1170] =	vst v11  }
0x2ae: {  	[tilespmem:s26+$0x1180] =	vst v11  }
0x2af: {  	[tilespmem:s26+$0x1190] =	vst v11  }
0x2b0: {  	[tilespmem:s26+$0x11A0] =	vst v11  }
0x2b1: {  	[tilespmem:s26+$0x11B0] =	vst v11  }
0x2b2: {  	[tilespmem:s26+$0x11C0] =	vst v11  }
0x2b3: {  	[tilespmem:s26+$0x11D0] =	vst v11  }
0x2b4: {  	[tilespmem:s26+$0x11E0] =	vst v11  }
0x2b5: {  	[tilespmem:s26+$0x11F0] =	vst v11  }
0x2b6: {  	[tilespmem:s26+$0x1200] =	vst v11  }
0x2b7: {  	[tilespmem:s26+$0x1210] =	vst v11  }
0x2b8: {  	[tilespmem:s26+$0x1220] =	vst v11  }
0x2b9: {  	[tilespmem:s26+$0x1230] =	vst v11  }
0x2ba: {  	[tilespmem:s26+$0x1240] =	vst v11  }
0x2bb: {  	[tilespmem:s26+$0x1250] =	vst v11  }
0x2bc: {  	[tilespmem:s26+$0x1260] =	vst v11  }
0x2bd: {  	[tilespmem:s26+$0x1270] =	vst v11  }
0x2be: {  	[tilespmem:s26+$0x1280] =	vst v11  }
0x2bf: {  	[tilespmem:s26+$0x1290] =	vst v11  }
0x2c0: {  	[tilespmem:s26+$0x12A0] =	vst v11  }
0x2c1: {  	[tilespmem:s26+$0x12B0] =	vst v11  }
0x2c2: {  	[tilespmem:s26+$0x12C0] =	vst v11  }
0x2c3: {  	[tilespmem:s26+$0x12D0] =	vst v11  }
0x2c4: {  	[tilespmem:s26+$0x12E0] =	vst v10  }
0x2c5: {  	[tilespmem:s26+$0x12F0] =	vst v10  }
0x2c6: {  	[tilespmem:s26+$0x1300] =	vst v10  }
0x2c7: {  	[tilespmem:s26+$0x1310] =	vst v10  }
0x2c8: {  	[tilespmem:s26+$0x1320] =	vst v10  }
0x2c9: {  	[tilespmem:s26+$0x1330] =	vst v10  }
0x2ca: {  	[tilespmem:s26+$0x1340] =	vst v10  }
0x2cb: {  	[tilespmem:s26+$0x1350] =	vst v10  }
0x2cc: {  	[tilespmem:s26+$0x1360] =	vst v10  }
0x2cd: {  	[tilespmem:s26+$0x1370] =	vst v10  }
0x2ce: {  	[tilespmem:s26+$0x1380] =	vst v10  }
0x2cf: {  	[tilespmem:s26+$0x1390] =	vst v10  }
0x2d0: {  	[tilespmem:s26+$0x13A0] =	vst v10  }
0x2d1: {  	[tilespmem:s26+$0x13B0] =	vst v10  }
0x2d2: {  	[tilespmem:s26+$0x13C0] =	vst v10  }
0x2d3: {  	[tilespmem:s26+$0x13D0] =	vst v10  }
0x2d4: {  	[tilespmem:s26+$0x13E0] =	vst v10  }
0x2d5: {  	[tilespmem:s26+$0x13F0] =	vst v10  }
0x2d6: {  	[tilespmem:s26+$0x1400] =	vst v10  }
0x2d7: {  	[tilespmem:s26+$0x1410] =	vst v10  }
0x2d8: {  	[tilespmem:s26+$0x1420] =	vst v10  }
0x2d9: {  	[tilespmem:s26+$0x1430] =	vst v10  }
0x2da: {  	[tilespmem:s26+$0x1440] =	vst v10  }
0x2db: {  	[tilespmem:s26+$0x1450] =	vst v10  }
0x2dc: {  	[tilespmem:s26+$0x1460] =	vst v9  }
0x2dd: {  	[tilespmem:s26+$0x1470] =	vst v9  }
0x2de: {  	[tilespmem:s26+$0x1480] =	vst v9  }
0x2df: {  	[tilespmem:s26+$0x1490] =	vst v9  }
0x2e0: {  	[tilespmem:s26+$0x14A0] =	vst v9  }
0x2e1: {  	[tilespmem:s26+$0x14B0] =	vst v9  }
0x2e2: {  	[tilespmem:s26+$0x14C0] =	vst v9  }
0x2e3: {  	[tilespmem:s26+$0x14D0] =	vst v9  }
0x2e4: {  	[tilespmem:s26+$0x14E0] =	vst v9  }
0x2e5: {  	[tilespmem:s26+$0x14F0] =	vst v9  }
0x2e6: {  	[tilespmem:s26+$0x1500] =	vst v9  }
0x2e7: {  	[tilespmem:s26+$0x1510] =	vst v9  }
0x2e8: {  	[tilespmem:s26+$0x1520] =	vst v9  }
0x2e9: {  	[tilespmem:s26+$0x1530] =	vst v9  }
0x2ea: {  	[tilespmem:s26+$0x1540] =	vst v9  }
0x2eb: {  	[tilespmem:s26+$0x1550] =	vst v9  }
0x2ec: {  	[tilespmem:s26+$0x1560] =	vst v9  }
0x2ed: {  	[tilespmem:s26+$0x1570] =	vst v9  }
0x2ee: {  	[tilespmem:s26+$0x1580] =	vst v9  }
0x2ef: {  	[tilespmem:s26+$0x1590] =	vst v9  }
0x2f0: {  	[tilespmem:s26+$0x15A0] =	vst v9  }
0x2f1: {  	[tilespmem:s26+$0x15B0] =	vst v9  }
0x2f2: {  	[tilespmem:s26+$0x15C0] =	vst v9  }
0x2f3: {  	[tilespmem:s26+$0x15D0] =	vst v9  }
0x2f4: {  	[tilespmem:s26+$0x15E0] =	vst v8  }
0x2f5: {  	[tilespmem:s26+$0x15F0] =	vst v8  }
0x2f6: {  	[tilespmem:s26+$0x1600] =	vst v8  }
0x2f7: {  	[tilespmem:s26+$0x1610] =	vst v8  }
0x2f8: {  	[tilespmem:s26+$0x1620] =	vst v8  }
0x2f9: {  	[tilespmem:s26+$0x1630] =	vst v8  }
0x2fa: {  	[tilespmem:s26+$0x1640] =	vst v8  }
0x2fb: {  	[tilespmem:s26+$0x1650] =	vst v8  }
0x2fc: {  	[tilespmem:s26+$0x1660] =	vst v8  }
0x2fd: {  	[tilespmem:s26+$0x1670] =	vst v8  }
0x2fe: {  	[tilespmem:s26+$0x1680] =	vst v8  }
0x2ff: {  	[tilespmem:s26+$0x1690] =	vst v8  }
0x300: {  	[tilespmem:s26+$0x16A0] =	vst v8  }
0x301: {  	[tilespmem:s26+$0x16B0] =	vst v8  }
0x302: {  	[tilespmem:s26+$0x16C0] =	vst v8  }
0x303: {  	[tilespmem:s26+$0x16D0] =	vst v8  }
0x304: {  	[tilespmem:s26+$0x16E0] =	vst v8  }
0x305: {  	[tilespmem:s26+$0x16F0] =	vst v8  }
0x306: {  	[tilespmem:s26+$0x1700] =	vst v8  }
0x307: {  	[tilespmem:s26+$0x1710] =	vst v8  }
0x308: {  	[tilespmem:s26+$0x1720] =	vst v8  }
0x309: {  	[tilespmem:s26+$0x1730] =	vst v8  }
0x30a: {  	[tilespmem:s26+$0x1740] =	vst v8  }
0x30b: {  	[tilespmem:s26+$0x1750] =	vst v8  }
0x30c: {  	[tilespmem:s26+$0x1760] =	vst v7  }
0x30d: {  	[tilespmem:s26+$0x1770] =	vst v7  }
0x30e: {  	[tilespmem:s26+$0x1780] =	vst v7  }
0x30f: {  	[tilespmem:s26+$0x1790] =	vst v7  }
0x310: {  	[tilespmem:s26+$0x17A0] =	vst v7  }
0x311: {  	[tilespmem:s26+$0x17B0] =	vst v7  }
0x312: {  	[tilespmem:s26+$0x17C0] =	vst v7  }
0x313: {  	[tilespmem:s26+$0x17D0] =	vst v7  }
0x314: {  	[tilespmem:s26+$0x17E0] =	vst v7  }
0x315: {  	[tilespmem:s26+$0x17F0] =	vst v7  }
0x316: {  	[tilespmem:s26+$0x1800] =	vst v7  }
0x317: {  	[tilespmem:s26+$0x1810] =	vst v7  }
0x318: {  	[tilespmem:s26+$0x1820] =	vst v7  }
0x319: {  	[tilespmem:s26+$0x1830] =	vst v7  }
0x31a: {  	[tilespmem:s26+$0x1840] =	vst v7  }
0x31b: {  	[tilespmem:s26+$0x1850] =	vst v7  }
0x31c: {  	[tilespmem:s26+$0x1860] =	vst v7  }
0x31d: {  	[tilespmem:s26+$0x1870] =	vst v7  }
0x31e: {  	[tilespmem:s26+$0x1880] =	vst v7  }
0x31f: {  	[tilespmem:s26+$0x1890] =	vst v7  }
0x320: {  	[tilespmem:s26+$0x18A0] =	vst v7  }
0x321: {  	[tilespmem:s26+$0x18B0] =	vst v7  }
0x322: {  	[tilespmem:s26+$0x18C0] =	vst v7  }
0x323: {  	[tilespmem:s26+$0x18D0] =	vst v7  }
0x324: {  	[tilespmem:s26+$0x18E0] =	vst v6  }
0x325: {  	[tilespmem:s26+$0x18F0] =	vst v6  }
0x326: {  	[tilespmem:s26+$0x1900] =	vst v6  }
0x327: {  	[tilespmem:s26+$0x1910] =	vst v6  }
0x328: {  	[tilespmem:s26+$0x1920] =	vst v6  }
0x329: {  	[tilespmem:s26+$0x1930] =	vst v6  }
0x32a: {  	[tilespmem:s26+$0x1940] =	vst v6  }
0x32b: {  	[tilespmem:s26+$0x1950] =	vst v6  }
0x32c: {  	[tilespmem:s26+$0x1960] =	vst v6  }
0x32d: {  	[tilespmem:s26+$0x1970] =	vst v6  }
0x32e: {  	[tilespmem:s26+$0x1980] =	vst v6  }
0x32f: {  	[tilespmem:s26+$0x1990] =	vst v6  }
0x330: {  	[tilespmem:s26+$0x19A0] =	vst v6  }
0x331: {  	[tilespmem:s26+$0x19B0] =	vst v6  }
0x332: {  	[tilespmem:s26+$0x19C0] =	vst v6  }
0x333: {  	[tilespmem:s26+$0x19D0] =	vst v6  }
0x334: {  	[tilespmem:s26+$0x19E0] =	vst v6  }
0x335: {  	[tilespmem:s26+$0x19F0] =	vst v6  }
0x336: {  	[tilespmem:s26+$0x1A00] =	vst v6  }
0x337: {  	[tilespmem:s26+$0x1A10] =	vst v6  }
0x338: {  	[tilespmem:s26+$0x1A20] =	vst v6  }
0x339: {  	[tilespmem:s26+$0x1A30] =	vst v6  }
0x33a: {  	[tilespmem:s26+$0x1A40] =	vst v6  }
0x33b: {  	[tilespmem:s26+$0x1A50] =	vst v6  }
0x33c: {  	[tilespmem:s26+$0x1A60] =	vst v5  }
0x33d: {  	[tilespmem:s26+$0x1A70] =	vst v5  }
0x33e: {  	[tilespmem:s26+$0x1A80] =	vst v5  }
0x33f: {  	[tilespmem:s26+$0x1A90] =	vst v5  }
0x340: {  	[tilespmem:s26+$0x1AA0] =	vst v5  }
0x341: {  	[tilespmem:s26+$0x1AB0] =	vst v5  }
0x342: {  	[tilespmem:s26+$0x1AC0] =	vst v5  }
0x343: {  	[tilespmem:s26+$0x1AD0] =	vst v5  }
0x344: {  	[tilespmem:s26+$0x1AE0] =	vst v5  }
0x345: {  	[tilespmem:s26+$0x1AF0] =	vst v5  }
0x346: {  	[tilespmem:s26+$0x1B00] =	vst v5  }
0x347: {  	[tilespmem:s26+$0x1B10] =	vst v5  }
0x348: {  	[tilespmem:s26+$0x1B20] =	vst v5  }
0x349: {  	[tilespmem:s26+$0x1B30] =	vst v5  }
0x34a: {  	[tilespmem:s26+$0x1B40] =	vst v5  }
0x34b: {  	[tilespmem:s26+$0x1B50] =	vst v5  }
0x34c: {  	[tilespmem:s26+$0x1B60] =	vst v5  }
0x34d: {  	[tilespmem:s26+$0x1B70] =	vst v5  }
0x34e: {  	[tilespmem:s26+$0x1B80] =	vst v5  }
0x34f: {  	[tilespmem:s26+$0x1B90] =	vst v5  }
0x350: {  	[tilespmem:s26+$0x1BA0] =	vst v5  }
0x351: {  	[tilespmem:s26+$0x1BB0] =	vst v5  }
0x352: {  	[tilespmem:s26+$0x1BC0] =	vst v5  }
0x353: {  	[tilespmem:s26+$0x1BD0] =	vst v5  }
0x354: {  	[tilespmem:s26+$0x1BE0] =	vst v4  }
0x355: {  	[tilespmem:s26+$0x1BF0] =	vst v4  }
0x356: {  	[tilespmem:s26+$0x1C00] =	vst v4  }
0x357: {  	[tilespmem:s26+$0x1C10] =	vst v4  }
0x358: {  	[tilespmem:s26+$0x1C20] =	vst v4  }
0x359: {  	[tilespmem:s26+$0x1C30] =	vst v4  }
0x35a: {  	[tilespmem:s26+$0x1C40] =	vst v4  }
0x35b: {  	[tilespmem:s26+$0x1C50] =	vst v4  }
0x35c: {  	[tilespmem:s26+$0x1C60] =	vst v4  }
0x35d: {  	[tilespmem:s26+$0x1C70] =	vst v4  }
0x35e: {  	[tilespmem:s26+$0x1C80] =	vst v4  }
0x35f: {  	[tilespmem:s26+$0x1C90] =	vst v4  }
0x360: {  	[tilespmem:s26+$0x1CA0] =	vst v4  }
0x361: {  	[tilespmem:s26+$0x1CB0] =	vst v4  }
0x362: {  	[tilespmem:s26+$0x1CC0] =	vst v4  }
0x363: {  	[tilespmem:s26+$0x1CD0] =	vst v4  }
0x364: {  	[tilespmem:s26+$0x1CE0] =	vst v4  }
0x365: {  	[tilespmem:s26+$0x1CF0] =	vst v4  }
0x366: {  	[tilespmem:s26+$0x1D00] =	vst v4  }
0x367: {  	[tilespmem:s26+$0x1D10] =	vst v4  }
0x368: {  	[tilespmem:s26+$0x1D20] =	vst v4  }
0x369: {  	[tilespmem:s26+$0x1D30] =	vst v4  }
0x36a: {  	[tilespmem:s26+$0x1D40] =	vst v4  }
0x36b: {  	[tilespmem:s26+$0x1D50] =	vst v4  }
0x36c: {  	[tilespmem:s26+$0x1D60] =	vst v3  }
0x36d: {  	[tilespmem:s26+$0x1D70] =	vst v3  }
0x36e: {  	[tilespmem:s26+$0x1D80] =	vst v3  }
0x36f: {  	[tilespmem:s26+$0x1D90] =	vst v3  }
0x370: {  	[tilespmem:s26+$0x1DA0] =	vst v3  }
0x371: {  	[tilespmem:s26+$0x1DB0] =	vst v3  }
0x372: {  	[tilespmem:s26+$0x1DC0] =	vst v3  }
0x373: {  	[tilespmem:s26+$0x1DD0] =	vst v3  }
0x374: {  	[tilespmem:s26+$0x1DE0] =	vst v3  }
0x375: {  	[tilespmem:s26+$0x1DF0] =	vst v3  }
0x376: {  	[tilespmem:s26+$0x1E00] =	vst v3  }
0x377: {  	[tilespmem:s26+$0x1E10] =	vst v3  }
0x378: {  	[tilespmem:s26+$0x1E20] =	vst v3  }
0x379: {  	[tilespmem:s26+$0x1E30] =	vst v3  }
0x37a: {  	[tilespmem:s26+$0x1E40] =	vst v3  }
0x37b: {  	[tilespmem:s26+$0x1E50] =	vst v3  }
0x37c: {  	[tilespmem:s26+$0x1E60] =	vst v3  }
0x37d: {  	[tilespmem:s26+$0x1E70] =	vst v3  }
0x37e: {  	[tilespmem:s26+$0x1E80] =	vst v3  }
0x37f: {  	[tilespmem:s26+$0x1E90] =	vst v3  }
0x380: {  	[tilespmem:s26+$0x1EA0] =	vst v3  }
0x381: {  	[tilespmem:s26+$0x1EB0] =	vst v3  }
0x382: {  	[tilespmem:s26+$0x1EC0] =	vst v3  }
0x383: {  	[tilespmem:s26+$0x1ED0] =	vst v3  }
0x384: {  	[tilespmem:s26+$0x1EE0] =	vst v2  }
0x385: {  	[tilespmem:s26+$0x1EF0] =	vst v2  }
0x386: {  	[tilespmem:s26+$0x1F00] =	vst v2  }
0x387: {  	[tilespmem:s26+$0x1F10] =	vst v2  }
0x388: {  	[tilespmem:s26+$0x1F20] =	vst v2  }
0x389: {  	[tilespmem:s26+$0x1F30] =	vst v2  }
0x38a: {  	[tilespmem:s26+$0x1F40] =	vst v2  }
0x38b: {  	[tilespmem:s26+$0x1F50] =	vst v2  }
0x38c: {  	[tilespmem:s26+$0x1F60] =	vst v2  }
0x38d: {  	[tilespmem:s26+$0x1F70] =	vst v2  }
0x38e: {  	[tilespmem:s26+$0x1F80] =	vst v2  }
0x38f: {  	[tilespmem:s26+$0x1F90] =	vst v2  }
0x390: {  	[tilespmem:s26+$0x1FA0] =	vst v2  }
0x391: {  	[tilespmem:s26+$0x1FB0] =	vst v2  }
0x392: {  	[tilespmem:s26+$0x1FC0] =	vst v2  }
0x393: {  	[tilespmem:s26+$0x1FD0] =	vst v2  }
0x394: {  	[tilespmem:s26+$0x1FE0] =	vst v2  }
0x395: {  	[tilespmem:s26+$0x1FF0] =	vst v2  }
0x396: {  	[tilespmem:s26+$0x2000] =	vst v2  }
0x397: {  	[tilespmem:s26+$0x2010] =	vst v2  }
0x398: {  	[tilespmem:s26+$0x2020] =	vst v2  }
0x399: {  	[tilespmem:s26+$0x2030] =	vst v2  }
0x39a: {  	[tilespmem:s26+$0x2040] =	vst v2  }
0x39b: {  	[tilespmem:s26+$0x2050] =	vst v2  }
0x39c: {  	[tilespmem:s26+$0x2060] =	vst v1  }
0x39d: {  	[tilespmem:s26+$0x2070] =	vst v1  }
0x39e: {  	[tilespmem:s26+$0x2080] =	vst v1  }
0x39f: {  	[tilespmem:s26+$0x2090] =	vst v1  }
0x3a0: {  	[tilespmem:s26+$0x20A0] =	vst v1  }
0x3a1: {  	[tilespmem:s26+$0x20B0] =	vst v1  }
0x3a2: {  	[tilespmem:s26+$0x20C0] =	vst v1  }
0x3a3: {  	[tilespmem:s26+$0x20D0] =	vst v1  }
0x3a4: {  	[tilespmem:s26+$0x20E0] =	vst v1  }
0x3a5: {  	[tilespmem:s26+$0x20F0] =	vst v1  }
0x3a6: {  	[tilespmem:s26+$0x2100] =	vst v1  }
0x3a7: {  	[tilespmem:s26+$0x2110] =	vst v1  }
0x3a8: {  	[tilespmem:s26+$0x2120] =	vst v1  }
0x3a9: {  	[tilespmem:s26+$0x2130] =	vst v1  }
0x3aa: {  	[tilespmem:s26+$0x2140] =	vst v1  }
0x3ab: {  	[tilespmem:s26+$0x2150] =	vst v1  }
0x3ac: {  	[tilespmem:s26+$0x2160] =	vst v1  }
0x3ad: {  	[tilespmem:s26+$0x2170] =	vst v1  }
0x3ae: {  	[tilespmem:s26+$0x2180] =	vst v1  }
0x3af: {  	[tilespmem:s26+$0x2190] =	vst v1  }
0x3b0: {  	[tilespmem:s26+$0x21A0] =	vst v1  }
0x3b1: {  	[tilespmem:s26+$0x21B0] =	vst v1  }
0x3b2: {  	[tilespmem:s26+$0x21C0] =	vst v1  }
0x3b3: {  	[tilespmem:s26+$0x21D0] =	vst v1  }
0x3b4: {  	[tilespmem:s26+$0x21E0] =	vst v0  }
0x3b5: {  	[tilespmem:s26+$0x21F0] =	vst v0  }
0x3b6: {  	[tilespmem:s26+$0x2200] =	vst v0  }
0x3b7: {  	[tilespmem:s26+$0x2210] =	vst v0  }
0x3b8: {  	[tilespmem:s26+$0x2220] =	vst v0  }
0x3b9: {  	[tilespmem:s26+$0x2230] =	vst v0  }
0x3ba: {  	[tilespmem:s26+$0x2240] =	vst v0  }
0x3bb: {  	[tilespmem:s26+$0x2250] =	vst v0  }
0x3bc: {  	[tilespmem:s26+$0x2260] =	vst v0  }
0x3bd: {  	[tilespmem:s26+$0x2270] =	vst v0  }
0x3be: {  	[tilespmem:s26+$0x2280] =	vst v0  }
0x3bf: {  	[tilespmem:s26+$0x2290] =	vst v0  }
0x3c0: {  	[tilespmem:s26+$0x22A0] =	vst v0  }
0x3c1: {  	[tilespmem:s26+$0x22B0] =	vst v0  }
0x3c2: {  	[tilespmem:s26+$0x22C0] =	vst v0  }
0x3c3: {  	[tilespmem:s26+$0x22D0] =	vst v0  }
0x3c4: {  	[tilespmem:s26+$0x22E0] =	vst v0  }
0x3c5: {  	[tilespmem:s26+$0x22F0] =	vst v0  }
.Ltmp0:
0x3c6: {  	[tilespmem:s26+$0x2300] =	vst v0;
	(pc) =	sbr.rel @p0 .LBB2_2-.Ltmp0, $4  }
0x3c7: {  	[tilespmem:s26+$0x2310] =	vst v0  }
0x3c8: {  	[tilespmem:s26+$0x2320] =	vst v0  }
0x3c9: {  	[tilespmem:s26+$0x2330] =	vst v0  }
0x3ca: {  	s29 =	sadd.s32 $0x1, s29;
	s30 =	sshll.u32 s28, $0x4;
	[tilespmem:s26+$0x2340] =	vst v0  }
0x3cb: {  	s29 =	sand.u32 $0x3FFFFFF0, s30;
	[tilespmem:s26+$0x2350] =	vst v0  }
0x3cc: {  	v0 =	vld [tilespmem:s29+$0xA80];
	_ =	sdelay $0x3  }
0x3cd: {  	s31 =	smul.u32 $0x6000, s28  }
0x3ce: {  	v1 =	vbroadcast v0, $0x0  }
0x3cf: {  	s26 =	sshra.s32 s31, $0x2  }
0x3d0: {  	[tilespmem:s26+$0xB60] =	vst v1  }
0x3d1: {  	[tilespmem:s26+$0xB70] =	vst v1  }
0x3d2: {  	[tilespmem:s26+$0xB80] =	vst v1  }
0x3d3: {  	[tilespmem:s26+$0xB90] =	vst v1  }
0x3d4: {  	[tilespmem:s26+$0xBA0] =	vst v1  }
0x3d5: {  	[tilespmem:s26+$0xBB0] =	vst v1  }
0x3d6: {  	[tilespmem:s26+$0xBC0] =	vst v1  }
0x3d7: {  	[tilespmem:s26+$0xBD0] =	vst v1  }
0x3d8: {  	[tilespmem:s26+$0xBE0] =	vst v1  }
0x3d9: {  	[tilespmem:s26+$0xBF0] =	vst v1  }
0x3da: {  	[tilespmem:s26+$0xC00] =	vst v1  }
0x3db: {  	[tilespmem:s26+$0xC10] =	vst v1  }
0x3dc: {  	[tilespmem:s26+$0xC20] =	vst v1  }
0x3dd: {  	[tilespmem:s26+$0xC30] =	vst v1  }
0x3de: {  	[tilespmem:s26+$0xC40] =	vst v1  }
0x3df: {  	[tilespmem:s26+$0xC50] =	vst v1  }
0x3e0: {  	[tilespmem:s26+$0xC60] =	vst v1  }
0x3e1: {  	[tilespmem:s26+$0xC70] =	vst v1  }
0x3e2: {  	[tilespmem:s26+$0xC80] =	vst v1  }
0x3e3: {  	[tilespmem:s26+$0xC90] =	vst v1  }
0x3e4: {  	[tilespmem:s26+$0xCA0] =	vst v1  }
0x3e5: {  	[tilespmem:s26+$0xCB0] =	vst v1  }
0x3e6: {  	v2 =	vbroadcast v0, $0x1;
	[tilespmem:s26+$0xCC0] =	vst v1  }
0x3e7: {  	[tilespmem:s26+$0xCD0] =	vst v1  }
0x3e8: {  	[tilespmem:s26+$0xCE0] =	vst v2  }
0x3e9: {  	[tilespmem:s26+$0xCF0] =	vst v2  }
0x3ea: {  	[tilespmem:s26+$0xD00] =	vst v2  }
0x3eb: {  	[tilespmem:s26+$0xD10] =	vst v2  }
0x3ec: {  	[tilespmem:s26+$0xD20] =	vst v2  }
0x3ed: {  	[tilespmem:s26+$0xD30] =	vst v2  }
0x3ee: {  	[tilespmem:s26+$0xD40] =	vst v2  }
0x3ef: {  	[tilespmem:s26+$0xD50] =	vst v2  }
0x3f0: {  	[tilespmem:s26+$0xD60] =	vst v2  }
0x3f1: {  	[tilespmem:s26+$0xD70] =	vst v2  }
0x3f2: {  	[tilespmem:s26+$0xD80] =	vst v2  }
0x3f3: {  	[tilespmem:s26+$0xD90] =	vst v2  }
0x3f4: {  	[tilespmem:s26+$0xDA0] =	vst v2  }
0x3f5: {  	[tilespmem:s26+$0xDB0] =	vst v2  }
0x3f6: {  	[tilespmem:s26+$0xDC0] =	vst v2  }
0x3f7: {  	[tilespmem:s26+$0xDD0] =	vst v2  }
0x3f8: {  	[tilespmem:s26+$0xDE0] =	vst v2  }
0x3f9: {  	[tilespmem:s26+$0xDF0] =	vst v2  }
0x3fa: {  	[tilespmem:s26+$0xE00] =	vst v2  }
0x3fb: {  	[tilespmem:s26+$0xE10] =	vst v2  }
0x3fc: {  	[tilespmem:s26+$0xE20] =	vst v2  }
0x3fd: {  	[tilespmem:s26+$0xE30] =	vst v2  }
0x3fe: {  	v51 =	vbroadcast v0, $0x2;
	[tilespmem:s26+$0xE40] =	vst v2  }
0x3ff: {  	[tilespmem:s26+$0xE50] =	vst v2  }
0x400: {  	[tilespmem:s26+$0xE60] =	vst v51  }
0x401: {  	[tilespmem:s26+$0xE70] =	vst v51  }
0x402: {  	[tilespmem:s26+$0xE80] =	vst v51  }
0x403: {  	[tilespmem:s26+$0xE90] =	vst v51  }
0x404: {  	[tilespmem:s26+$0xEA0] =	vst v51  }
0x405: {  	[tilespmem:s26+$0xEB0] =	vst v51  }
0x406: {  	[tilespmem:s26+$0xEC0] =	vst v51  }
0x407: {  	[tilespmem:s26+$0xED0] =	vst v51  }
0x408: {  	[tilespmem:s26+$0xEE0] =	vst v51  }
0x409: {  	[tilespmem:s26+$0xEF0] =	vst v51  }
0x40a: {  	[tilespmem:s26+$0xF00] =	vst v51  }
0x40b: {  	[tilespmem:s26+$0xF10] =	vst v51  }
0x40c: {  	[tilespmem:s26+$0xF20] =	vst v51  }
0x40d: {  	[tilespmem:s26+$0xF30] =	vst v51  }
0x40e: {  	[tilespmem:s26+$0xF40] =	vst v51  }
0x40f: {  	[tilespmem:s26+$0xF50] =	vst v51  }
0x410: {  	[tilespmem:s26+$0xF60] =	vst v51  }
0x411: {  	[tilespmem:s26+$0xF70] =	vst v51  }
0x412: {  	[tilespmem:s26+$0xF80] =	vst v51  }
0x413: {  	[tilespmem:s26+$0xF90] =	vst v51  }
0x414: {  	[tilespmem:s26+$0xFA0] =	vst v51  }
0x415: {  	[tilespmem:s26+$0xFB0] =	vst v51  }
0x416: {  	v52 =	vbroadcast v0, $0x3;
	[tilespmem:s26+$0xFC0] =	vst v51  }
0x417: {  	[tilespmem:s26+$0xFD0] =	vst v51  }
0x418: {  	[tilespmem:s26+$0xFE0] =	vst v52  }
0x419: {  	[tilespmem:s26+$0xFF0] =	vst v52  }
0x41a: {  	[tilespmem:s26+$0x1000] =	vst v52  }
0x41b: {  	[tilespmem:s26+$0x1010] =	vst v52  }
0x41c: {  	[tilespmem:s26+$0x1020] =	vst v52  }
0x41d: {  	[tilespmem:s26+$0x1030] =	vst v52  }
0x41e: {  	[tilespmem:s26+$0x1040] =	vst v52  }
0x41f: {  	[tilespmem:s26+$0x1050] =	vst v52  }
0x420: {  	[tilespmem:s26+$0x1060] =	vst v52  }
0x421: {  	[tilespmem:s26+$0x1070] =	vst v52  }
0x422: {  	[tilespmem:s26+$0x1080] =	vst v52  }
0x423: {  	[tilespmem:s26+$0x1090] =	vst v52  }
0x424: {  	[tilespmem:s26+$0x10A0] =	vst v52  }
0x425: {  	[tilespmem:s26+$0x10B0] =	vst v52  }
0x426: {  	[tilespmem:s26+$0x10C0] =	vst v52  }
0x427: {  	[tilespmem:s26+$0x10D0] =	vst v52  }
0x428: {  	[tilespmem:s26+$0x10E0] =	vst v52  }
0x429: {  	[tilespmem:s26+$0x10F0] =	vst v52  }
0x42a: {  	[tilespmem:s26+$0x1100] =	vst v52  }
0x42b: {  	[tilespmem:s26+$0x1110] =	vst v52  }
0x42c: {  	[tilespmem:s26+$0x1120] =	vst v52  }
0x42d: {  	[tilespmem:s26+$0x1130] =	vst v52  }
0x42e: {  	v53 =	vbroadcast v0, $0x4;
	[tilespmem:s26+$0x1140] =	vst v52  }
0x42f: {  	[tilespmem:s26+$0x1150] =	vst v52  }
0x430: {  	[tilespmem:s26+$0x1160] =	vst v53  }
0x431: {  	[tilespmem:s26+$0x1170] =	vst v53  }
0x432: {  	[tilespmem:s26+$0x1180] =	vst v53  }
0x433: {  	[tilespmem:s26+$0x1190] =	vst v53  }
0x434: {  	[tilespmem:s26+$0x11A0] =	vst v53  }
0x435: {  	[tilespmem:s26+$0x11B0] =	vst v53  }
0x436: {  	[tilespmem:s26+$0x11C0] =	vst v53  }
0x437: {  	[tilespmem:s26+$0x11D0] =	vst v53  }
0x438: {  	[tilespmem:s26+$0x11E0] =	vst v53  }
0x439: {  	[tilespmem:s26+$0x11F0] =	vst v53  }
0x43a: {  	[tilespmem:s26+$0x1200] =	vst v53  }
0x43b: {  	[tilespmem:s26+$0x1210] =	vst v53  }
0x43c: {  	[tilespmem:s26+$0x1220] =	vst v53  }
0x43d: {  	[tilespmem:s26+$0x1230] =	vst v53  }
0x43e: {  	[tilespmem:s26+$0x1240] =	vst v53  }
0x43f: {  	[tilespmem:s26+$0x1250] =	vst v53  }
0x440: {  	[tilespmem:s26+$0x1260] =	vst v53  }
0x441: {  	[tilespmem:s26+$0x1270] =	vst v53  }
0x442: {  	[tilespmem:s26+$0x1280] =	vst v53  }
0x443: {  	[tilespmem:s26+$0x1290] =	vst v53  }
0x444: {  	[tilespmem:s26+$0x12A0] =	vst v53  }
0x445: {  	[tilespmem:s26+$0x12B0] =	vst v53  }
0x446: {  	v54 =	vbroadcast v0, $0x5;
	[tilespmem:s26+$0x12C0] =	vst v53  }
0x447: {  	[tilespmem:s26+$0x12D0] =	vst v53  }
0x448: {  	[tilespmem:s26+$0x12E0] =	vst v54  }
0x449: {  	[tilespmem:s26+$0x12F0] =	vst v54  }
0x44a: {  	[tilespmem:s26+$0x1300] =	vst v54  }
0x44b: {  	[tilespmem:s26+$0x1310] =	vst v54  }
0x44c: {  	[tilespmem:s26+$0x1320] =	vst v54  }
0x44d: {  	[tilespmem:s26+$0x1330] =	vst v54  }
0x44e: {  	[tilespmem:s26+$0x1340] =	vst v54  }
0x44f: {  	[tilespmem:s26+$0x1350] =	vst v54  }
0x450: {  	[tilespmem:s26+$0x1360] =	vst v54  }
0x451: {  	[tilespmem:s26+$0x1370] =	vst v54  }
0x452: {  	[tilespmem:s26+$0x1380] =	vst v54  }
0x453: {  	[tilespmem:s26+$0x1390] =	vst v54  }
0x454: {  	[tilespmem:s26+$0x13A0] =	vst v54  }
0x455: {  	[tilespmem:s26+$0x13B0] =	vst v54  }
0x456: {  	[tilespmem:s26+$0x13C0] =	vst v54  }
0x457: {  	[tilespmem:s26+$0x13D0] =	vst v54  }
0x458: {  	[tilespmem:s26+$0x13E0] =	vst v54  }
0x459: {  	[tilespmem:s26+$0x13F0] =	vst v54  }
0x45a: {  	[tilespmem:s26+$0x1400] =	vst v54  }
0x45b: {  	[tilespmem:s26+$0x1410] =	vst v54  }
0x45c: {  	[tilespmem:s26+$0x1420] =	vst v54  }
0x45d: {  	[tilespmem:s26+$0x1430] =	vst v54  }
0x45e: {  	v55 =	vbroadcast v0, $0x6;
	[tilespmem:s26+$0x1440] =	vst v54  }
0x45f: {  	[tilespmem:s26+$0x1450] =	vst v54  }
0x460: {  	[tilespmem:s26+$0x1460] =	vst v55  }
0x461: {  	[tilespmem:s26+$0x1470] =	vst v55  }
0x462: {  	[tilespmem:s26+$0x1480] =	vst v55  }
0x463: {  	[tilespmem:s26+$0x1490] =	vst v55  }
0x464: {  	[tilespmem:s26+$0x14A0] =	vst v55  }
0x465: {  	[tilespmem:s26+$0x14B0] =	vst v55  }
0x466: {  	[tilespmem:s26+$0x14C0] =	vst v55  }
0x467: {  	[tilespmem:s26+$0x14D0] =	vst v55  }
0x468: {  	[tilespmem:s26+$0x14E0] =	vst v55  }
0x469: {  	[tilespmem:s26+$0x14F0] =	vst v55  }
0x46a: {  	[tilespmem:s26+$0x1500] =	vst v55  }
0x46b: {  	[tilespmem:s26+$0x1510] =	vst v55  }
0x46c: {  	[tilespmem:s26+$0x1520] =	vst v55  }
0x46d: {  	[tilespmem:s26+$0x1530] =	vst v55  }
0x46e: {  	[tilespmem:s26+$0x1540] =	vst v55  }
0x46f: {  	[tilespmem:s26+$0x1550] =	vst v55  }
0x470: {  	[tilespmem:s26+$0x1560] =	vst v55  }
0x471: {  	[tilespmem:s26+$0x1570] =	vst v55  }
0x472: {  	[tilespmem:s26+$0x1580] =	vst v55  }
0x473: {  	[tilespmem:s26+$0x1590] =	vst v55  }
0x474: {  	[tilespmem:s26+$0x15A0] =	vst v55  }
0x475: {  	[tilespmem:s26+$0x15B0] =	vst v55  }
0x476: {  	v56 =	vbroadcast v0, $0x7;
	[tilespmem:s26+$0x15C0] =	vst v55  }
0x477: {  	[tilespmem:s26+$0x15D0] =	vst v55  }
0x478: {  	[tilespmem:s26+$0x15E0] =	vst v56  }
0x479: {  	[tilespmem:s26+$0x15F0] =	vst v56  }
0x47a: {  	[tilespmem:s26+$0x1600] =	vst v56  }
0x47b: {  	[tilespmem:s26+$0x1610] =	vst v56  }
0x47c: {  	[tilespmem:s26+$0x1620] =	vst v56  }
0x47d: {  	[tilespmem:s26+$0x1630] =	vst v56  }
0x47e: {  	[tilespmem:s26+$0x1640] =	vst v56  }
0x47f: {  	[tilespmem:s26+$0x1650] =	vst v56  }
0x480: {  	[tilespmem:s26+$0x1660] =	vst v56  }
0x481: {  	[tilespmem:s26+$0x1670] =	vst v56  }
0x482: {  	[tilespmem:s26+$0x1680] =	vst v56  }
0x483: {  	[tilespmem:s26+$0x1690] =	vst v56  }
0x484: {  	[tilespmem:s26+$0x16A0] =	vst v56  }
0x485: {  	[tilespmem:s26+$0x16B0] =	vst v56  }
0x486: {  	[tilespmem:s26+$0x16C0] =	vst v56  }
0x487: {  	[tilespmem:s26+$0x16D0] =	vst v56  }
0x488: {  	[tilespmem:s26+$0x16E0] =	vst v56  }
0x489: {  	[tilespmem:s26+$0x16F0] =	vst v56  }
0x48a: {  	[tilespmem:s26+$0x1700] =	vst v56  }
0x48b: {  	[tilespmem:s26+$0x1710] =	vst v56  }
0x48c: {  	[tilespmem:s26+$0x1720] =	vst v56  }
0x48d: {  	[tilespmem:s26+$0x1730] =	vst v56  }
0x48e: {  	v57 =	vbroadcast v0, $0x8;
	[tilespmem:s26+$0x1740] =	vst v56  }
0x48f: {  	[tilespmem:s26+$0x1750] =	vst v56  }
0x490: {  	[tilespmem:s26+$0x1760] =	vst v57  }
0x491: {  	[tilespmem:s26+$0x1770] =	vst v57  }
0x492: {  	[tilespmem:s26+$0x1780] =	vst v57  }
0x493: {  	[tilespmem:s26+$0x1790] =	vst v57  }
0x494: {  	[tilespmem:s26+$0x17A0] =	vst v57  }
0x495: {  	[tilespmem:s26+$0x17B0] =	vst v57  }
0x496: {  	[tilespmem:s26+$0x17C0] =	vst v57  }
0x497: {  	[tilespmem:s26+$0x17D0] =	vst v57  }
0x498: {  	[tilespmem:s26+$0x17E0] =	vst v57  }
0x499: {  	[tilespmem:s26+$0x17F0] =	vst v57  }
0x49a: {  	[tilespmem:s26+$0x1800] =	vst v57  }
0x49b: {  	[tilespmem:s26+$0x1810] =	vst v57  }
0x49c: {  	[tilespmem:s26+$0x1820] =	vst v57  }
0x49d: {  	[tilespmem:s26+$0x1830] =	vst v57  }
0x49e: {  	[tilespmem:s26+$0x1840] =	vst v57  }
0x49f: {  	[tilespmem:s26+$0x1850] =	vst v57  }
0x4a0: {  	[tilespmem:s26+$0x1860] =	vst v57  }
0x4a1: {  	[tilespmem:s26+$0x1870] =	vst v57  }
0x4a2: {  	[tilespmem:s26+$0x1880] =	vst v57  }
0x4a3: {  	[tilespmem:s26+$0x1890] =	vst v57  }
0x4a4: {  	[tilespmem:s26+$0x18A0] =	vst v57  }
0x4a5: {  	[tilespmem:s26+$0x18B0] =	vst v57  }
0x4a6: {  	v58 =	vbroadcast v0, $0x9;
	[tilespmem:s26+$0x18C0] =	vst v57  }
0x4a7: {  	[tilespmem:s26+$0x18D0] =	vst v57  }
0x4a8: {  	[tilespmem:s26+$0x18E0] =	vst v58  }
0x4a9: {  	[tilespmem:s26+$0x18F0] =	vst v58  }
0x4aa: {  	[tilespmem:s26+$0x1900] =	vst v58  }
0x4ab: {  	[tilespmem:s26+$0x1910] =	vst v58  }
0x4ac: {  	[tilespmem:s26+$0x1920] =	vst v58  }
0x4ad: {  	[tilespmem:s26+$0x1930] =	vst v58  }
0x4ae: {  	[tilespmem:s26+$0x1940] =	vst v58  }
0x4af: {  	[tilespmem:s26+$0x1950] =	vst v58  }
0x4b0: {  	[tilespmem:s26+$0x1960] =	vst v58  }
0x4b1: {  	[tilespmem:s26+$0x1970] =	vst v58  }
0x4b2: {  	[tilespmem:s26+$0x1980] =	vst v58  }
0x4b3: {  	[tilespmem:s26+$0x1990] =	vst v58  }
0x4b4: {  	[tilespmem:s26+$0x19A0] =	vst v58  }
0x4b5: {  	[tilespmem:s26+$0x19B0] =	vst v58  }
0x4b6: {  	[tilespmem:s26+$0x19C0] =	vst v58  }
0x4b7: {  	[tilespmem:s26+$0x19D0] =	vst v58  }
0x4b8: {  	[tilespmem:s26+$0x19E0] =	vst v58  }
0x4b9: {  	[tilespmem:s26+$0x19F0] =	vst v58  }
0x4ba: {  	[tilespmem:s26+$0x1A00] =	vst v58  }
0x4bb: {  	[tilespmem:s26+$0x1A10] =	vst v58  }
0x4bc: {  	[tilespmem:s26+$0x1A20] =	vst v58  }
0x4bd: {  	[tilespmem:s26+$0x1A30] =	vst v58  }
0x4be: {  	v59 =	vbroadcast v0, $0xA;
	[tilespmem:s26+$0x1A40] =	vst v58  }
0x4bf: {  	[tilespmem:s26+$0x1A50] =	vst v58  }
0x4c0: {  	[tilespmem:s26+$0x1A60] =	vst v59  }
0x4c1: {  	[tilespmem:s26+$0x1A70] =	vst v59  }
0x4c2: {  	[tilespmem:s26+$0x1A80] =	vst v59  }
0x4c3: {  	[tilespmem:s26+$0x1A90] =	vst v59  }
0x4c4: {  	[tilespmem:s26+$0x1AA0] =	vst v59  }
0x4c5: {  	[tilespmem:s26+$0x1AB0] =	vst v59  }
0x4c6: {  	[tilespmem:s26+$0x1AC0] =	vst v59  }
0x4c7: {  	[tilespmem:s26+$0x1AD0] =	vst v59  }
0x4c8: {  	[tilespmem:s26+$0x1AE0] =	vst v59  }
0x4c9: {  	[tilespmem:s26+$0x1AF0] =	vst v59  }
0x4ca: {  	[tilespmem:s26+$0x1B00] =	vst v59  }
0x4cb: {  	[tilespmem:s26+$0x1B10] =	vst v59  }
0x4cc: {  	v3 =	vbroadcast v0, $0xE;
	[tilespmem:s26+$0x1B20] =	vst v59  }
0x4cd: {  	[tilespmem:s26+$0x1B30] =	vst v59  }
0x4ce: {  	v60 =	vbroadcast v0, $0xF;
	[tilespmem:s26+$0x2080] =	vst v3  }
0x4cf: {  	[tilespmem:s26+$0x2090] =	vst v3  }
0x4d0: {  	[tilespmem:s26+$0x2330] =	vst v60  }
0x4d1: {  	[tilespmem:s26+$0x2320] =	vst v60  }
0x4d2: {  	[tilespmem:s26+$0x2310] =	vst v60  }
0x4d3: {  	[tilespmem:s26+$0x2300] =	vst v60  }
0x4d4: {  	[tilespmem:s26+$0x22F0] =	vst v60  }
0x4d5: {  	[tilespmem:s26+$0x22E0] =	vst v60  }
0x4d6: {  	[tilespmem:s26+$0x22D0] =	vst v60  }
0x4d7: {  	[tilespmem:s26+$0x22C0] =	vst v60  }
0x4d8: {  	[tilespmem:s26+$0x22B0] =	vst v60  }
0x4d9: {  	[tilespmem:s26+$0x22A0] =	vst v60  }
0x4da: {  	[tilespmem:s26+$0x2290] =	vst v60  }
0x4db: {  	[tilespmem:s26+$0x2280] =	vst v60  }
0x4dc: {  	[tilespmem:s26+$0x2270] =	vst v60  }
0x4dd: {  	[tilespmem:s26+$0x2260] =	vst v60  }
0x4de: {  	[tilespmem:s26+$0x2250] =	vst v60  }
0x4df: {  	[tilespmem:s26+$0x2240] =	vst v60  }
0x4e0: {  	[tilespmem:s26+$0x2230] =	vst v60  }
0x4e1: {  	[tilespmem:s26+$0x2220] =	vst v60  }
0x4e2: {  	[tilespmem:s26+$0x2210] =	vst v60  }
0x4e3: {  	[tilespmem:s26+$0x2200] =	vst v60  }
0x4e4: {  	[tilespmem:s26+$0x21F0] =	vst v60  }
0x4e5: {  	[tilespmem:s26+$0x21E0] =	vst v60  }
0x4e6: {  	[tilespmem:s26+$0x21D0] =	vst v3  }
0x4e7: {  	[tilespmem:s26+$0x21C0] =	vst v3  }
0x4e8: {  	[tilespmem:s26+$0x21B0] =	vst v3  }
0x4e9: {  	[tilespmem:s26+$0x21A0] =	vst v3  }
0x4ea: {  	[tilespmem:s26+$0x2190] =	vst v3  }
0x4eb: {  	[tilespmem:s26+$0x2180] =	vst v3  }
0x4ec: {  	[tilespmem:s26+$0x2170] =	vst v3  }
0x4ed: {  	[tilespmem:s26+$0x2160] =	vst v3  }
0x4ee: {  	[tilespmem:s26+$0x2150] =	vst v3  }
0x4ef: {  	[tilespmem:s26+$0x2140] =	vst v3  }
0x4f0: {  	[tilespmem:s26+$0x2130] =	vst v3  }
0x4f1: {  	[tilespmem:s26+$0x2120] =	vst v3  }
0x4f2: {  	[tilespmem:s26+$0x2110] =	vst v3  }
0x4f3: {  	[tilespmem:s26+$0x2100] =	vst v3  }
0x4f4: {  	[tilespmem:s26+$0x20F0] =	vst v3  }
0x4f5: {  	[tilespmem:s26+$0x20E0] =	vst v3  }
0x4f6: {  	[tilespmem:s26+$0x20D0] =	vst v3  }
0x4f7: {  	[tilespmem:s26+$0x20C0] =	vst v3  }
0x4f8: {  	[tilespmem:s26+$0x20B0] =	vst v3  }
0x4f9: {  	[tilespmem:s26+$0x20A0] =	vst v3  }
0x4fa: {  	v4 =	vbroadcast v0, $0xC;
	[tilespmem:s26+$0x2070] =	vst v3  }
0x4fb: {  	[tilespmem:s26+$0x2340] =	vst v60  }
0x4fc: {  	v5 =	vbroadcast v0, $0xD;
	[tilespmem:s26+$0x1D70] =	vst v4  }
0x4fd: {  	[tilespmem:s26+$0x2060] =	vst v3  }
0x4fe: {  	[tilespmem:s26+$0x2050] =	vst v5  }
0x4ff: {  	[tilespmem:s26+$0x2040] =	vst v5  }
0x500: {  	[tilespmem:s26+$0x2030] =	vst v5  }
0x501: {  	[tilespmem:s26+$0x2020] =	vst v5  }
0x502: {  	[tilespmem:s26+$0x2010] =	vst v5  }
0x503: {  	[tilespmem:s26+$0x2000] =	vst v5  }
0x504: {  	[tilespmem:s26+$0x1FF0] =	vst v5  }
0x505: {  	[tilespmem:s26+$0x1FE0] =	vst v5  }
0x506: {  	[tilespmem:s26+$0x1FD0] =	vst v5  }
0x507: {  	[tilespmem:s26+$0x1FC0] =	vst v5  }
0x508: {  	[tilespmem:s26+$0x1FB0] =	vst v5  }
0x509: {  	[tilespmem:s26+$0x1FA0] =	vst v5  }
0x50a: {  	[tilespmem:s26+$0x1F90] =	vst v5  }
0x50b: {  	[tilespmem:s26+$0x1F80] =	vst v5  }
0x50c: {  	[tilespmem:s26+$0x1F70] =	vst v5  }
0x50d: {  	[tilespmem:s26+$0x1F60] =	vst v5  }
0x50e: {  	[tilespmem:s26+$0x1F50] =	vst v5  }
0x50f: {  	[tilespmem:s26+$0x1F40] =	vst v5  }
0x510: {  	[tilespmem:s26+$0x1F30] =	vst v5  }
0x511: {  	[tilespmem:s26+$0x1F20] =	vst v5  }
0x512: {  	[tilespmem:s26+$0x1F10] =	vst v5  }
0x513: {  	[tilespmem:s26+$0x1F00] =	vst v5  }
0x514: {  	[tilespmem:s26+$0x1EF0] =	vst v5  }
0x515: {  	[tilespmem:s26+$0x1EE0] =	vst v5  }
0x516: {  	[tilespmem:s26+$0x1ED0] =	vst v4  }
0x517: {  	[tilespmem:s26+$0x1EC0] =	vst v4  }
0x518: {  	[tilespmem:s26+$0x1EB0] =	vst v4  }
0x519: {  	[tilespmem:s26+$0x1EA0] =	vst v4  }
0x51a: {  	[tilespmem:s26+$0x1E90] =	vst v4  }
0x51b: {  	[tilespmem:s26+$0x1E80] =	vst v4  }
0x51c: {  	[tilespmem:s26+$0x1E70] =	vst v4  }
0x51d: {  	[tilespmem:s26+$0x1E60] =	vst v4  }
0x51e: {  	[tilespmem:s26+$0x1E50] =	vst v4  }
0x51f: {  	[tilespmem:s26+$0x1E40] =	vst v4  }
0x520: {  	[tilespmem:s26+$0x1E30] =	vst v4  }
0x521: {  	[tilespmem:s26+$0x1E20] =	vst v4  }
0x522: {  	[tilespmem:s26+$0x1E10] =	vst v4  }
0x523: {  	[tilespmem:s26+$0x1E00] =	vst v4  }
0x524: {  	[tilespmem:s26+$0x1DF0] =	vst v4  }
0x525: {  	[tilespmem:s26+$0x1DE0] =	vst v4  }
0x526: {  	[tilespmem:s26+$0x1DD0] =	vst v4  }
0x527: {  	[tilespmem:s26+$0x1DC0] =	vst v4  }
0x528: {  	[tilespmem:s26+$0x1DB0] =	vst v4  }
0x529: {  	[tilespmem:s26+$0x1DA0] =	vst v4  }
0x52a: {  	[tilespmem:s26+$0x1D90] =	vst v4  }
0x52b: {  	[tilespmem:s26+$0x1D80] =	vst v4  }
0x52c: {  	v0 =	vbroadcast v0, $0xB;
	[tilespmem:s26+$0x1B40] =	vst v59  }
0x52d: {  	[tilespmem:s26+$0x1D60] =	vst v4  }
0x52e: {  	[tilespmem:s26+$0x1D50] =	vst v0  }
0x52f: {  	[tilespmem:s26+$0x1D40] =	vst v0  }
0x530: {  	[tilespmem:s26+$0x1D30] =	vst v0  }
0x531: {  	[tilespmem:s26+$0x1D20] =	vst v0  }
0x532: {  	[tilespmem:s26+$0x1D10] =	vst v0  }
0x533: {  	[tilespmem:s26+$0x1D00] =	vst v0  }
0x534: {  	[tilespmem:s26+$0x1CF0] =	vst v0  }
0x535: {  	[tilespmem:s26+$0x1CE0] =	vst v0  }
0x536: {  	[tilespmem:s26+$0x1CD0] =	vst v0  }
0x537: {  	[tilespmem:s26+$0x1CC0] =	vst v0  }
0x538: {  	[tilespmem:s26+$0x1CB0] =	vst v0  }
0x539: {  	[tilespmem:s26+$0x1CA0] =	vst v0  }
0x53a: {  	[tilespmem:s26+$0x1C90] =	vst v0  }
0x53b: {  	[tilespmem:s26+$0x1C80] =	vst v0  }
0x53c: {  	[tilespmem:s26+$0x1C70] =	vst v0  }
0x53d: {  	[tilespmem:s26+$0x1C60] =	vst v0  }
0x53e: {  	[tilespmem:s26+$0x1C50] =	vst v0  }
0x53f: {  	[tilespmem:s26+$0x1C40] =	vst v0  }
0x540: {  	[tilespmem:s26+$0x1C30] =	vst v0  }
0x541: {  	[tilespmem:s26+$0x1C20] =	vst v0  }
0x542: {  	[tilespmem:s26+$0x1C10] =	vst v0  }
0x543: {  	[tilespmem:s26+$0x1C00] =	vst v0  }
0x544: {  	[tilespmem:s26+$0x1BF0] =	vst v0  }
0x545: {  	[tilespmem:s26+$0x1BE0] =	vst v0  }
0x546: {  	[tilespmem:s26+$0x1BD0] =	vst v59  }
0x547: {  	[tilespmem:s26+$0x1BC0] =	vst v59  }
0x548: {  	[tilespmem:s26+$0x1BB0] =	vst v59  }
0x549: {  	[tilespmem:s26+$0x1BA0] =	vst v59  }
0x54a: {  	[tilespmem:s26+$0x1B90] =	vst v59  }
0x54b: {  	[tilespmem:s26+$0x1B80] =	vst v59  }
0x54c: {  	[tilespmem:s26+$0x1B70] =	vst v59  }
0x54d: {  	[tilespmem:s26+$0x1B60] =	vst v59  }
0x54e: {  	[tilespmem:s26+$0x1B50] =	vst v59  }
0x54f: {  	[tilespmem:s26+$0x2350] =	vst v60  }
0x550: {  	v0 =	vld [tilespmem:$0xB40];
	_ =	sdelay $0x4  }
0x551: {  	v61 =	vbroadcast v0, $0x0;
	_ =	sdelay $0x1  }
0x552: {  	[tilespmem:$0x12B60] =	vst v61  }
0x553: {  	[tilespmem:$0x12B70] =	vst v61  }
0x554: {  	[tilespmem:$0x12B80] =	vst v61  }
0x555: {  	[tilespmem:$0x12B90] =	vst v61  }
0x556: {  	[tilespmem:$0x12BA0] =	vst v61  }
0x557: {  	[tilespmem:$0x12BB0] =	vst v61  }
0x558: {  	[tilespmem:$0x12BC0] =	vst v61  }
0x559: {  	[tilespmem:$0x12BD0] =	vst v61  }
0x55a: {  	[tilespmem:$0x12BE0] =	vst v61  }
0x55b: {  	[tilespmem:$0x12BF0] =	vst v61  }
0x55c: {  	[tilespmem:$0x12C00] =	vst v61  }
0x55d: {  	[tilespmem:$0x12C10] =	vst v61  }
0x55e: {  	[tilespmem:$0x12C20] =	vst v61  }
0x55f: {  	[tilespmem:$0x12C30] =	vst v61  }
0x560: {  	[tilespmem:$0x12C40] =	vst v61  }
0x561: {  	[tilespmem:$0x12C50] =	vst v61  }
0x562: {  	[tilespmem:$0x12C60] =	vst v61  }
0x563: {  	[tilespmem:$0x12C70] =	vst v61  }
0x564: {  	[tilespmem:$0x12C80] =	vst v61  }
0x565: {  	[tilespmem:$0x12C90] =	vst v61  }
0x566: {  	[tilespmem:$0x12CA0] =	vst v61  }
0x567: {  	[tilespmem:$0x12CB0] =	vst v61  }
0x568: {  	v62 =	vbroadcast v0, $0x1;
	[tilespmem:$0x12CC0] =	vst v61  }
0x569: {  	[tilespmem:$0x12CD0] =	vst v61  }
0x56a: {  	[tilespmem:$0x12CE0] =	vst v62  }
0x56b: {  	[tilespmem:$0x12CF0] =	vst v62  }
0x56c: {  	[tilespmem:$0x12D00] =	vst v62  }
0x56d: {  	[tilespmem:$0x12D10] =	vst v62  }
0x56e: {  	[tilespmem:$0x12D20] =	vst v62  }
0x56f: {  	[tilespmem:$0x12D30] =	vst v62  }
0x570: {  	[tilespmem:$0x12D40] =	vst v62  }
0x571: {  	[tilespmem:$0x12D50] =	vst v62  }
0x572: {  	[tilespmem:$0x12D60] =	vst v62  }
0x573: {  	[tilespmem:$0x12D70] =	vst v62  }
0x574: {  	[tilespmem:$0x12D80] =	vst v62  }
0x575: {  	[tilespmem:$0x12D90] =	vst v62  }
0x576: {  	[tilespmem:$0x12DA0] =	vst v62  }
0x577: {  	[tilespmem:$0x12DB0] =	vst v62  }
0x578: {  	[tilespmem:$0x12DC0] =	vst v62  }
0x579: {  	[tilespmem:$0x12DD0] =	vst v62  }
0x57a: {  	[tilespmem:$0x12DE0] =	vst v62  }
0x57b: {  	[tilespmem:$0x12DF0] =	vst v62  }
0x57c: {  	[tilespmem:$0x12E00] =	vst v62  }
0x57d: {  	[tilespmem:$0x12E10] =	vst v62  }
0x57e: {  	[tilespmem:$0x12E20] =	vst v62  }
0x57f: {  	[tilespmem:$0x12E30] =	vst v62  }
0x580: {  	v63 =	vbroadcast v0, $0x2;
	[tilespmem:$0x12E40] =	vst v62  }
0x581: {  	[tilespmem:$0x12E50] =	vst v62  }
0x582: {  	[tilespmem:$0x12E60] =	vst v63  }
0x583: {  	[tilespmem:$0x12E70] =	vst v63  }
0x584: {  	[tilespmem:$0x12E80] =	vst v63  }
0x585: {  	[tilespmem:$0x12E90] =	vst v63  }
0x586: {  	[tilespmem:$0x12EA0] =	vst v63  }
0x587: {  	[tilespmem:$0x12EB0] =	vst v63  }
0x588: {  	[tilespmem:$0x12EC0] =	vst v63  }
0x589: {  	[tilespmem:$0x12ED0] =	vst v63  }
0x58a: {  	[tilespmem:$0x12EE0] =	vst v63  }
0x58b: {  	[tilespmem:$0x12EF0] =	vst v63  }
0x58c: {  	[tilespmem:$0x12F00] =	vst v63  }
0x58d: {  	[tilespmem:$0x12F10] =	vst v63  }
0x58e: {  	[tilespmem:$0x12F20] =	vst v63  }
0x58f: {  	[tilespmem:$0x12F30] =	vst v63  }
0x590: {  	[tilespmem:$0x12F40] =	vst v63  }
0x591: {  	[tilespmem:$0x12F50] =	vst v63  }
0x592: {  	[tilespmem:$0x12F60] =	vst v63  }
0x593: {  	[tilespmem:$0x12F70] =	vst v63  }
0x594: {  	[tilespmem:$0x12F80] =	vst v63  }
0x595: {  	[tilespmem:$0x12F90] =	vst v63  }
0x596: {  	[tilespmem:$0x12FA0] =	vst v63  }
0x597: {  	[tilespmem:$0x12FB0] =	vst v63  }
0x598: {  	v0 =	vbroadcast v0, $0x3;
	[tilespmem:$0x12FC0] =	vst v63  }
0x599: {  	[tilespmem:$0x12FD0] =	vst v63  }
0x59a: {  	[tilespmem:$0x12FE0] =	vst v0  }
0x59b: {  	[tilespmem:$0x12FF0] =	vst v0  }
0x59c: {  	[tilespmem:$0x13000] =	vst v0  }
0x59d: {  	[tilespmem:$0x13010] =	vst v0  }
0x59e: {  	[tilespmem:$0x13020] =	vst v0  }
0x59f: {  	[tilespmem:$0x13030] =	vst v0  }
0x5a0: {  	[tilespmem:$0x13040] =	vst v0  }
0x5a1: {  	[tilespmem:$0x13050] =	vst v0  }
0x5a2: {  	[tilespmem:$0x13060] =	vst v0  }
0x5a3: {  	[tilespmem:$0x13070] =	vst v0  }
0x5a4: {  	[tilespmem:$0x13080] =	vst v0  }
0x5a5: {  	[tilespmem:$0x13090] =	vst v0  }
0x5a6: {  	[tilespmem:$0x130A0] =	vst v0  }
0x5a7: {  	[tilespmem:$0x130B0] =	vst v0  }
0x5a8: {  	[tilespmem:$0x130C0] =	vst v0  }
0x5a9: {  	[tilespmem:$0x130D0] =	vst v0  }
0x5aa: {  	[tilespmem:$0x130E0] =	vst v0  }
0x5ab: {  	[tilespmem:$0x130F0] =	vst v0  }
0x5ac: {  	[tilespmem:$0x13100] =	vst v0  }
0x5ad: {  	[tilespmem:$0x13110] =	vst v0  }
0x5ae: {  	[tilespmem:$0x13120] =	vst v0  }
0x5af: {  	s25 =	sadd.s32 $0x1, s25;
	[tilespmem:$0x13130] =	vst v0  }
0x5b0: {  	p0 =	sne.s32 s25, s6;
	[tilespmem:$0x13140] =	vst v0  }
.Ltmp1:
0x5b1: {  	[tilespmem:$0x13150] =	vst v0;
	(pc) =	sbr.rel @p0 .LBB2_1-.Ltmp1, $4  }
0x5b2: {  	[hbm4b:s5+s2] =	stream.linear.scatter [tilespmem:s24], [sflag:$0x2], $0x12600, $0x38;
	[tilespmem:$0x13160] =	vst v63  }
0x5b3: {  	_ =	swait.ge [sflag:s7], $0x12600  }
0x5b4: {  	[sflag:s7] =	ssyncset.done $0x0  }
0x5b5: {  	[sflag:s7] =	ssyncadd.s32 $0xFFFEDA00  }
0x5b6: {  	_ =	sfence.sel $0x180000  }
0x5b7: {  	[bflag:$0x0] =	sbarrier.arrive $0xFFFF  }
0x5b8: {  	p0 =	sne.s32 s0, $0x0;
	_ =	strace $0x90000047  }
0x5b9: {  	s0 =	sadd.s32 @!p0 $0x100000, s1;
	[bflag:$0x2] =	sbarrier.arrive $0xFFFF  }
0x5ba: {  	[sflag:s0] =	ssyncadd.tile.s32 @!p0 $0x1;
	_ =	shalt  }
.Lfunc_end2:
_tile_overlayer_lowered:
.L_overlay_start_2:
0x5bb: {  	(tag) =	ssettag $0x2  }
0x5bc: {  	s0 =	rddreg [dreg:$0x0];
	s2 =	stileid.u32  }
0x5bd: {  	s1 =	rddreg [dreg:$0x1];
	p0 =	sne.s32 s2, $0x0  }
0x5be: {  	s3 =	rddreg [dreg:$0x2];
	[bflag:$0x3] =	sbarrier.arrive $0xFFFF;
	s2 =	simm.s32 @!p0 $0x1C02  }
0x5bf: {  	[timem:s3], [sflag:s2] =	dma.local @!p0 [hbm:s0], s1  }
0x5c0: {  	s0 =	simm.s32 @!p0 $0x2  }
0x5c1: {  	_ =	swait.ge @!p0 [sflag:s0], s1  }
0x5c2: {  	s1 =	ssub.s32 @!p0 $0x0, s1;
	[sflag:s0] =	ssyncset.done @!p0 $0x0  }
0x5c3: {  	[sflag:s0] =	ssyncadd.s32 @!p0 s1  }
0x5c4: {  	[bflag:$0x3] =	sbarrier.arrive $0xFFFF  }
0x5c5: {  	_ =	shalt  }

</sc_bundles>
